<compile_context>
chip_gen: v7x
topology: tpu7x:2x2x1
jax: 0.10.2.dev20260603
libtpu: 0.0.44.dev20260713+nightly
codegen_flags: <defaults>
</compile_context>

<pallas_src>
import jax
import jax.numpy as jnp
from jax import lax
from jax.experimental import pallas as pl
from jax.experimental.pallas import tpu as pltpu, tpu_sc as plsc

import functools


def kernel(x, tables):
    F, V, D = tables.shape
    B, F2 = x.shape
    assert F == F2

    info = plsc.get_sparse_core_info()
    NC, NS, L = info.num_cores, info.num_subcores, info.num_lanes
    NW = NC * NS
    P = F * D
    p_per_w = P // NW
    assert p_per_w * NW == P and B % L == 0

    tab_t = tables.transpose(0, 2, 1)
    x_t = x.T

    mesh = plsc.VectorSubcoreMesh(core_axis_name="c", subcore_axis_name="s")

    @functools.partial(
        pl.kernel,
        mesh=mesh,
        compiler_params=pltpu.CompilerParams(use_tc_tiling_on_sc=True, needs_layout_passes=False),
        out_type=jax.ShapeDtypeStruct((F, D, B), jnp.float32),
        scratch_types=[
            pltpu.VMEM((2, B), jnp.int32),
            pltpu.VMEM((V,), jnp.float32),
            pltpu.VMEM((2, 1, B), jnp.float32),
            pltpu.SemaphoreType.DMA,
            pltpu.SemaphoreType.DMA,
            pltpu.SemaphoreType.DMA,
        ],
    )
    def emb_kernel(x_hbm, tab_hbm, out_hbm, idx_v, col_v, outp_v, sem_i,
                   sem_c, sem_w):
        wid = lax.axis_index("s") * NC + lax.axis_index("c")
        p0 = wid * p_per_w
        f_lo = lax.shift_right_logical(p0, 5)

        pltpu.async_copy(x_hbm.at[pl.ds(f_lo, 1), :],
                         idx_v.at[pl.ds(0, 1), :], sem_i).wait()
        f_hi = jnp.minimum(f_lo + 1, F - 1)
        pltpu.async_copy(x_hbm.at[pl.ds(f_hi, 1), :],
                         idx_v.at[pl.ds(1, 1), :], sem_i).wait()

        for k in range(p_per_w):
            p = p0 + k
            f = lax.shift_right_logical(p, 5)
            d = lax.bitwise_and(p, D - 1)
            fi = f - f_lo
            pb = k % 2

            pltpu.async_copy(tab_hbm.at[f, d, :], col_v, sem_c).wait()

            if k >= 2:
                pltpu.make_async_copy(
                    outp_v.at[pl.ds(pb, 1)],
                    out_hbm.at[pl.ds(0, 1), pl.ds(0, 1), :],
                    sem_w,
                ).wait()

            def gather(g, _):
                s = pl.ds(g * L, L)
                idx16 = idx_v[fi, s]
                outp_v[pb, 0, s] = plsc.load_gather(col_v, [idx16])
                return 0

            lax.fori_loop(0, B // L, gather, 0)

            pltpu.make_async_copy(
                outp_v.at[pl.ds(pb, 1)],
                out_hbm.at[pl.ds(f, 1), pl.ds(d, 1), :],
                sem_w,
            ).start()

        for _ in range(2):
            pltpu.make_async_copy(
                outp_v.at[pl.ds(0, 1)],
                out_hbm.at[pl.ds(0, 1), pl.ds(0, 1), :],
                sem_w,
            ).wait()

    out_t = emb_kernel(x_t, tab_t)
    return out_t.transpose(2, 0, 1)

# --- scband reference (transcript-rebuilt; emitter-appended) ---
"""Pipeline reference for scband-one-hot-embedding-layer-80719615361473 (READ-ONLY COPY).

The authoritative reference and input builder live on the scoring server;
editing this copy changes nothing except your own understanding.
"""

import jax, jax.numpy as jnp
import numpy as np

NUM_FIELDS = 26
VOCAB = 100000
DIM = 32
BATCH = 4096


def setup_inputs(seed: int = 0) -> dict:
    key = jax.random.key(seed)
    kx, kt = jax.random.split(key)
    # categorical indices per field; each nn.Embedding has VOCAB+1 rows so [0, VOCAB) is in-range
    x = jax.random.randint(kx, (BATCH, NUM_FIELDS), 0, VOCAB)
    # one embedding table per field, all same shape -> stacked [F, VOCAB+1, DIM]
    tables = jax.random.normal(kt, (NUM_FIELDS, VOCAB + 1, DIM), dtype=jnp.float32) * 0.01
    return {"x": x, "tables": tables}


def reference(x, tables):
    # OneHotEmbeddingLayer.forward with cat_emb=False:
    #   embs[i] = emb_dic[i](x[:, i]); return torch.stack(embs, dim=1)
    embs = []
    for i in range(NUM_FIELDS):
        embs.append(jnp.take(tables[i], x[:, i], axis=0))
    return jnp.stack(embs, axis=1)  # [BATCH, NUM_FIELDS, DIM]

if __name__ == "__main__":
    import jax
    _d = setup_inputs()
    print(jax.jit(kernel)(*tuple(_d.values())))

</pallas_src>

<mosaic_0001>
#map = affine_map<(d0, d1) -> (0, 0)>
#map1 = affine_map<(d0, d1) -> (0, 0, 0)>
module attributes {stable_mosaic.version = 14 : i64} {
  func.func @emb_kernel(%arg0: i32, %arg1: i32, %arg2: memref<26x4096xi32, #tpu.memory_space<hbm>>, %arg3: memref<26x32x100001xf32, #tpu.memory_space<hbm>>, %arg4: memref<26x32x4096xf32, #tpu.memory_space<hbm>>, %arg5: memref<2x4096xi32, #tpu.memory_space<vmem>>, %arg6: memref<100001xf32, #tpu.memory_space<vmem>>, %arg7: memref<2x1x4096xf32, #tpu.memory_space<vmem>>, %arg8: memref<!tpu.dma_semaphore, #tpu.memory_space<semaphore_mem>>, %arg9: memref<!tpu.dma_semaphore, #tpu.memory_space<semaphore_mem>>, %arg10: memref<!tpu.dma_semaphore, #tpu.memory_space<semaphore_mem>>) attributes {dimension_semantics = [#tpu.dimension_semantics<core_parallel>, #tpu.dimension_semantics<subcore_parallel>], iteration_bounds = array<i64: 2, 16>, scalar_prefetch = 0 : i64, scratch_operands = 6 : i64, tpu.core_type = #tpu.core_type<sc_vector_subcore>, window_params = [{transform_indices = #map}, {transform_indices = #map1}, {transform_indices = #map1}]} {
    %mul3A = arith.constant 2 : i32
    %mul3A_0 = arith.muli %arg1, %mul3A : i32
    %add3A = arith.addi %mul3A_0, %arg0 : i32
    %mul3A_1 = arith.constant 26 : i32
    %mul3A_2 = arith.muli %add3A, %mul3A_1 : i32
    %shift_right_logical3A = arith.constant 5 : i32
    %shift_right_logical3A_3 = arith.shrui %mul3A_2, %shift_right_logical3A : i32
    %dma_start3A = arith.constant 0 : i32
    %dma_start3A_4 = arith.constant 0 : i32
    %dma_start3A_5 = tpu.memref_slice %arg5[%dma_start3A, %dma_start3A_4] : memref<2x4096xi32, #tpu.memory_space<vmem>> -> memref<1x4096xi32, #tpu.memory_space<vmem>>
    %dma_start3A_6 = arith.constant 0 : i32
    %dma_start3A_7 = tpu.memref_slice %arg2[%shift_right_logical3A_3, %dma_start3A_6] : memref<26x4096xi32, #tpu.memory_space<hbm>> -> memref<1x4096xi32, #tpu.memory_space<hbm>>
    %dma_start3A_8 = arith.constant 0 : i32
    %dma_start3A_9 = arith.constant 0 : i32
    %dma_start3A_10 = tpu.memref_slice %arg5[%dma_start3A_8, %dma_start3A_9] : memref<2x4096xi32, #tpu.memory_space<vmem>> -> memref<1x4096xi32, #tpu.memory_space<vmem>>
    %dma_start3A_11 = arith.constant 0 : i32
    %dma_start3A_12 = tpu.memref_slice %arg2[%shift_right_logical3A_3, %dma_start3A_11] : memref<26x4096xi32, #tpu.memory_space<hbm>> -> memref<1x4096xi32, #tpu.memory_space<hbm>>
    tpu.enqueue_dma source(%dma_start3A_12 : memref<1x4096xi32, #tpu.memory_space<hbm>>) target(%dma_start3A_10 : memref<1x4096xi32, #tpu.memory_space<vmem>>) target_semaphore(%arg8 : memref<!tpu.dma_semaphore, #tpu.memory_space<semaphore_mem>>)
    %dma_wait3A = arith.constant 0 : i32
    %dma_wait3A_13 = arith.constant 0 : i32
    %dma_wait3A_14 = tpu.memref_slice %arg5[%dma_wait3A, %dma_wait3A_13] : memref<2x4096xi32, #tpu.memory_space<vmem>> -> memref<1x4096xi32, #tpu.memory_space<vmem>>
    %dma_wait3A_15 = arith.constant 0 : i32
    %dma_wait3A_16 = tpu.memref_slice %arg2[%shift_right_logical3A_3, %dma_wait3A_15] : memref<26x4096xi32, #tpu.memory_space<hbm>> -> memref<1x4096xi32, #tpu.memory_space<hbm>>
    %dma_wait3A_17 = arith.constant 0 : i32
    %dma_wait3A_18 = arith.constant 0 : i32
    %dma_wait3A_19 = tpu.memref_slice %arg5[%dma_wait3A_17, %dma_wait3A_18] : memref<2x4096xi32, #tpu.memory_space<vmem>> -> memref<1x4096xi32, #tpu.memory_space<vmem>>
    %dma_wait3A_20 = arith.constant 0 : i32
    %dma_wait3A_21 = tpu.memref_slice %arg2[%shift_right_logical3A_3, %dma_wait3A_20] : memref<26x4096xi32, #tpu.memory_space<hbm>> -> memref<1x4096xi32, #tpu.memory_space<hbm>>
    tpu.wait_dma2 semaphore(%arg8 : memref<!tpu.dma_semaphore, #tpu.memory_space<semaphore_mem>>) src(%dma_wait3A_21 : memref<1x4096xi32, #tpu.memory_space<hbm>>) dst(%dma_wait3A_19 : memref<1x4096xi32, #tpu.memory_space<vmem>>)
    %add3A_22 = arith.constant 1 : i32
    %add3A_23 = arith.addi %shift_right_logical3A_3, %add3A_22 : i32
    %min3A = arith.constant 25 : i32
    %min3A_24 = arith.minsi %add3A_23, %min3A : i32
    %dma_start3A_25 = arith.constant 1 : i32
    %dma_start3A_26 = arith.constant 0 : i32
    %dma_start3A_27 = tpu.memref_slice %arg5[%dma_start3A_25, %dma_start3A_26] : memref<2x4096xi32, #tpu.memory_space<vmem>> -> memref<1x4096xi32, #tpu.memory_space<vmem>>
    %dma_start3A_28 = arith.constant 0 : i32
    %dma_start3A_29 = tpu.memref_slice %arg2[%min3A_24, %dma_start3A_28] : memref<26x4096xi32, #tpu.memory_space<hbm>> -> memref<1x4096xi32, #tpu.memory_space<hbm>>
    %dma_start3A_30 = arith.constant 1 : i32
    %dma_start3A_31 = arith.constant 0 : i32
    %dma_start3A_32 = tpu.memref_slice %arg5[%dma_start3A_30, %dma_start3A_31] : memref<2x4096xi32, #tpu.memory_space<vmem>> -> memref<1x4096xi32, #tpu.memory_space<vmem>>
    %dma_start3A_33 = arith.constant 0 : i32
    %dma_start3A_34 = tpu.memref_slice %arg2[%min3A_24, %dma_start3A_33] : memref<26x4096xi32, #tpu.memory_space<hbm>> -> memref<1x4096xi32, #tpu.memory_space<hbm>>
    tpu.enqueue_dma source(%dma_start3A_34 : memref<1x4096xi32, #tpu.memory_space<hbm>>) target(%dma_start3A_32 : memref<1x4096xi32, #tpu.memory_space<vmem>>) target_semaphore(%arg8 : memref<!tpu.dma_semaphore, #tpu.memory_space<semaphore_mem>>)
    %dma_wait3A_35 = arith.constant 1 : i32
    %dma_wait3A_36 = arith.constant 0 : i32
    %dma_wait3A_37 = tpu.memref_slice %arg5[%dma_wait3A_35, %dma_wait3A_36] : memref<2x4096xi32, #tpu.memory_space<vmem>> -> memref<1x4096xi32, #tpu.memory_space<vmem>>
    %dma_wait3A_38 = arith.constant 0 : i32
    %dma_wait3A_39 = tpu.memref_slice %arg2[%min3A_24, %dma_wait3A_38] : memref<26x4096xi32, #tpu.memory_space<hbm>> -> memref<1x4096xi32, #tpu.memory_space<hbm>>
    %dma_wait3A_40 = arith.constant 1 : i32
    %dma_wait3A_41 = arith.constant 0 : i32
    %dma_wait3A_42 = tpu.memref_slice %arg5[%dma_wait3A_40, %dma_wait3A_41] : memref<2x4096xi32, #tpu.memory_space<vmem>> -> memref<1x4096xi32, #tpu.memory_space<vmem>>
    %dma_wait3A_43 = arith.constant 0 : i32
    %dma_wait3A_44 = tpu.memref_slice %arg2[%min3A_24, %dma_wait3A_43] : memref<26x4096xi32, #tpu.memory_space<hbm>> -> memref<1x4096xi32, #tpu.memory_space<hbm>>
    tpu.wait_dma2 semaphore(%arg8 : memref<!tpu.dma_semaphore, #tpu.memory_space<semaphore_mem>>) src(%dma_wait3A_44 : memref<1x4096xi32, #tpu.memory_space<hbm>>) dst(%dma_wait3A_42 : memref<1x4096xi32, #tpu.memory_space<vmem>>)
    %add3A_45 = arith.constant 0 : i32
    %add3A_46 = arith.addi %mul3A_2, %add3A_45 : i32
    %shift_right_logical3A_47 = arith.constant 5 : i32
    %shift_right_logical3A_48 = arith.shrui %add3A_46, %shift_right_logical3A_47 : i32
    %and3A = arith.constant 31 : i32
    %and3A_49 = arith.andi %add3A_46, %and3A : i32
    %sub3A = arith.subi %shift_right_logical3A_48, %shift_right_logical3A_3 : i32
    %dma_start3A_50 = arith.constant 0 : i32
    %dma_start3A_51 = tpu.memref_slice %arg3[%shift_right_logical3A_48, %and3A_49, %dma_start3A_50] : memref<26x32x100001xf32, #tpu.memory_space<hbm>> -> memref<1x1x100001xf32, #tpu.memory_space<hbm>>
    %dma_start3A_52 = tpu.memref_squeeze %dma_start3A_51 : memref<1x1x100001xf32, #tpu.memory_space<hbm>> -> memref<100001xf32, #tpu.memory_space<hbm>>
    %dma_start3A_53 = arith.constant 0 : i32
    %dma_start3A_54 = tpu.memref_slice %arg3[%shift_right_logical3A_48, %and3A_49, %dma_start3A_53] : memref<26x32x100001xf32, #tpu.memory_space<hbm>> -> memref<1x1x100001xf32, #tpu.memory_space<hbm>>
    %dma_start3A_55 = tpu.memref_squeeze %dma_start3A_54 : memref<1x1x100001xf32, #tpu.memory_space<hbm>> -> memref<100001xf32, #tpu.memory_space<hbm>>
    tpu.enqueue_dma source(%dma_start3A_55 : memref<100001xf32, #tpu.memory_space<hbm>>) target(%arg6 : memref<100001xf32, #tpu.memory_space<vmem>>) target_semaphore(%arg9 : memref<!tpu.dma_semaphore, #tpu.memory_space<semaphore_mem>>)
    %dma_wait3A_56 = arith.constant 0 : i32
    %dma_wait3A_57 = tpu.memref_slice %arg3[%shift_right_logical3A_48, %and3A_49, %dma_wait3A_56] : memref<26x32x100001xf32, #tpu.memory_space<hbm>> -> memref<1x1x100001xf32, #tpu.memory_space<hbm>>
    %dma_wait3A_58 = tpu.memref_squeeze %dma_wait3A_57 : memref<1x1x100001xf32, #tpu.memory_space<hbm>> -> memref<100001xf32, #tpu.memory_space<hbm>>
    %dma_wait3A_59 = arith.constant 0 : i32
    %dma_wait3A_60 = tpu.memref_slice %arg3[%shift_right_logical3A_48, %and3A_49, %dma_wait3A_59] : memref<26x32x100001xf32, #tpu.memory_space<hbm>> -> memref<1x1x100001xf32, #tpu.memory_space<hbm>>
    %dma_wait3A_61 = tpu.memref_squeeze %dma_wait3A_60 : memref<1x1x100001xf32, #tpu.memory_space<hbm>> -> memref<100001xf32, #tpu.memory_space<hbm>>
    tpu.wait_dma2 semaphore(%arg9 : memref<!tpu.dma_semaphore, #tpu.memory_space<semaphore_mem>>) src(%dma_wait3A_61 : memref<100001xf32, #tpu.memory_space<hbm>>) dst(%arg6 : memref<100001xf32, #tpu.memory_space<vmem>>)
    %scan3A = arith.constant 0 : i32
    %scan3A_62 = arith.constant 0 : i32
    %scan3A_63 = arith.constant 256 : i32
    %scan3A_64 = arith.addi %scan3A_62, %scan3A_63 : i32
    %scan3A_65 = arith.constant 1 : i32
    %scan3A_66 = scf.for %scan3A_1446 = %scan3A_62 to %scan3A_64 step %scan3A_65 iter_args(%scan3A_1447 = %scan3A) -> (i32)  : i32 {
      %mul3A_1448 = arith.constant 16 : i32
      %mul3A_1449 = arith.muli %scan3A_1446, %mul3A_1448 : i32
      %get3A = arith.index_cast %sub3A : i32 to index
      %get3A_1450 = arith.index_cast %mul3A_1449 : i32 to index
      %get3A_1451 = tpu.vector_load %arg5[%get3A, %get3A_1450] {strides = array<i32>} : memref<2x4096xi32, #tpu.memory_space<vmem>>, vector<16xi32>,
      %gather3A = tpu.vector_load_idx %arg6[%get3A_1451] : memref<100001xf32, #tpu.memory_space<vmem>>[vector<16xi32>], vector<16xf32>,
      %swap3A = arith.constant 0 : i32
      %swap3A_1452 = arith.constant 0 : i32
      %swap3A_1453 = arith.index_cast %swap3A : i32 to index
      %swap3A_1454 = arith.index_cast %swap3A_1452 : i32 to index
      %swap3A_1455 = arith.index_cast %mul3A_1449 : i32 to index
      %swap3A_1456 = tpu.vector_load %arg7[%swap3A_1453, %swap3A_1454, %swap3A_1455] {strides = array<i32>} : memref<2x1x4096xf32, #tpu.memory_space<vmem>>, vector<16xf32>,
      tpu.vector_store %arg7[%swap3A_1453, %swap3A_1454, %swap3A_1455], %gather3A {strides = array<i32>} : memref<2x1x4096xf32, #tpu.memory_space<vmem>>, vector<16xf32>,
      %scan3A_1457 = arith.constant 0 : i32
      scf.yield %scan3A_1457 : i32
    }
    %scan3A_67 = arith.constant 256 : i32
    %dma_start3A_68 = arith.constant 0 : i32
    %dma_start3A_69 = arith.constant 0 : i32
    %dma_start3A_70 = arith.constant 0 : i32
    %dma_start3A_71 = tpu.memref_slice %arg7[%dma_start3A_68, %dma_start3A_69, %dma_start3A_70] : memref<2x1x4096xf32, #tpu.memory_space<vmem>> -> memref<1x1x4096xf32, #tpu.memory_space<vmem>>
    %dma_start3A_72 = arith.constant 0 : i32
    %dma_start3A_73 = tpu.memref_slice %arg4[%shift_right_logical3A_48, %and3A_49, %dma_start3A_72] : memref<26x32x4096xf32, #tpu.memory_space<hbm>> -> memref<1x1x4096xf32, #tpu.memory_space<hbm>>
    %dma_start3A_74 = arith.constant 0 : i32
    %dma_start3A_75 = tpu.memref_slice %arg4[%shift_right_logical3A_48, %and3A_49, %dma_start3A_74] : memref<26x32x4096xf32, #tpu.memory_space<hbm>> -> memref<1x1x4096xf32, #tpu.memory_space<hbm>>
    %dma_start3A_76 = arith.constant 0 : i32
    %dma_start3A_77 = arith.constant 0 : i32
    %dma_start3A_78 = arith.constant 0 : i32
    %dma_start3A_79 = tpu.memref_slice %arg7[%dma_start3A_76, %dma_start3A_77, %dma_start3A_78] : memref<2x1x4096xf32, #tpu.memory_space<vmem>> -> memref<1x1x4096xf32, #tpu.memory_space<vmem>>
    tpu.enqueue_dma source(%dma_start3A_79 : memref<1x1x4096xf32, #tpu.memory_space<vmem>>) target(%dma_start3A_75 : memref<1x1x4096xf32, #tpu.memory_space<hbm>>) target_semaphore(%arg10 : memref<!tpu.dma_semaphore, #tpu.memory_space<semaphore_mem>>)
    %add3A_80 = arith.constant 1 : i32
    %add3A_81 = arith.addi %mul3A_2, %add3A_80 : i32
    %shift_right_logical3A_82 = arith.constant 5 : i32
    %shift_right_logical3A_83 = arith.shrui %add3A_81, %shift_right_logical3A_82 : i32
    %and3A_84 = arith.constant 31 : i32
    %and3A_85 = arith.andi %add3A_81, %and3A_84 : i32
    %sub3A_86 = arith.subi %shift_right_logical3A_83, %shift_right_logical3A_3 : i32
    %dma_start3A_87 = arith.constant 0 : i32
    %dma_start3A_88 = tpu.memref_slice %arg3[%shift_right_logical3A_83, %and3A_85, %dma_start3A_87] : memref<26x32x100001xf32, #tpu.memory_space<hbm>> -> memref<1x1x100001xf32, #tpu.memory_space<hbm>>
    %dma_start3A_89 = tpu.memref_squeeze %dma_start3A_88 : memref<1x1x100001xf32, #tpu.memory_space<hbm>> -> memref<100001xf32, #tpu.memory_space<hbm>>
    %dma_start3A_90 = arith.constant 0 : i32
    %dma_start3A_91 = tpu.memref_slice %arg3[%shift_right_logical3A_83, %and3A_85, %dma_start3A_90] : memref<26x32x100001xf32, #tpu.memory_space<hbm>> -> memref<1x1x100001xf32, #tpu.memory_space<hbm>>
    %dma_start3A_92 = tpu.memref_squeeze %dma_start3A_91 : memref<1x1x100001xf32, #tpu.memory_space<hbm>> -> memref<100001xf32, #tpu.memory_space<hbm>>
    tpu.enqueue_dma source(%dma_start3A_92 : memref<100001xf32, #tpu.memory_space<hbm>>) target(%arg6 : memref<100001xf32, #tpu.memory_space<vmem>>) target_semaphore(%arg9 : memref<!tpu.dma_semaphore, #tpu.memory_space<semaphore_mem>>)
    %dma_wait3A_93 = arith.constant 0 : i32
    %dma_wait3A_94 = tpu.memref_slice %arg3[%shift_right_logical3A_83, %and3A_85, %dma_wait3A_93] : memref<26x32x100001xf32, #tpu.memory_space<hbm>> -> memref<1x1x100001xf32, #tpu.memory_space<hbm>>
    %dma_wait3A_95 = tpu.memref_squeeze %dma_wait3A_94 : memref<1x1x100001xf32, #tpu.memory_space<hbm>> -> memref<100001xf32, #tpu.memory_space<hbm>>
    %dma_wait3A_96 = arith.constant 0 : i32
    %dma_wait3A_97 = tpu.memref_slice %arg3[%shift_right_logical3A_83, %and3A_85, %dma_wait3A_96] : memref<26x32x100001xf32, #tpu.memory_space<hbm>> -> memref<1x1x100001xf32, #tpu.memory_space<hbm>>
    %dma_wait3A_98 = tpu.memref_squeeze %dma_wait3A_97 : memref<1x1x100001xf32, #tpu.memory_space<hbm>> -> memref<100001xf32, #tpu.memory_space<hbm>>
    tpu.wait_dma2 semaphore(%arg9 : memref<!tpu.dma_semaphore, #tpu.memory_space<semaphore_mem>>) src(%dma_wait3A_98 : memref<100001xf32, #tpu.memory_space<hbm>>) dst(%arg6 : memref<100001xf32, #tpu.memory_space<vmem>>)
    %scan3A_99 = arith.constant 0 : i32
    %scan3A_100 = arith.constant 0 : i32
    %scan3A_101 = arith.constant 256 : i32
    %scan3A_102 = arith.addi %scan3A_100, %scan3A_101 : i32
    %scan3A_103 = arith.constant 1 : i32
    %scan3A_104 = scf.for %scan3A_1446 = %scan3A_100 to %scan3A_102 step %scan3A_103 iter_args(%scan3A_1447 = %scan3A_99) -> (i32)  : i32 {
      %mul3A_1448 = arith.constant 16 : i32
      %mul3A_1449 = arith.muli %scan3A_1446, %mul3A_1448 : i32
      %get3A = arith.index_cast %sub3A_86 : i32 to index
      %get3A_1450 = arith.index_cast %mul3A_1449 : i32 to index
      %get3A_1451 = tpu.vector_load %arg5[%get3A, %get3A_1450] {strides = array<i32>} : memref<2x4096xi32, #tpu.memory_space<vmem>>, vector<16xi32>,
      %gather3A = tpu.vector_load_idx %arg6[%get3A_1451] : memref<100001xf32, #tpu.memory_space<vmem>>[vector<16xi32>], vector<16xf32>,
      %swap3A = arith.constant 1 : i32
      %swap3A_1452 = arith.constant 0 : i32
      %swap3A_1453 = arith.index_cast %swap3A : i32 to index
      %swap3A_1454 = arith.index_cast %swap3A_1452 : i32 to index
      %swap3A_1455 = arith.index_cast %mul3A_1449 : i32 to index
      %swap3A_1456 = tpu.vector_load %arg7[%swap3A_1453, %swap3A_1454, %swap3A_1455] {strides = array<i32>} : memref<2x1x4096xf32, #tpu.memory_space<vmem>>, vector<16xf32>,
      tpu.vector_store %arg7[%swap3A_1453, %swap3A_1454, %swap3A_1455], %gather3A {strides = array<i32>} : memref<2x1x4096xf32, #tpu.memory_space<vmem>>, vector<16xf32>,
      %scan3A_1457 = arith.constant 0 : i32
      scf.yield %scan3A_1457 : i32
    }
    %scan3A_105 = arith.constant 256 : i32
    %dma_start3A_106 = arith.constant 1 : i32
    %dma_start3A_107 = arith.constant 0 : i32
    %dma_start3A_108 = arith.constant 0 : i32
    %dma_start3A_109 = tpu.memref_slice %arg7[%dma_start3A_106, %dma_start3A_107, %dma_start3A_108] : memref<2x1x4096xf32, #tpu.memory_space<vmem>> -> memref<1x1x4096xf32, #tpu.memory_space<vmem>>
    %dma_start3A_110 = arith.constant 0 : i32
    %dma_start3A_111 = tpu.memref_slice %arg4[%shift_right_logical3A_83, %and3A_85, %dma_start3A_110] : memref<26x32x4096xf32, #tpu.memory_space<hbm>> -> memref<1x1x4096xf32, #tpu.memory_space<hbm>>
    %dma_start3A_112 = arith.constant 0 : i32
    %dma_start3A_113 = tpu.memref_slice %arg4[%shift_right_logical3A_83, %and3A_85, %dma_start3A_112] : memref<26x32x4096xf32, #tpu.memory_space<hbm>> -> memref<1x1x4096xf32, #tpu.memory_space<hbm>>
    %dma_start3A_114 = arith.constant 1 : i32
    %dma_start3A_115 = arith.constant 0 : i32
    %dma_start3A_116 = arith.constant 0 : i32
    %dma_start3A_117 = tpu.memref_slice %arg7[%dma_start3A_114, %dma_start3A_115, %dma_start3A_116] : memref<2x1x4096xf32, #tpu.memory_space<vmem>> -> memref<1x1x4096xf32, #tpu.memory_space<vmem>>
    tpu.enqueue_dma source(%dma_start3A_117 : memref<1x1x4096xf32, #tpu.memory_space<vmem>>) target(%dma_start3A_113 : memref<1x1x4096xf32, #tpu.memory_space<hbm>>) target_semaphore(%arg10 : memref<!tpu.dma_semaphore, #tpu.memory_space<semaphore_mem>>)
    %add3A_118 = arith.constant 2 : i32
    %add3A_119 = arith.addi %mul3A_2, %add3A_118 : i32
    %shift_right_logical3A_120 = arith.constant 5 : i32
    %shift_right_logical3A_121 = arith.shrui %add3A_119, %shift_right_logical3A_120 : i32
    %and3A_122 = arith.constant 31 : i32
    %and3A_123 = arith.andi %add3A_119, %and3A_122 : i32
    %sub3A_124 = arith.subi %shift_right_logical3A_121, %shift_right_logical3A_3 : i32
    %dma_start3A_125 = arith.constant 0 : i32
    %dma_start3A_126 = tpu.memref_slice %arg3[%shift_right_logical3A_121, %and3A_123, %dma_start3A_125] : memref<26x32x100001xf32, #tpu.memory_space<hbm>> -> memref<1x1x100001xf32, #tpu.memory_space<hbm>>
    %dma_start3A_127 = tpu.memref_squeeze %dma_start3A_126 : memref<1x1x100001xf32, #tpu.memory_space<hbm>> -> memref<100001xf32, #tpu.memory_space<hbm>>
    %dma_start3A_128 = arith.constant 0 : i32
    %dma_start3A_129 = tpu.memref_slice %arg3[%shift_right_logical3A_121, %and3A_123, %dma_start3A_128] : memref<26x32x100001xf32, #tpu.memory_space<hbm>> -> memref<1x1x100001xf32, #tpu.memory_space<hbm>>
    %dma_start3A_130 = tpu.memref_squeeze %dma_start3A_129 : memref<1x1x100001xf32, #tpu.memory_space<hbm>> -> memref<100001xf32, #tpu.memory_space<hbm>>
    tpu.enqueue_dma source(%dma_start3A_130 : memref<100001xf32, #tpu.memory_space<hbm>>) target(%arg6 : memref<100001xf32, #tpu.memory_space<vmem>>) target_semaphore(%arg9 : memref<!tpu.dma_semaphore, #tpu.memory_space<semaphore_mem>>)
    %dma_wait3A_131 = arith.constant 0 : i32
    %dma_wait3A_132 = tpu.memref_slice %arg3[%shift_right_logical3A_121, %and3A_123, %dma_wait3A_131] : memref<26x32x100001xf32, #tpu.memory_space<hbm>> -> memref<1x1x100001xf32, #tpu.memory_space<hbm>>
    %dma_wait3A_133 = tpu.memref_squeeze %dma_wait3A_132 : memref<1x1x100001xf32, #tpu.memory_space<hbm>> -> memref<100001xf32, #tpu.memory_space<hbm>>
    %dma_wait3A_134 = arith.constant 0 : i32
    %dma_wait3A_135 = tpu.memref_slice %arg3[%shift_right_logical3A_121, %and3A_123, %dma_wait3A_134] : memref<26x32x100001xf32, #tpu.memory_space<hbm>> -> memref<1x1x100001xf32, #tpu.memory_space<hbm>>
    %dma_wait3A_136 = tpu.memref_squeeze %dma_wait3A_135 : memref<1x1x100001xf32, #tpu.memory_space<hbm>> -> memref<100001xf32, #tpu.memory_space<hbm>>
    tpu.wait_dma2 semaphore(%arg9 : memref<!tpu.dma_semaphore, #tpu.memory_space<semaphore_mem>>) src(%dma_wait3A_136 : memref<100001xf32, #tpu.memory_space<hbm>>) dst(%arg6 : memref<100001xf32, #tpu.memory_space<vmem>>)
    %dma_wait3A_137 = arith.constant 0 : i32
    %dma_wait3A_138 = arith.constant 0 : i32
    %dma_wait3A_139 = arith.constant 0 : i32
    %dma_wait3A_140 = tpu.memref_slice %arg7[%dma_wait3A_137, %dma_wait3A_138, %dma_wait3A_139] : memref<2x1x4096xf32, #tpu.memory_space<vmem>> -> memref<1x1x4096xf32, #tpu.memory_space<vmem>>
    %dma_wait3A_141 = arith.constant 0 : i32
    %dma_wait3A_142 = arith.constant 0 : i32
    %dma_wait3A_143 = arith.constant 0 : i32
    %dma_wait3A_144 = tpu.memref_slice %arg4[%dma_wait3A_141, %dma_wait3A_142, %dma_wait3A_143] : memref<26x32x4096xf32, #tpu.memory_space<hbm>> -> memref<1x1x4096xf32, #tpu.memory_space<hbm>>
    %dma_wait3A_145 = arith.constant 0 : i32
    %dma_wait3A_146 = arith.constant 0 : i32
    %dma_wait3A_147 = arith.constant 0 : i32
    %dma_wait3A_148 = tpu.memref_slice %arg4[%dma_wait3A_145, %dma_wait3A_146, %dma_wait3A_147] : memref<26x32x4096xf32, #tpu.memory_space<hbm>> -> memref<1x1x4096xf32, #tpu.memory_space<hbm>>
    %dma_wait3A_149 = arith.constant 0 : i32
    %dma_wait3A_150 = arith.constant 0 : i32
    %dma_wait3A_151 = arith.constant 0 : i32
    %dma_wait3A_152 = tpu.memref_slice %arg7[%dma_wait3A_149, %dma_wait3A_150, %dma_wait3A_151] : memref<2x1x4096xf32, #tpu.memory_space<vmem>> -> memref<1x1x4096xf32, #tpu.memory_space<vmem>>
    tpu.wait_dma2 semaphore(%arg10 : memref<!tpu.dma_semaphore, #tpu.memory_space<semaphore_mem>>) src(%dma_wait3A_152 : memref<1x1x4096xf32, #tpu.memory_space<vmem>>) dst(%dma_wait3A_148 : memref<1x1x4096xf32, #tpu.memory_space<hbm>>)
    %scan3A_153 = arith.constant 0 : i32
    %scan3A_154 = arith.constant 0 : i32
    %scan3A_155 = arith.constant 256 : i32
    %scan3A_156 = arith.addi %scan3A_154, %scan3A_155 : i32
    %scan3A_157 = arith.constant 1 : i32
    %scan3A_158 = scf.for %scan3A_1446 = %scan3A_154 to %scan3A_156 step %scan3A_157 iter_args(%scan3A_1447 = %scan3A_153) -> (i32)  : i32 {
      %mul3A_1448 = arith.constant 16 : i32
      %mul3A_1449 = arith.muli %scan3A_1446, %mul3A_1448 : i32
      %get3A = arith.index_cast %sub3A_124 : i32 to index
      %get3A_1450 = arith.index_cast %mul3A_1449 : i32 to index
      %get3A_1451 = tpu.vector_load %arg5[%get3A, %get3A_1450] {strides = array<i32>} : memref<2x4096xi32, #tpu.memory_space<vmem>>, vector<16xi32>,
      %gather3A = tpu.vector_load_idx %arg6[%get3A_1451] : memref<100001xf32, #tpu.memory_space<vmem>>[vector<16xi32>], vector<16xf32>,
      %swap3A = arith.constant 0 : i32
      %swap3A_1452 = arith.constant 0 : i32
      %swap3A_1453 = arith.index_cast %swap3A : i32 to index
      %swap3A_1454 = arith.index_cast %swap3A_1452 : i32 to index
      %swap3A_1455 = arith.index_cast %mul3A_1449 : i32 to index
      %swap3A_1456 = tpu.vector_load %arg7[%swap3A_1453, %swap3A_1454, %swap3A_1455] {strides = array<i32>} : memref<2x1x4096xf32, #tpu.memory_space<vmem>>, vector<16xf32>,
      tpu.vector_store %arg7[%swap3A_1453, %swap3A_1454, %swap3A_1455], %gather3A {strides = array<i32>} : memref<2x1x4096xf32, #tpu.memory_space<vmem>>, vector<16xf32>,
      %scan3A_1457 = arith.constant 0 : i32
      scf.yield %scan3A_1457 : i32
    }
    %scan3A_159 = arith.constant 256 : i32
    %dma_start3A_160 = arith.constant 0 : i32
    %dma_start3A_161 = arith.constant 0 : i32
    %dma_start3A_162 = arith.constant 0 : i32
    %dma_start3A_163 = tpu.memref_slice %arg7[%dma_start3A_160, %dma_start3A_161, %dma_start3A_162] : memref<2x1x4096xf32, #tpu.memory_space<vmem>> -> memref<1x1x4096xf32, #tpu.memory_space<vmem>>
    %dma_start3A_164 = arith.constant 0 : i32
    %dma_start3A_165 = tpu.memref_slice %arg4[%shift_right_logical3A_121, %and3A_123, %dma_start3A_164] : memref<26x32x4096xf32, #tpu.memory_space<hbm>> -> memref<1x1x4096xf32, #tpu.memory_space<hbm>>
    %dma_start3A_166 = arith.constant 0 : i32
    %dma_start3A_167 = tpu.memref_slice %arg4[%shift_right_logical3A_121, %and3A_123, %dma_start3A_166] : memref<26x32x4096xf32, #tpu.memory_space<hbm>> -> memref<1x1x4096xf32, #tpu.memory_space<hbm>>
    %dma_start3A_168 = arith.constant 0 : i32
    %dma_start3A_169 = arith.constant 0 : i32
    %dma_start3A_170 = arith.constant 0 : i32
    %dma_start3A_171 = tpu.memref_slice %arg7[%dma_start3A_168, %dma_start3A_169, %dma_start3A_170] : memref<2x1x4096xf32, #tpu.memory_space<vmem>> -> memref<1x1x4096xf32, #tpu.memory_space<vmem>>
    tpu.enqueue_dma source(%dma_start3A_171 : memref<1x1x4096xf32, #tpu.memory_space<vmem>>) target(%dma_start3A_167 : memref<1x1x4096xf32, #tpu.memory_space<hbm>>) target_semaphore(%arg10 : memref<!tpu.dma_semaphore, #tpu.memory_space<semaphore_mem>>)
    %add3A_172 = arith.constant 3 : i32
    %add3A_173 = arith.addi %mul3A_2, %add3A_172 : i32
    %shift_right_logical3A_174 = arith.constant 5 : i32
    %shift_right_logical3A_175 = arith.shrui %add3A_173, %shift_right_logical3A_174 : i32
    %and3A_176 = arith.constant 31 : i32
    %and3A_177 = arith.andi %add3A_173, %and3A_176 : i32
    %sub3A_178 = arith.subi %shift_right_logical3A_175, %shift_right_logical3A_3 : i32
    %dma_start3A_179 = arith.constant 0 : i32
    %dma_start3A_180 = tpu.memref_slice %arg3[%shift_right_logical3A_175, %and3A_177, %dma_start3A_179] : memref<26x32x100001xf32, #tpu.memory_space<hbm>> -> memref<1x1x100001xf32, #tpu.memory_space<hbm>>
    %dma_start3A_181 = tpu.memref_squeeze %dma_start3A_180 : memref<1x1x100001xf32, #tpu.memory_space<hbm>> -> memref<100001xf32, #tpu.memory_space<hbm>>
    %dma_start3A_182 = arith.constant 0 : i32
    %dma_start3A_183 = tpu.memref_slice %arg3[%shift_right_logical3A_175, %and3A_177, %dma_start3A_182] : memref<26x32x100001xf32, #tpu.memory_space<hbm>> -> memref<1x1x100001xf32, #tpu.memory_space<hbm>>
    %dma_start3A_184 = tpu.memref_squeeze %dma_start3A_183 : memref<1x1x100001xf32, #tpu.memory_space<hbm>> -> memref<100001xf32, #tpu.memory_space<hbm>>
    tpu.enqueue_dma source(%dma_start3A_184 : memref<100001xf32, #tpu.memory_space<hbm>>) target(%arg6 : memref<100001xf32, #tpu.memory_space<vmem>>) target_semaphore(%arg9 : memref<!tpu.dma_semaphore, #tpu.memory_space<semaphore_mem>>)
    %dma_wait3A_185 = arith.constant 0 : i32
    %dma_wait3A_186 = tpu.memref_slice %arg3[%shift_right_logical3A_175, %and3A_177, %dma_wait3A_185] : memref<26x32x100001xf32, #tpu.memory_space<hbm>> -> memref<1x1x100001xf32, #tpu.memory_space<hbm>>
    %dma_wait3A_187 = tpu.memref_squeeze %dma_wait3A_186 : memref<1x1x100001xf32, #tpu.memory_space<hbm>> -> memref<100001xf32, #tpu.memory_space<hbm>>
    %dma_wait3A_188 = arith.constant 0 : i32
    %dma_wait3A_189 = tpu.memref_slice %arg3[%shift_right_logical3A_175, %and3A_177, %dma_wait3A_188] : memref<26x32x100001xf32, #tpu.memory_space<hbm>> -> memref<1x1x100001xf32, #tpu.memory_space<hbm>>
    %dma_wait3A_190 = tpu.memref_squeeze %dma_wait3A_189 : memref<1x1x100001xf32, #tpu.memory_space<hbm>> -> memref<100001xf32, #tpu.memory_space<hbm>>
    tpu.wait_dma2 semaphore(%arg9 : memref<!tpu.dma_semaphore, #tpu.memory_space<semaphore_mem>>) src(%dma_wait3A_190 : memref<100001xf32, #tpu.memory_space<hbm>>) dst(%arg6 : memref<100001xf32, #tpu.memory_space<vmem>>)
    %dma_wait3A_191 = arith.constant 1 : i32
    %dma_wait3A_192 = arith.constant 0 : i32
    %dma_wait3A_193 = arith.constant 0 : i32
    %dma_wait3A_194 = tpu.memref_slice %arg7[%dma_wait3A_191, %dma_wait3A_192, %dma_wait3A_193] : memref<2x1x4096xf32, #tpu.memory_space<vmem>> -> memref<1x1x4096xf32, #tpu.memory_space<vmem>>
    %dma_wait3A_195 = arith.constant 0 : i32
    %dma_wait3A_196 = arith.constant 0 : i32
    %dma_wait3A_197 = arith.constant 0 : i32
    %dma_wait3A_198 = tpu.memref_slice %arg4[%dma_wait3A_195, %dma_wait3A_196, %dma_wait3A_197] : memref<26x32x4096xf32, #tpu.memory_space<hbm>> -> memref<1x1x4096xf32, #tpu.memory_space<hbm>>
    %dma_wait3A_199 = arith.constant 0 : i32
    %dma_wait3A_200 = arith.constant 0 : i32
    %dma_wait3A_201 = arith.constant 0 : i32
    %dma_wait3A_202 = tpu.memref_slice %arg4[%dma_wait3A_199, %dma_wait3A_200, %dma_wait3A_201] : memref<26x32x4096xf32, #tpu.memory_space<hbm>> -> memref<1x1x4096xf32, #tpu.memory_space<hbm>>
    %dma_wait3A_203 = arith.constant 1 : i32
    %dma_wait3A_204 = arith.constant 0 : i32
    %dma_wait3A_205 = arith.constant 0 : i32
    %dma_wait3A_206 = tpu.memref_slice %arg7[%dma_wait3A_203, %dma_wait3A_204, %dma_wait3A_205] : memref<2x1x4096xf32, #tpu.memory_space<vmem>> -> memref<1x1x4096xf32, #tpu.memory_space<vmem>>
    tpu.wait_dma2 semaphore(%arg10 : memref<!tpu.dma_semaphore, #tpu.memory_space<semaphore_mem>>) src(%dma_wait3A_206 : memref<1x1x4096xf32, #tpu.memory_space<vmem>>) dst(%dma_wait3A_202 : memref<1x1x4096xf32, #tpu.memory_space<hbm>>)
    %scan3A_207 = arith.constant 0 : i32
    %scan3A_208 = arith.constant 0 : i32
    %scan3A_209 = arith.constant 256 : i32
    %scan3A_210 = arith.addi %scan3A_208, %scan3A_209 : i32
    %scan3A_211 = arith.constant 1 : i32
    %scan3A_212 = scf.for %scan3A_1446 = %scan3A_208 to %scan3A_210 step %scan3A_211 iter_args(%scan3A_1447 = %scan3A_207) -> (i32)  : i32 {
      %mul3A_1448 = arith.constant 16 : i32
      %mul3A_1449 = arith.muli %scan3A_1446, %mul3A_1448 : i32
      %get3A = arith.index_cast %sub3A_178 : i32 to index
      %get3A_1450 = arith.index_cast %mul3A_1449 : i32 to index
      %get3A_1451 = tpu.vector_load %arg5[%get3A, %get3A_1450] {strides = array<i32>} : memref<2x4096xi32, #tpu.memory_space<vmem>>, vector<16xi32>,
      %gather3A = tpu.vector_load_idx %arg6[%get3A_1451] : memref<100001xf32, #tpu.memory_space<vmem>>[vector<16xi32>], vector<16xf32>,
      %swap3A = arith.constant 1 : i32
      %swap3A_1452 = arith.constant 0 : i32
      %swap3A_1453 = arith.index_cast %swap3A : i32 to index
      %swap3A_1454 = arith.index_cast %swap3A_1452 : i32 to index
      %swap3A_1455 = arith.index_cast %mul3A_1449 : i32 to index
      %swap3A_1456 = tpu.vector_load %arg7[%swap3A_1453, %swap3A_1454, %swap3A_1455] {strides = array<i32>} : memref<2x1x4096xf32, #tpu.memory_space<vmem>>, vector<16xf32>,
      tpu.vector_store %arg7[%swap3A_1453, %swap3A_1454, %swap3A_1455], %gather3A {strides = array<i32>} : memref<2x1x4096xf32, #tpu.memory_space<vmem>>, vector<16xf32>,
      %scan3A_1457 = arith.constant 0 : i32
      scf.yield %scan3A_1457 : i32
    }
    %scan3A_213 = arith.constant 256 : i32
    %dma_start3A_214 = arith.constant 1 : i32
    %dma_start3A_215 = arith.constant 0 : i32
    %dma_start3A_216 = arith.constant 0 : i32
    %dma_start3A_217 = tpu.memref_slice %arg7[%dma_start3A_214, %dma_start3A_215, %dma_start3A_216] : memref<2x1x4096xf32, #tpu.memory_space<vmem>> -> memref<1x1x4096xf32, #tpu.memory_space<vmem>>
    %dma_start3A_218 = arith.constant 0 : i32
    %dma_start3A_219 = tpu.memref_slice %arg4[%shift_right_logical3A_175, %and3A_177, %dma_start3A_218] : memref<26x32x4096xf32, #tpu.memory_space<hbm>> -> memref<1x1x4096xf32, #tpu.memory_space<hbm>>
    %dma_start3A_220 = arith.constant 0 : i32
    %dma_start3A_221 = tpu.memref_slice %arg4[%shift_right_logical3A_175, %and3A_177, %dma_start3A_220] : memref<26x32x4096xf32, #tpu.memory_space<hbm>> -> memref<1x1x4096xf32, #tpu.memory_space<hbm>>
    %dma_start3A_222 = arith.constant 1 : i32
    %dma_start3A_223 = arith.constant 0 : i32
    %dma_start3A_224 = arith.constant 0 : i32
    %dma_start3A_225 = tpu.memref_slice %arg7[%dma_start3A_222, %dma_start3A_223, %dma_start3A_224] : memref<2x1x4096xf32, #tpu.memory_space<vmem>> -> memref<1x1x4096xf32, #tpu.memory_space<vmem>>
    tpu.enqueue_dma source(%dma_start3A_225 : memref<1x1x4096xf32, #tpu.memory_space<vmem>>) target(%dma_start3A_221 : memref<1x1x4096xf32, #tpu.memory_space<hbm>>) target_semaphore(%arg10 : memref<!tpu.dma_semaphore, #tpu.memory_space<semaphore_mem>>)
    %add3A_226 = arith.constant 4 : i32
    %add3A_227 = arith.addi %mul3A_2, %add3A_226 : i32
    %shift_right_logical3A_228 = arith.constant 5 : i32
    %shift_right_logical3A_229 = arith.shrui %add3A_227, %shift_right_logical3A_228 : i32
    %and3A_230 = arith.constant 31 : i32
    %and3A_231 = arith.andi %add3A_227, %and3A_230 : i32
    %sub3A_232 = arith.subi %shift_right_logical3A_229, %shift_right_logical3A_3 : i32
    %dma_start3A_233 = arith.constant 0 : i32
    %dma_start3A_234 = tpu.memref_slice %arg3[%shift_right_logical3A_229, %and3A_231, %dma_start3A_233] : memref<26x32x100001xf32, #tpu.memory_space<hbm>> -> memref<1x1x100001xf32, #tpu.memory_space<hbm>>
    %dma_start3A_235 = tpu.memref_squeeze %dma_start3A_234 : memref<1x1x100001xf32, #tpu.memory_space<hbm>> -> memref<100001xf32, #tpu.memory_space<hbm>>
    %dma_start3A_236 = arith.constant 0 : i32
    %dma_start3A_237 = tpu.memref_slice %arg3[%shift_right_logical3A_229, %and3A_231, %dma_start3A_236] : memref<26x32x100001xf32, #tpu.memory_space<hbm>> -> memref<1x1x100001xf32, #tpu.memory_space<hbm>>
    %dma_start3A_238 = tpu.memref_squeeze %dma_start3A_237 : memref<1x1x100001xf32, #tpu.memory_space<hbm>> -> memref<100001xf32, #tpu.memory_space<hbm>>
    tpu.enqueue_dma source(%dma_start3A_238 : memref<100001xf32, #tpu.memory_space<hbm>>) target(%arg6 : memref<100001xf32, #tpu.memory_space<vmem>>) target_semaphore(%arg9 : memref<!tpu.dma_semaphore, #tpu.memory_space<semaphore_mem>>)
    %dma_wait3A_239 = arith.constant 0 : i32
    %dma_wait3A_240 = tpu.memref_slice %arg3[%shift_right_logical3A_229, %and3A_231, %dma_wait3A_239] : memref<26x32x100001xf32, #tpu.memory_space<hbm>> -> memref<1x1x100001xf32, #tpu.memory_space<hbm>>
    %dma_wait3A_241 = tpu.memref_squeeze %dma_wait3A_240 : memref<1x1x100001xf32, #tpu.memory_space<hbm>> -> memref<100001xf32, #tpu.memory_space<hbm>>
    %dma_wait3A_242 = arith.constant 0 : i32
    %dma_wait3A_243 = tpu.memref_slice %arg3[%shift_right_logical3A_229, %and3A_231, %dma_wait3A_242] : memref<26x32x100001xf32, #tpu.memory_space<hbm>> -> memref<1x1x100001xf32, #tpu.memory_space<hbm>>
    %dma_wait3A_244 = tpu.memref_squeeze %dma_wait3A_243 : memref<1x1x100001xf32, #tpu.memory_space<hbm>> -> memref<100001xf32, #tpu.memory_space<hbm>>
    tpu.wait_dma2 semaphore(%arg9 : memref<!tpu.dma_semaphore, #tpu.memory_space<semaphore_mem>>) src(%dma_wait3A_244 : memref<100001xf32, #tpu.memory_space<hbm>>) dst(%arg6 : memref<100001xf32, #tpu.memory_space<vmem>>)
    %dma_wait3A_245 = arith.constant 0 : i32
    %dma_wait3A_246 = arith.constant 0 : i32
    %dma_wait3A_247 = arith.constant 0 : i32
    %dma_wait3A_248 = tpu.memref_slice %arg7[%dma_wait3A_245, %dma_wait3A_246, %dma_wait3A_247] : memref<2x1x4096xf32, #tpu.memory_space<vmem>> -> memref<1x1x4096xf32, #tpu.memory_space<vmem>>
    %dma_wait3A_249 = arith.constant 0 : i32
    %dma_wait3A_250 = arith.constant 0 : i32
    %dma_wait3A_251 = arith.constant 0 : i32
    %dma_wait3A_252 = tpu.memref_slice %arg4[%dma_wait3A_249, %dma_wait3A_250, %dma_wait3A_251] : memref<26x32x4096xf32, #tpu.memory_space<hbm>> -> memref<1x1x4096xf32, #tpu.memory_space<hbm>>
    %dma_wait3A_253 = arith.constant 0 : i32
    %dma_wait3A_254 = arith.constant 0 : i32
    %dma_wait3A_255 = arith.constant 0 : i32
    %dma_wait3A_256 = tpu.memref_slice %arg4[%dma_wait3A_253, %dma_wait3A_254, %dma_wait3A_255] : memref<26x32x4096xf32, #tpu.memory_space<hbm>> -> memref<1x1x4096xf32, #tpu.memory_space<hbm>>
    %dma_wait3A_257 = arith.constant 0 : i32
    %dma_wait3A_258 = arith.constant 0 : i32
    %dma_wait3A_259 = arith.constant 0 : i32
    %dma_wait3A_260 = tpu.memref_slice %arg7[%dma_wait3A_257, %dma_wait3A_258, %dma_wait3A_259] : memref<2x1x4096xf32, #tpu.memory_space<vmem>> -> memref<1x1x4096xf32, #tpu.memory_space<vmem>>
    tpu.wait_dma2 semaphore(%arg10 : memref<!tpu.dma_semaphore, #tpu.memory_space<semaphore_mem>>) src(%dma_wait3A_260 : memref<1x1x4096xf32, #tpu.memory_space<vmem>>) dst(%dma_wait3A_256 : memref<1x1x4096xf32, #tpu.memory_space<hbm>>)
    %scan3A_261 = arith.constant 0 : i32
    %scan3A_262 = arith.constant 0 : i32
    %scan3A_263 = arith.constant 256 : i32
    %scan3A_264 = arith.addi %scan3A_262, %scan3A_263 : i32
    %scan3A_265 = arith.constant 1 : i32
    %scan3A_266 = scf.for %scan3A_1446 = %scan3A_262 to %scan3A_264 step %scan3A_265 iter_args(%scan3A_1447 = %scan3A_261) -> (i32)  : i32 {
      %mul3A_1448 = arith.constant 16 : i32
      %mul3A_1449 = arith.muli %scan3A_1446, %mul3A_1448 : i32
      %get3A = arith.index_cast %sub3A_232 : i32 to index
      %get3A_1450 = arith.index_cast %mul3A_1449 : i32 to index
      %get3A_1451 = tpu.vector_load %arg5[%get3A, %get3A_1450] {strides = array<i32>} : memref<2x4096xi32, #tpu.memory_space<vmem>>, vector<16xi32>,
      %gather3A = tpu.vector_load_idx %arg6[%get3A_1451] : memref<100001xf32, #tpu.memory_space<vmem>>[vector<16xi32>], vector<16xf32>,
      %swap3A = arith.constant 0 : i32
      %swap3A_1452 = arith.constant 0 : i32
      %swap3A_1453 = arith.index_cast %swap3A : i32 to index
      %swap3A_1454 = arith.index_cast %swap3A_1452 : i32 to index
      %swap3A_1455 = arith.index_cast %mul3A_1449 : i32 to index
      %swap3A_1456 = tpu.vector_load %arg7[%swap3A_1453, %swap3A_1454, %swap3A_1455] {strides = array<i32>} : memref<2x1x4096xf32, #tpu.memory_space<vmem>>, vector<16xf32>,
      tpu.vector_store %arg7[%swap3A_1453, %swap3A_1454, %swap3A_1455], %gather3A {strides = array<i32>} : memref<2x1x4096xf32, #tpu.memory_space<vmem>>, vector<16xf32>,
      %scan3A_1457 = arith.constant 0 : i32
      scf.yield %scan3A_1457 : i32
    }
    %scan3A_267 = arith.constant 256 : i32
    %dma_start3A_268 = arith.constant 0 : i32
    %dma_start3A_269 = arith.constant 0 : i32
    %dma_start3A_270 = arith.constant 0 : i32
    %dma_start3A_271 = tpu.memref_slice %arg7[%dma_start3A_268, %dma_start3A_269, %dma_start3A_270] : memref<2x1x4096xf32, #tpu.memory_space<vmem>> -> memref<1x1x4096xf32, #tpu.memory_space<vmem>>
    %dma_start3A_272 = arith.constant 0 : i32
    %dma_start3A_273 = tpu.memref_slice %arg4[%shift_right_logical3A_229, %and3A_231, %dma_start3A_272] : memref<26x32x4096xf32, #tpu.memory_space<hbm>> -> memref<1x1x4096xf32, #tpu.memory_space<hbm>>
    %dma_start3A_274 = arith.constant 0 : i32
    %dma_start3A_275 = tpu.memref_slice %arg4[%shift_right_logical3A_229, %and3A_231, %dma_start3A_274] : memref<26x32x4096xf32, #tpu.memory_space<hbm>> -> memref<1x1x4096xf32, #tpu.memory_space<hbm>>
    %dma_start3A_276 = arith.constant 0 : i32
    %dma_start3A_277 = arith.constant 0 : i32
    %dma_start3A_278 = arith.constant 0 : i32
    %dma_start3A_279 = tpu.memref_slice %arg7[%dma_start3A_276, %dma_start3A_277, %dma_start3A_278] : memref<2x1x4096xf32, #tpu.memory_space<vmem>> -> memref<1x1x4096xf32, #tpu.memory_space<vmem>>
    tpu.enqueue_dma source(%dma_start3A_279 : memref<1x1x4096xf32, #tpu.memory_space<vmem>>) target(%dma_start3A_275 : memref<1x1x4096xf32, #tpu.memory_space<hbm>>) target_semaphore(%arg10 : memref<!tpu.dma_semaphore, #tpu.memory_space<semaphore_mem>>)
    %add3A_280 = arith.constant 5 : i32
    %add3A_281 = arith.addi %mul3A_2, %add3A_280 : i32
    %shift_right_logical3A_282 = arith.constant 5 : i32
    %shift_right_logical3A_283 = arith.shrui %add3A_281, %shift_right_logical3A_282 : i32
    %and3A_284 = arith.constant 31 : i32
    %and3A_285 = arith.andi %add3A_281, %and3A_284 : i32
    %sub3A_286 = arith.subi %shift_right_logical3A_283, %shift_right_logical3A_3 : i32
    %dma_start3A_287 = arith.constant 0 : i32
    %dma_start3A_288 = tpu.memref_slice %arg3[%shift_right_logical3A_283, %and3A_285, %dma_start3A_287] : memref<26x32x100001xf32, #tpu.memory_space<hbm>> -> memref<1x1x100001xf32, #tpu.memory_space<hbm>>
    %dma_start3A_289 = tpu.memref_squeeze %dma_start3A_288 : memref<1x1x100001xf32, #tpu.memory_space<hbm>> -> memref<100001xf32, #tpu.memory_space<hbm>>
    %dma_start3A_290 = arith.constant 0 : i32
    %dma_start3A_291 = tpu.memref_slice %arg3[%shift_right_logical3A_283, %and3A_285, %dma_start3A_290] : memref<26x32x100001xf32, #tpu.memory_space<hbm>> -> memref<1x1x100001xf32, #tpu.memory_space<hbm>>
    %dma_start3A_292 = tpu.memref_squeeze %dma_start3A_291 : memref<1x1x100001xf32, #tpu.memory_space<hbm>> -> memref<100001xf32, #tpu.memory_space<hbm>>
    tpu.enqueue_dma source(%dma_start3A_292 : memref<100001xf32, #tpu.memory_space<hbm>>) target(%arg6 : memref<100001xf32, #tpu.memory_space<vmem>>) target_semaphore(%arg9 : memref<!tpu.dma_semaphore, #tpu.memory_space<semaphore_mem>>)
    %dma_wait3A_293 = arith.constant 0 : i32
    %dma_wait3A_294 = tpu.memref_slice %arg3[%shift_right_logical3A_283, %and3A_285, %dma_wait3A_293] : memref<26x32x100001xf32, #tpu.memory_space<hbm>> -> memref<1x1x100001xf32, #tpu.memory_space<hbm>>
    %dma_wait3A_295 = tpu.memref_squeeze %dma_wait3A_294 : memref<1x1x100001xf32, #tpu.memory_space<hbm>> -> memref<100001xf32, #tpu.memory_space<hbm>>
    %dma_wait3A_296 = arith.constant 0 : i32
    %dma_wait3A_297 = tpu.memref_slice %arg3[%shift_right_logical3A_283, %and3A_285, %dma_wait3A_296] : memref<26x32x100001xf32, #tpu.memory_space<hbm>> -> memref<1x1x100001xf32, #tpu.memory_space<hbm>>
    %dma_wait3A_298 = tpu.memref_squeeze %dma_wait3A_297 : memref<1x1x100001xf32, #tpu.memory_space<hbm>> -> memref<100001xf32, #tpu.memory_space<hbm>>
    tpu.wait_dma2 semaphore(%arg9 : memref<!tpu.dma_semaphore, #tpu.memory_space<semaphore_mem>>) src(%dma_wait3A_298 : memref<100001xf32, #tpu.memory_space<hbm>>) dst(%arg6 : memref<100001xf32, #tpu.memory_space<vmem>>)
    %dma_wait3A_299 = arith.constant 1 : i32
    %dma_wait3A_300 = arith.constant 0 : i32
    %dma_wait3A_301 = arith.constant 0 : i32
    %dma_wait3A_302 = tpu.memref_slice %arg7[%dma_wait3A_299, %dma_wait3A_300, %dma_wait3A_301] : memref<2x1x4096xf32, #tpu.memory_space<vmem>> -> memref<1x1x4096xf32, #tpu.memory_space<vmem>>
    %dma_wait3A_303 = arith.constant 0 : i32
    %dma_wait3A_304 = arith.constant 0 : i32
    %dma_wait3A_305 = arith.constant 0 : i32
    %dma_wait3A_306 = tpu.memref_slice %arg4[%dma_wait3A_303, %dma_wait3A_304, %dma_wait3A_305] : memref<26x32x4096xf32, #tpu.memory_space<hbm>> -> memref<1x1x4096xf32, #tpu.memory_space<hbm>>
    %dma_wait3A_307 = arith.constant 0 : i32
    %dma_wait3A_308 = arith.constant 0 : i32
    %dma_wait3A_309 = arith.constant 0 : i32
    %dma_wait3A_310 = tpu.memref_slice %arg4[%dma_wait3A_307, %dma_wait3A_308, %dma_wait3A_309] : memref<26x32x4096xf32, #tpu.memory_space<hbm>> -> memref<1x1x4096xf32, #tpu.memory_space<hbm>>
    %dma_wait3A_311 = arith.constant 1 : i32
    %dma_wait3A_312 = arith.constant 0 : i32
    %dma_wait3A_313 = arith.constant 0 : i32
    %dma_wait3A_314 = tpu.memref_slice %arg7[%dma_wait3A_311, %dma_wait3A_312, %dma_wait3A_313] : memref<2x1x4096xf32, #tpu.memory_space<vmem>> -> memref<1x1x4096xf32, #tpu.memory_space<vmem>>
    tpu.wait_dma2 semaphore(%arg10 : memref<!tpu.dma_semaphore, #tpu.memory_space<semaphore_mem>>) src(%dma_wait3A_314 : memref<1x1x4096xf32, #tpu.memory_space<vmem>>) dst(%dma_wait3A_310 : memref<1x1x4096xf32, #tpu.memory_space<hbm>>)
    %scan3A_315 = arith.constant 0 : i32
    %scan3A_316 = arith.constant 0 : i32
    %scan3A_317 = arith.constant 256 : i32
    %scan3A_318 = arith.addi %scan3A_316, %scan3A_317 : i32
    %scan3A_319 = arith.constant 1 : i32
    %scan3A_320 = scf.for %scan3A_1446 = %scan3A_316 to %scan3A_318 step %scan3A_319 iter_args(%scan3A_1447 = %scan3A_315) -> (i32)  : i32 {
      %mul3A_1448 = arith.constant 16 : i32
      %mul3A_1449 = arith.muli %scan3A_1446, %mul3A_1448 : i32
      %get3A = arith.index_cast %sub3A_286 : i32 to index
      %get3A_1450 = arith.index_cast %mul3A_1449 : i32 to index
      %get3A_1451 = tpu.vector_load %arg5[%get3A, %get3A_1450] {strides = array<i32>} : memref<2x4096xi32, #tpu.memory_space<vmem>>, vector<16xi32>,
      %gather3A = tpu.vector_load_idx %arg6[%get3A_1451] : memref<100001xf32, #tpu.memory_space<vmem>>[vector<16xi32>], vector<16xf32>,
      %swap3A = arith.constant 1 : i32
      %swap3A_1452 = arith.constant 0 : i32
      %swap3A_1453 = arith.index_cast %swap3A : i32 to index
      %swap3A_1454 = arith.index_cast %swap3A_1452 : i32 to index
      %swap3A_1455 = arith.index_cast %mul3A_1449 : i32 to index
      %swap3A_1456 = tpu.vector_load %arg7[%swap3A_1453, %swap3A_1454, %swap3A_1455] {strides = array<i32>} : memref<2x1x4096xf32, #tpu.memory_space<vmem>>, vector<16xf32>,
      tpu.vector_store %arg7[%swap3A_1453, %swap3A_1454, %swap3A_1455], %gather3A {strides = array<i32>} : memref<2x1x4096xf32, #tpu.memory_space<vmem>>, vector<16xf32>,
      %scan3A_1457 = arith.constant 0 : i32
      scf.yield %scan3A_1457 : i32
    }
    %scan3A_321 = arith.constant 256 : i32
    %dma_start3A_322 = arith.constant 1 : i32
    %dma_start3A_323 = arith.constant 0 : i32
    %dma_start3A_324 = arith.constant 0 : i32
    %dma_start3A_325 = tpu.memref_slice %arg7[%dma_start3A_322, %dma_start3A_323, %dma_start3A_324] : memref<2x1x4096xf32, #tpu.memory_space<vmem>> -> memref<1x1x4096xf32, #tpu.memory_space<vmem>>
    %dma_start3A_326 = arith.constant 0 : i32
    %dma_start3A_327 = tpu.memref_slice %arg4[%shift_right_logical3A_283, %and3A_285, %dma_start3A_326] : memref<26x32x4096xf32, #tpu.memory_space<hbm>> -> memref<1x1x4096xf32, #tpu.memory_space<hbm>>
    %dma_start3A_328 = arith.constant 0 : i32
    %dma_start3A_329 = tpu.memref_slice %arg4[%shift_right_logical3A_283, %and3A_285, %dma_start3A_328] : memref<26x32x4096xf32, #tpu.memory_space<hbm>> -> memref<1x1x4096xf32, #tpu.memory_space<hbm>>
    %dma_start3A_330 = arith.constant 1 : i32
    %dma_start3A_331 = arith.constant 0 : i32
    %dma_start3A_332 = arith.constant 0 : i32
    %dma_start3A_333 = tpu.memref_slice %arg7[%dma_start3A_330, %dma_start3A_331, %dma_start3A_332] : memref<2x1x4096xf32, #tpu.memory_space<vmem>> -> memref<1x1x4096xf32, #tpu.memory_space<vmem>>
    tpu.enqueue_dma source(%dma_start3A_333 : memref<1x1x4096xf32, #tpu.memory_space<vmem>>) target(%dma_start3A_329 : memref<1x1x4096xf32, #tpu.memory_space<hbm>>) target_semaphore(%arg10 : memref<!tpu.dma_semaphore, #tpu.memory_space<semaphore_mem>>)
    %add3A_334 = arith.constant 6 : i32
    %add3A_335 = arith.addi %mul3A_2, %add3A_334 : i32
    %shift_right_logical3A_336 = arith.constant 5 : i32
    %shift_right_logical3A_337 = arith.shrui %add3A_335, %shift_right_logical3A_336 : i32
    %and3A_338 = arith.constant 31 : i32
    %and3A_339 = arith.andi %add3A_335, %and3A_338 : i32
    %sub3A_340 = arith.subi %shift_right_logical3A_337, %shift_right_logical3A_3 : i32
    %dma_start3A_341 = arith.constant 0 : i32
    %dma_start3A_342 = tpu.memref_slice %arg3[%shift_right_logical3A_337, %and3A_339, %dma_start3A_341] : memref<26x32x100001xf32, #tpu.memory_space<hbm>> -> memref<1x1x100001xf32, #tpu.memory_space<hbm>>
    %dma_start3A_343 = tpu.memref_squeeze %dma_start3A_342 : memref<1x1x100001xf32, #tpu.memory_space<hbm>> -> memref<100001xf32, #tpu.memory_space<hbm>>
    %dma_start3A_344 = arith.constant 0 : i32
    %dma_start3A_345 = tpu.memref_slice %arg3[%shift_right_logical3A_337, %and3A_339, %dma_start3A_344] : memref<26x32x100001xf32, #tpu.memory_space<hbm>> -> memref<1x1x100001xf32, #tpu.memory_space<hbm>>
    %dma_start3A_346 = tpu.memref_squeeze %dma_start3A_345 : memref<1x1x100001xf32, #tpu.memory_space<hbm>> -> memref<100001xf32, #tpu.memory_space<hbm>>
    tpu.enqueue_dma source(%dma_start3A_346 : memref<100001xf32, #tpu.memory_space<hbm>>) target(%arg6 : memref<100001xf32, #tpu.memory_space<vmem>>) target_semaphore(%arg9 : memref<!tpu.dma_semaphore, #tpu.memory_space<semaphore_mem>>)
    %dma_wait3A_347 = arith.constant 0 : i32
    %dma_wait3A_348 = tpu.memref_slice %arg3[%shift_right_logical3A_337, %and3A_339, %dma_wait3A_347] : memref<26x32x100001xf32, #tpu.memory_space<hbm>> -> memref<1x1x100001xf32, #tpu.memory_space<hbm>>
    %dma_wait3A_349 = tpu.memref_squeeze %dma_wait3A_348 : memref<1x1x100001xf32, #tpu.memory_space<hbm>> -> memref<100001xf32, #tpu.memory_space<hbm>>
    %dma_wait3A_350 = arith.constant 0 : i32
    %dma_wait3A_351 = tpu.memref_slice %arg3[%shift_right_logical3A_337, %and3A_339, %dma_wait3A_350] : memref<26x32x100001xf32, #tpu.memory_space<hbm>> -> memref<1x1x100001xf32, #tpu.memory_space<hbm>>
    %dma_wait3A_352 = tpu.memref_squeeze %dma_wait3A_351 : memref<1x1x100001xf32, #tpu.memory_space<hbm>> -> memref<100001xf32, #tpu.memory_space<hbm>>
    tpu.wait_dma2 semaphore(%arg9 : memref<!tpu.dma_semaphore, #tpu.memory_space<semaphore_mem>>) src(%dma_wait3A_352 : memref<100001xf32, #tpu.memory_space<hbm>>) dst(%arg6 : memref<100001xf32, #tpu.memory_space<vmem>>)
    %dma_wait3A_353 = arith.constant 0 : i32
    %dma_wait3A_354 = arith.constant 0 : i32
    %dma_wait3A_355 = arith.constant 0 : i32
    %dma_wait3A_356 = tpu.memref_slice %arg7[%dma_wait3A_353, %dma_wait3A_354, %dma_wait3A_355] : memref<2x1x4096xf32, #tpu.memory_space<vmem>> -> memref<1x1x4096xf32, #tpu.memory_space<vmem>>
    %dma_wait3A_357 = arith.constant 0 : i32
    %dma_wait3A_358 = arith.constant 0 : i32
    %dma_wait3A_359 = arith.constant 0 : i32
    %dma_wait3A_360 = tpu.memref_slice %arg4[%dma_wait3A_357, %dma_wait3A_358, %dma_wait3A_359] : memref<26x32x4096xf32, #tpu.memory_space<hbm>> -> memref<1x1x4096xf32, #tpu.memory_space<hbm>>
    %dma_wait3A_361 = arith.constant 0 : i32
    %dma_wait3A_362 = arith.constant 0 : i32
    %dma_wait3A_363 = arith.constant 0 : i32
    %dma_wait3A_364 = tpu.memref_slice %arg4[%dma_wait3A_361, %dma_wait3A_362, %dma_wait3A_363] : memref<26x32x4096xf32, #tpu.memory_space<hbm>> -> memref<1x1x4096xf32, #tpu.memory_space<hbm>>
    %dma_wait3A_365 = arith.constant 0 : i32
    %dma_wait3A_366 = arith.constant 0 : i32
    %dma_wait3A_367 = arith.constant 0 : i32
    %dma_wait3A_368 = tpu.memref_slice %arg7[%dma_wait3A_365, %dma_wait3A_366, %dma_wait3A_367] : memref<2x1x4096xf32, #tpu.memory_space<vmem>> -> memref<1x1x4096xf32, #tpu.memory_space<vmem>>
    tpu.wait_dma2 semaphore(%arg10 : memref<!tpu.dma_semaphore, #tpu.memory_space<semaphore_mem>>) src(%dma_wait3A_368 : memref<1x1x4096xf32, #tpu.memory_space<vmem>>) dst(%dma_wait3A_364 : memref<1x1x4096xf32, #tpu.memory_space<hbm>>)
    %scan3A_369 = arith.constant 0 : i32
    %scan3A_370 = arith.constant 0 : i32
    %scan3A_371 = arith.constant 256 : i32
    %scan3A_372 = arith.addi %scan3A_370, %scan3A_371 : i32
    %scan3A_373 = arith.constant 1 : i32
    %scan3A_374 = scf.for %scan3A_1446 = %scan3A_370 to %scan3A_372 step %scan3A_373 iter_args(%scan3A_1447 = %scan3A_369) -> (i32)  : i32 {
      %mul3A_1448 = arith.constant 16 : i32
      %mul3A_1449 = arith.muli %scan3A_1446, %mul3A_1448 : i32
      %get3A = arith.index_cast %sub3A_340 : i32 to index
      %get3A_1450 = arith.index_cast %mul3A_1449 : i32 to index
      %get3A_1451 = tpu.vector_load %arg5[%get3A, %get3A_1450] {strides = array<i32>} : memref<2x4096xi32, #tpu.memory_space<vmem>>, vector<16xi32>,
      %gather3A = tpu.vector_load_idx %arg6[%get3A_1451] : memref<100001xf32, #tpu.memory_space<vmem>>[vector<16xi32>], vector<16xf32>,
      %swap3A = arith.constant 0 : i32
      %swap3A_1452 = arith.constant 0 : i32
      %swap3A_1453 = arith.index_cast %swap3A : i32 to index
      %swap3A_1454 = arith.index_cast %swap3A_1452 : i32 to index
      %swap3A_1455 = arith.index_cast %mul3A_1449 : i32 to index
      %swap3A_1456 = tpu.vector_load %arg7[%swap3A_1453, %swap3A_1454, %swap3A_1455] {strides = array<i32>} : memref<2x1x4096xf32, #tpu.memory_space<vmem>>, vector<16xf32>,
      tpu.vector_store %arg7[%swap3A_1453, %swap3A_1454, %swap3A_1455], %gather3A {strides = array<i32>} : memref<2x1x4096xf32, #tpu.memory_space<vmem>>, vector<16xf32>,
      %scan3A_1457 = arith.constant 0 : i32
      scf.yield %scan3A_1457 : i32
    }
    %scan3A_375 = arith.constant 256 : i32
    %dma_start3A_376 = arith.constant 0 : i32
    %dma_start3A_377 = arith.constant 0 : i32
    %dma_start3A_378 = arith.constant 0 : i32
    %dma_start3A_379 = tpu.memref_slice %arg7[%dma_start3A_376, %dma_start3A_377, %dma_start3A_378] : memref<2x1x4096xf32, #tpu.memory_space<vmem>> -> memref<1x1x4096xf32, #tpu.memory_space<vmem>>
    %dma_start3A_380 = arith.constant 0 : i32
    %dma_start3A_381 = tpu.memref_slice %arg4[%shift_right_logical3A_337, %and3A_339, %dma_start3A_380] : memref<26x32x4096xf32, #tpu.memory_space<hbm>> -> memref<1x1x4096xf32, #tpu.memory_space<hbm>>
    %dma_start3A_382 = arith.constant 0 : i32
    %dma_start3A_383 = tpu.memref_slice %arg4[%shift_right_logical3A_337, %and3A_339, %dma_start3A_382] : memref<26x32x4096xf32, #tpu.memory_space<hbm>> -> memref<1x1x4096xf32, #tpu.memory_space<hbm>>
    %dma_start3A_384 = arith.constant 0 : i32
    %dma_start3A_385 = arith.constant 0 : i32
    %dma_start3A_386 = arith.constant 0 : i32
    %dma_start3A_387 = tpu.memref_slice %arg7[%dma_start3A_384, %dma_start3A_385, %dma_start3A_386] : memref<2x1x4096xf32, #tpu.memory_space<vmem>> -> memref<1x1x4096xf32, #tpu.memory_space<vmem>>
    tpu.enqueue_dma source(%dma_start3A_387 : memref<1x1x4096xf32, #tpu.memory_space<vmem>>) target(%dma_start3A_383 : memref<1x1x4096xf32, #tpu.memory_space<hbm>>) target_semaphore(%arg10 : memref<!tpu.dma_semaphore, #tpu.memory_space<semaphore_mem>>)
    %add3A_388 = arith.constant 7 : i32
    %add3A_389 = arith.addi %mul3A_2, %add3A_388 : i32
    %shift_right_logical3A_390 = arith.constant 5 : i32
    %shift_right_logical3A_391 = arith.shrui %add3A_389, %shift_right_logical3A_390 : i32
    %and3A_392 = arith.constant 31 : i32
    %and3A_393 = arith.andi %add3A_389, %and3A_392 : i32
    %sub3A_394 = arith.subi %shift_right_logical3A_391, %shift_right_logical3A_3 : i32
    %dma_start3A_395 = arith.constant 0 : i32
    %dma_start3A_396 = tpu.memref_slice %arg3[%shift_right_logical3A_391, %and3A_393, %dma_start3A_395] : memref<26x32x100001xf32, #tpu.memory_space<hbm>> -> memref<1x1x100001xf32, #tpu.memory_space<hbm>>
    %dma_start3A_397 = tpu.memref_squeeze %dma_start3A_396 : memref<1x1x100001xf32, #tpu.memory_space<hbm>> -> memref<100001xf32, #tpu.memory_space<hbm>>
    %dma_start3A_398 = arith.constant 0 : i32
    %dma_start3A_399 = tpu.memref_slice %arg3[%shift_right_logical3A_391, %and3A_393, %dma_start3A_398] : memref<26x32x100001xf32, #tpu.memory_space<hbm>> -> memref<1x1x100001xf32, #tpu.memory_space<hbm>>
    %dma_start3A_400 = tpu.memref_squeeze %dma_start3A_399 : memref<1x1x100001xf32, #tpu.memory_space<hbm>> -> memref<100001xf32, #tpu.memory_space<hbm>>
    tpu.enqueue_dma source(%dma_start3A_400 : memref<100001xf32, #tpu.memory_space<hbm>>) target(%arg6 : memref<100001xf32, #tpu.memory_space<vmem>>) target_semaphore(%arg9 : memref<!tpu.dma_semaphore, #tpu.memory_space<semaphore_mem>>)
    %dma_wait3A_401 = arith.constant 0 : i32
    %dma_wait3A_402 = tpu.memref_slice %arg3[%shift_right_logical3A_391, %and3A_393, %dma_wait3A_401] : memref<26x32x100001xf32, #tpu.memory_space<hbm>> -> memref<1x1x100001xf32, #tpu.memory_space<hbm>>
    %dma_wait3A_403 = tpu.memref_squeeze %dma_wait3A_402 : memref<1x1x100001xf32, #tpu.memory_space<hbm>> -> memref<100001xf32, #tpu.memory_space<hbm>>
    %dma_wait3A_404 = arith.constant 0 : i32
    %dma_wait3A_405 = tpu.memref_slice %arg3[%shift_right_logical3A_391, %and3A_393, %dma_wait3A_404] : memref<26x32x100001xf32, #tpu.memory_space<hbm>> -> memref<1x1x100001xf32, #tpu.memory_space<hbm>>
    %dma_wait3A_406 = tpu.memref_squeeze %dma_wait3A_405 : memref<1x1x100001xf32, #tpu.memory_space<hbm>> -> memref<100001xf32, #tpu.memory_space<hbm>>
    tpu.wait_dma2 semaphore(%arg9 : memref<!tpu.dma_semaphore, #tpu.memory_space<semaphore_mem>>) src(%dma_wait3A_406 : memref<100001xf32, #tpu.memory_space<hbm>>) dst(%arg6 : memref<100001xf32, #tpu.memory_space<vmem>>)
    %dma_wait3A_407 = arith.constant 1 : i32
    %dma_wait3A_408 = arith.constant 0 : i32
    %dma_wait3A_409 = arith.constant 0 : i32
    %dma_wait3A_410 = tpu.memref_slice %arg7[%dma_wait3A_407, %dma_wait3A_408, %dma_wait3A_409] : memref<2x1x4096xf32, #tpu.memory_space<vmem>> -> memref<1x1x4096xf32, #tpu.memory_space<vmem>>
    %dma_wait3A_411 = arith.constant 0 : i32
    %dma_wait3A_412 = arith.constant 0 : i32
    %dma_wait3A_413 = arith.constant 0 : i32
    %dma_wait3A_414 = tpu.memref_slice %arg4[%dma_wait3A_411, %dma_wait3A_412, %dma_wait3A_413] : memref<26x32x4096xf32, #tpu.memory_space<hbm>> -> memref<1x1x4096xf32, #tpu.memory_space<hbm>>
    %dma_wait3A_415 = arith.constant 0 : i32
    %dma_wait3A_416 = arith.constant 0 : i32
    %dma_wait3A_417 = arith.constant 0 : i32
    %dma_wait3A_418 = tpu.memref_slice %arg4[%dma_wait3A_415, %dma_wait3A_416, %dma_wait3A_417] : memref<26x32x4096xf32, #tpu.memory_space<hbm>> -> memref<1x1x4096xf32, #tpu.memory_space<hbm>>
    %dma_wait3A_419 = arith.constant 1 : i32
    %dma_wait3A_420 = arith.constant 0 : i32
    %dma_wait3A_421 = arith.constant 0 : i32
    %dma_wait3A_422 = tpu.memref_slice %arg7[%dma_wait3A_419, %dma_wait3A_420, %dma_wait3A_421] : memref<2x1x4096xf32, #tpu.memory_space<vmem>> -> memref<1x1x4096xf32, #tpu.memory_space<vmem>>
    tpu.wait_dma2 semaphore(%arg10 : memref<!tpu.dma_semaphore, #tpu.memory_space<semaphore_mem>>) src(%dma_wait3A_422 : memref<1x1x4096xf32, #tpu.memory_space<vmem>>) dst(%dma_wait3A_418 : memref<1x1x4096xf32, #tpu.memory_space<hbm>>)
    %scan3A_423 = arith.constant 0 : i32
    %scan3A_424 = arith.constant 0 : i32
    %scan3A_425 = arith.constant 256 : i32
    %scan3A_426 = arith.addi %scan3A_424, %scan3A_425 : i32
    %scan3A_427 = arith.constant 1 : i32
    %scan3A_428 = scf.for %scan3A_1446 = %scan3A_424 to %scan3A_426 step %scan3A_427 iter_args(%scan3A_1447 = %scan3A_423) -> (i32)  : i32 {
      %mul3A_1448 = arith.constant 16 : i32
      %mul3A_1449 = arith.muli %scan3A_1446, %mul3A_1448 : i32
      %get3A = arith.index_cast %sub3A_394 : i32 to index
      %get3A_1450 = arith.index_cast %mul3A_1449 : i32 to index
      %get3A_1451 = tpu.vector_load %arg5[%get3A, %get3A_1450] {strides = array<i32>} : memref<2x4096xi32, #tpu.memory_space<vmem>>, vector<16xi32>,
      %gather3A = tpu.vector_load_idx %arg6[%get3A_1451] : memref<100001xf32, #tpu.memory_space<vmem>>[vector<16xi32>], vector<16xf32>,
      %swap3A = arith.constant 1 : i32
      %swap3A_1452 = arith.constant 0 : i32
      %swap3A_1453 = arith.index_cast %swap3A : i32 to index
      %swap3A_1454 = arith.index_cast %swap3A_1452 : i32 to index
      %swap3A_1455 = arith.index_cast %mul3A_1449 : i32 to index
      %swap3A_1456 = tpu.vector_load %arg7[%swap3A_1453, %swap3A_1454, %swap3A_1455] {strides = array<i32>} : memref<2x1x4096xf32, #tpu.memory_space<vmem>>, vector<16xf32>,
      tpu.vector_store %arg7[%swap3A_1453, %swap3A_1454, %swap3A_1455], %gather3A {strides = array<i32>} : memref<2x1x4096xf32, #tpu.memory_space<vmem>>, vector<16xf32>,
      %scan3A_1457 = arith.constant 0 : i32
      scf.yield %scan3A_1457 : i32
    }
    %scan3A_429 = arith.constant 256 : i32
    %dma_start3A_430 = arith.constant 1 : i32
    %dma_start3A_431 = arith.constant 0 : i32
    %dma_start3A_432 = arith.constant 0 : i32
    %dma_start3A_433 = tpu.memref_slice %arg7[%dma_start3A_430, %dma_start3A_431, %dma_start3A_432] : memref<2x1x4096xf32, #tpu.memory_space<vmem>> -> memref<1x1x4096xf32, #tpu.memory_space<vmem>>
    %dma_start3A_434 = arith.constant 0 : i32
    %dma_start3A_435 = tpu.memref_slice %arg4[%shift_right_logical3A_391, %and3A_393, %dma_start3A_434] : memref<26x32x4096xf32, #tpu.memory_space<hbm>> -> memref<1x1x4096xf32, #tpu.memory_space<hbm>>
    %dma_start3A_436 = arith.constant 0 : i32
    %dma_start3A_437 = tpu.memref_slice %arg4[%shift_right_logical3A_391, %and3A_393, %dma_start3A_436] : memref<26x32x4096xf32, #tpu.memory_space<hbm>> -> memref<1x1x4096xf32, #tpu.memory_space<hbm>>
    %dma_start3A_438 = arith.constant 1 : i32
    %dma_start3A_439 = arith.constant 0 : i32
    %dma_start3A_440 = arith.constant 0 : i32
    %dma_start3A_441 = tpu.memref_slice %arg7[%dma_start3A_438, %dma_start3A_439, %dma_start3A_440] : memref<2x1x4096xf32, #tpu.memory_space<vmem>> -> memref<1x1x4096xf32, #tpu.memory_space<vmem>>
    tpu.enqueue_dma source(%dma_start3A_441 : memref<1x1x4096xf32, #tpu.memory_space<vmem>>) target(%dma_start3A_437 : memref<1x1x4096xf32, #tpu.memory_space<hbm>>) target_semaphore(%arg10 : memref<!tpu.dma_semaphore, #tpu.memory_space<semaphore_mem>>)
    %add3A_442 = arith.constant 8 : i32
    %add3A_443 = arith.addi %mul3A_2, %add3A_442 : i32
    %shift_right_logical3A_444 = arith.constant 5 : i32
    %shift_right_logical3A_445 = arith.shrui %add3A_443, %shift_right_logical3A_444 : i32
    %and3A_446 = arith.constant 31 : i32
    %and3A_447 = arith.andi %add3A_443, %and3A_446 : i32
    %sub3A_448 = arith.subi %shift_right_logical3A_445, %shift_right_logical3A_3 : i32
    %dma_start3A_449 = arith.constant 0 : i32
    %dma_start3A_450 = tpu.memref_slice %arg3[%shift_right_logical3A_445, %and3A_447, %dma_start3A_449] : memref<26x32x100001xf32, #tpu.memory_space<hbm>> -> memref<1x1x100001xf32, #tpu.memory_space<hbm>>
    %dma_start3A_451 = tpu.memref_squeeze %dma_start3A_450 : memref<1x1x100001xf32, #tpu.memory_space<hbm>> -> memref<100001xf32, #tpu.memory_space<hbm>>
    %dma_start3A_452 = arith.constant 0 : i32
    %dma_start3A_453 = tpu.memref_slice %arg3[%shift_right_logical3A_445, %and3A_447, %dma_start3A_452] : memref<26x32x100001xf32, #tpu.memory_space<hbm>> -> memref<1x1x100001xf32, #tpu.memory_space<hbm>>
    %dma_start3A_454 = tpu.memref_squeeze %dma_start3A_453 : memref<1x1x100001xf32, #tpu.memory_space<hbm>> -> memref<100001xf32, #tpu.memory_space<hbm>>
    tpu.enqueue_dma source(%dma_start3A_454 : memref<100001xf32, #tpu.memory_space<hbm>>) target(%arg6 : memref<100001xf32, #tpu.memory_space<vmem>>) target_semaphore(%arg9 : memref<!tpu.dma_semaphore, #tpu.memory_space<semaphore_mem>>)
    %dma_wait3A_455 = arith.constant 0 : i32
    %dma_wait3A_456 = tpu.memref_slice %arg3[%shift_right_logical3A_445, %and3A_447, %dma_wait3A_455] : memref<26x32x100001xf32, #tpu.memory_space<hbm>> -> memref<1x1x100001xf32, #tpu.memory_space<hbm>>
    %dma_wait3A_457 = tpu.memref_squeeze %dma_wait3A_456 : memref<1x1x100001xf32, #tpu.memory_space<hbm>> -> memref<100001xf32, #tpu.memory_space<hbm>>
    %dma_wait3A_458 = arith.constant 0 : i32
    %dma_wait3A_459 = tpu.memref_slice %arg3[%shift_right_logical3A_445, %and3A_447, %dma_wait3A_458] : memref<26x32x100001xf32, #tpu.memory_space<hbm>> -> memref<1x1x100001xf32, #tpu.memory_space<hbm>>
    %dma_wait3A_460 = tpu.memref_squeeze %dma_wait3A_459 : memref<1x1x100001xf32, #tpu.memory_space<hbm>> -> memref<100001xf32, #tpu.memory_space<hbm>>
    tpu.wait_dma2 semaphore(%arg9 : memref<!tpu.dma_semaphore, #tpu.memory_space<semaphore_mem>>) src(%dma_wait3A_460 : memref<100001xf32, #tpu.memory_space<hbm>>) dst(%arg6 : memref<100001xf32, #tpu.memory_space<vmem>>)
    %dma_wait3A_461 = arith.constant 0 : i32
    %dma_wait3A_462 = arith.constant 0 : i32
    %dma_wait3A_463 = arith.constant 0 : i32
    %dma_wait3A_464 = tpu.memref_slice %arg7[%dma_wait3A_461, %dma_wait3A_462, %dma_wait3A_463] : memref<2x1x4096xf32, #tpu.memory_space<vmem>> -> memref<1x1x4096xf32, #tpu.memory_space<vmem>>
    %dma_wait3A_465 = arith.constant 0 : i32
    %dma_wait3A_466 = arith.constant 0 : i32
    %dma_wait3A_467 = arith.constant 0 : i32
    %dma_wait3A_468 = tpu.memref_slice %arg4[%dma_wait3A_465, %dma_wait3A_466, %dma_wait3A_467] : memref<26x32x4096xf32, #tpu.memory_space<hbm>> -> memref<1x1x4096xf32, #tpu.memory_space<hbm>>
    %dma_wait3A_469 = arith.constant 0 : i32
    %dma_wait3A_470 = arith.constant 0 : i32
    %dma_wait3A_471 = arith.constant 0 : i32
    %dma_wait3A_472 = tpu.memref_slice %arg4[%dma_wait3A_469, %dma_wait3A_470, %dma_wait3A_471] : memref<26x32x4096xf32, #tpu.memory_space<hbm>> -> memref<1x1x4096xf32, #tpu.memory_space<hbm>>
    %dma_wait3A_473 = arith.constant 0 : i32
    %dma_wait3A_474 = arith.constant 0 : i32
    %dma_wait3A_475 = arith.constant 0 : i32
    %dma_wait3A_476 = tpu.memref_slice %arg7[%dma_wait3A_473, %dma_wait3A_474, %dma_wait3A_475] : memref<2x1x4096xf32, #tpu.memory_space<vmem>> -> memref<1x1x4096xf32, #tpu.memory_space<vmem>>
    tpu.wait_dma2 semaphore(%arg10 : memref<!tpu.dma_semaphore, #tpu.memory_space<semaphore_mem>>) src(%dma_wait3A_476 : memref<1x1x4096xf32, #tpu.memory_space<vmem>>) dst(%dma_wait3A_472 : memref<1x1x4096xf32, #tpu.memory_space<hbm>>)
    %scan3A_477 = arith.constant 0 : i32
    %scan3A_478 = arith.constant 0 : i32
    %scan3A_479 = arith.constant 256 : i32
    %scan3A_480 = arith.addi %scan3A_478, %scan3A_479 : i32
    %scan3A_481 = arith.constant 1 : i32
    %scan3A_482 = scf.for %scan3A_1446 = %scan3A_478 to %scan3A_480 step %scan3A_481 iter_args(%scan3A_1447 = %scan3A_477) -> (i32)  : i32 {
      %mul3A_1448 = arith.constant 16 : i32
      %mul3A_1449 = arith.muli %scan3A_1446, %mul3A_1448 : i32
      %get3A = arith.index_cast %sub3A_448 : i32 to index
      %get3A_1450 = arith.index_cast %mul3A_1449 : i32 to index
      %get3A_1451 = tpu.vector_load %arg5[%get3A, %get3A_1450] {strides = array<i32>} : memref<2x4096xi32, #tpu.memory_space<vmem>>, vector<16xi32>,
      %gather3A = tpu.vector_load_idx %arg6[%get3A_1451] : memref<100001xf32, #tpu.memory_space<vmem>>[vector<16xi32>], vector<16xf32>,
      %swap3A = arith.constant 0 : i32
      %swap3A_1452 = arith.constant 0 : i32
      %swap3A_1453 = arith.index_cast %swap3A : i32 to index
      %swap3A_1454 = arith.index_cast %swap3A_1452 : i32 to index
      %swap3A_1455 = arith.index_cast %mul3A_1449 : i32 to index
      %swap3A_1456 = tpu.vector_load %arg7[%swap3A_1453, %swap3A_1454, %swap3A_1455] {strides = array<i32>} : memref<2x1x4096xf32, #tpu.memory_space<vmem>>, vector<16xf32>,
      tpu.vector_store %arg7[%swap3A_1453, %swap3A_1454, %swap3A_1455], %gather3A {strides = array<i32>} : memref<2x1x4096xf32, #tpu.memory_space<vmem>>, vector<16xf32>,
      %scan3A_1457 = arith.constant 0 : i32
      scf.yield %scan3A_1457 : i32
    }
    %scan3A_483 = arith.constant 256 : i32
    %dma_start3A_484 = arith.constant 0 : i32
    %dma_start3A_485 = arith.constant 0 : i32
    %dma_start3A_486 = arith.constant 0 : i32
    %dma_start3A_487 = tpu.memref_slice %arg7[%dma_start3A_484, %dma_start3A_485, %dma_start3A_486] : memref<2x1x4096xf32, #tpu.memory_space<vmem>> -> memref<1x1x4096xf32, #tpu.memory_space<vmem>>
    %dma_start3A_488 = arith.constant 0 : i32
    %dma_start3A_489 = tpu.memref_slice %arg4[%shift_right_logical3A_445, %and3A_447, %dma_start3A_488] : memref<26x32x4096xf32, #tpu.memory_space<hbm>> -> memref<1x1x4096xf32, #tpu.memory_space<hbm>>
    %dma_start3A_490 = arith.constant 0 : i32
    %dma_start3A_491 = tpu.memref_slice %arg4[%shift_right_logical3A_445, %and3A_447, %dma_start3A_490] : memref<26x32x4096xf32, #tpu.memory_space<hbm>> -> memref<1x1x4096xf32, #tpu.memory_space<hbm>>
    %dma_start3A_492 = arith.constant 0 : i32
    %dma_start3A_493 = arith.constant 0 : i32
    %dma_start3A_494 = arith.constant 0 : i32
    %dma_start3A_495 = tpu.memref_slice %arg7[%dma_start3A_492, %dma_start3A_493, %dma_start3A_494] : memref<2x1x4096xf32, #tpu.memory_space<vmem>> -> memref<1x1x4096xf32, #tpu.memory_space<vmem>>
    tpu.enqueue_dma source(%dma_start3A_495 : memref<1x1x4096xf32, #tpu.memory_space<vmem>>) target(%dma_start3A_491 : memref<1x1x4096xf32, #tpu.memory_space<hbm>>) target_semaphore(%arg10 : memref<!tpu.dma_semaphore, #tpu.memory_space<semaphore_mem>>)
    %add3A_496 = arith.constant 9 : i32
    %add3A_497 = arith.addi %mul3A_2, %add3A_496 : i32
    %shift_right_logical3A_498 = arith.constant 5 : i32
    %shift_right_logical3A_499 = arith.shrui %add3A_497, %shift_right_logical3A_498 : i32
    %and3A_500 = arith.constant 31 : i32
    %and3A_501 = arith.andi %add3A_497, %and3A_500 : i32
    %sub3A_502 = arith.subi %shift_right_logical3A_499, %shift_right_logical3A_3 : i32
    %dma_start3A_503 = arith.constant 0 : i32
    %dma_start3A_504 = tpu.memref_slice %arg3[%shift_right_logical3A_499, %and3A_501, %dma_start3A_503] : memref<26x32x100001xf32, #tpu.memory_space<hbm>> -> memref<1x1x100001xf32, #tpu.memory_space<hbm>>
    %dma_start3A_505 = tpu.memref_squeeze %dma_start3A_504 : memref<1x1x100001xf32, #tpu.memory_space<hbm>> -> memref<100001xf32, #tpu.memory_space<hbm>>
    %dma_start3A_506 = arith.constant 0 : i32
    %dma_start3A_507 = tpu.memref_slice %arg3[%shift_right_logical3A_499, %and3A_501, %dma_start3A_506] : memref<26x32x100001xf32, #tpu.memory_space<hbm>> -> memref<1x1x100001xf32, #tpu.memory_space<hbm>>
    %dma_start3A_508 = tpu.memref_squeeze %dma_start3A_507 : memref<1x1x100001xf32, #tpu.memory_space<hbm>> -> memref<100001xf32, #tpu.memory_space<hbm>>
    tpu.enqueue_dma source(%dma_start3A_508 : memref<100001xf32, #tpu.memory_space<hbm>>) target(%arg6 : memref<100001xf32, #tpu.memory_space<vmem>>) target_semaphore(%arg9 : memref<!tpu.dma_semaphore, #tpu.memory_space<semaphore_mem>>)
    %dma_wait3A_509 = arith.constant 0 : i32
    %dma_wait3A_510 = tpu.memref_slice %arg3[%shift_right_logical3A_499, %and3A_501, %dma_wait3A_509] : memref<26x32x100001xf32, #tpu.memory_space<hbm>> -> memref<1x1x100001xf32, #tpu.memory_space<hbm>>
    %dma_wait3A_511 = tpu.memref_squeeze %dma_wait3A_510 : memref<1x1x100001xf32, #tpu.memory_space<hbm>> -> memref<100001xf32, #tpu.memory_space<hbm>>
    %dma_wait3A_512 = arith.constant 0 : i32
    %dma_wait3A_513 = tpu.memref_slice %arg3[%shift_right_logical3A_499, %and3A_501, %dma_wait3A_512] : memref<26x32x100001xf32, #tpu.memory_space<hbm>> -> memref<1x1x100001xf32, #tpu.memory_space<hbm>>
    %dma_wait3A_514 = tpu.memref_squeeze %dma_wait3A_513 : memref<1x1x100001xf32, #tpu.memory_space<hbm>> -> memref<100001xf32, #tpu.memory_space<hbm>>
    tpu.wait_dma2 semaphore(%arg9 : memref<!tpu.dma_semaphore, #tpu.memory_space<semaphore_mem>>) src(%dma_wait3A_514 : memref<100001xf32, #tpu.memory_space<hbm>>) dst(%arg6 : memref<100001xf32, #tpu.memory_space<vmem>>)
    %dma_wait3A_515 = arith.constant 1 : i32
    %dma_wait3A_516 = arith.constant 0 : i32
    %dma_wait3A_517 = arith.constant 0 : i32
    %dma_wait3A_518 = tpu.memref_slice %arg7[%dma_wait3A_515, %dma_wait3A_516, %dma_wait3A_517] : memref<2x1x4096xf32, #tpu.memory_space<vmem>> -> memref<1x1x4096xf32, #tpu.memory_space<vmem>>
    %dma_wait3A_519 = arith.constant 0 : i32
    %dma_wait3A_520 = arith.constant 0 : i32
    %dma_wait3A_521 = arith.constant 0 : i32
    %dma_wait3A_522 = tpu.memref_slice %arg4[%dma_wait3A_519, %dma_wait3A_520, %dma_wait3A_521] : memref<26x32x4096xf32, #tpu.memory_space<hbm>> -> memref<1x1x4096xf32, #tpu.memory_space<hbm>>
    %dma_wait3A_523 = arith.constant 0 : i32
    %dma_wait3A_524 = arith.constant 0 : i32
    %dma_wait3A_525 = arith.constant 0 : i32
    %dma_wait3A_526 = tpu.memref_slice %arg4[%dma_wait3A_523, %dma_wait3A_524, %dma_wait3A_525] : memref<26x32x4096xf32, #tpu.memory_space<hbm>> -> memref<1x1x4096xf32, #tpu.memory_space<hbm>>
    %dma_wait3A_527 = arith.constant 1 : i32
    %dma_wait3A_528 = arith.constant 0 : i32
    %dma_wait3A_529 = arith.constant 0 : i32
    %dma_wait3A_530 = tpu.memref_slice %arg7[%dma_wait3A_527, %dma_wait3A_528, %dma_wait3A_529] : memref<2x1x4096xf32, #tpu.memory_space<vmem>> -> memref<1x1x4096xf32, #tpu.memory_space<vmem>>
    tpu.wait_dma2 semaphore(%arg10 : memref<!tpu.dma_semaphore, #tpu.memory_space<semaphore_mem>>) src(%dma_wait3A_530 : memref<1x1x4096xf32, #tpu.memory_space<vmem>>) dst(%dma_wait3A_526 : memref<1x1x4096xf32, #tpu.memory_space<hbm>>)
    %scan3A_531 = arith.constant 0 : i32
    %scan3A_532 = arith.constant 0 : i32
    %scan3A_533 = arith.constant 256 : i32
    %scan3A_534 = arith.addi %scan3A_532, %scan3A_533 : i32
    %scan3A_535 = arith.constant 1 : i32
    %scan3A_536 = scf.for %scan3A_1446 = %scan3A_532 to %scan3A_534 step %scan3A_535 iter_args(%scan3A_1447 = %scan3A_531) -> (i32)  : i32 {
      %mul3A_1448 = arith.constant 16 : i32
      %mul3A_1449 = arith.muli %scan3A_1446, %mul3A_1448 : i32
      %get3A = arith.index_cast %sub3A_502 : i32 to index
      %get3A_1450 = arith.index_cast %mul3A_1449 : i32 to index
      %get3A_1451 = tpu.vector_load %arg5[%get3A, %get3A_1450] {strides = array<i32>} : memref<2x4096xi32, #tpu.memory_space<vmem>>, vector<16xi32>,
      %gather3A = tpu.vector_load_idx %arg6[%get3A_1451] : memref<100001xf32, #tpu.memory_space<vmem>>[vector<16xi32>], vector<16xf32>,
      %swap3A = arith.constant 1 : i32
      %swap3A_1452 = arith.constant 0 : i32
      %swap3A_1453 = arith.index_cast %swap3A : i32 to index
      %swap3A_1454 = arith.index_cast %swap3A_1452 : i32 to index
      %swap3A_1455 = arith.index_cast %mul3A_1449 : i32 to index
      %swap3A_1456 = tpu.vector_load %arg7[%swap3A_1453, %swap3A_1454, %swap3A_1455] {strides = array<i32>} : memref<2x1x4096xf32, #tpu.memory_space<vmem>>, vector<16xf32>,
      tpu.vector_store %arg7[%swap3A_1453, %swap3A_1454, %swap3A_1455], %gather3A {strides = array<i32>} : memref<2x1x4096xf32, #tpu.memory_space<vmem>>, vector<16xf32>,
      %scan3A_1457 = arith.constant 0 : i32
      scf.yield %scan3A_1457 : i32
    }
    %scan3A_537 = arith.constant 256 : i32
    %dma_start3A_538 = arith.constant 1 : i32
    %dma_start3A_539 = arith.constant 0 : i32
    %dma_start3A_540 = arith.constant 0 : i32
    %dma_start3A_541 = tpu.memref_slice %arg7[%dma_start3A_538, %dma_start3A_539, %dma_start3A_540] : memref<2x1x4096xf32, #tpu.memory_space<vmem>> -> memref<1x1x4096xf32, #tpu.memory_space<vmem>>
    %dma_start3A_542 = arith.constant 0 : i32
    %dma_start3A_543 = tpu.memref_slice %arg4[%shift_right_logical3A_499, %and3A_501, %dma_start3A_542] : memref<26x32x4096xf32, #tpu.memory_space<hbm>> -> memref<1x1x4096xf32, #tpu.memory_space<hbm>>
    %dma_start3A_544 = arith.constant 0 : i32
    %dma_start3A_545 = tpu.memref_slice %arg4[%shift_right_logical3A_499, %and3A_501, %dma_start3A_544] : memref<26x32x4096xf32, #tpu.memory_space<hbm>> -> memref<1x1x4096xf32, #tpu.memory_space<hbm>>
    %dma_start3A_546 = arith.constant 1 : i32
    %dma_start3A_547 = arith.constant 0 : i32
    %dma_start3A_548 = arith.constant 0 : i32
    %dma_start3A_549 = tpu.memref_slice %arg7[%dma_start3A_546, %dma_start3A_547, %dma_start3A_548] : memref<2x1x4096xf32, #tpu.memory_space<vmem>> -> memref<1x1x4096xf32, #tpu.memory_space<vmem>>
    tpu.enqueue_dma source(%dma_start3A_549 : memref<1x1x4096xf32, #tpu.memory_space<vmem>>) target(%dma_start3A_545 : memref<1x1x4096xf32, #tpu.memory_space<hbm>>) target_semaphore(%arg10 : memref<!tpu.dma_semaphore, #tpu.memory_space<semaphore_mem>>)
    %add3A_550 = arith.constant 10 : i32
    %add3A_551 = arith.addi %mul3A_2, %add3A_550 : i32
    %shift_right_logical3A_552 = arith.constant 5 : i32
    %shift_right_logical3A_553 = arith.shrui %add3A_551, %shift_right_logical3A_552 : i32
    %and3A_554 = arith.constant 31 : i32
    %and3A_555 = arith.andi %add3A_551, %and3A_554 : i32
    %sub3A_556 = arith.subi %shift_right_logical3A_553, %shift_right_logical3A_3 : i32
    %dma_start3A_557 = arith.constant 0 : i32
    %dma_start3A_558 = tpu.memref_slice %arg3[%shift_right_logical3A_553, %and3A_555, %dma_start3A_557] : memref<26x32x100001xf32, #tpu.memory_space<hbm>> -> memref<1x1x100001xf32, #tpu.memory_space<hbm>>
    %dma_start3A_559 = tpu.memref_squeeze %dma_start3A_558 : memref<1x1x100001xf32, #tpu.memory_space<hbm>> -> memref<100001xf32, #tpu.memory_space<hbm>>
    %dma_start3A_560 = arith.constant 0 : i32
    %dma_start3A_561 = tpu.memref_slice %arg3[%shift_right_logical3A_553, %and3A_555, %dma_start3A_560] : memref<26x32x100001xf32, #tpu.memory_space<hbm>> -> memref<1x1x100001xf32, #tpu.memory_space<hbm>>
    %dma_start3A_562 = tpu.memref_squeeze %dma_start3A_561 : memref<1x1x100001xf32, #tpu.memory_space<hbm>> -> memref<100001xf32, #tpu.memory_space<hbm>>
    tpu.enqueue_dma source(%dma_start3A_562 : memref<100001xf32, #tpu.memory_space<hbm>>) target(%arg6 : memref<100001xf32, #tpu.memory_space<vmem>>) target_semaphore(%arg9 : memref<!tpu.dma_semaphore, #tpu.memory_space<semaphore_mem>>)
    %dma_wait3A_563 = arith.constant 0 : i32
    %dma_wait3A_564 = tpu.memref_slice %arg3[%shift_right_logical3A_553, %and3A_555, %dma_wait3A_563] : memref<26x32x100001xf32, #tpu.memory_space<hbm>> -> memref<1x1x100001xf32, #tpu.memory_space<hbm>>
    %dma_wait3A_565 = tpu.memref_squeeze %dma_wait3A_564 : memref<1x1x100001xf32, #tpu.memory_space<hbm>> -> memref<100001xf32, #tpu.memory_space<hbm>>
    %dma_wait3A_566 = arith.constant 0 : i32
    %dma_wait3A_567 = tpu.memref_slice %arg3[%shift_right_logical3A_553, %and3A_555, %dma_wait3A_566] : memref<26x32x100001xf32, #tpu.memory_space<hbm>> -> memref<1x1x100001xf32, #tpu.memory_space<hbm>>
    %dma_wait3A_568 = tpu.memref_squeeze %dma_wait3A_567 : memref<1x1x100001xf32, #tpu.memory_space<hbm>> -> memref<100001xf32, #tpu.memory_space<hbm>>
    tpu.wait_dma2 semaphore(%arg9 : memref<!tpu.dma_semaphore, #tpu.memory_space<semaphore_mem>>) src(%dma_wait3A_568 : memref<100001xf32, #tpu.memory_space<hbm>>) dst(%arg6 : memref<100001xf32, #tpu.memory_space<vmem>>)
    %dma_wait3A_569 = arith.constant 0 : i32
    %dma_wait3A_570 = arith.constant 0 : i32
    %dma_wait3A_571 = arith.constant 0 : i32
    %dma_wait3A_572 = tpu.memref_slice %arg7[%dma_wait3A_569, %dma_wait3A_570, %dma_wait3A_571] : memref<2x1x4096xf32, #tpu.memory_space<vmem>> -> memref<1x1x4096xf32, #tpu.memory_space<vmem>>
    %dma_wait3A_573 = arith.constant 0 : i32
    %dma_wait3A_574 = arith.constant 0 : i32
    %dma_wait3A_575 = arith.constant 0 : i32
    %dma_wait3A_576 = tpu.memref_slice %arg4[%dma_wait3A_573, %dma_wait3A_574, %dma_wait3A_575] : memref<26x32x4096xf32, #tpu.memory_space<hbm>> -> memref<1x1x4096xf32, #tpu.memory_space<hbm>>
    %dma_wait3A_577 = arith.constant 0 : i32
    %dma_wait3A_578 = arith.constant 0 : i32
    %dma_wait3A_579 = arith.constant 0 : i32
    %dma_wait3A_580 = tpu.memref_slice %arg4[%dma_wait3A_577, %dma_wait3A_578, %dma_wait3A_579] : memref<26x32x4096xf32, #tpu.memory_space<hbm>> -> memref<1x1x4096xf32, #tpu.memory_space<hbm>>
    %dma_wait3A_581 = arith.constant 0 : i32
    %dma_wait3A_582 = arith.constant 0 : i32
    %dma_wait3A_583 = arith.constant 0 : i32
    %dma_wait3A_584 = tpu.memref_slice %arg7[%dma_wait3A_581, %dma_wait3A_582, %dma_wait3A_583] : memref<2x1x4096xf32, #tpu.memory_space<vmem>> -> memref<1x1x4096xf32, #tpu.memory_space<vmem>>
    tpu.wait_dma2 semaphore(%arg10 : memref<!tpu.dma_semaphore, #tpu.memory_space<semaphore_mem>>) src(%dma_wait3A_584 : memref<1x1x4096xf32, #tpu.memory_space<vmem>>) dst(%dma_wait3A_580 : memref<1x1x4096xf32, #tpu.memory_space<hbm>>)
    %scan3A_585 = arith.constant 0 : i32
    %scan3A_586 = arith.constant 0 : i32
    %scan3A_587 = arith.constant 256 : i32
    %scan3A_588 = arith.addi %scan3A_586, %scan3A_587 : i32
    %scan3A_589 = arith.constant 1 : i32
    %scan3A_590 = scf.for %scan3A_1446 = %scan3A_586 to %scan3A_588 step %scan3A_589 iter_args(%scan3A_1447 = %scan3A_585) -> (i32)  : i32 {
      %mul3A_1448 = arith.constant 16 : i32
      %mul3A_1449 = arith.muli %scan3A_1446, %mul3A_1448 : i32
      %get3A = arith.index_cast %sub3A_556 : i32 to index
      %get3A_1450 = arith.index_cast %mul3A_1449 : i32 to index
      %get3A_1451 = tpu.vector_load %arg5[%get3A, %get3A_1450] {strides = array<i32>} : memref<2x4096xi32, #tpu.memory_space<vmem>>, vector<16xi32>,
      %gather3A = tpu.vector_load_idx %arg6[%get3A_1451] : memref<100001xf32, #tpu.memory_space<vmem>>[vector<16xi32>], vector<16xf32>,
      %swap3A = arith.constant 0 : i32
      %swap3A_1452 = arith.constant 0 : i32
      %swap3A_1453 = arith.index_cast %swap3A : i32 to index
      %swap3A_1454 = arith.index_cast %swap3A_1452 : i32 to index
      %swap3A_1455 = arith.index_cast %mul3A_1449 : i32 to index
      %swap3A_1456 = tpu.vector_load %arg7[%swap3A_1453, %swap3A_1454, %swap3A_1455] {strides = array<i32>} : memref<2x1x4096xf32, #tpu.memory_space<vmem>>, vector<16xf32>,
      tpu.vector_store %arg7[%swap3A_1453, %swap3A_1454, %swap3A_1455], %gather3A {strides = array<i32>} : memref<2x1x4096xf32, #tpu.memory_space<vmem>>, vector<16xf32>,
      %scan3A_1457 = arith.constant 0 : i32
      scf.yield %scan3A_1457 : i32
    }
    %scan3A_591 = arith.constant 256 : i32
    %dma_start3A_592 = arith.constant 0 : i32
    %dma_start3A_593 = arith.constant 0 : i32
    %dma_start3A_594 = arith.constant 0 : i32
    %dma_start3A_595 = tpu.memref_slice %arg7[%dma_start3A_592, %dma_start3A_593, %dma_start3A_594] : memref<2x1x4096xf32, #tpu.memory_space<vmem>> -> memref<1x1x4096xf32, #tpu.memory_space<vmem>>
    %dma_start3A_596 = arith.constant 0 : i32
    %dma_start3A_597 = tpu.memref_slice %arg4[%shift_right_logical3A_553, %and3A_555, %dma_start3A_596] : memref<26x32x4096xf32, #tpu.memory_space<hbm>> -> memref<1x1x4096xf32, #tpu.memory_space<hbm>>
    %dma_start3A_598 = arith.constant 0 : i32
    %dma_start3A_599 = tpu.memref_slice %arg4[%shift_right_logical3A_553, %and3A_555, %dma_start3A_598] : memref<26x32x4096xf32, #tpu.memory_space<hbm>> -> memref<1x1x4096xf32, #tpu.memory_space<hbm>>
    %dma_start3A_600 = arith.constant 0 : i32
    %dma_start3A_601 = arith.constant 0 : i32
    %dma_start3A_602 = arith.constant 0 : i32
    %dma_start3A_603 = tpu.memref_slice %arg7[%dma_start3A_600, %dma_start3A_601, %dma_start3A_602] : memref<2x1x4096xf32, #tpu.memory_space<vmem>> -> memref<1x1x4096xf32, #tpu.memory_space<vmem>>
    tpu.enqueue_dma source(%dma_start3A_603 : memref<1x1x4096xf32, #tpu.memory_space<vmem>>) target(%dma_start3A_599 : memref<1x1x4096xf32, #tpu.memory_space<hbm>>) target_semaphore(%arg10 : memref<!tpu.dma_semaphore, #tpu.memory_space<semaphore_mem>>)
    %add3A_604 = arith.constant 11 : i32
    %add3A_605 = arith.addi %mul3A_2, %add3A_604 : i32
    %shift_right_logical3A_606 = arith.constant 5 : i32
    %shift_right_logical3A_607 = arith.shrui %add3A_605, %shift_right_logical3A_606 : i32
    %and3A_608 = arith.constant 31 : i32
    %and3A_609 = arith.andi %add3A_605, %and3A_608 : i32
    %sub3A_610 = arith.subi %shift_right_logical3A_607, %shift_right_logical3A_3 : i32
    %dma_start3A_611 = arith.constant 0 : i32
    %dma_start3A_612 = tpu.memref_slice %arg3[%shift_right_logical3A_607, %and3A_609, %dma_start3A_611] : memref<26x32x100001xf32, #tpu.memory_space<hbm>> -> memref<1x1x100001xf32, #tpu.memory_space<hbm>>
    %dma_start3A_613 = tpu.memref_squeeze %dma_start3A_612 : memref<1x1x100001xf32, #tpu.memory_space<hbm>> -> memref<100001xf32, #tpu.memory_space<hbm>>
    %dma_start3A_614 = arith.constant 0 : i32
    %dma_start3A_615 = tpu.memref_slice %arg3[%shift_right_logical3A_607, %and3A_609, %dma_start3A_614] : memref<26x32x100001xf32, #tpu.memory_space<hbm>> -> memref<1x1x100001xf32, #tpu.memory_space<hbm>>
    %dma_start3A_616 = tpu.memref_squeeze %dma_start3A_615 : memref<1x1x100001xf32, #tpu.memory_space<hbm>> -> memref<100001xf32, #tpu.memory_space<hbm>>
    tpu.enqueue_dma source(%dma_start3A_616 : memref<100001xf32, #tpu.memory_space<hbm>>) target(%arg6 : memref<100001xf32, #tpu.memory_space<vmem>>) target_semaphore(%arg9 : memref<!tpu.dma_semaphore, #tpu.memory_space<semaphore_mem>>)
    %dma_wait3A_617 = arith.constant 0 : i32
    %dma_wait3A_618 = tpu.memref_slice %arg3[%shift_right_logical3A_607, %and3A_609, %dma_wait3A_617] : memref<26x32x100001xf32, #tpu.memory_space<hbm>> -> memref<1x1x100001xf32, #tpu.memory_space<hbm>>
    %dma_wait3A_619 = tpu.memref_squeeze %dma_wait3A_618 : memref<1x1x100001xf32, #tpu.memory_space<hbm>> -> memref<100001xf32, #tpu.memory_space<hbm>>
    %dma_wait3A_620 = arith.constant 0 : i32
    %dma_wait3A_621 = tpu.memref_slice %arg3[%shift_right_logical3A_607, %and3A_609, %dma_wait3A_620] : memref<26x32x100001xf32, #tpu.memory_space<hbm>> -> memref<1x1x100001xf32, #tpu.memory_space<hbm>>
    %dma_wait3A_622 = tpu.memref_squeeze %dma_wait3A_621 : memref<1x1x100001xf32, #tpu.memory_space<hbm>> -> memref<100001xf32, #tpu.memory_space<hbm>>
    tpu.wait_dma2 semaphore(%arg9 : memref<!tpu.dma_semaphore, #tpu.memory_space<semaphore_mem>>) src(%dma_wait3A_622 : memref<100001xf32, #tpu.memory_space<hbm>>) dst(%arg6 : memref<100001xf32, #tpu.memory_space<vmem>>)
    %dma_wait3A_623 = arith.constant 1 : i32
    %dma_wait3A_624 = arith.constant 0 : i32
    %dma_wait3A_625 = arith.constant 0 : i32
    %dma_wait3A_626 = tpu.memref_slice %arg7[%dma_wait3A_623, %dma_wait3A_624, %dma_wait3A_625] : memref<2x1x4096xf32, #tpu.memory_space<vmem>> -> memref<1x1x4096xf32, #tpu.memory_space<vmem>>
    %dma_wait3A_627 = arith.constant 0 : i32
    %dma_wait3A_628 = arith.constant 0 : i32
    %dma_wait3A_629 = arith.constant 0 : i32
    %dma_wait3A_630 = tpu.memref_slice %arg4[%dma_wait3A_627, %dma_wait3A_628, %dma_wait3A_629] : memref<26x32x4096xf32, #tpu.memory_space<hbm>> -> memref<1x1x4096xf32, #tpu.memory_space<hbm>>
    %dma_wait3A_631 = arith.constant 0 : i32
    %dma_wait3A_632 = arith.constant 0 : i32
    %dma_wait3A_633 = arith.constant 0 : i32
    %dma_wait3A_634 = tpu.memref_slice %arg4[%dma_wait3A_631, %dma_wait3A_632, %dma_wait3A_633] : memref<26x32x4096xf32, #tpu.memory_space<hbm>> -> memref<1x1x4096xf32, #tpu.memory_space<hbm>>
    %dma_wait3A_635 = arith.constant 1 : i32
    %dma_wait3A_636 = arith.constant 0 : i32
    %dma_wait3A_637 = arith.constant 0 : i32
    %dma_wait3A_638 = tpu.memref_slice %arg7[%dma_wait3A_635, %dma_wait3A_636, %dma_wait3A_637] : memref<2x1x4096xf32, #tpu.memory_space<vmem>> -> memref<1x1x4096xf32, #tpu.memory_space<vmem>>
    tpu.wait_dma2 semaphore(%arg10 : memref<!tpu.dma_semaphore, #tpu.memory_space<semaphore_mem>>) src(%dma_wait3A_638 : memref<1x1x4096xf32, #tpu.memory_space<vmem>>) dst(%dma_wait3A_634 : memref<1x1x4096xf32, #tpu.memory_space<hbm>>)
    %scan3A_639 = arith.constant 0 : i32
    %scan3A_640 = arith.constant 0 : i32
    %scan3A_641 = arith.constant 256 : i32
    %scan3A_642 = arith.addi %scan3A_640, %scan3A_641 : i32
    %scan3A_643 = arith.constant 1 : i32
    %scan3A_644 = scf.for %scan3A_1446 = %scan3A_640 to %scan3A_642 step %scan3A_643 iter_args(%scan3A_1447 = %scan3A_639) -> (i32)  : i32 {
      %mul3A_1448 = arith.constant 16 : i32
      %mul3A_1449 = arith.muli %scan3A_1446, %mul3A_1448 : i32
      %get3A = arith.index_cast %sub3A_610 : i32 to index
      %get3A_1450 = arith.index_cast %mul3A_1449 : i32 to index
      %get3A_1451 = tpu.vector_load %arg5[%get3A, %get3A_1450] {strides = array<i32>} : memref<2x4096xi32, #tpu.memory_space<vmem>>, vector<16xi32>,
      %gather3A = tpu.vector_load_idx %arg6[%get3A_1451] : memref<100001xf32, #tpu.memory_space<vmem>>[vector<16xi32>], vector<16xf32>,
      %swap3A = arith.constant 1 : i32
      %swap3A_1452 = arith.constant 0 : i32
      %swap3A_1453 = arith.index_cast %swap3A : i32 to index
      %swap3A_1454 = arith.index_cast %swap3A_1452 : i32 to index
      %swap3A_1455 = arith.index_cast %mul3A_1449 : i32 to index
      %swap3A_1456 = tpu.vector_load %arg7[%swap3A_1453, %swap3A_1454, %swap3A_1455] {strides = array<i32>} : memref<2x1x4096xf32, #tpu.memory_space<vmem>>, vector<16xf32>,
      tpu.vector_store %arg7[%swap3A_1453, %swap3A_1454, %swap3A_1455], %gather3A {strides = array<i32>} : memref<2x1x4096xf32, #tpu.memory_space<vmem>>, vector<16xf32>,
      %scan3A_1457 = arith.constant 0 : i32
      scf.yield %scan3A_1457 : i32
    }
    %scan3A_645 = arith.constant 256 : i32
    %dma_start3A_646 = arith.constant 1 : i32
    %dma_start3A_647 = arith.constant 0 : i32
    %dma_start3A_648 = arith.constant 0 : i32
    %dma_start3A_649 = tpu.memref_slice %arg7[%dma_start3A_646, %dma_start3A_647, %dma_start3A_648] : memref<2x1x4096xf32, #tpu.memory_space<vmem>> -> memref<1x1x4096xf32, #tpu.memory_space<vmem>>
    %dma_start3A_650 = arith.constant 0 : i32
    %dma_start3A_651 = tpu.memref_slice %arg4[%shift_right_logical3A_607, %and3A_609, %dma_start3A_650] : memref<26x32x4096xf32, #tpu.memory_space<hbm>> -> memref<1x1x4096xf32, #tpu.memory_space<hbm>>
    %dma_start3A_652 = arith.constant 0 : i32
    %dma_start3A_653 = tpu.memref_slice %arg4[%shift_right_logical3A_607, %and3A_609, %dma_start3A_652] : memref<26x32x4096xf32, #tpu.memory_space<hbm>> -> memref<1x1x4096xf32, #tpu.memory_space<hbm>>
    %dma_start3A_654 = arith.constant 1 : i32
    %dma_start3A_655 = arith.constant 0 : i32
    %dma_start3A_656 = arith.constant 0 : i32
    %dma_start3A_657 = tpu.memref_slice %arg7[%dma_start3A_654, %dma_start3A_655, %dma_start3A_656] : memref<2x1x4096xf32, #tpu.memory_space<vmem>> -> memref<1x1x4096xf32, #tpu.memory_space<vmem>>
    tpu.enqueue_dma source(%dma_start3A_657 : memref<1x1x4096xf32, #tpu.memory_space<vmem>>) target(%dma_start3A_653 : memref<1x1x4096xf32, #tpu.memory_space<hbm>>) target_semaphore(%arg10 : memref<!tpu.dma_semaphore, #tpu.memory_space<semaphore_mem>>)
    %add3A_658 = arith.constant 12 : i32
    %add3A_659 = arith.addi %mul3A_2, %add3A_658 : i32
    %shift_right_logical3A_660 = arith.constant 5 : i32
    %shift_right_logical3A_661 = arith.shrui %add3A_659, %shift_right_logical3A_660 : i32
    %and3A_662 = arith.constant 31 : i32
    %and3A_663 = arith.andi %add3A_659, %and3A_662 : i32
    %sub3A_664 = arith.subi %shift_right_logical3A_661, %shift_right_logical3A_3 : i32
    %dma_start3A_665 = arith.constant 0 : i32
    %dma_start3A_666 = tpu.memref_slice %arg3[%shift_right_logical3A_661, %and3A_663, %dma_start3A_665] : memref<26x32x100001xf32, #tpu.memory_space<hbm>> -> memref<1x1x100001xf32, #tpu.memory_space<hbm>>
    %dma_start3A_667 = tpu.memref_squeeze %dma_start3A_666 : memref<1x1x100001xf32, #tpu.memory_space<hbm>> -> memref<100001xf32, #tpu.memory_space<hbm>>
    %dma_start3A_668 = arith.constant 0 : i32
    %dma_start3A_669 = tpu.memref_slice %arg3[%shift_right_logical3A_661, %and3A_663, %dma_start3A_668] : memref<26x32x100001xf32, #tpu.memory_space<hbm>> -> memref<1x1x100001xf32, #tpu.memory_space<hbm>>
    %dma_start3A_670 = tpu.memref_squeeze %dma_start3A_669 : memref<1x1x100001xf32, #tpu.memory_space<hbm>> -> memref<100001xf32, #tpu.memory_space<hbm>>
    tpu.enqueue_dma source(%dma_start3A_670 : memref<100001xf32, #tpu.memory_space<hbm>>) target(%arg6 : memref<100001xf32, #tpu.memory_space<vmem>>) target_semaphore(%arg9 : memref<!tpu.dma_semaphore, #tpu.memory_space<semaphore_mem>>)
    %dma_wait3A_671 = arith.constant 0 : i32
    %dma_wait3A_672 = tpu.memref_slice %arg3[%shift_right_logical3A_661, %and3A_663, %dma_wait3A_671] : memref<26x32x100001xf32, #tpu.memory_space<hbm>> -> memref<1x1x100001xf32, #tpu.memory_space<hbm>>
    %dma_wait3A_673 = tpu.memref_squeeze %dma_wait3A_672 : memref<1x1x100001xf32, #tpu.memory_space<hbm>> -> memref<100001xf32, #tpu.memory_space<hbm>>
    %dma_wait3A_674 = arith.constant 0 : i32
    %dma_wait3A_675 = tpu.memref_slice %arg3[%shift_right_logical3A_661, %and3A_663, %dma_wait3A_674] : memref<26x32x100001xf32, #tpu.memory_space<hbm>> -> memref<1x1x100001xf32, #tpu.memory_space<hbm>>
    %dma_wait3A_676 = tpu.memref_squeeze %dma_wait3A_675 : memref<1x1x100001xf32, #tpu.memory_space<hbm>> -> memref<100001xf32, #tpu.memory_space<hbm>>
    tpu.wait_dma2 semaphore(%arg9 : memref<!tpu.dma_semaphore, #tpu.memory_space<semaphore_mem>>) src(%dma_wait3A_676 : memref<100001xf32, #tpu.memory_space<hbm>>) dst(%arg6 : memref<100001xf32, #tpu.memory_space<vmem>>)
    %dma_wait3A_677 = arith.constant 0 : i32
    %dma_wait3A_678 = arith.constant 0 : i32
    %dma_wait3A_679 = arith.constant 0 : i32
    %dma_wait3A_680 = tpu.memref_slice %arg7[%dma_wait3A_677, %dma_wait3A_678, %dma_wait3A_679] : memref<2x1x4096xf32, #tpu.memory_space<vmem>> -> memref<1x1x4096xf32, #tpu.memory_space<vmem>>
    %dma_wait3A_681 = arith.constant 0 : i32
    %dma_wait3A_682 = arith.constant 0 : i32
    %dma_wait3A_683 = arith.constant 0 : i32
    %dma_wait3A_684 = tpu.memref_slice %arg4[%dma_wait3A_681, %dma_wait3A_682, %dma_wait3A_683] : memref<26x32x4096xf32, #tpu.memory_space<hbm>> -> memref<1x1x4096xf32, #tpu.memory_space<hbm>>
    %dma_wait3A_685 = arith.constant 0 : i32
    %dma_wait3A_686 = arith.constant 0 : i32
    %dma_wait3A_687 = arith.constant 0 : i32
    %dma_wait3A_688 = tpu.memref_slice %arg4[%dma_wait3A_685, %dma_wait3A_686, %dma_wait3A_687] : memref<26x32x4096xf32, #tpu.memory_space<hbm>> -> memref<1x1x4096xf32, #tpu.memory_space<hbm>>
    %dma_wait3A_689 = arith.constant 0 : i32
    %dma_wait3A_690 = arith.constant 0 : i32
    %dma_wait3A_691 = arith.constant 0 : i32
    %dma_wait3A_692 = tpu.memref_slice %arg7[%dma_wait3A_689, %dma_wait3A_690, %dma_wait3A_691] : memref<2x1x4096xf32, #tpu.memory_space<vmem>> -> memref<1x1x4096xf32, #tpu.memory_space<vmem>>
    tpu.wait_dma2 semaphore(%arg10 : memref<!tpu.dma_semaphore, #tpu.memory_space<semaphore_mem>>) src(%dma_wait3A_692 : memref<1x1x4096xf32, #tpu.memory_space<vmem>>) dst(%dma_wait3A_688 : memref<1x1x4096xf32, #tpu.memory_space<hbm>>)
    %scan3A_693 = arith.constant 0 : i32
    %scan3A_694 = arith.constant 0 : i32
    %scan3A_695 = arith.constant 256 : i32
    %scan3A_696 = arith.addi %scan3A_694, %scan3A_695 : i32
    %scan3A_697 = arith.constant 1 : i32
    %scan3A_698 = scf.for %scan3A_1446 = %scan3A_694 to %scan3A_696 step %scan3A_697 iter_args(%scan3A_1447 = %scan3A_693) -> (i32)  : i32 {
      %mul3A_1448 = arith.constant 16 : i32
      %mul3A_1449 = arith.muli %scan3A_1446, %mul3A_1448 : i32
      %get3A = arith.index_cast %sub3A_664 : i32 to index
      %get3A_1450 = arith.index_cast %mul3A_1449 : i32 to index
      %get3A_1451 = tpu.vector_load %arg5[%get3A, %get3A_1450] {strides = array<i32>} : memref<2x4096xi32, #tpu.memory_space<vmem>>, vector<16xi32>,
      %gather3A = tpu.vector_load_idx %arg6[%get3A_1451] : memref<100001xf32, #tpu.memory_space<vmem>>[vector<16xi32>], vector<16xf32>,
      %swap3A = arith.constant 0 : i32
      %swap3A_1452 = arith.constant 0 : i32
      %swap3A_1453 = arith.index_cast %swap3A : i32 to index
      %swap3A_1454 = arith.index_cast %swap3A_1452 : i32 to index
      %swap3A_1455 = arith.index_cast %mul3A_1449 : i32 to index
      %swap3A_1456 = tpu.vector_load %arg7[%swap3A_1453, %swap3A_1454, %swap3A_1455] {strides = array<i32>} : memref<2x1x4096xf32, #tpu.memory_space<vmem>>, vector<16xf32>,
      tpu.vector_store %arg7[%swap3A_1453, %swap3A_1454, %swap3A_1455], %gather3A {strides = array<i32>} : memref<2x1x4096xf32, #tpu.memory_space<vmem>>, vector<16xf32>,
      %scan3A_1457 = arith.constant 0 : i32
      scf.yield %scan3A_1457 : i32
    }
    %scan3A_699 = arith.constant 256 : i32
    %dma_start3A_700 = arith.constant 0 : i32
    %dma_start3A_701 = arith.constant 0 : i32
    %dma_start3A_702 = arith.constant 0 : i32
    %dma_start3A_703 = tpu.memref_slice %arg7[%dma_start3A_700, %dma_start3A_701, %dma_start3A_702] : memref<2x1x4096xf32, #tpu.memory_space<vmem>> -> memref<1x1x4096xf32, #tpu.memory_space<vmem>>
    %dma_start3A_704 = arith.constant 0 : i32
    %dma_start3A_705 = tpu.memref_slice %arg4[%shift_right_logical3A_661, %and3A_663, %dma_start3A_704] : memref<26x32x4096xf32, #tpu.memory_space<hbm>> -> memref<1x1x4096xf32, #tpu.memory_space<hbm>>
    %dma_start3A_706 = arith.constant 0 : i32
    %dma_start3A_707 = tpu.memref_slice %arg4[%shift_right_logical3A_661, %and3A_663, %dma_start3A_706] : memref<26x32x4096xf32, #tpu.memory_space<hbm>> -> memref<1x1x4096xf32, #tpu.memory_space<hbm>>
    %dma_start3A_708 = arith.constant 0 : i32
    %dma_start3A_709 = arith.constant 0 : i32
    %dma_start3A_710 = arith.constant 0 : i32
    %dma_start3A_711 = tpu.memref_slice %arg7[%dma_start3A_708, %dma_start3A_709, %dma_start3A_710] : memref<2x1x4096xf32, #tpu.memory_space<vmem>> -> memref<1x1x4096xf32, #tpu.memory_space<vmem>>
    tpu.enqueue_dma source(%dma_start3A_711 : memref<1x1x4096xf32, #tpu.memory_space<vmem>>) target(%dma_start3A_707 : memref<1x1x4096xf32, #tpu.memory_space<hbm>>) target_semaphore(%arg10 : memref<!tpu.dma_semaphore, #tpu.memory_space<semaphore_mem>>)
    %add3A_712 = arith.constant 13 : i32
    %add3A_713 = arith.addi %mul3A_2, %add3A_712 : i32
    %shift_right_logical3A_714 = arith.constant 5 : i32
    %shift_right_logical3A_715 = arith.shrui %add3A_713, %shift_right_logical3A_714 : i32
    %and3A_716 = arith.constant 31 : i32
    %and3A_717 = arith.andi %add3A_713, %and3A_716 : i32
    %sub3A_718 = arith.subi %shift_right_logical3A_715, %shift_right_logical3A_3 : i32
    %dma_start3A_719 = arith.constant 0 : i32
    %dma_start3A_720 = tpu.memref_slice %arg3[%shift_right_logical3A_715, %and3A_717, %dma_start3A_719] : memref<26x32x100001xf32, #tpu.memory_space<hbm>> -> memref<1x1x100001xf32, #tpu.memory_space<hbm>>
    %dma_start3A_721 = tpu.memref_squeeze %dma_start3A_720 : memref<1x1x100001xf32, #tpu.memory_space<hbm>> -> memref<100001xf32, #tpu.memory_space<hbm>>
    %dma_start3A_722 = arith.constant 0 : i32
    %dma_start3A_723 = tpu.memref_slice %arg3[%shift_right_logical3A_715, %and3A_717, %dma_start3A_722] : memref<26x32x100001xf32, #tpu.memory_space<hbm>> -> memref<1x1x100001xf32, #tpu.memory_space<hbm>>
    %dma_start3A_724 = tpu.memref_squeeze %dma_start3A_723 : memref<1x1x100001xf32, #tpu.memory_space<hbm>> -> memref<100001xf32, #tpu.memory_space<hbm>>
    tpu.enqueue_dma source(%dma_start3A_724 : memref<100001xf32, #tpu.memory_space<hbm>>) target(%arg6 : memref<100001xf32, #tpu.memory_space<vmem>>) target_semaphore(%arg9 : memref<!tpu.dma_semaphore, #tpu.memory_space<semaphore_mem>>)
    %dma_wait3A_725 = arith.constant 0 : i32
    %dma_wait3A_726 = tpu.memref_slice %arg3[%shift_right_logical3A_715, %and3A_717, %dma_wait3A_725] : memref<26x32x100001xf32, #tpu.memory_space<hbm>> -> memref<1x1x100001xf32, #tpu.memory_space<hbm>>
    %dma_wait3A_727 = tpu.memref_squeeze %dma_wait3A_726 : memref<1x1x100001xf32, #tpu.memory_space<hbm>> -> memref<100001xf32, #tpu.memory_space<hbm>>
    %dma_wait3A_728 = arith.constant 0 : i32
    %dma_wait3A_729 = tpu.memref_slice %arg3[%shift_right_logical3A_715, %and3A_717, %dma_wait3A_728] : memref<26x32x100001xf32, #tpu.memory_space<hbm>> -> memref<1x1x100001xf32, #tpu.memory_space<hbm>>
    %dma_wait3A_730 = tpu.memref_squeeze %dma_wait3A_729 : memref<1x1x100001xf32, #tpu.memory_space<hbm>> -> memref<100001xf32, #tpu.memory_space<hbm>>
    tpu.wait_dma2 semaphore(%arg9 : memref<!tpu.dma_semaphore, #tpu.memory_space<semaphore_mem>>) src(%dma_wait3A_730 : memref<100001xf32, #tpu.memory_space<hbm>>) dst(%arg6 : memref<100001xf32, #tpu.memory_space<vmem>>)
    %dma_wait3A_731 = arith.constant 1 : i32
    %dma_wait3A_732 = arith.constant 0 : i32
    %dma_wait3A_733 = arith.constant 0 : i32
    %dma_wait3A_734 = tpu.memref_slice %arg7[%dma_wait3A_731, %dma_wait3A_732, %dma_wait3A_733] : memref<2x1x4096xf32, #tpu.memory_space<vmem>> -> memref<1x1x4096xf32, #tpu.memory_space<vmem>>
    %dma_wait3A_735 = arith.constant 0 : i32
    %dma_wait3A_736 = arith.constant 0 : i32
    %dma_wait3A_737 = arith.constant 0 : i32
    %dma_wait3A_738 = tpu.memref_slice %arg4[%dma_wait3A_735, %dma_wait3A_736, %dma_wait3A_737] : memref<26x32x4096xf32, #tpu.memory_space<hbm>> -> memref<1x1x4096xf32, #tpu.memory_space<hbm>>
    %dma_wait3A_739 = arith.constant 0 : i32
    %dma_wait3A_740 = arith.constant 0 : i32
    %dma_wait3A_741 = arith.constant 0 : i32
    %dma_wait3A_742 = tpu.memref_slice %arg4[%dma_wait3A_739, %dma_wait3A_740, %dma_wait3A_741] : memref<26x32x4096xf32, #tpu.memory_space<hbm>> -> memref<1x1x4096xf32, #tpu.memory_space<hbm>>
    %dma_wait3A_743 = arith.constant 1 : i32
    %dma_wait3A_744 = arith.constant 0 : i32
    %dma_wait3A_745 = arith.constant 0 : i32
    %dma_wait3A_746 = tpu.memref_slice %arg7[%dma_wait3A_743, %dma_wait3A_744, %dma_wait3A_745] : memref<2x1x4096xf32, #tpu.memory_space<vmem>> -> memref<1x1x4096xf32, #tpu.memory_space<vmem>>
    tpu.wait_dma2 semaphore(%arg10 : memref<!tpu.dma_semaphore, #tpu.memory_space<semaphore_mem>>) src(%dma_wait3A_746 : memref<1x1x4096xf32, #tpu.memory_space<vmem>>) dst(%dma_wait3A_742 : memref<1x1x4096xf32, #tpu.memory_space<hbm>>)
    %scan3A_747 = arith.constant 0 : i32
    %scan3A_748 = arith.constant 0 : i32
    %scan3A_749 = arith.constant 256 : i32
    %scan3A_750 = arith.addi %scan3A_748, %scan3A_749 : i32
    %scan3A_751 = arith.constant 1 : i32
    %scan3A_752 = scf.for %scan3A_1446 = %scan3A_748 to %scan3A_750 step %scan3A_751 iter_args(%scan3A_1447 = %scan3A_747) -> (i32)  : i32 {
      %mul3A_1448 = arith.constant 16 : i32
      %mul3A_1449 = arith.muli %scan3A_1446, %mul3A_1448 : i32
      %get3A = arith.index_cast %sub3A_718 : i32 to index
      %get3A_1450 = arith.index_cast %mul3A_1449 : i32 to index
      %get3A_1451 = tpu.vector_load %arg5[%get3A, %get3A_1450] {strides = array<i32>} : memref<2x4096xi32, #tpu.memory_space<vmem>>, vector<16xi32>,
      %gather3A = tpu.vector_load_idx %arg6[%get3A_1451] : memref<100001xf32, #tpu.memory_space<vmem>>[vector<16xi32>], vector<16xf32>,
      %swap3A = arith.constant 1 : i32
      %swap3A_1452 = arith.constant 0 : i32
      %swap3A_1453 = arith.index_cast %swap3A : i32 to index
      %swap3A_1454 = arith.index_cast %swap3A_1452 : i32 to index
      %swap3A_1455 = arith.index_cast %mul3A_1449 : i32 to index
      %swap3A_1456 = tpu.vector_load %arg7[%swap3A_1453, %swap3A_1454, %swap3A_1455] {strides = array<i32>} : memref<2x1x4096xf32, #tpu.memory_space<vmem>>, vector<16xf32>,
      tpu.vector_store %arg7[%swap3A_1453, %swap3A_1454, %swap3A_1455], %gather3A {strides = array<i32>} : memref<2x1x4096xf32, #tpu.memory_space<vmem>>, vector<16xf32>,
      %scan3A_1457 = arith.constant 0 : i32
      scf.yield %scan3A_1457 : i32
    }
    %scan3A_753 = arith.constant 256 : i32
    %dma_start3A_754 = arith.constant 1 : i32
    %dma_start3A_755 = arith.constant 0 : i32
    %dma_start3A_756 = arith.constant 0 : i32
    %dma_start3A_757 = tpu.memref_slice %arg7[%dma_start3A_754, %dma_start3A_755, %dma_start3A_756] : memref<2x1x4096xf32, #tpu.memory_space<vmem>> -> memref<1x1x4096xf32, #tpu.memory_space<vmem>>
    %dma_start3A_758 = arith.constant 0 : i32
    %dma_start3A_759 = tpu.memref_slice %arg4[%shift_right_logical3A_715, %and3A_717, %dma_start3A_758] : memref<26x32x4096xf32, #tpu.memory_space<hbm>> -> memref<1x1x4096xf32, #tpu.memory_space<hbm>>
    %dma_start3A_760 = arith.constant 0 : i32
    %dma_start3A_761 = tpu.memref_slice %arg4[%shift_right_logical3A_715, %and3A_717, %dma_start3A_760] : memref<26x32x4096xf32, #tpu.memory_space<hbm>> -> memref<1x1x4096xf32, #tpu.memory_space<hbm>>
    %dma_start3A_762 = arith.constant 1 : i32
    %dma_start3A_763 = arith.constant 0 : i32
    %dma_start3A_764 = arith.constant 0 : i32
    %dma_start3A_765 = tpu.memref_slice %arg7[%dma_start3A_762, %dma_start3A_763, %dma_start3A_764] : memref<2x1x4096xf32, #tpu.memory_space<vmem>> -> memref<1x1x4096xf32, #tpu.memory_space<vmem>>
    tpu.enqueue_dma source(%dma_start3A_765 : memref<1x1x4096xf32, #tpu.memory_space<vmem>>) target(%dma_start3A_761 : memref<1x1x4096xf32, #tpu.memory_space<hbm>>) target_semaphore(%arg10 : memref<!tpu.dma_semaphore, #tpu.memory_space<semaphore_mem>>)
    %add3A_766 = arith.constant 14 : i32
    %add3A_767 = arith.addi %mul3A_2, %add3A_766 : i32
    %shift_right_logical3A_768 = arith.constant 5 : i32
    %shift_right_logical3A_769 = arith.shrui %add3A_767, %shift_right_logical3A_768 : i32
    %and3A_770 = arith.constant 31 : i32
    %and3A_771 = arith.andi %add3A_767, %and3A_770 : i32
    %sub3A_772 = arith.subi %shift_right_logical3A_769, %shift_right_logical3A_3 : i32
    %dma_start3A_773 = arith.constant 0 : i32
    %dma_start3A_774 = tpu.memref_slice %arg3[%shift_right_logical3A_769, %and3A_771, %dma_start3A_773] : memref<26x32x100001xf32, #tpu.memory_space<hbm>> -> memref<1x1x100001xf32, #tpu.memory_space<hbm>>
    %dma_start3A_775 = tpu.memref_squeeze %dma_start3A_774 : memref<1x1x100001xf32, #tpu.memory_space<hbm>> -> memref<100001xf32, #tpu.memory_space<hbm>>
    %dma_start3A_776 = arith.constant 0 : i32
    %dma_start3A_777 = tpu.memref_slice %arg3[%shift_right_logical3A_769, %and3A_771, %dma_start3A_776] : memref<26x32x100001xf32, #tpu.memory_space<hbm>> -> memref<1x1x100001xf32, #tpu.memory_space<hbm>>
    %dma_start3A_778 = tpu.memref_squeeze %dma_start3A_777 : memref<1x1x100001xf32, #tpu.memory_space<hbm>> -> memref<100001xf32, #tpu.memory_space<hbm>>
    tpu.enqueue_dma source(%dma_start3A_778 : memref<100001xf32, #tpu.memory_space<hbm>>) target(%arg6 : memref<100001xf32, #tpu.memory_space<vmem>>) target_semaphore(%arg9 : memref<!tpu.dma_semaphore, #tpu.memory_space<semaphore_mem>>)
    %dma_wait3A_779 = arith.constant 0 : i32
    %dma_wait3A_780 = tpu.memref_slice %arg3[%shift_right_logical3A_769, %and3A_771, %dma_wait3A_779] : memref<26x32x100001xf32, #tpu.memory_space<hbm>> -> memref<1x1x100001xf32, #tpu.memory_space<hbm>>
    %dma_wait3A_781 = tpu.memref_squeeze %dma_wait3A_780 : memref<1x1x100001xf32, #tpu.memory_space<hbm>> -> memref<100001xf32, #tpu.memory_space<hbm>>
    %dma_wait3A_782 = arith.constant 0 : i32
    %dma_wait3A_783 = tpu.memref_slice %arg3[%shift_right_logical3A_769, %and3A_771, %dma_wait3A_782] : memref<26x32x100001xf32, #tpu.memory_space<hbm>> -> memref<1x1x100001xf32, #tpu.memory_space<hbm>>
    %dma_wait3A_784 = tpu.memref_squeeze %dma_wait3A_783 : memref<1x1x100001xf32, #tpu.memory_space<hbm>> -> memref<100001xf32, #tpu.memory_space<hbm>>
    tpu.wait_dma2 semaphore(%arg9 : memref<!tpu.dma_semaphore, #tpu.memory_space<semaphore_mem>>) src(%dma_wait3A_784 : memref<100001xf32, #tpu.memory_space<hbm>>) dst(%arg6 : memref<100001xf32, #tpu.memory_space<vmem>>)
    %dma_wait3A_785 = arith.constant 0 : i32
    %dma_wait3A_786 = arith.constant 0 : i32
    %dma_wait3A_787 = arith.constant 0 : i32
    %dma_wait3A_788 = tpu.memref_slice %arg7[%dma_wait3A_785, %dma_wait3A_786, %dma_wait3A_787] : memref<2x1x4096xf32, #tpu.memory_space<vmem>> -> memref<1x1x4096xf32, #tpu.memory_space<vmem>>
    %dma_wait3A_789 = arith.constant 0 : i32
    %dma_wait3A_790 = arith.constant 0 : i32
    %dma_wait3A_791 = arith.constant 0 : i32
    %dma_wait3A_792 = tpu.memref_slice %arg4[%dma_wait3A_789, %dma_wait3A_790, %dma_wait3A_791] : memref<26x32x4096xf32, #tpu.memory_space<hbm>> -> memref<1x1x4096xf32, #tpu.memory_space<hbm>>
    %dma_wait3A_793 = arith.constant 0 : i32
    %dma_wait3A_794 = arith.constant 0 : i32
    %dma_wait3A_795 = arith.constant 0 : i32
    %dma_wait3A_796 = tpu.memref_slice %arg4[%dma_wait3A_793, %dma_wait3A_794, %dma_wait3A_795] : memref<26x32x4096xf32, #tpu.memory_space<hbm>> -> memref<1x1x4096xf32, #tpu.memory_space<hbm>>
    %dma_wait3A_797 = arith.constant 0 : i32
    %dma_wait3A_798 = arith.constant 0 : i32
    %dma_wait3A_799 = arith.constant 0 : i32
    %dma_wait3A_800 = tpu.memref_slice %arg7[%dma_wait3A_797, %dma_wait3A_798, %dma_wait3A_799] : memref<2x1x4096xf32, #tpu.memory_space<vmem>> -> memref<1x1x4096xf32, #tpu.memory_space<vmem>>
    tpu.wait_dma2 semaphore(%arg10 : memref<!tpu.dma_semaphore, #tpu.memory_space<semaphore_mem>>) src(%dma_wait3A_800 : memref<1x1x4096xf32, #tpu.memory_space<vmem>>) dst(%dma_wait3A_796 : memref<1x1x4096xf32, #tpu.memory_space<hbm>>)
    %scan3A_801 = arith.constant 0 : i32
    %scan3A_802 = arith.constant 0 : i32
    %scan3A_803 = arith.constant 256 : i32
    %scan3A_804 = arith.addi %scan3A_802, %scan3A_803 : i32
    %scan3A_805 = arith.constant 1 : i32
    %scan3A_806 = scf.for %scan3A_1446 = %scan3A_802 to %scan3A_804 step %scan3A_805 iter_args(%scan3A_1447 = %scan3A_801) -> (i32)  : i32 {
      %mul3A_1448 = arith.constant 16 : i32
      %mul3A_1449 = arith.muli %scan3A_1446, %mul3A_1448 : i32
      %get3A = arith.index_cast %sub3A_772 : i32 to index
      %get3A_1450 = arith.index_cast %mul3A_1449 : i32 to index
      %get3A_1451 = tpu.vector_load %arg5[%get3A, %get3A_1450] {strides = array<i32>} : memref<2x4096xi32, #tpu.memory_space<vmem>>, vector<16xi32>,
      %gather3A = tpu.vector_load_idx %arg6[%get3A_1451] : memref<100001xf32, #tpu.memory_space<vmem>>[vector<16xi32>], vector<16xf32>,
      %swap3A = arith.constant 0 : i32
      %swap3A_1452 = arith.constant 0 : i32
      %swap3A_1453 = arith.index_cast %swap3A : i32 to index
      %swap3A_1454 = arith.index_cast %swap3A_1452 : i32 to index
      %swap3A_1455 = arith.index_cast %mul3A_1449 : i32 to index
      %swap3A_1456 = tpu.vector_load %arg7[%swap3A_1453, %swap3A_1454, %swap3A_1455] {strides = array<i32>} : memref<2x1x4096xf32, #tpu.memory_space<vmem>>, vector<16xf32>,
      tpu.vector_store %arg7[%swap3A_1453, %swap3A_1454, %swap3A_1455], %gather3A {strides = array<i32>} : memref<2x1x4096xf32, #tpu.memory_space<vmem>>, vector<16xf32>,
      %scan3A_1457 = arith.constant 0 : i32
      scf.yield %scan3A_1457 : i32
    }
    %scan3A_807 = arith.constant 256 : i32
    %dma_start3A_808 = arith.constant 0 : i32
    %dma_start3A_809 = arith.constant 0 : i32
    %dma_start3A_810 = arith.constant 0 : i32
    %dma_start3A_811 = tpu.memref_slice %arg7[%dma_start3A_808, %dma_start3A_809, %dma_start3A_810] : memref<2x1x4096xf32, #tpu.memory_space<vmem>> -> memref<1x1x4096xf32, #tpu.memory_space<vmem>>
    %dma_start3A_812 = arith.constant 0 : i32
    %dma_start3A_813 = tpu.memref_slice %arg4[%shift_right_logical3A_769, %and3A_771, %dma_start3A_812] : memref<26x32x4096xf32, #tpu.memory_space<hbm>> -> memref<1x1x4096xf32, #tpu.memory_space<hbm>>
    %dma_start3A_814 = arith.constant 0 : i32
    %dma_start3A_815 = tpu.memref_slice %arg4[%shift_right_logical3A_769, %and3A_771, %dma_start3A_814] : memref<26x32x4096xf32, #tpu.memory_space<hbm>> -> memref<1x1x4096xf32, #tpu.memory_space<hbm>>
    %dma_start3A_816 = arith.constant 0 : i32
    %dma_start3A_817 = arith.constant 0 : i32
    %dma_start3A_818 = arith.constant 0 : i32
    %dma_start3A_819 = tpu.memref_slice %arg7[%dma_start3A_816, %dma_start3A_817, %dma_start3A_818] : memref<2x1x4096xf32, #tpu.memory_space<vmem>> -> memref<1x1x4096xf32, #tpu.memory_space<vmem>>
    tpu.enqueue_dma source(%dma_start3A_819 : memref<1x1x4096xf32, #tpu.memory_space<vmem>>) target(%dma_start3A_815 : memref<1x1x4096xf32, #tpu.memory_space<hbm>>) target_semaphore(%arg10 : memref<!tpu.dma_semaphore, #tpu.memory_space<semaphore_mem>>)
    %add3A_820 = arith.constant 15 : i32
    %add3A_821 = arith.addi %mul3A_2, %add3A_820 : i32
    %shift_right_logical3A_822 = arith.constant 5 : i32
    %shift_right_logical3A_823 = arith.shrui %add3A_821, %shift_right_logical3A_822 : i32
    %and3A_824 = arith.constant 31 : i32
    %and3A_825 = arith.andi %add3A_821, %and3A_824 : i32
    %sub3A_826 = arith.subi %shift_right_logical3A_823, %shift_right_logical3A_3 : i32
    %dma_start3A_827 = arith.constant 0 : i32
    %dma_start3A_828 = tpu.memref_slice %arg3[%shift_right_logical3A_823, %and3A_825, %dma_start3A_827] : memref<26x32x100001xf32, #tpu.memory_space<hbm>> -> memref<1x1x100001xf32, #tpu.memory_space<hbm>>
    %dma_start3A_829 = tpu.memref_squeeze %dma_start3A_828 : memref<1x1x100001xf32, #tpu.memory_space<hbm>> -> memref<100001xf32, #tpu.memory_space<hbm>>
    %dma_start3A_830 = arith.constant 0 : i32
    %dma_start3A_831 = tpu.memref_slice %arg3[%shift_right_logical3A_823, %and3A_825, %dma_start3A_830] : memref<26x32x100001xf32, #tpu.memory_space<hbm>> -> memref<1x1x100001xf32, #tpu.memory_space<hbm>>
    %dma_start3A_832 = tpu.memref_squeeze %dma_start3A_831 : memref<1x1x100001xf32, #tpu.memory_space<hbm>> -> memref<100001xf32, #tpu.memory_space<hbm>>
    tpu.enqueue_dma source(%dma_start3A_832 : memref<100001xf32, #tpu.memory_space<hbm>>) target(%arg6 : memref<100001xf32, #tpu.memory_space<vmem>>) target_semaphore(%arg9 : memref<!tpu.dma_semaphore, #tpu.memory_space<semaphore_mem>>)
    %dma_wait3A_833 = arith.constant 0 : i32
    %dma_wait3A_834 = tpu.memref_slice %arg3[%shift_right_logical3A_823, %and3A_825, %dma_wait3A_833] : memref<26x32x100001xf32, #tpu.memory_space<hbm>> -> memref<1x1x100001xf32, #tpu.memory_space<hbm>>
    %dma_wait3A_835 = tpu.memref_squeeze %dma_wait3A_834 : memref<1x1x100001xf32, #tpu.memory_space<hbm>> -> memref<100001xf32, #tpu.memory_space<hbm>>
    %dma_wait3A_836 = arith.constant 0 : i32
    %dma_wait3A_837 = tpu.memref_slice %arg3[%shift_right_logical3A_823, %and3A_825, %dma_wait3A_836] : memref<26x32x100001xf32, #tpu.memory_space<hbm>> -> memref<1x1x100001xf32, #tpu.memory_space<hbm>>
    %dma_wait3A_838 = tpu.memref_squeeze %dma_wait3A_837 : memref<1x1x100001xf32, #tpu.memory_space<hbm>> -> memref<100001xf32, #tpu.memory_space<hbm>>
    tpu.wait_dma2 semaphore(%arg9 : memref<!tpu.dma_semaphore, #tpu.memory_space<semaphore_mem>>) src(%dma_wait3A_838 : memref<100001xf32, #tpu.memory_space<hbm>>) dst(%arg6 : memref<100001xf32, #tpu.memory_space<vmem>>)
    %dma_wait3A_839 = arith.constant 1 : i32
    %dma_wait3A_840 = arith.constant 0 : i32
    %dma_wait3A_841 = arith.constant 0 : i32
    %dma_wait3A_842 = tpu.memref_slice %arg7[%dma_wait3A_839, %dma_wait3A_840, %dma_wait3A_841] : memref<2x1x4096xf32, #tpu.memory_space<vmem>> -> memref<1x1x4096xf32, #tpu.memory_space<vmem>>
    %dma_wait3A_843 = arith.constant 0 : i32
    %dma_wait3A_844 = arith.constant 0 : i32
    %dma_wait3A_845 = arith.constant 0 : i32
    %dma_wait3A_846 = tpu.memref_slice %arg4[%dma_wait3A_843, %dma_wait3A_844, %dma_wait3A_845] : memref<26x32x4096xf32, #tpu.memory_space<hbm>> -> memref<1x1x4096xf32, #tpu.memory_space<hbm>>
    %dma_wait3A_847 = arith.constant 0 : i32
    %dma_wait3A_848 = arith.constant 0 : i32
    %dma_wait3A_849 = arith.constant 0 : i32
    %dma_wait3A_850 = tpu.memref_slice %arg4[%dma_wait3A_847, %dma_wait3A_848, %dma_wait3A_849] : memref<26x32x4096xf32, #tpu.memory_space<hbm>> -> memref<1x1x4096xf32, #tpu.memory_space<hbm>>
    %dma_wait3A_851 = arith.constant 1 : i32
    %dma_wait3A_852 = arith.constant 0 : i32
    %dma_wait3A_853 = arith.constant 0 : i32
    %dma_wait3A_854 = tpu.memref_slice %arg7[%dma_wait3A_851, %dma_wait3A_852, %dma_wait3A_853] : memref<2x1x4096xf32, #tpu.memory_space<vmem>> -> memref<1x1x4096xf32, #tpu.memory_space<vmem>>
    tpu.wait_dma2 semaphore(%arg10 : memref<!tpu.dma_semaphore, #tpu.memory_space<semaphore_mem>>) src(%dma_wait3A_854 : memref<1x1x4096xf32, #tpu.memory_space<vmem>>) dst(%dma_wait3A_850 : memref<1x1x4096xf32, #tpu.memory_space<hbm>>)
    %scan3A_855 = arith.constant 0 : i32
    %scan3A_856 = arith.constant 0 : i32
    %scan3A_857 = arith.constant 256 : i32
    %scan3A_858 = arith.addi %scan3A_856, %scan3A_857 : i32
    %scan3A_859 = arith.constant 1 : i32
    %scan3A_860 = scf.for %scan3A_1446 = %scan3A_856 to %scan3A_858 step %scan3A_859 iter_args(%scan3A_1447 = %scan3A_855) -> (i32)  : i32 {
      %mul3A_1448 = arith.constant 16 : i32
      %mul3A_1449 = arith.muli %scan3A_1446, %mul3A_1448 : i32
      %get3A = arith.index_cast %sub3A_826 : i32 to index
      %get3A_1450 = arith.index_cast %mul3A_1449 : i32 to index
      %get3A_1451 = tpu.vector_load %arg5[%get3A, %get3A_1450] {strides = array<i32>} : memref<2x4096xi32, #tpu.memory_space<vmem>>, vector<16xi32>,
      %gather3A = tpu.vector_load_idx %arg6[%get3A_1451] : memref<100001xf32, #tpu.memory_space<vmem>>[vector<16xi32>], vector<16xf32>,
      %swap3A = arith.constant 1 : i32
      %swap3A_1452 = arith.constant 0 : i32
      %swap3A_1453 = arith.index_cast %swap3A : i32 to index
      %swap3A_1454 = arith.index_cast %swap3A_1452 : i32 to index
      %swap3A_1455 = arith.index_cast %mul3A_1449 : i32 to index
      %swap3A_1456 = tpu.vector_load %arg7[%swap3A_1453, %swap3A_1454, %swap3A_1455] {strides = array<i32>} : memref<2x1x4096xf32, #tpu.memory_space<vmem>>, vector<16xf32>,
      tpu.vector_store %arg7[%swap3A_1453, %swap3A_1454, %swap3A_1455], %gather3A {strides = array<i32>} : memref<2x1x4096xf32, #tpu.memory_space<vmem>>, vector<16xf32>,
      %scan3A_1457 = arith.constant 0 : i32
      scf.yield %scan3A_1457 : i32
    }
    %scan3A_861 = arith.constant 256 : i32
    %dma_start3A_862 = arith.constant 1 : i32
    %dma_start3A_863 = arith.constant 0 : i32
    %dma_start3A_864 = arith.constant 0 : i32
    %dma_start3A_865 = tpu.memref_slice %arg7[%dma_start3A_862, %dma_start3A_863, %dma_start3A_864] : memref<2x1x4096xf32, #tpu.memory_space<vmem>> -> memref<1x1x4096xf32, #tpu.memory_space<vmem>>
    %dma_start3A_866 = arith.constant 0 : i32
    %dma_start3A_867 = tpu.memref_slice %arg4[%shift_right_logical3A_823, %and3A_825, %dma_start3A_866] : memref<26x32x4096xf32, #tpu.memory_space<hbm>> -> memref<1x1x4096xf32, #tpu.memory_space<hbm>>
    %dma_start3A_868 = arith.constant 0 : i32
    %dma_start3A_869 = tpu.memref_slice %arg4[%shift_right_logical3A_823, %and3A_825, %dma_start3A_868] : memref<26x32x4096xf32, #tpu.memory_space<hbm>> -> memref<1x1x4096xf32, #tpu.memory_space<hbm>>
    %dma_start3A_870 = arith.constant 1 : i32
    %dma_start3A_871 = arith.constant 0 : i32
    %dma_start3A_872 = arith.constant 0 : i32
    %dma_start3A_873 = tpu.memref_slice %arg7[%dma_start3A_870, %dma_start3A_871, %dma_start3A_872] : memref<2x1x4096xf32, #tpu.memory_space<vmem>> -> memref<1x1x4096xf32, #tpu.memory_space<vmem>>
    tpu.enqueue_dma source(%dma_start3A_873 : memref<1x1x4096xf32, #tpu.memory_space<vmem>>) target(%dma_start3A_869 : memref<1x1x4096xf32, #tpu.memory_space<hbm>>) target_semaphore(%arg10 : memref<!tpu.dma_semaphore, #tpu.memory_space<semaphore_mem>>)
    %add3A_874 = arith.constant 16 : i32
    %add3A_875 = arith.addi %mul3A_2, %add3A_874 : i32
    %shift_right_logical3A_876 = arith.constant 5 : i32
    %shift_right_logical3A_877 = arith.shrui %add3A_875, %shift_right_logical3A_876 : i32
    %and3A_878 = arith.constant 31 : i32
    %and3A_879 = arith.andi %add3A_875, %and3A_878 : i32
    %sub3A_880 = arith.subi %shift_right_logical3A_877, %shift_right_logical3A_3 : i32
    %dma_start3A_881 = arith.constant 0 : i32
    %dma_start3A_882 = tpu.memref_slice %arg3[%shift_right_logical3A_877, %and3A_879, %dma_start3A_881] : memref<26x32x100001xf32, #tpu.memory_space<hbm>> -> memref<1x1x100001xf32, #tpu.memory_space<hbm>>
    %dma_start3A_883 = tpu.memref_squeeze %dma_start3A_882 : memref<1x1x100001xf32, #tpu.memory_space<hbm>> -> memref<100001xf32, #tpu.memory_space<hbm>>
    %dma_start3A_884 = arith.constant 0 : i32
    %dma_start3A_885 = tpu.memref_slice %arg3[%shift_right_logical3A_877, %and3A_879, %dma_start3A_884] : memref<26x32x100001xf32, #tpu.memory_space<hbm>> -> memref<1x1x100001xf32, #tpu.memory_space<hbm>>
    %dma_start3A_886 = tpu.memref_squeeze %dma_start3A_885 : memref<1x1x100001xf32, #tpu.memory_space<hbm>> -> memref<100001xf32, #tpu.memory_space<hbm>>
    tpu.enqueue_dma source(%dma_start3A_886 : memref<100001xf32, #tpu.memory_space<hbm>>) target(%arg6 : memref<100001xf32, #tpu.memory_space<vmem>>) target_semaphore(%arg9 : memref<!tpu.dma_semaphore, #tpu.memory_space<semaphore_mem>>)
    %dma_wait3A_887 = arith.constant 0 : i32
    %dma_wait3A_888 = tpu.memref_slice %arg3[%shift_right_logical3A_877, %and3A_879, %dma_wait3A_887] : memref<26x32x100001xf32, #tpu.memory_space<hbm>> -> memref<1x1x100001xf32, #tpu.memory_space<hbm>>
    %dma_wait3A_889 = tpu.memref_squeeze %dma_wait3A_888 : memref<1x1x100001xf32, #tpu.memory_space<hbm>> -> memref<100001xf32, #tpu.memory_space<hbm>>
    %dma_wait3A_890 = arith.constant 0 : i32
    %dma_wait3A_891 = tpu.memref_slice %arg3[%shift_right_logical3A_877, %and3A_879, %dma_wait3A_890] : memref<26x32x100001xf32, #tpu.memory_space<hbm>> -> memref<1x1x100001xf32, #tpu.memory_space<hbm>>
    %dma_wait3A_892 = tpu.memref_squeeze %dma_wait3A_891 : memref<1x1x100001xf32, #tpu.memory_space<hbm>> -> memref<100001xf32, #tpu.memory_space<hbm>>
    tpu.wait_dma2 semaphore(%arg9 : memref<!tpu.dma_semaphore, #tpu.memory_space<semaphore_mem>>) src(%dma_wait3A_892 : memref<100001xf32, #tpu.memory_space<hbm>>) dst(%arg6 : memref<100001xf32, #tpu.memory_space<vmem>>)
    %dma_wait3A_893 = arith.constant 0 : i32
    %dma_wait3A_894 = arith.constant 0 : i32
    %dma_wait3A_895 = arith.constant 0 : i32
    %dma_wait3A_896 = tpu.memref_slice %arg7[%dma_wait3A_893, %dma_wait3A_894, %dma_wait3A_895] : memref<2x1x4096xf32, #tpu.memory_space<vmem>> -> memref<1x1x4096xf32, #tpu.memory_space<vmem>>
    %dma_wait3A_897 = arith.constant 0 : i32
    %dma_wait3A_898 = arith.constant 0 : i32
    %dma_wait3A_899 = arith.constant 0 : i32
    %dma_wait3A_900 = tpu.memref_slice %arg4[%dma_wait3A_897, %dma_wait3A_898, %dma_wait3A_899] : memref<26x32x4096xf32, #tpu.memory_space<hbm>> -> memref<1x1x4096xf32, #tpu.memory_space<hbm>>
    %dma_wait3A_901 = arith.constant 0 : i32
    %dma_wait3A_902 = arith.constant 0 : i32
    %dma_wait3A_903 = arith.constant 0 : i32
    %dma_wait3A_904 = tpu.memref_slice %arg4[%dma_wait3A_901, %dma_wait3A_902, %dma_wait3A_903] : memref<26x32x4096xf32, #tpu.memory_space<hbm>> -> memref<1x1x4096xf32, #tpu.memory_space<hbm>>
    %dma_wait3A_905 = arith.constant 0 : i32
    %dma_wait3A_906 = arith.constant 0 : i32
    %dma_wait3A_907 = arith.constant 0 : i32
    %dma_wait3A_908 = tpu.memref_slice %arg7[%dma_wait3A_905, %dma_wait3A_906, %dma_wait3A_907] : memref<2x1x4096xf32, #tpu.memory_space<vmem>> -> memref<1x1x4096xf32, #tpu.memory_space<vmem>>
    tpu.wait_dma2 semaphore(%arg10 : memref<!tpu.dma_semaphore, #tpu.memory_space<semaphore_mem>>) src(%dma_wait3A_908 : memref<1x1x4096xf32, #tpu.memory_space<vmem>>) dst(%dma_wait3A_904 : memref<1x1x4096xf32, #tpu.memory_space<hbm>>)
    %scan3A_909 = arith.constant 0 : i32
    %scan3A_910 = arith.constant 0 : i32
    %scan3A_911 = arith.constant 256 : i32
    %scan3A_912 = arith.addi %scan3A_910, %scan3A_911 : i32
    %scan3A_913 = arith.constant 1 : i32
    %scan3A_914 = scf.for %scan3A_1446 = %scan3A_910 to %scan3A_912 step %scan3A_913 iter_args(%scan3A_1447 = %scan3A_909) -> (i32)  : i32 {
      %mul3A_1448 = arith.constant 16 : i32
      %mul3A_1449 = arith.muli %scan3A_1446, %mul3A_1448 : i32
      %get3A = arith.index_cast %sub3A_880 : i32 to index
      %get3A_1450 = arith.index_cast %mul3A_1449 : i32 to index
      %get3A_1451 = tpu.vector_load %arg5[%get3A, %get3A_1450] {strides = array<i32>} : memref<2x4096xi32, #tpu.memory_space<vmem>>, vector<16xi32>,
      %gather3A = tpu.vector_load_idx %arg6[%get3A_1451] : memref<100001xf32, #tpu.memory_space<vmem>>[vector<16xi32>], vector<16xf32>,
      %swap3A = arith.constant 0 : i32
      %swap3A_1452 = arith.constant 0 : i32
      %swap3A_1453 = arith.index_cast %swap3A : i32 to index
      %swap3A_1454 = arith.index_cast %swap3A_1452 : i32 to index
      %swap3A_1455 = arith.index_cast %mul3A_1449 : i32 to index
      %swap3A_1456 = tpu.vector_load %arg7[%swap3A_1453, %swap3A_1454, %swap3A_1455] {strides = array<i32>} : memref<2x1x4096xf32, #tpu.memory_space<vmem>>, vector<16xf32>,
      tpu.vector_store %arg7[%swap3A_1453, %swap3A_1454, %swap3A_1455], %gather3A {strides = array<i32>} : memref<2x1x4096xf32, #tpu.memory_space<vmem>>, vector<16xf32>,
      %scan3A_1457 = arith.constant 0 : i32
      scf.yield %scan3A_1457 : i32
    }
    %scan3A_915 = arith.constant 256 : i32
    %dma_start3A_916 = arith.constant 0 : i32
    %dma_start3A_917 = arith.constant 0 : i32
    %dma_start3A_918 = arith.constant 0 : i32
    %dma_start3A_919 = tpu.memref_slice %arg7[%dma_start3A_916, %dma_start3A_917, %dma_start3A_918] : memref<2x1x4096xf32, #tpu.memory_space<vmem>> -> memref<1x1x4096xf32, #tpu.memory_space<vmem>>
    %dma_start3A_920 = arith.constant 0 : i32
    %dma_start3A_921 = tpu.memref_slice %arg4[%shift_right_logical3A_877, %and3A_879, %dma_start3A_920] : memref<26x32x4096xf32, #tpu.memory_space<hbm>> -> memref<1x1x4096xf32, #tpu.memory_space<hbm>>
    %dma_start3A_922 = arith.constant 0 : i32
    %dma_start3A_923 = tpu.memref_slice %arg4[%shift_right_logical3A_877, %and3A_879, %dma_start3A_922] : memref<26x32x4096xf32, #tpu.memory_space<hbm>> -> memref<1x1x4096xf32, #tpu.memory_space<hbm>>
    %dma_start3A_924 = arith.constant 0 : i32
    %dma_start3A_925 = arith.constant 0 : i32
    %dma_start3A_926 = arith.constant 0 : i32
    %dma_start3A_927 = tpu.memref_slice %arg7[%dma_start3A_924, %dma_start3A_925, %dma_start3A_926] : memref<2x1x4096xf32, #tpu.memory_space<vmem>> -> memref<1x1x4096xf32, #tpu.memory_space<vmem>>
    tpu.enqueue_dma source(%dma_start3A_927 : memref<1x1x4096xf32, #tpu.memory_space<vmem>>) target(%dma_start3A_923 : memref<1x1x4096xf32, #tpu.memory_space<hbm>>) target_semaphore(%arg10 : memref<!tpu.dma_semaphore, #tpu.memory_space<semaphore_mem>>)
    %add3A_928 = arith.constant 17 : i32
    %add3A_929 = arith.addi %mul3A_2, %add3A_928 : i32
    %shift_right_logical3A_930 = arith.constant 5 : i32
    %shift_right_logical3A_931 = arith.shrui %add3A_929, %shift_right_logical3A_930 : i32
    %and3A_932 = arith.constant 31 : i32
    %and3A_933 = arith.andi %add3A_929, %and3A_932 : i32
    %sub3A_934 = arith.subi %shift_right_logical3A_931, %shift_right_logical3A_3 : i32
    %dma_start3A_935 = arith.constant 0 : i32
    %dma_start3A_936 = tpu.memref_slice %arg3[%shift_right_logical3A_931, %and3A_933, %dma_start3A_935] : memref<26x32x100001xf32, #tpu.memory_space<hbm>> -> memref<1x1x100001xf32, #tpu.memory_space<hbm>>
    %dma_start3A_937 = tpu.memref_squeeze %dma_start3A_936 : memref<1x1x100001xf32, #tpu.memory_space<hbm>> -> memref<100001xf32, #tpu.memory_space<hbm>>
    %dma_start3A_938 = arith.constant 0 : i32
    %dma_start3A_939 = tpu.memref_slice %arg3[%shift_right_logical3A_931, %and3A_933, %dma_start3A_938] : memref<26x32x100001xf32, #tpu.memory_space<hbm>> -> memref<1x1x100001xf32, #tpu.memory_space<hbm>>
    %dma_start3A_940 = tpu.memref_squeeze %dma_start3A_939 : memref<1x1x100001xf32, #tpu.memory_space<hbm>> -> memref<100001xf32, #tpu.memory_space<hbm>>
    tpu.enqueue_dma source(%dma_start3A_940 : memref<100001xf32, #tpu.memory_space<hbm>>) target(%arg6 : memref<100001xf32, #tpu.memory_space<vmem>>) target_semaphore(%arg9 : memref<!tpu.dma_semaphore, #tpu.memory_space<semaphore_mem>>)
    %dma_wait3A_941 = arith.constant 0 : i32
    %dma_wait3A_942 = tpu.memref_slice %arg3[%shift_right_logical3A_931, %and3A_933, %dma_wait3A_941] : memref<26x32x100001xf32, #tpu.memory_space<hbm>> -> memref<1x1x100001xf32, #tpu.memory_space<hbm>>
    %dma_wait3A_943 = tpu.memref_squeeze %dma_wait3A_942 : memref<1x1x100001xf32, #tpu.memory_space<hbm>> -> memref<100001xf32, #tpu.memory_space<hbm>>
    %dma_wait3A_944 = arith.constant 0 : i32
    %dma_wait3A_945 = tpu.memref_slice %arg3[%shift_right_logical3A_931, %and3A_933, %dma_wait3A_944] : memref<26x32x100001xf32, #tpu.memory_space<hbm>> -> memref<1x1x100001xf32, #tpu.memory_space<hbm>>
    %dma_wait3A_946 = tpu.memref_squeeze %dma_wait3A_945 : memref<1x1x100001xf32, #tpu.memory_space<hbm>> -> memref<100001xf32, #tpu.memory_space<hbm>>
    tpu.wait_dma2 semaphore(%arg9 : memref<!tpu.dma_semaphore, #tpu.memory_space<semaphore_mem>>) src(%dma_wait3A_946 : memref<100001xf32, #tpu.memory_space<hbm>>) dst(%arg6 : memref<100001xf32, #tpu.memory_space<vmem>>)
    %dma_wait3A_947 = arith.constant 1 : i32
    %dma_wait3A_948 = arith.constant 0 : i32
    %dma_wait3A_949 = arith.constant 0 : i32
    %dma_wait3A_950 = tpu.memref_slice %arg7[%dma_wait3A_947, %dma_wait3A_948, %dma_wait3A_949] : memref<2x1x4096xf32, #tpu.memory_space<vmem>> -> memref<1x1x4096xf32, #tpu.memory_space<vmem>>
    %dma_wait3A_951 = arith.constant 0 : i32
    %dma_wait3A_952 = arith.constant 0 : i32
    %dma_wait3A_953 = arith.constant 0 : i32
    %dma_wait3A_954 = tpu.memref_slice %arg4[%dma_wait3A_951, %dma_wait3A_952, %dma_wait3A_953] : memref<26x32x4096xf32, #tpu.memory_space<hbm>> -> memref<1x1x4096xf32, #tpu.memory_space<hbm>>
    %dma_wait3A_955 = arith.constant 0 : i32
    %dma_wait3A_956 = arith.constant 0 : i32
    %dma_wait3A_957 = arith.constant 0 : i32
    %dma_wait3A_958 = tpu.memref_slice %arg4[%dma_wait3A_955, %dma_wait3A_956, %dma_wait3A_957] : memref<26x32x4096xf32, #tpu.memory_space<hbm>> -> memref<1x1x4096xf32, #tpu.memory_space<hbm>>
    %dma_wait3A_959 = arith.constant 1 : i32
    %dma_wait3A_960 = arith.constant 0 : i32
    %dma_wait3A_961 = arith.constant 0 : i32
    %dma_wait3A_962 = tpu.memref_slice %arg7[%dma_wait3A_959, %dma_wait3A_960, %dma_wait3A_961] : memref<2x1x4096xf32, #tpu.memory_space<vmem>> -> memref<1x1x4096xf32, #tpu.memory_space<vmem>>
    tpu.wait_dma2 semaphore(%arg10 : memref<!tpu.dma_semaphore, #tpu.memory_space<semaphore_mem>>) src(%dma_wait3A_962 : memref<1x1x4096xf32, #tpu.memory_space<vmem>>) dst(%dma_wait3A_958 : memref<1x1x4096xf32, #tpu.memory_space<hbm>>)
    %scan3A_963 = arith.constant 0 : i32
    %scan3A_964 = arith.constant 0 : i32
    %scan3A_965 = arith.constant 256 : i32
    %scan3A_966 = arith.addi %scan3A_964, %scan3A_965 : i32
    %scan3A_967 = arith.constant 1 : i32
    %scan3A_968 = scf.for %scan3A_1446 = %scan3A_964 to %scan3A_966 step %scan3A_967 iter_args(%scan3A_1447 = %scan3A_963) -> (i32)  : i32 {
      %mul3A_1448 = arith.constant 16 : i32
      %mul3A_1449 = arith.muli %scan3A_1446, %mul3A_1448 : i32
      %get3A = arith.index_cast %sub3A_934 : i32 to index
      %get3A_1450 = arith.index_cast %mul3A_1449 : i32 to index
      %get3A_1451 = tpu.vector_load %arg5[%get3A, %get3A_1450] {strides = array<i32>} : memref<2x4096xi32, #tpu.memory_space<vmem>>, vector<16xi32>,
      %gather3A = tpu.vector_load_idx %arg6[%get3A_1451] : memref<100001xf32, #tpu.memory_space<vmem>>[vector<16xi32>], vector<16xf32>,
      %swap3A = arith.constant 1 : i32
      %swap3A_1452 = arith.constant 0 : i32
      %swap3A_1453 = arith.index_cast %swap3A : i32 to index
      %swap3A_1454 = arith.index_cast %swap3A_1452 : i32 to index
      %swap3A_1455 = arith.index_cast %mul3A_1449 : i32 to index
      %swap3A_1456 = tpu.vector_load %arg7[%swap3A_1453, %swap3A_1454, %swap3A_1455] {strides = array<i32>} : memref<2x1x4096xf32, #tpu.memory_space<vmem>>, vector<16xf32>,
      tpu.vector_store %arg7[%swap3A_1453, %swap3A_1454, %swap3A_1455], %gather3A {strides = array<i32>} : memref<2x1x4096xf32, #tpu.memory_space<vmem>>, vector<16xf32>,
      %scan3A_1457 = arith.constant 0 : i32
      scf.yield %scan3A_1457 : i32
    }
    %scan3A_969 = arith.constant 256 : i32
    %dma_start3A_970 = arith.constant 1 : i32
    %dma_start3A_971 = arith.constant 0 : i32
    %dma_start3A_972 = arith.constant 0 : i32
    %dma_start3A_973 = tpu.memref_slice %arg7[%dma_start3A_970, %dma_start3A_971, %dma_start3A_972] : memref<2x1x4096xf32, #tpu.memory_space<vmem>> -> memref<1x1x4096xf32, #tpu.memory_space<vmem>>
    %dma_start3A_974 = arith.constant 0 : i32
    %dma_start3A_975 = tpu.memref_slice %arg4[%shift_right_logical3A_931, %and3A_933, %dma_start3A_974] : memref<26x32x4096xf32, #tpu.memory_space<hbm>> -> memref<1x1x4096xf32, #tpu.memory_space<hbm>>
    %dma_start3A_976 = arith.constant 0 : i32
    %dma_start3A_977 = tpu.memref_slice %arg4[%shift_right_logical3A_931, %and3A_933, %dma_start3A_976] : memref<26x32x4096xf32, #tpu.memory_space<hbm>> -> memref<1x1x4096xf32, #tpu.memory_space<hbm>>
    %dma_start3A_978 = arith.constant 1 : i32
    %dma_start3A_979 = arith.constant 0 : i32
    %dma_start3A_980 = arith.constant 0 : i32
    %dma_start3A_981 = tpu.memref_slice %arg7[%dma_start3A_978, %dma_start3A_979, %dma_start3A_980] : memref<2x1x4096xf32, #tpu.memory_space<vmem>> -> memref<1x1x4096xf32, #tpu.memory_space<vmem>>
    tpu.enqueue_dma source(%dma_start3A_981 : memref<1x1x4096xf32, #tpu.memory_space<vmem>>) target(%dma_start3A_977 : memref<1x1x4096xf32, #tpu.memory_space<hbm>>) target_semaphore(%arg10 : memref<!tpu.dma_semaphore, #tpu.memory_space<semaphore_mem>>)
    %add3A_982 = arith.constant 18 : i32
    %add3A_983 = arith.addi %mul3A_2, %add3A_982 : i32
    %shift_right_logical3A_984 = arith.constant 5 : i32
    %shift_right_logical3A_985 = arith.shrui %add3A_983, %shift_right_logical3A_984 : i32
    %and3A_986 = arith.constant 31 : i32
    %and3A_987 = arith.andi %add3A_983, %and3A_986 : i32
    %sub3A_988 = arith.subi %shift_right_logical3A_985, %shift_right_logical3A_3 : i32
    %dma_start3A_989 = arith.constant 0 : i32
    %dma_start3A_990 = tpu.memref_slice %arg3[%shift_right_logical3A_985, %and3A_987, %dma_start3A_989] : memref<26x32x100001xf32, #tpu.memory_space<hbm>> -> memref<1x1x100001xf32, #tpu.memory_space<hbm>>
    %dma_start3A_991 = tpu.memref_squeeze %dma_start3A_990 : memref<1x1x100001xf32, #tpu.memory_space<hbm>> -> memref<100001xf32, #tpu.memory_space<hbm>>
    %dma_start3A_992 = arith.constant 0 : i32
    %dma_start3A_993 = tpu.memref_slice %arg3[%shift_right_logical3A_985, %and3A_987, %dma_start3A_992] : memref<26x32x100001xf32, #tpu.memory_space<hbm>> -> memref<1x1x100001xf32, #tpu.memory_space<hbm>>
    %dma_start3A_994 = tpu.memref_squeeze %dma_start3A_993 : memref<1x1x100001xf32, #tpu.memory_space<hbm>> -> memref<100001xf32, #tpu.memory_space<hbm>>
    tpu.enqueue_dma source(%dma_start3A_994 : memref<100001xf32, #tpu.memory_space<hbm>>) target(%arg6 : memref<100001xf32, #tpu.memory_space<vmem>>) target_semaphore(%arg9 : memref<!tpu.dma_semaphore, #tpu.memory_space<semaphore_mem>>)
    %dma_wait3A_995 = arith.constant 0 : i32
    %dma_wait3A_996 = tpu.memref_slice %arg3[%shift_right_logical3A_985, %and3A_987, %dma_wait3A_995] : memref<26x32x100001xf32, #tpu.memory_space<hbm>> -> memref<1x1x100001xf32, #tpu.memory_space<hbm>>
    %dma_wait3A_997 = tpu.memref_squeeze %dma_wait3A_996 : memref<1x1x100001xf32, #tpu.memory_space<hbm>> -> memref<100001xf32, #tpu.memory_space<hbm>>
    %dma_wait3A_998 = arith.constant 0 : i32
    %dma_wait3A_999 = tpu.memref_slice %arg3[%shift_right_logical3A_985, %and3A_987, %dma_wait3A_998] : memref<26x32x100001xf32, #tpu.memory_space<hbm>> -> memref<1x1x100001xf32, #tpu.memory_space<hbm>>
    %dma_wait3A_1000 = tpu.memref_squeeze %dma_wait3A_999 : memref<1x1x100001xf32, #tpu.memory_space<hbm>> -> memref<100001xf32, #tpu.memory_space<hbm>>
    tpu.wait_dma2 semaphore(%arg9 : memref<!tpu.dma_semaphore, #tpu.memory_space<semaphore_mem>>) src(%dma_wait3A_1000 : memref<100001xf32, #tpu.memory_space<hbm>>) dst(%arg6 : memref<100001xf32, #tpu.memory_space<vmem>>)
    %dma_wait3A_1001 = arith.constant 0 : i32
    %dma_wait3A_1002 = arith.constant 0 : i32
    %dma_wait3A_1003 = arith.constant 0 : i32
    %dma_wait3A_1004 = tpu.memref_slice %arg7[%dma_wait3A_1001, %dma_wait3A_1002, %dma_wait3A_1003] : memref<2x1x4096xf32, #tpu.memory_space<vmem>> -> memref<1x1x4096xf32, #tpu.memory_space<vmem>>
    %dma_wait3A_1005 = arith.constant 0 : i32
    %dma_wait3A_1006 = arith.constant 0 : i32
    %dma_wait3A_1007 = arith.constant 0 : i32
    %dma_wait3A_1008 = tpu.memref_slice %arg4[%dma_wait3A_1005, %dma_wait3A_1006, %dma_wait3A_1007] : memref<26x32x4096xf32, #tpu.memory_space<hbm>> -> memref<1x1x4096xf32, #tpu.memory_space<hbm>>
    %dma_wait3A_1009 = arith.constant 0 : i32
    %dma_wait3A_1010 = arith.constant 0 : i32
    %dma_wait3A_1011 = arith.constant 0 : i32
    %dma_wait3A_1012 = tpu.memref_slice %arg4[%dma_wait3A_1009, %dma_wait3A_1010, %dma_wait3A_1011] : memref<26x32x4096xf32, #tpu.memory_space<hbm>> -> memref<1x1x4096xf32, #tpu.memory_space<hbm>>
    %dma_wait3A_1013 = arith.constant 0 : i32
    %dma_wait3A_1014 = arith.constant 0 : i32
    %dma_wait3A_1015 = arith.constant 0 : i32
    %dma_wait3A_1016 = tpu.memref_slice %arg7[%dma_wait3A_1013, %dma_wait3A_1014, %dma_wait3A_1015] : memref<2x1x4096xf32, #tpu.memory_space<vmem>> -> memref<1x1x4096xf32, #tpu.memory_space<vmem>>
    tpu.wait_dma2 semaphore(%arg10 : memref<!tpu.dma_semaphore, #tpu.memory_space<semaphore_mem>>) src(%dma_wait3A_1016 : memref<1x1x4096xf32, #tpu.memory_space<vmem>>) dst(%dma_wait3A_1012 : memref<1x1x4096xf32, #tpu.memory_space<hbm>>)
    %scan3A_1017 = arith.constant 0 : i32
    %scan3A_1018 = arith.constant 0 : i32
    %scan3A_1019 = arith.constant 256 : i32
    %scan3A_1020 = arith.addi %scan3A_1018, %scan3A_1019 : i32
    %scan3A_1021 = arith.constant 1 : i32
    %scan3A_1022 = scf.for %scan3A_1446 = %scan3A_1018 to %scan3A_1020 step %scan3A_1021 iter_args(%scan3A_1447 = %scan3A_1017) -> (i32)  : i32 {
      %mul3A_1448 = arith.constant 16 : i32
      %mul3A_1449 = arith.muli %scan3A_1446, %mul3A_1448 : i32
      %get3A = arith.index_cast %sub3A_988 : i32 to index
      %get3A_1450 = arith.index_cast %mul3A_1449 : i32 to index
      %get3A_1451 = tpu.vector_load %arg5[%get3A, %get3A_1450] {strides = array<i32>} : memref<2x4096xi32, #tpu.memory_space<vmem>>, vector<16xi32>,
      %gather3A = tpu.vector_load_idx %arg6[%get3A_1451] : memref<100001xf32, #tpu.memory_space<vmem>>[vector<16xi32>], vector<16xf32>,
      %swap3A = arith.constant 0 : i32
      %swap3A_1452 = arith.constant 0 : i32
      %swap3A_1453 = arith.index_cast %swap3A : i32 to index
      %swap3A_1454 = arith.index_cast %swap3A_1452 : i32 to index
      %swap3A_1455 = arith.index_cast %mul3A_1449 : i32 to index
      %swap3A_1456 = tpu.vector_load %arg7[%swap3A_1453, %swap3A_1454, %swap3A_1455] {strides = array<i32>} : memref<2x1x4096xf32, #tpu.memory_space<vmem>>, vector<16xf32>,
      tpu.vector_store %arg7[%swap3A_1453, %swap3A_1454, %swap3A_1455], %gather3A {strides = array<i32>} : memref<2x1x4096xf32, #tpu.memory_space<vmem>>, vector<16xf32>,
      %scan3A_1457 = arith.constant 0 : i32
      scf.yield %scan3A_1457 : i32
    }
    %scan3A_1023 = arith.constant 256 : i32
    %dma_start3A_1024 = arith.constant 0 : i32
    %dma_start3A_1025 = arith.constant 0 : i32
    %dma_start3A_1026 = arith.constant 0 : i32
    %dma_start3A_1027 = tpu.memref_slice %arg7[%dma_start3A_1024, %dma_start3A_1025, %dma_start3A_1026] : memref<2x1x4096xf32, #tpu.memory_space<vmem>> -> memref<1x1x4096xf32, #tpu.memory_space<vmem>>
    %dma_start3A_1028 = arith.constant 0 : i32
    %dma_start3A_1029 = tpu.memref_slice %arg4[%shift_right_logical3A_985, %and3A_987, %dma_start3A_1028] : memref<26x32x4096xf32, #tpu.memory_space<hbm>> -> memref<1x1x4096xf32, #tpu.memory_space<hbm>>
    %dma_start3A_1030 = arith.constant 0 : i32
    %dma_start3A_1031 = tpu.memref_slice %arg4[%shift_right_logical3A_985, %and3A_987, %dma_start3A_1030] : memref<26x32x4096xf32, #tpu.memory_space<hbm>> -> memref<1x1x4096xf32, #tpu.memory_space<hbm>>
    %dma_start3A_1032 = arith.constant 0 : i32
    %dma_start3A_1033 = arith.constant 0 : i32
    %dma_start3A_1034 = arith.constant 0 : i32
    %dma_start3A_1035 = tpu.memref_slice %arg7[%dma_start3A_1032, %dma_start3A_1033, %dma_start3A_1034] : memref<2x1x4096xf32, #tpu.memory_space<vmem>> -> memref<1x1x4096xf32, #tpu.memory_space<vmem>>
    tpu.enqueue_dma source(%dma_start3A_1035 : memref<1x1x4096xf32, #tpu.memory_space<vmem>>) target(%dma_start3A_1031 : memref<1x1x4096xf32, #tpu.memory_space<hbm>>) target_semaphore(%arg10 : memref<!tpu.dma_semaphore, #tpu.memory_space<semaphore_mem>>)
    %add3A_1036 = arith.constant 19 : i32
    %add3A_1037 = arith.addi %mul3A_2, %add3A_1036 : i32
    %shift_right_logical3A_1038 = arith.constant 5 : i32
    %shift_right_logical3A_1039 = arith.shrui %add3A_1037, %shift_right_logical3A_1038 : i32
    %and3A_1040 = arith.constant 31 : i32
    %and3A_1041 = arith.andi %add3A_1037, %and3A_1040 : i32
    %sub3A_1042 = arith.subi %shift_right_logical3A_1039, %shift_right_logical3A_3 : i32
    %dma_start3A_1043 = arith.constant 0 : i32
    %dma_start3A_1044 = tpu.memref_slice %arg3[%shift_right_logical3A_1039, %and3A_1041, %dma_start3A_1043] : memref<26x32x100001xf32, #tpu.memory_space<hbm>> -> memref<1x1x100001xf32, #tpu.memory_space<hbm>>
    %dma_start3A_1045 = tpu.memref_squeeze %dma_start3A_1044 : memref<1x1x100001xf32, #tpu.memory_space<hbm>> -> memref<100001xf32, #tpu.memory_space<hbm>>
    %dma_start3A_1046 = arith.constant 0 : i32
    %dma_start3A_1047 = tpu.memref_slice %arg3[%shift_right_logical3A_1039, %and3A_1041, %dma_start3A_1046] : memref<26x32x100001xf32, #tpu.memory_space<hbm>> -> memref<1x1x100001xf32, #tpu.memory_space<hbm>>
    %dma_start3A_1048 = tpu.memref_squeeze %dma_start3A_1047 : memref<1x1x100001xf32, #tpu.memory_space<hbm>> -> memref<100001xf32, #tpu.memory_space<hbm>>
    tpu.enqueue_dma source(%dma_start3A_1048 : memref<100001xf32, #tpu.memory_space<hbm>>) target(%arg6 : memref<100001xf32, #tpu.memory_space<vmem>>) target_semaphore(%arg9 : memref<!tpu.dma_semaphore, #tpu.memory_space<semaphore_mem>>)
    %dma_wait3A_1049 = arith.constant 0 : i32
    %dma_wait3A_1050 = tpu.memref_slice %arg3[%shift_right_logical3A_1039, %and3A_1041, %dma_wait3A_1049] : memref<26x32x100001xf32, #tpu.memory_space<hbm>> -> memref<1x1x100001xf32, #tpu.memory_space<hbm>>
    %dma_wait3A_1051 = tpu.memref_squeeze %dma_wait3A_1050 : memref<1x1x100001xf32, #tpu.memory_space<hbm>> -> memref<100001xf32, #tpu.memory_space<hbm>>
    %dma_wait3A_1052 = arith.constant 0 : i32
    %dma_wait3A_1053 = tpu.memref_slice %arg3[%shift_right_logical3A_1039, %and3A_1041, %dma_wait3A_1052] : memref<26x32x100001xf32, #tpu.memory_space<hbm>> -> memref<1x1x100001xf32, #tpu.memory_space<hbm>>
    %dma_wait3A_1054 = tpu.memref_squeeze %dma_wait3A_1053 : memref<1x1x100001xf32, #tpu.memory_space<hbm>> -> memref<100001xf32, #tpu.memory_space<hbm>>
    tpu.wait_dma2 semaphore(%arg9 : memref<!tpu.dma_semaphore, #tpu.memory_space<semaphore_mem>>) src(%dma_wait3A_1054 : memref<100001xf32, #tpu.memory_space<hbm>>) dst(%arg6 : memref<100001xf32, #tpu.memory_space<vmem>>)
    %dma_wait3A_1055 = arith.constant 1 : i32
    %dma_wait3A_1056 = arith.constant 0 : i32
    %dma_wait3A_1057 = arith.constant 0 : i32
    %dma_wait3A_1058 = tpu.memref_slice %arg7[%dma_wait3A_1055, %dma_wait3A_1056, %dma_wait3A_1057] : memref<2x1x4096xf32, #tpu.memory_space<vmem>> -> memref<1x1x4096xf32, #tpu.memory_space<vmem>>
    %dma_wait3A_1059 = arith.constant 0 : i32
    %dma_wait3A_1060 = arith.constant 0 : i32
    %dma_wait3A_1061 = arith.constant 0 : i32
    %dma_wait3A_1062 = tpu.memref_slice %arg4[%dma_wait3A_1059, %dma_wait3A_1060, %dma_wait3A_1061] : memref<26x32x4096xf32, #tpu.memory_space<hbm>> -> memref<1x1x4096xf32, #tpu.memory_space<hbm>>
    %dma_wait3A_1063 = arith.constant 0 : i32
    %dma_wait3A_1064 = arith.constant 0 : i32
    %dma_wait3A_1065 = arith.constant 0 : i32
    %dma_wait3A_1066 = tpu.memref_slice %arg4[%dma_wait3A_1063, %dma_wait3A_1064, %dma_wait3A_1065] : memref<26x32x4096xf32, #tpu.memory_space<hbm>> -> memref<1x1x4096xf32, #tpu.memory_space<hbm>>
    %dma_wait3A_1067 = arith.constant 1 : i32
    %dma_wait3A_1068 = arith.constant 0 : i32
    %dma_wait3A_1069 = arith.constant 0 : i32
    %dma_wait3A_1070 = tpu.memref_slice %arg7[%dma_wait3A_1067, %dma_wait3A_1068, %dma_wait3A_1069] : memref<2x1x4096xf32, #tpu.memory_space<vmem>> -> memref<1x1x4096xf32, #tpu.memory_space<vmem>>
    tpu.wait_dma2 semaphore(%arg10 : memref<!tpu.dma_semaphore, #tpu.memory_space<semaphore_mem>>) src(%dma_wait3A_1070 : memref<1x1x4096xf32, #tpu.memory_space<vmem>>) dst(%dma_wait3A_1066 : memref<1x1x4096xf32, #tpu.memory_space<hbm>>)
    %scan3A_1071 = arith.constant 0 : i32
    %scan3A_1072 = arith.constant 0 : i32
    %scan3A_1073 = arith.constant 256 : i32
    %scan3A_1074 = arith.addi %scan3A_1072, %scan3A_1073 : i32
    %scan3A_1075 = arith.constant 1 : i32
    %scan3A_1076 = scf.for %scan3A_1446 = %scan3A_1072 to %scan3A_1074 step %scan3A_1075 iter_args(%scan3A_1447 = %scan3A_1071) -> (i32)  : i32 {
      %mul3A_1448 = arith.constant 16 : i32
      %mul3A_1449 = arith.muli %scan3A_1446, %mul3A_1448 : i32
      %get3A = arith.index_cast %sub3A_1042 : i32 to index
      %get3A_1450 = arith.index_cast %mul3A_1449 : i32 to index
      %get3A_1451 = tpu.vector_load %arg5[%get3A, %get3A_1450] {strides = array<i32>} : memref<2x4096xi32, #tpu.memory_space<vmem>>, vector<16xi32>,
      %gather3A = tpu.vector_load_idx %arg6[%get3A_1451] : memref<100001xf32, #tpu.memory_space<vmem>>[vector<16xi32>], vector<16xf32>,
      %swap3A = arith.constant 1 : i32
      %swap3A_1452 = arith.constant 0 : i32
      %swap3A_1453 = arith.index_cast %swap3A : i32 to index
      %swap3A_1454 = arith.index_cast %swap3A_1452 : i32 to index
      %swap3A_1455 = arith.index_cast %mul3A_1449 : i32 to index
      %swap3A_1456 = tpu.vector_load %arg7[%swap3A_1453, %swap3A_1454, %swap3A_1455] {strides = array<i32>} : memref<2x1x4096xf32, #tpu.memory_space<vmem>>, vector<16xf32>,
      tpu.vector_store %arg7[%swap3A_1453, %swap3A_1454, %swap3A_1455], %gather3A {strides = array<i32>} : memref<2x1x4096xf32, #tpu.memory_space<vmem>>, vector<16xf32>,
      %scan3A_1457 = arith.constant 0 : i32
      scf.yield %scan3A_1457 : i32
    }
    %scan3A_1077 = arith.constant 256 : i32
    %dma_start3A_1078 = arith.constant 1 : i32
    %dma_start3A_1079 = arith.constant 0 : i32
    %dma_start3A_1080 = arith.constant 0 : i32
    %dma_start3A_1081 = tpu.memref_slice %arg7[%dma_start3A_1078, %dma_start3A_1079, %dma_start3A_1080] : memref<2x1x4096xf32, #tpu.memory_space<vmem>> -> memref<1x1x4096xf32, #tpu.memory_space<vmem>>
    %dma_start3A_1082 = arith.constant 0 : i32
    %dma_start3A_1083 = tpu.memref_slice %arg4[%shift_right_logical3A_1039, %and3A_1041, %dma_start3A_1082] : memref<26x32x4096xf32, #tpu.memory_space<hbm>> -> memref<1x1x4096xf32, #tpu.memory_space<hbm>>
    %dma_start3A_1084 = arith.constant 0 : i32
    %dma_start3A_1085 = tpu.memref_slice %arg4[%shift_right_logical3A_1039, %and3A_1041, %dma_start3A_1084] : memref<26x32x4096xf32, #tpu.memory_space<hbm>> -> memref<1x1x4096xf32, #tpu.memory_space<hbm>>
    %dma_start3A_1086 = arith.constant 1 : i32
    %dma_start3A_1087 = arith.constant 0 : i32
    %dma_start3A_1088 = arith.constant 0 : i32
    %dma_start3A_1089 = tpu.memref_slice %arg7[%dma_start3A_1086, %dma_start3A_1087, %dma_start3A_1088] : memref<2x1x4096xf32, #tpu.memory_space<vmem>> -> memref<1x1x4096xf32, #tpu.memory_space<vmem>>
    tpu.enqueue_dma source(%dma_start3A_1089 : memref<1x1x4096xf32, #tpu.memory_space<vmem>>) target(%dma_start3A_1085 : memref<1x1x4096xf32, #tpu.memory_space<hbm>>) target_semaphore(%arg10 : memref<!tpu.dma_semaphore, #tpu.memory_space<semaphore_mem>>)
    %add3A_1090 = arith.constant 20 : i32
    %add3A_1091 = arith.addi %mul3A_2, %add3A_1090 : i32
    %shift_right_logical3A_1092 = arith.constant 5 : i32
    %shift_right_logical3A_1093 = arith.shrui %add3A_1091, %shift_right_logical3A_1092 : i32
    %and3A_1094 = arith.constant 31 : i32
    %and3A_1095 = arith.andi %add3A_1091, %and3A_1094 : i32
    %sub3A_1096 = arith.subi %shift_right_logical3A_1093, %shift_right_logical3A_3 : i32
    %dma_start3A_1097 = arith.constant 0 : i32
    %dma_start3A_1098 = tpu.memref_slice %arg3[%shift_right_logical3A_1093, %and3A_1095, %dma_start3A_1097] : memref<26x32x100001xf32, #tpu.memory_space<hbm>> -> memref<1x1x100001xf32, #tpu.memory_space<hbm>>
    %dma_start3A_1099 = tpu.memref_squeeze %dma_start3A_1098 : memref<1x1x100001xf32, #tpu.memory_space<hbm>> -> memref<100001xf32, #tpu.memory_space<hbm>>
    %dma_start3A_1100 = arith.constant 0 : i32
    %dma_start3A_1101 = tpu.memref_slice %arg3[%shift_right_logical3A_1093, %and3A_1095, %dma_start3A_1100] : memref<26x32x100001xf32, #tpu.memory_space<hbm>> -> memref<1x1x100001xf32, #tpu.memory_space<hbm>>
    %dma_start3A_1102 = tpu.memref_squeeze %dma_start3A_1101 : memref<1x1x100001xf32, #tpu.memory_space<hbm>> -> memref<100001xf32, #tpu.memory_space<hbm>>
    tpu.enqueue_dma source(%dma_start3A_1102 : memref<100001xf32, #tpu.memory_space<hbm>>) target(%arg6 : memref<100001xf32, #tpu.memory_space<vmem>>) target_semaphore(%arg9 : memref<!tpu.dma_semaphore, #tpu.memory_space<semaphore_mem>>)
    %dma_wait3A_1103 = arith.constant 0 : i32
    %dma_wait3A_1104 = tpu.memref_slice %arg3[%shift_right_logical3A_1093, %and3A_1095, %dma_wait3A_1103] : memref<26x32x100001xf32, #tpu.memory_space<hbm>> -> memref<1x1x100001xf32, #tpu.memory_space<hbm>>
    %dma_wait3A_1105 = tpu.memref_squeeze %dma_wait3A_1104 : memref<1x1x100001xf32, #tpu.memory_space<hbm>> -> memref<100001xf32, #tpu.memory_space<hbm>>
    %dma_wait3A_1106 = arith.constant 0 : i32
    %dma_wait3A_1107 = tpu.memref_slice %arg3[%shift_right_logical3A_1093, %and3A_1095, %dma_wait3A_1106] : memref<26x32x100001xf32, #tpu.memory_space<hbm>> -> memref<1x1x100001xf32, #tpu.memory_space<hbm>>
    %dma_wait3A_1108 = tpu.memref_squeeze %dma_wait3A_1107 : memref<1x1x100001xf32, #tpu.memory_space<hbm>> -> memref<100001xf32, #tpu.memory_space<hbm>>
    tpu.wait_dma2 semaphore(%arg9 : memref<!tpu.dma_semaphore, #tpu.memory_space<semaphore_mem>>) src(%dma_wait3A_1108 : memref<100001xf32, #tpu.memory_space<hbm>>) dst(%arg6 : memref<100001xf32, #tpu.memory_space<vmem>>)
    %dma_wait3A_1109 = arith.constant 0 : i32
    %dma_wait3A_1110 = arith.constant 0 : i32
    %dma_wait3A_1111 = arith.constant 0 : i32
    %dma_wait3A_1112 = tpu.memref_slice %arg7[%dma_wait3A_1109, %dma_wait3A_1110, %dma_wait3A_1111] : memref<2x1x4096xf32, #tpu.memory_space<vmem>> -> memref<1x1x4096xf32, #tpu.memory_space<vmem>>
    %dma_wait3A_1113 = arith.constant 0 : i32
    %dma_wait3A_1114 = arith.constant 0 : i32
    %dma_wait3A_1115 = arith.constant 0 : i32
    %dma_wait3A_1116 = tpu.memref_slice %arg4[%dma_wait3A_1113, %dma_wait3A_1114, %dma_wait3A_1115] : memref<26x32x4096xf32, #tpu.memory_space<hbm>> -> memref<1x1x4096xf32, #tpu.memory_space<hbm>>
    %dma_wait3A_1117 = arith.constant 0 : i32
    %dma_wait3A_1118 = arith.constant 0 : i32
    %dma_wait3A_1119 = arith.constant 0 : i32
    %dma_wait3A_1120 = tpu.memref_slice %arg4[%dma_wait3A_1117, %dma_wait3A_1118, %dma_wait3A_1119] : memref<26x32x4096xf32, #tpu.memory_space<hbm>> -> memref<1x1x4096xf32, #tpu.memory_space<hbm>>
    %dma_wait3A_1121 = arith.constant 0 : i32
    %dma_wait3A_1122 = arith.constant 0 : i32
    %dma_wait3A_1123 = arith.constant 0 : i32
    %dma_wait3A_1124 = tpu.memref_slice %arg7[%dma_wait3A_1121, %dma_wait3A_1122, %dma_wait3A_1123] : memref<2x1x4096xf32, #tpu.memory_space<vmem>> -> memref<1x1x4096xf32, #tpu.memory_space<vmem>>
    tpu.wait_dma2 semaphore(%arg10 : memref<!tpu.dma_semaphore, #tpu.memory_space<semaphore_mem>>) src(%dma_wait3A_1124 : memref<1x1x4096xf32, #tpu.memory_space<vmem>>) dst(%dma_wait3A_1120 : memref<1x1x4096xf32, #tpu.memory_space<hbm>>)
    %scan3A_1125 = arith.constant 0 : i32
    %scan3A_1126 = arith.constant 0 : i32
    %scan3A_1127 = arith.constant 256 : i32
    %scan3A_1128 = arith.addi %scan3A_1126, %scan3A_1127 : i32
    %scan3A_1129 = arith.constant 1 : i32
    %scan3A_1130 = scf.for %scan3A_1446 = %scan3A_1126 to %scan3A_1128 step %scan3A_1129 iter_args(%scan3A_1447 = %scan3A_1125) -> (i32)  : i32 {
      %mul3A_1448 = arith.constant 16 : i32
      %mul3A_1449 = arith.muli %scan3A_1446, %mul3A_1448 : i32
      %get3A = arith.index_cast %sub3A_1096 : i32 to index
      %get3A_1450 = arith.index_cast %mul3A_1449 : i32 to index
      %get3A_1451 = tpu.vector_load %arg5[%get3A, %get3A_1450] {strides = array<i32>} : memref<2x4096xi32, #tpu.memory_space<vmem>>, vector<16xi32>,
      %gather3A = tpu.vector_load_idx %arg6[%get3A_1451] : memref<100001xf32, #tpu.memory_space<vmem>>[vector<16xi32>], vector<16xf32>,
      %swap3A = arith.constant 0 : i32
      %swap3A_1452 = arith.constant 0 : i32
      %swap3A_1453 = arith.index_cast %swap3A : i32 to index
      %swap3A_1454 = arith.index_cast %swap3A_1452 : i32 to index
      %swap3A_1455 = arith.index_cast %mul3A_1449 : i32 to index
      %swap3A_1456 = tpu.vector_load %arg7[%swap3A_1453, %swap3A_1454, %swap3A_1455] {strides = array<i32>} : memref<2x1x4096xf32, #tpu.memory_space<vmem>>, vector<16xf32>,
      tpu.vector_store %arg7[%swap3A_1453, %swap3A_1454, %swap3A_1455], %gather3A {strides = array<i32>} : memref<2x1x4096xf32, #tpu.memory_space<vmem>>, vector<16xf32>,
      %scan3A_1457 = arith.constant 0 : i32
      scf.yield %scan3A_1457 : i32
    }
    %scan3A_1131 = arith.constant 256 : i32
    %dma_start3A_1132 = arith.constant 0 : i32
    %dma_start3A_1133 = arith.constant 0 : i32
    %dma_start3A_1134 = arith.constant 0 : i32
    %dma_start3A_1135 = tpu.memref_slice %arg7[%dma_start3A_1132, %dma_start3A_1133, %dma_start3A_1134] : memref<2x1x4096xf32, #tpu.memory_space<vmem>> -> memref<1x1x4096xf32, #tpu.memory_space<vmem>>
    %dma_start3A_1136 = arith.constant 0 : i32
    %dma_start3A_1137 = tpu.memref_slice %arg4[%shift_right_logical3A_1093, %and3A_1095, %dma_start3A_1136] : memref<26x32x4096xf32, #tpu.memory_space<hbm>> -> memref<1x1x4096xf32, #tpu.memory_space<hbm>>
    %dma_start3A_1138 = arith.constant 0 : i32
    %dma_start3A_1139 = tpu.memref_slice %arg4[%shift_right_logical3A_1093, %and3A_1095, %dma_start3A_1138] : memref<26x32x4096xf32, #tpu.memory_space<hbm>> -> memref<1x1x4096xf32, #tpu.memory_space<hbm>>
    %dma_start3A_1140 = arith.constant 0 : i32
    %dma_start3A_1141 = arith.constant 0 : i32
    %dma_start3A_1142 = arith.constant 0 : i32
    %dma_start3A_1143 = tpu.memref_slice %arg7[%dma_start3A_1140, %dma_start3A_1141, %dma_start3A_1142] : memref<2x1x4096xf32, #tpu.memory_space<vmem>> -> memref<1x1x4096xf32, #tpu.memory_space<vmem>>
    tpu.enqueue_dma source(%dma_start3A_1143 : memref<1x1x4096xf32, #tpu.memory_space<vmem>>) target(%dma_start3A_1139 : memref<1x1x4096xf32, #tpu.memory_space<hbm>>) target_semaphore(%arg10 : memref<!tpu.dma_semaphore, #tpu.memory_space<semaphore_mem>>)
    %add3A_1144 = arith.constant 21 : i32
    %add3A_1145 = arith.addi %mul3A_2, %add3A_1144 : i32
    %shift_right_logical3A_1146 = arith.constant 5 : i32
    %shift_right_logical3A_1147 = arith.shrui %add3A_1145, %shift_right_logical3A_1146 : i32
    %and3A_1148 = arith.constant 31 : i32
    %and3A_1149 = arith.andi %add3A_1145, %and3A_1148 : i32
    %sub3A_1150 = arith.subi %shift_right_logical3A_1147, %shift_right_logical3A_3 : i32
    %dma_start3A_1151 = arith.constant 0 : i32
    %dma_start3A_1152 = tpu.memref_slice %arg3[%shift_right_logical3A_1147, %and3A_1149, %dma_start3A_1151] : memref<26x32x100001xf32, #tpu.memory_space<hbm>> -> memref<1x1x100001xf32, #tpu.memory_space<hbm>>
    %dma_start3A_1153 = tpu.memref_squeeze %dma_start3A_1152 : memref<1x1x100001xf32, #tpu.memory_space<hbm>> -> memref<100001xf32, #tpu.memory_space<hbm>>
    %dma_start3A_1154 = arith.constant 0 : i32
    %dma_start3A_1155 = tpu.memref_slice %arg3[%shift_right_logical3A_1147, %and3A_1149, %dma_start3A_1154] : memref<26x32x100001xf32, #tpu.memory_space<hbm>> -> memref<1x1x100001xf32, #tpu.memory_space<hbm>>
    %dma_start3A_1156 = tpu.memref_squeeze %dma_start3A_1155 : memref<1x1x100001xf32, #tpu.memory_space<hbm>> -> memref<100001xf32, #tpu.memory_space<hbm>>
    tpu.enqueue_dma source(%dma_start3A_1156 : memref<100001xf32, #tpu.memory_space<hbm>>) target(%arg6 : memref<100001xf32, #tpu.memory_space<vmem>>) target_semaphore(%arg9 : memref<!tpu.dma_semaphore, #tpu.memory_space<semaphore_mem>>)
    %dma_wait3A_1157 = arith.constant 0 : i32
    %dma_wait3A_1158 = tpu.memref_slice %arg3[%shift_right_logical3A_1147, %and3A_1149, %dma_wait3A_1157] : memref<26x32x100001xf32, #tpu.memory_space<hbm>> -> memref<1x1x100001xf32, #tpu.memory_space<hbm>>
    %dma_wait3A_1159 = tpu.memref_squeeze %dma_wait3A_1158 : memref<1x1x100001xf32, #tpu.memory_space<hbm>> -> memref<100001xf32, #tpu.memory_space<hbm>>
    %dma_wait3A_1160 = arith.constant 0 : i32
    %dma_wait3A_1161 = tpu.memref_slice %arg3[%shift_right_logical3A_1147, %and3A_1149, %dma_wait3A_1160] : memref<26x32x100001xf32, #tpu.memory_space<hbm>> -> memref<1x1x100001xf32, #tpu.memory_space<hbm>>
    %dma_wait3A_1162 = tpu.memref_squeeze %dma_wait3A_1161 : memref<1x1x100001xf32, #tpu.memory_space<hbm>> -> memref<100001xf32, #tpu.memory_space<hbm>>
    tpu.wait_dma2 semaphore(%arg9 : memref<!tpu.dma_semaphore, #tpu.memory_space<semaphore_mem>>) src(%dma_wait3A_1162 : memref<100001xf32, #tpu.memory_space<hbm>>) dst(%arg6 : memref<100001xf32, #tpu.memory_space<vmem>>)
    %dma_wait3A_1163 = arith.constant 1 : i32
    %dma_wait3A_1164 = arith.constant 0 : i32
    %dma_wait3A_1165 = arith.constant 0 : i32
    %dma_wait3A_1166 = tpu.memref_slice %arg7[%dma_wait3A_1163, %dma_wait3A_1164, %dma_wait3A_1165] : memref<2x1x4096xf32, #tpu.memory_space<vmem>> -> memref<1x1x4096xf32, #tpu.memory_space<vmem>>
    %dma_wait3A_1167 = arith.constant 0 : i32
    %dma_wait3A_1168 = arith.constant 0 : i32
    %dma_wait3A_1169 = arith.constant 0 : i32
    %dma_wait3A_1170 = tpu.memref_slice %arg4[%dma_wait3A_1167, %dma_wait3A_1168, %dma_wait3A_1169] : memref<26x32x4096xf32, #tpu.memory_space<hbm>> -> memref<1x1x4096xf32, #tpu.memory_space<hbm>>
    %dma_wait3A_1171 = arith.constant 0 : i32
    %dma_wait3A_1172 = arith.constant 0 : i32
    %dma_wait3A_1173 = arith.constant 0 : i32
    %dma_wait3A_1174 = tpu.memref_slice %arg4[%dma_wait3A_1171, %dma_wait3A_1172, %dma_wait3A_1173] : memref<26x32x4096xf32, #tpu.memory_space<hbm>> -> memref<1x1x4096xf32, #tpu.memory_space<hbm>>
    %dma_wait3A_1175 = arith.constant 1 : i32
    %dma_wait3A_1176 = arith.constant 0 : i32
    %dma_wait3A_1177 = arith.constant 0 : i32
    %dma_wait3A_1178 = tpu.memref_slice %arg7[%dma_wait3A_1175, %dma_wait3A_1176, %dma_wait3A_1177] : memref<2x1x4096xf32, #tpu.memory_space<vmem>> -> memref<1x1x4096xf32, #tpu.memory_space<vmem>>
    tpu.wait_dma2 semaphore(%arg10 : memref<!tpu.dma_semaphore, #tpu.memory_space<semaphore_mem>>) src(%dma_wait3A_1178 : memref<1x1x4096xf32, #tpu.memory_space<vmem>>) dst(%dma_wait3A_1174 : memref<1x1x4096xf32, #tpu.memory_space<hbm>>)
    %scan3A_1179 = arith.constant 0 : i32
    %scan3A_1180 = arith.constant 0 : i32
    %scan3A_1181 = arith.constant 256 : i32
    %scan3A_1182 = arith.addi %scan3A_1180, %scan3A_1181 : i32
    %scan3A_1183 = arith.constant 1 : i32
    %scan3A_1184 = scf.for %scan3A_1446 = %scan3A_1180 to %scan3A_1182 step %scan3A_1183 iter_args(%scan3A_1447 = %scan3A_1179) -> (i32)  : i32 {
      %mul3A_1448 = arith.constant 16 : i32
      %mul3A_1449 = arith.muli %scan3A_1446, %mul3A_1448 : i32
      %get3A = arith.index_cast %sub3A_1150 : i32 to index
      %get3A_1450 = arith.index_cast %mul3A_1449 : i32 to index
      %get3A_1451 = tpu.vector_load %arg5[%get3A, %get3A_1450] {strides = array<i32>} : memref<2x4096xi32, #tpu.memory_space<vmem>>, vector<16xi32>,
      %gather3A = tpu.vector_load_idx %arg6[%get3A_1451] : memref<100001xf32, #tpu.memory_space<vmem>>[vector<16xi32>], vector<16xf32>,
      %swap3A = arith.constant 1 : i32
      %swap3A_1452 = arith.constant 0 : i32
      %swap3A_1453 = arith.index_cast %swap3A : i32 to index
      %swap3A_1454 = arith.index_cast %swap3A_1452 : i32 to index
      %swap3A_1455 = arith.index_cast %mul3A_1449 : i32 to index
      %swap3A_1456 = tpu.vector_load %arg7[%swap3A_1453, %swap3A_1454, %swap3A_1455] {strides = array<i32>} : memref<2x1x4096xf32, #tpu.memory_space<vmem>>, vector<16xf32>,
      tpu.vector_store %arg7[%swap3A_1453, %swap3A_1454, %swap3A_1455], %gather3A {strides = array<i32>} : memref<2x1x4096xf32, #tpu.memory_space<vmem>>, vector<16xf32>,
      %scan3A_1457 = arith.constant 0 : i32
      scf.yield %scan3A_1457 : i32
    }
    %scan3A_1185 = arith.constant 256 : i32
    %dma_start3A_1186 = arith.constant 1 : i32
    %dma_start3A_1187 = arith.constant 0 : i32
    %dma_start3A_1188 = arith.constant 0 : i32
    %dma_start3A_1189 = tpu.memref_slice %arg7[%dma_start3A_1186, %dma_start3A_1187, %dma_start3A_1188] : memref<2x1x4096xf32, #tpu.memory_space<vmem>> -> memref<1x1x4096xf32, #tpu.memory_space<vmem>>
    %dma_start3A_1190 = arith.constant 0 : i32
    %dma_start3A_1191 = tpu.memref_slice %arg4[%shift_right_logical3A_1147, %and3A_1149, %dma_start3A_1190] : memref<26x32x4096xf32, #tpu.memory_space<hbm>> -> memref<1x1x4096xf32, #tpu.memory_space<hbm>>
    %dma_start3A_1192 = arith.constant 0 : i32
    %dma_start3A_1193 = tpu.memref_slice %arg4[%shift_right_logical3A_1147, %and3A_1149, %dma_start3A_1192] : memref<26x32x4096xf32, #tpu.memory_space<hbm>> -> memref<1x1x4096xf32, #tpu.memory_space<hbm>>
    %dma_start3A_1194 = arith.constant 1 : i32
    %dma_start3A_1195 = arith.constant 0 : i32
    %dma_start3A_1196 = arith.constant 0 : i32
    %dma_start3A_1197 = tpu.memref_slice %arg7[%dma_start3A_1194, %dma_start3A_1195, %dma_start3A_1196] : memref<2x1x4096xf32, #tpu.memory_space<vmem>> -> memref<1x1x4096xf32, #tpu.memory_space<vmem>>
    tpu.enqueue_dma source(%dma_start3A_1197 : memref<1x1x4096xf32, #tpu.memory_space<vmem>>) target(%dma_start3A_1193 : memref<1x1x4096xf32, #tpu.memory_space<hbm>>) target_semaphore(%arg10 : memref<!tpu.dma_semaphore, #tpu.memory_space<semaphore_mem>>)
    %add3A_1198 = arith.constant 22 : i32
    %add3A_1199 = arith.addi %mul3A_2, %add3A_1198 : i32
    %shift_right_logical3A_1200 = arith.constant 5 : i32
    %shift_right_logical3A_1201 = arith.shrui %add3A_1199, %shift_right_logical3A_1200 : i32
    %and3A_1202 = arith.constant 31 : i32
    %and3A_1203 = arith.andi %add3A_1199, %and3A_1202 : i32
    %sub3A_1204 = arith.subi %shift_right_logical3A_1201, %shift_right_logical3A_3 : i32
    %dma_start3A_1205 = arith.constant 0 : i32
    %dma_start3A_1206 = tpu.memref_slice %arg3[%shift_right_logical3A_1201, %and3A_1203, %dma_start3A_1205] : memref<26x32x100001xf32, #tpu.memory_space<hbm>> -> memref<1x1x100001xf32, #tpu.memory_space<hbm>>
    %dma_start3A_1207 = tpu.memref_squeeze %dma_start3A_1206 : memref<1x1x100001xf32, #tpu.memory_space<hbm>> -> memref<100001xf32, #tpu.memory_space<hbm>>
    %dma_start3A_1208 = arith.constant 0 : i32
    %dma_start3A_1209 = tpu.memref_slice %arg3[%shift_right_logical3A_1201, %and3A_1203, %dma_start3A_1208] : memref<26x32x100001xf32, #tpu.memory_space<hbm>> -> memref<1x1x100001xf32, #tpu.memory_space<hbm>>
    %dma_start3A_1210 = tpu.memref_squeeze %dma_start3A_1209 : memref<1x1x100001xf32, #tpu.memory_space<hbm>> -> memref<100001xf32, #tpu.memory_space<hbm>>
    tpu.enqueue_dma source(%dma_start3A_1210 : memref<100001xf32, #tpu.memory_space<hbm>>) target(%arg6 : memref<100001xf32, #tpu.memory_space<vmem>>) target_semaphore(%arg9 : memref<!tpu.dma_semaphore, #tpu.memory_space<semaphore_mem>>)
    %dma_wait3A_1211 = arith.constant 0 : i32
    %dma_wait3A_1212 = tpu.memref_slice %arg3[%shift_right_logical3A_1201, %and3A_1203, %dma_wait3A_1211] : memref<26x32x100001xf32, #tpu.memory_space<hbm>> -> memref<1x1x100001xf32, #tpu.memory_space<hbm>>
    %dma_wait3A_1213 = tpu.memref_squeeze %dma_wait3A_1212 : memref<1x1x100001xf32, #tpu.memory_space<hbm>> -> memref<100001xf32, #tpu.memory_space<hbm>>
    %dma_wait3A_1214 = arith.constant 0 : i32
    %dma_wait3A_1215 = tpu.memref_slice %arg3[%shift_right_logical3A_1201, %and3A_1203, %dma_wait3A_1214] : memref<26x32x100001xf32, #tpu.memory_space<hbm>> -> memref<1x1x100001xf32, #tpu.memory_space<hbm>>
    %dma_wait3A_1216 = tpu.memref_squeeze %dma_wait3A_1215 : memref<1x1x100001xf32, #tpu.memory_space<hbm>> -> memref<100001xf32, #tpu.memory_space<hbm>>
    tpu.wait_dma2 semaphore(%arg9 : memref<!tpu.dma_semaphore, #tpu.memory_space<semaphore_mem>>) src(%dma_wait3A_1216 : memref<100001xf32, #tpu.memory_space<hbm>>) dst(%arg6 : memref<100001xf32, #tpu.memory_space<vmem>>)
    %dma_wait3A_1217 = arith.constant 0 : i32
    %dma_wait3A_1218 = arith.constant 0 : i32
    %dma_wait3A_1219 = arith.constant 0 : i32
    %dma_wait3A_1220 = tpu.memref_slice %arg7[%dma_wait3A_1217, %dma_wait3A_1218, %dma_wait3A_1219] : memref<2x1x4096xf32, #tpu.memory_space<vmem>> -> memref<1x1x4096xf32, #tpu.memory_space<vmem>>
    %dma_wait3A_1221 = arith.constant 0 : i32
    %dma_wait3A_1222 = arith.constant 0 : i32
    %dma_wait3A_1223 = arith.constant 0 : i32
    %dma_wait3A_1224 = tpu.memref_slice %arg4[%dma_wait3A_1221, %dma_wait3A_1222, %dma_wait3A_1223] : memref<26x32x4096xf32, #tpu.memory_space<hbm>> -> memref<1x1x4096xf32, #tpu.memory_space<hbm>>
    %dma_wait3A_1225 = arith.constant 0 : i32
    %dma_wait3A_1226 = arith.constant 0 : i32
    %dma_wait3A_1227 = arith.constant 0 : i32
    %dma_wait3A_1228 = tpu.memref_slice %arg4[%dma_wait3A_1225, %dma_wait3A_1226, %dma_wait3A_1227] : memref<26x32x4096xf32, #tpu.memory_space<hbm>> -> memref<1x1x4096xf32, #tpu.memory_space<hbm>>
    %dma_wait3A_1229 = arith.constant 0 : i32
    %dma_wait3A_1230 = arith.constant 0 : i32
    %dma_wait3A_1231 = arith.constant 0 : i32
    %dma_wait3A_1232 = tpu.memref_slice %arg7[%dma_wait3A_1229, %dma_wait3A_1230, %dma_wait3A_1231] : memref<2x1x4096xf32, #tpu.memory_space<vmem>> -> memref<1x1x4096xf32, #tpu.memory_space<vmem>>
    tpu.wait_dma2 semaphore(%arg10 : memref<!tpu.dma_semaphore, #tpu.memory_space<semaphore_mem>>) src(%dma_wait3A_1232 : memref<1x1x4096xf32, #tpu.memory_space<vmem>>) dst(%dma_wait3A_1228 : memref<1x1x4096xf32, #tpu.memory_space<hbm>>)
    %scan3A_1233 = arith.constant 0 : i32
    %scan3A_1234 = arith.constant 0 : i32
    %scan3A_1235 = arith.constant 256 : i32
    %scan3A_1236 = arith.addi %scan3A_1234, %scan3A_1235 : i32
    %scan3A_1237 = arith.constant 1 : i32
    %scan3A_1238 = scf.for %scan3A_1446 = %scan3A_1234 to %scan3A_1236 step %scan3A_1237 iter_args(%scan3A_1447 = %scan3A_1233) -> (i32)  : i32 {
      %mul3A_1448 = arith.constant 16 : i32
      %mul3A_1449 = arith.muli %scan3A_1446, %mul3A_1448 : i32
      %get3A = arith.index_cast %sub3A_1204 : i32 to index
      %get3A_1450 = arith.index_cast %mul3A_1449 : i32 to index
      %get3A_1451 = tpu.vector_load %arg5[%get3A, %get3A_1450] {strides = array<i32>} : memref<2x4096xi32, #tpu.memory_space<vmem>>, vector<16xi32>,
      %gather3A = tpu.vector_load_idx %arg6[%get3A_1451] : memref<100001xf32, #tpu.memory_space<vmem>>[vector<16xi32>], vector<16xf32>,
      %swap3A = arith.constant 0 : i32
      %swap3A_1452 = arith.constant 0 : i32
      %swap3A_1453 = arith.index_cast %swap3A : i32 to index
      %swap3A_1454 = arith.index_cast %swap3A_1452 : i32 to index
      %swap3A_1455 = arith.index_cast %mul3A_1449 : i32 to index
      %swap3A_1456 = tpu.vector_load %arg7[%swap3A_1453, %swap3A_1454, %swap3A_1455] {strides = array<i32>} : memref<2x1x4096xf32, #tpu.memory_space<vmem>>, vector<16xf32>,
      tpu.vector_store %arg7[%swap3A_1453, %swap3A_1454, %swap3A_1455], %gather3A {strides = array<i32>} : memref<2x1x4096xf32, #tpu.memory_space<vmem>>, vector<16xf32>,
      %scan3A_1457 = arith.constant 0 : i32
      scf.yield %scan3A_1457 : i32
    }
    %scan3A_1239 = arith.constant 256 : i32
    %dma_start3A_1240 = arith.constant 0 : i32
    %dma_start3A_1241 = arith.constant 0 : i32
    %dma_start3A_1242 = arith.constant 0 : i32
    %dma_start3A_1243 = tpu.memref_slice %arg7[%dma_start3A_1240, %dma_start3A_1241, %dma_start3A_1242] : memref<2x1x4096xf32, #tpu.memory_space<vmem>> -> memref<1x1x4096xf32, #tpu.memory_space<vmem>>
    %dma_start3A_1244 = arith.constant 0 : i32
    %dma_start3A_1245 = tpu.memref_slice %arg4[%shift_right_logical3A_1201, %and3A_1203, %dma_start3A_1244] : memref<26x32x4096xf32, #tpu.memory_space<hbm>> -> memref<1x1x4096xf32, #tpu.memory_space<hbm>>
    %dma_start3A_1246 = arith.constant 0 : i32
    %dma_start3A_1247 = tpu.memref_slice %arg4[%shift_right_logical3A_1201, %and3A_1203, %dma_start3A_1246] : memref<26x32x4096xf32, #tpu.memory_space<hbm>> -> memref<1x1x4096xf32, #tpu.memory_space<hbm>>
    %dma_start3A_1248 = arith.constant 0 : i32
    %dma_start3A_1249 = arith.constant 0 : i32
    %dma_start3A_1250 = arith.constant 0 : i32
    %dma_start3A_1251 = tpu.memref_slice %arg7[%dma_start3A_1248, %dma_start3A_1249, %dma_start3A_1250] : memref<2x1x4096xf32, #tpu.memory_space<vmem>> -> memref<1x1x4096xf32, #tpu.memory_space<vmem>>
    tpu.enqueue_dma source(%dma_start3A_1251 : memref<1x1x4096xf32, #tpu.memory_space<vmem>>) target(%dma_start3A_1247 : memref<1x1x4096xf32, #tpu.memory_space<hbm>>) target_semaphore(%arg10 : memref<!tpu.dma_semaphore, #tpu.memory_space<semaphore_mem>>)
    %add3A_1252 = arith.constant 23 : i32
    %add3A_1253 = arith.addi %mul3A_2, %add3A_1252 : i32
    %shift_right_logical3A_1254 = arith.constant 5 : i32
    %shift_right_logical3A_1255 = arith.shrui %add3A_1253, %shift_right_logical3A_1254 : i32
    %and3A_1256 = arith.constant 31 : i32
    %and3A_1257 = arith.andi %add3A_1253, %and3A_1256 : i32
    %sub3A_1258 = arith.subi %shift_right_logical3A_1255, %shift_right_logical3A_3 : i32
    %dma_start3A_1259 = arith.constant 0 : i32
    %dma_start3A_1260 = tpu.memref_slice %arg3[%shift_right_logical3A_1255, %and3A_1257, %dma_start3A_1259] : memref<26x32x100001xf32, #tpu.memory_space<hbm>> -> memref<1x1x100001xf32, #tpu.memory_space<hbm>>
    %dma_start3A_1261 = tpu.memref_squeeze %dma_start3A_1260 : memref<1x1x100001xf32, #tpu.memory_space<hbm>> -> memref<100001xf32, #tpu.memory_space<hbm>>
    %dma_start3A_1262 = arith.constant 0 : i32
    %dma_start3A_1263 = tpu.memref_slice %arg3[%shift_right_logical3A_1255, %and3A_1257, %dma_start3A_1262] : memref<26x32x100001xf32, #tpu.memory_space<hbm>> -> memref<1x1x100001xf32, #tpu.memory_space<hbm>>
    %dma_start3A_1264 = tpu.memref_squeeze %dma_start3A_1263 : memref<1x1x100001xf32, #tpu.memory_space<hbm>> -> memref<100001xf32, #tpu.memory_space<hbm>>
    tpu.enqueue_dma source(%dma_start3A_1264 : memref<100001xf32, #tpu.memory_space<hbm>>) target(%arg6 : memref<100001xf32, #tpu.memory_space<vmem>>) target_semaphore(%arg9 : memref<!tpu.dma_semaphore, #tpu.memory_space<semaphore_mem>>)
    %dma_wait3A_1265 = arith.constant 0 : i32
    %dma_wait3A_1266 = tpu.memref_slice %arg3[%shift_right_logical3A_1255, %and3A_1257, %dma_wait3A_1265] : memref<26x32x100001xf32, #tpu.memory_space<hbm>> -> memref<1x1x100001xf32, #tpu.memory_space<hbm>>
    %dma_wait3A_1267 = tpu.memref_squeeze %dma_wait3A_1266 : memref<1x1x100001xf32, #tpu.memory_space<hbm>> -> memref<100001xf32, #tpu.memory_space<hbm>>
    %dma_wait3A_1268 = arith.constant 0 : i32
    %dma_wait3A_1269 = tpu.memref_slice %arg3[%shift_right_logical3A_1255, %and3A_1257, %dma_wait3A_1268] : memref<26x32x100001xf32, #tpu.memory_space<hbm>> -> memref<1x1x100001xf32, #tpu.memory_space<hbm>>
    %dma_wait3A_1270 = tpu.memref_squeeze %dma_wait3A_1269 : memref<1x1x100001xf32, #tpu.memory_space<hbm>> -> memref<100001xf32, #tpu.memory_space<hbm>>
    tpu.wait_dma2 semaphore(%arg9 : memref<!tpu.dma_semaphore, #tpu.memory_space<semaphore_mem>>) src(%dma_wait3A_1270 : memref<100001xf32, #tpu.memory_space<hbm>>) dst(%arg6 : memref<100001xf32, #tpu.memory_space<vmem>>)
    %dma_wait3A_1271 = arith.constant 1 : i32
    %dma_wait3A_1272 = arith.constant 0 : i32
    %dma_wait3A_1273 = arith.constant 0 : i32
    %dma_wait3A_1274 = tpu.memref_slice %arg7[%dma_wait3A_1271, %dma_wait3A_1272, %dma_wait3A_1273] : memref<2x1x4096xf32, #tpu.memory_space<vmem>> -> memref<1x1x4096xf32, #tpu.memory_space<vmem>>
    %dma_wait3A_1275 = arith.constant 0 : i32
    %dma_wait3A_1276 = arith.constant 0 : i32
    %dma_wait3A_1277 = arith.constant 0 : i32
    %dma_wait3A_1278 = tpu.memref_slice %arg4[%dma_wait3A_1275, %dma_wait3A_1276, %dma_wait3A_1277] : memref<26x32x4096xf32, #tpu.memory_space<hbm>> -> memref<1x1x4096xf32, #tpu.memory_space<hbm>>
    %dma_wait3A_1279 = arith.constant 0 : i32
    %dma_wait3A_1280 = arith.constant 0 : i32
    %dma_wait3A_1281 = arith.constant 0 : i32
    %dma_wait3A_1282 = tpu.memref_slice %arg4[%dma_wait3A_1279, %dma_wait3A_1280, %dma_wait3A_1281] : memref<26x32x4096xf32, #tpu.memory_space<hbm>> -> memref<1x1x4096xf32, #tpu.memory_space<hbm>>
    %dma_wait3A_1283 = arith.constant 1 : i32
    %dma_wait3A_1284 = arith.constant 0 : i32
    %dma_wait3A_1285 = arith.constant 0 : i32
    %dma_wait3A_1286 = tpu.memref_slice %arg7[%dma_wait3A_1283, %dma_wait3A_1284, %dma_wait3A_1285] : memref<2x1x4096xf32, #tpu.memory_space<vmem>> -> memref<1x1x4096xf32, #tpu.memory_space<vmem>>
    tpu.wait_dma2 semaphore(%arg10 : memref<!tpu.dma_semaphore, #tpu.memory_space<semaphore_mem>>) src(%dma_wait3A_1286 : memref<1x1x4096xf32, #tpu.memory_space<vmem>>) dst(%dma_wait3A_1282 : memref<1x1x4096xf32, #tpu.memory_space<hbm>>)
    %scan3A_1287 = arith.constant 0 : i32
    %scan3A_1288 = arith.constant 0 : i32
    %scan3A_1289 = arith.constant 256 : i32
    %scan3A_1290 = arith.addi %scan3A_1288, %scan3A_1289 : i32
    %scan3A_1291 = arith.constant 1 : i32
    %scan3A_1292 = scf.for %scan3A_1446 = %scan3A_1288 to %scan3A_1290 step %scan3A_1291 iter_args(%scan3A_1447 = %scan3A_1287) -> (i32)  : i32 {
      %mul3A_1448 = arith.constant 16 : i32
      %mul3A_1449 = arith.muli %scan3A_1446, %mul3A_1448 : i32
      %get3A = arith.index_cast %sub3A_1258 : i32 to index
      %get3A_1450 = arith.index_cast %mul3A_1449 : i32 to index
      %get3A_1451 = tpu.vector_load %arg5[%get3A, %get3A_1450] {strides = array<i32>} : memref<2x4096xi32, #tpu.memory_space<vmem>>, vector<16xi32>,
      %gather3A = tpu.vector_load_idx %arg6[%get3A_1451] : memref<100001xf32, #tpu.memory_space<vmem>>[vector<16xi32>], vector<16xf32>,
      %swap3A = arith.constant 1 : i32
      %swap3A_1452 = arith.constant 0 : i32
      %swap3A_1453 = arith.index_cast %swap3A : i32 to index
      %swap3A_1454 = arith.index_cast %swap3A_1452 : i32 to index
      %swap3A_1455 = arith.index_cast %mul3A_1449 : i32 to index
      %swap3A_1456 = tpu.vector_load %arg7[%swap3A_1453, %swap3A_1454, %swap3A_1455] {strides = array<i32>} : memref<2x1x4096xf32, #tpu.memory_space<vmem>>, vector<16xf32>,
      tpu.vector_store %arg7[%swap3A_1453, %swap3A_1454, %swap3A_1455], %gather3A {strides = array<i32>} : memref<2x1x4096xf32, #tpu.memory_space<vmem>>, vector<16xf32>,
      %scan3A_1457 = arith.constant 0 : i32
      scf.yield %scan3A_1457 : i32
    }
    %scan3A_1293 = arith.constant 256 : i32
    %dma_start3A_1294 = arith.constant 1 : i32
    %dma_start3A_1295 = arith.constant 0 : i32
    %dma_start3A_1296 = arith.constant 0 : i32
    %dma_start3A_1297 = tpu.memref_slice %arg7[%dma_start3A_1294, %dma_start3A_1295, %dma_start3A_1296] : memref<2x1x4096xf32, #tpu.memory_space<vmem>> -> memref<1x1x4096xf32, #tpu.memory_space<vmem>>
    %dma_start3A_1298 = arith.constant 0 : i32
    %dma_start3A_1299 = tpu.memref_slice %arg4[%shift_right_logical3A_1255, %and3A_1257, %dma_start3A_1298] : memref<26x32x4096xf32, #tpu.memory_space<hbm>> -> memref<1x1x4096xf32, #tpu.memory_space<hbm>>
    %dma_start3A_1300 = arith.constant 0 : i32
    %dma_start3A_1301 = tpu.memref_slice %arg4[%shift_right_logical3A_1255, %and3A_1257, %dma_start3A_1300] : memref<26x32x4096xf32, #tpu.memory_space<hbm>> -> memref<1x1x4096xf32, #tpu.memory_space<hbm>>
    %dma_start3A_1302 = arith.constant 1 : i32
    %dma_start3A_1303 = arith.constant 0 : i32
    %dma_start3A_1304 = arith.constant 0 : i32
    %dma_start3A_1305 = tpu.memref_slice %arg7[%dma_start3A_1302, %dma_start3A_1303, %dma_start3A_1304] : memref<2x1x4096xf32, #tpu.memory_space<vmem>> -> memref<1x1x4096xf32, #tpu.memory_space<vmem>>
    tpu.enqueue_dma source(%dma_start3A_1305 : memref<1x1x4096xf32, #tpu.memory_space<vmem>>) target(%dma_start3A_1301 : memref<1x1x4096xf32, #tpu.memory_space<hbm>>) target_semaphore(%arg10 : memref<!tpu.dma_semaphore, #tpu.memory_space<semaphore_mem>>)
    %add3A_1306 = arith.constant 24 : i32
    %add3A_1307 = arith.addi %mul3A_2, %add3A_1306 : i32
    %shift_right_logical3A_1308 = arith.constant 5 : i32
    %shift_right_logical3A_1309 = arith.shrui %add3A_1307, %shift_right_logical3A_1308 : i32
    %and3A_1310 = arith.constant 31 : i32
    %and3A_1311 = arith.andi %add3A_1307, %and3A_1310 : i32
    %sub3A_1312 = arith.subi %shift_right_logical3A_1309, %shift_right_logical3A_3 : i32
    %dma_start3A_1313 = arith.constant 0 : i32
    %dma_start3A_1314 = tpu.memref_slice %arg3[%shift_right_logical3A_1309, %and3A_1311, %dma_start3A_1313] : memref<26x32x100001xf32, #tpu.memory_space<hbm>> -> memref<1x1x100001xf32, #tpu.memory_space<hbm>>
    %dma_start3A_1315 = tpu.memref_squeeze %dma_start3A_1314 : memref<1x1x100001xf32, #tpu.memory_space<hbm>> -> memref<100001xf32, #tpu.memory_space<hbm>>
    %dma_start3A_1316 = arith.constant 0 : i32
    %dma_start3A_1317 = tpu.memref_slice %arg3[%shift_right_logical3A_1309, %and3A_1311, %dma_start3A_1316] : memref<26x32x100001xf32, #tpu.memory_space<hbm>> -> memref<1x1x100001xf32, #tpu.memory_space<hbm>>
    %dma_start3A_1318 = tpu.memref_squeeze %dma_start3A_1317 : memref<1x1x100001xf32, #tpu.memory_space<hbm>> -> memref<100001xf32, #tpu.memory_space<hbm>>
    tpu.enqueue_dma source(%dma_start3A_1318 : memref<100001xf32, #tpu.memory_space<hbm>>) target(%arg6 : memref<100001xf32, #tpu.memory_space<vmem>>) target_semaphore(%arg9 : memref<!tpu.dma_semaphore, #tpu.memory_space<semaphore_mem>>)
    %dma_wait3A_1319 = arith.constant 0 : i32
    %dma_wait3A_1320 = tpu.memref_slice %arg3[%shift_right_logical3A_1309, %and3A_1311, %dma_wait3A_1319] : memref<26x32x100001xf32, #tpu.memory_space<hbm>> -> memref<1x1x100001xf32, #tpu.memory_space<hbm>>
    %dma_wait3A_1321 = tpu.memref_squeeze %dma_wait3A_1320 : memref<1x1x100001xf32, #tpu.memory_space<hbm>> -> memref<100001xf32, #tpu.memory_space<hbm>>
    %dma_wait3A_1322 = arith.constant 0 : i32
    %dma_wait3A_1323 = tpu.memref_slice %arg3[%shift_right_logical3A_1309, %and3A_1311, %dma_wait3A_1322] : memref<26x32x100001xf32, #tpu.memory_space<hbm>> -> memref<1x1x100001xf32, #tpu.memory_space<hbm>>
    %dma_wait3A_1324 = tpu.memref_squeeze %dma_wait3A_1323 : memref<1x1x100001xf32, #tpu.memory_space<hbm>> -> memref<100001xf32, #tpu.memory_space<hbm>>
    tpu.wait_dma2 semaphore(%arg9 : memref<!tpu.dma_semaphore, #tpu.memory_space<semaphore_mem>>) src(%dma_wait3A_1324 : memref<100001xf32, #tpu.memory_space<hbm>>) dst(%arg6 : memref<100001xf32, #tpu.memory_space<vmem>>)
    %dma_wait3A_1325 = arith.constant 0 : i32
    %dma_wait3A_1326 = arith.constant 0 : i32
    %dma_wait3A_1327 = arith.constant 0 : i32
    %dma_wait3A_1328 = tpu.memref_slice %arg7[%dma_wait3A_1325, %dma_wait3A_1326, %dma_wait3A_1327] : memref<2x1x4096xf32, #tpu.memory_space<vmem>> -> memref<1x1x4096xf32, #tpu.memory_space<vmem>>
    %dma_wait3A_1329 = arith.constant 0 : i32
    %dma_wait3A_1330 = arith.constant 0 : i32
    %dma_wait3A_1331 = arith.constant 0 : i32
    %dma_wait3A_1332 = tpu.memref_slice %arg4[%dma_wait3A_1329, %dma_wait3A_1330, %dma_wait3A_1331] : memref<26x32x4096xf32, #tpu.memory_space<hbm>> -> memref<1x1x4096xf32, #tpu.memory_space<hbm>>
    %dma_wait3A_1333 = arith.constant 0 : i32
    %dma_wait3A_1334 = arith.constant 0 : i32
    %dma_wait3A_1335 = arith.constant 0 : i32
    %dma_wait3A_1336 = tpu.memref_slice %arg4[%dma_wait3A_1333, %dma_wait3A_1334, %dma_wait3A_1335] : memref<26x32x4096xf32, #tpu.memory_space<hbm>> -> memref<1x1x4096xf32, #tpu.memory_space<hbm>>
    %dma_wait3A_1337 = arith.constant 0 : i32
    %dma_wait3A_1338 = arith.constant 0 : i32
    %dma_wait3A_1339 = arith.constant 0 : i32
    %dma_wait3A_1340 = tpu.memref_slice %arg7[%dma_wait3A_1337, %dma_wait3A_1338, %dma_wait3A_1339] : memref<2x1x4096xf32, #tpu.memory_space<vmem>> -> memref<1x1x4096xf32, #tpu.memory_space<vmem>>
    tpu.wait_dma2 semaphore(%arg10 : memref<!tpu.dma_semaphore, #tpu.memory_space<semaphore_mem>>) src(%dma_wait3A_1340 : memref<1x1x4096xf32, #tpu.memory_space<vmem>>) dst(%dma_wait3A_1336 : memref<1x1x4096xf32, #tpu.memory_space<hbm>>)
    %scan3A_1341 = arith.constant 0 : i32
    %scan3A_1342 = arith.constant 0 : i32
    %scan3A_1343 = arith.constant 256 : i32
    %scan3A_1344 = arith.addi %scan3A_1342, %scan3A_1343 : i32
    %scan3A_1345 = arith.constant 1 : i32
    %scan3A_1346 = scf.for %scan3A_1446 = %scan3A_1342 to %scan3A_1344 step %scan3A_1345 iter_args(%scan3A_1447 = %scan3A_1341) -> (i32)  : i32 {
      %mul3A_1448 = arith.constant 16 : i32
      %mul3A_1449 = arith.muli %scan3A_1446, %mul3A_1448 : i32
      %get3A = arith.index_cast %sub3A_1312 : i32 to index
      %get3A_1450 = arith.index_cast %mul3A_1449 : i32 to index
      %get3A_1451 = tpu.vector_load %arg5[%get3A, %get3A_1450] {strides = array<i32>} : memref<2x4096xi32, #tpu.memory_space<vmem>>, vector<16xi32>,
      %gather3A = tpu.vector_load_idx %arg6[%get3A_1451] : memref<100001xf32, #tpu.memory_space<vmem>>[vector<16xi32>], vector<16xf32>,
      %swap3A = arith.constant 0 : i32
      %swap3A_1452 = arith.constant 0 : i32
      %swap3A_1453 = arith.index_cast %swap3A : i32 to index
      %swap3A_1454 = arith.index_cast %swap3A_1452 : i32 to index
      %swap3A_1455 = arith.index_cast %mul3A_1449 : i32 to index
      %swap3A_1456 = tpu.vector_load %arg7[%swap3A_1453, %swap3A_1454, %swap3A_1455] {strides = array<i32>} : memref<2x1x4096xf32, #tpu.memory_space<vmem>>, vector<16xf32>,
      tpu.vector_store %arg7[%swap3A_1453, %swap3A_1454, %swap3A_1455], %gather3A {strides = array<i32>} : memref<2x1x4096xf32, #tpu.memory_space<vmem>>, vector<16xf32>,
      %scan3A_1457 = arith.constant 0 : i32
      scf.yield %scan3A_1457 : i32
    }
    %scan3A_1347 = arith.constant 256 : i32
    %dma_start3A_1348 = arith.constant 0 : i32
    %dma_start3A_1349 = arith.constant 0 : i32
    %dma_start3A_1350 = arith.constant 0 : i32
    %dma_start3A_1351 = tpu.memref_slice %arg7[%dma_start3A_1348, %dma_start3A_1349, %dma_start3A_1350] : memref<2x1x4096xf32, #tpu.memory_space<vmem>> -> memref<1x1x4096xf32, #tpu.memory_space<vmem>>
    %dma_start3A_1352 = arith.constant 0 : i32
    %dma_start3A_1353 = tpu.memref_slice %arg4[%shift_right_logical3A_1309, %and3A_1311, %dma_start3A_1352] : memref<26x32x4096xf32, #tpu.memory_space<hbm>> -> memref<1x1x4096xf32, #tpu.memory_space<hbm>>
    %dma_start3A_1354 = arith.constant 0 : i32
    %dma_start3A_1355 = tpu.memref_slice %arg4[%shift_right_logical3A_1309, %and3A_1311, %dma_start3A_1354] : memref<26x32x4096xf32, #tpu.memory_space<hbm>> -> memref<1x1x4096xf32, #tpu.memory_space<hbm>>
    %dma_start3A_1356 = arith.constant 0 : i32
    %dma_start3A_1357 = arith.constant 0 : i32
    %dma_start3A_1358 = arith.constant 0 : i32
    %dma_start3A_1359 = tpu.memref_slice %arg7[%dma_start3A_1356, %dma_start3A_1357, %dma_start3A_1358] : memref<2x1x4096xf32, #tpu.memory_space<vmem>> -> memref<1x1x4096xf32, #tpu.memory_space<vmem>>
    tpu.enqueue_dma source(%dma_start3A_1359 : memref<1x1x4096xf32, #tpu.memory_space<vmem>>) target(%dma_start3A_1355 : memref<1x1x4096xf32, #tpu.memory_space<hbm>>) target_semaphore(%arg10 : memref<!tpu.dma_semaphore, #tpu.memory_space<semaphore_mem>>)
    %add3A_1360 = arith.constant 25 : i32
    %add3A_1361 = arith.addi %mul3A_2, %add3A_1360 : i32
    %shift_right_logical3A_1362 = arith.constant 5 : i32
    %shift_right_logical3A_1363 = arith.shrui %add3A_1361, %shift_right_logical3A_1362 : i32
    %and3A_1364 = arith.constant 31 : i32
    %and3A_1365 = arith.andi %add3A_1361, %and3A_1364 : i32
    %sub3A_1366 = arith.subi %shift_right_logical3A_1363, %shift_right_logical3A_3 : i32
    %dma_start3A_1367 = arith.constant 0 : i32
    %dma_start3A_1368 = tpu.memref_slice %arg3[%shift_right_logical3A_1363, %and3A_1365, %dma_start3A_1367] : memref<26x32x100001xf32, #tpu.memory_space<hbm>> -> memref<1x1x100001xf32, #tpu.memory_space<hbm>>
    %dma_start3A_1369 = tpu.memref_squeeze %dma_start3A_1368 : memref<1x1x100001xf32, #tpu.memory_space<hbm>> -> memref<100001xf32, #tpu.memory_space<hbm>>
    %dma_start3A_1370 = arith.constant 0 : i32
    %dma_start3A_1371 = tpu.memref_slice %arg3[%shift_right_logical3A_1363, %and3A_1365, %dma_start3A_1370] : memref<26x32x100001xf32, #tpu.memory_space<hbm>> -> memref<1x1x100001xf32, #tpu.memory_space<hbm>>
    %dma_start3A_1372 = tpu.memref_squeeze %dma_start3A_1371 : memref<1x1x100001xf32, #tpu.memory_space<hbm>> -> memref<100001xf32, #tpu.memory_space<hbm>>
    tpu.enqueue_dma source(%dma_start3A_1372 : memref<100001xf32, #tpu.memory_space<hbm>>) target(%arg6 : memref<100001xf32, #tpu.memory_space<vmem>>) target_semaphore(%arg9 : memref<!tpu.dma_semaphore, #tpu.memory_space<semaphore_mem>>)
    %dma_wait3A_1373 = arith.constant 0 : i32
    %dma_wait3A_1374 = tpu.memref_slice %arg3[%shift_right_logical3A_1363, %and3A_1365, %dma_wait3A_1373] : memref<26x32x100001xf32, #tpu.memory_space<hbm>> -> memref<1x1x100001xf32, #tpu.memory_space<hbm>>
    %dma_wait3A_1375 = tpu.memref_squeeze %dma_wait3A_1374 : memref<1x1x100001xf32, #tpu.memory_space<hbm>> -> memref<100001xf32, #tpu.memory_space<hbm>>
    %dma_wait3A_1376 = arith.constant 0 : i32
    %dma_wait3A_1377 = tpu.memref_slice %arg3[%shift_right_logical3A_1363, %and3A_1365, %dma_wait3A_1376] : memref<26x32x100001xf32, #tpu.memory_space<hbm>> -> memref<1x1x100001xf32, #tpu.memory_space<hbm>>
    %dma_wait3A_1378 = tpu.memref_squeeze %dma_wait3A_1377 : memref<1x1x100001xf32, #tpu.memory_space<hbm>> -> memref<100001xf32, #tpu.memory_space<hbm>>
    tpu.wait_dma2 semaphore(%arg9 : memref<!tpu.dma_semaphore, #tpu.memory_space<semaphore_mem>>) src(%dma_wait3A_1378 : memref<100001xf32, #tpu.memory_space<hbm>>) dst(%arg6 : memref<100001xf32, #tpu.memory_space<vmem>>)
    %dma_wait3A_1379 = arith.constant 1 : i32
    %dma_wait3A_1380 = arith.constant 0 : i32
    %dma_wait3A_1381 = arith.constant 0 : i32
    %dma_wait3A_1382 = tpu.memref_slice %arg7[%dma_wait3A_1379, %dma_wait3A_1380, %dma_wait3A_1381] : memref<2x1x4096xf32, #tpu.memory_space<vmem>> -> memref<1x1x4096xf32, #tpu.memory_space<vmem>>
    %dma_wait3A_1383 = arith.constant 0 : i32
    %dma_wait3A_1384 = arith.constant 0 : i32
    %dma_wait3A_1385 = arith.constant 0 : i32
    %dma_wait3A_1386 = tpu.memref_slice %arg4[%dma_wait3A_1383, %dma_wait3A_1384, %dma_wait3A_1385] : memref<26x32x4096xf32, #tpu.memory_space<hbm>> -> memref<1x1x4096xf32, #tpu.memory_space<hbm>>
    %dma_wait3A_1387 = arith.constant 0 : i32
    %dma_wait3A_1388 = arith.constant 0 : i32
    %dma_wait3A_1389 = arith.constant 0 : i32
    %dma_wait3A_1390 = tpu.memref_slice %arg4[%dma_wait3A_1387, %dma_wait3A_1388, %dma_wait3A_1389] : memref<26x32x4096xf32, #tpu.memory_space<hbm>> -> memref<1x1x4096xf32, #tpu.memory_space<hbm>>
    %dma_wait3A_1391 = arith.constant 1 : i32
    %dma_wait3A_1392 = arith.constant 0 : i32
    %dma_wait3A_1393 = arith.constant 0 : i32
    %dma_wait3A_1394 = tpu.memref_slice %arg7[%dma_wait3A_1391, %dma_wait3A_1392, %dma_wait3A_1393] : memref<2x1x4096xf32, #tpu.memory_space<vmem>> -> memref<1x1x4096xf32, #tpu.memory_space<vmem>>
    tpu.wait_dma2 semaphore(%arg10 : memref<!tpu.dma_semaphore, #tpu.memory_space<semaphore_mem>>) src(%dma_wait3A_1394 : memref<1x1x4096xf32, #tpu.memory_space<vmem>>) dst(%dma_wait3A_1390 : memref<1x1x4096xf32, #tpu.memory_space<hbm>>)
    %scan3A_1395 = arith.constant 0 : i32
    %scan3A_1396 = arith.constant 0 : i32
    %scan3A_1397 = arith.constant 256 : i32
    %scan3A_1398 = arith.addi %scan3A_1396, %scan3A_1397 : i32
    %scan3A_1399 = arith.constant 1 : i32
    %scan3A_1400 = scf.for %scan3A_1446 = %scan3A_1396 to %scan3A_1398 step %scan3A_1399 iter_args(%scan3A_1447 = %scan3A_1395) -> (i32)  : i32 {
      %mul3A_1448 = arith.constant 16 : i32
      %mul3A_1449 = arith.muli %scan3A_1446, %mul3A_1448 : i32
      %get3A = arith.index_cast %sub3A_1366 : i32 to index
      %get3A_1450 = arith.index_cast %mul3A_1449 : i32 to index
      %get3A_1451 = tpu.vector_load %arg5[%get3A, %get3A_1450] {strides = array<i32>} : memref<2x4096xi32, #tpu.memory_space<vmem>>, vector<16xi32>,
      %gather3A = tpu.vector_load_idx %arg6[%get3A_1451] : memref<100001xf32, #tpu.memory_space<vmem>>[vector<16xi32>], vector<16xf32>,
      %swap3A = arith.constant 1 : i32
      %swap3A_1452 = arith.constant 0 : i32
      %swap3A_1453 = arith.index_cast %swap3A : i32 to index
      %swap3A_1454 = arith.index_cast %swap3A_1452 : i32 to index
      %swap3A_1455 = arith.index_cast %mul3A_1449 : i32 to index
      %swap3A_1456 = tpu.vector_load %arg7[%swap3A_1453, %swap3A_1454, %swap3A_1455] {strides = array<i32>} : memref<2x1x4096xf32, #tpu.memory_space<vmem>>, vector<16xf32>,
      tpu.vector_store %arg7[%swap3A_1453, %swap3A_1454, %swap3A_1455], %gather3A {strides = array<i32>} : memref<2x1x4096xf32, #tpu.memory_space<vmem>>, vector<16xf32>,
      %scan3A_1457 = arith.constant 0 : i32
      scf.yield %scan3A_1457 : i32
    }
    %scan3A_1401 = arith.constant 256 : i32
    %dma_start3A_1402 = arith.constant 1 : i32
    %dma_start3A_1403 = arith.constant 0 : i32
    %dma_start3A_1404 = arith.constant 0 : i32
    %dma_start3A_1405 = tpu.memref_slice %arg7[%dma_start3A_1402, %dma_start3A_1403, %dma_start3A_1404] : memref<2x1x4096xf32, #tpu.memory_space<vmem>> -> memref<1x1x4096xf32, #tpu.memory_space<vmem>>
    %dma_start3A_1406 = arith.constant 0 : i32
    %dma_start3A_1407 = tpu.memref_slice %arg4[%shift_right_logical3A_1363, %and3A_1365, %dma_start3A_1406] : memref<26x32x4096xf32, #tpu.memory_space<hbm>> -> memref<1x1x4096xf32, #tpu.memory_space<hbm>>
    %dma_start3A_1408 = arith.constant 0 : i32
    %dma_start3A_1409 = tpu.memref_slice %arg4[%shift_right_logical3A_1363, %and3A_1365, %dma_start3A_1408] : memref<26x32x4096xf32, #tpu.memory_space<hbm>> -> memref<1x1x4096xf32, #tpu.memory_space<hbm>>
    %dma_start3A_1410 = arith.constant 1 : i32
    %dma_start3A_1411 = arith.constant 0 : i32
    %dma_start3A_1412 = arith.constant 0 : i32
    %dma_start3A_1413 = tpu.memref_slice %arg7[%dma_start3A_1410, %dma_start3A_1411, %dma_start3A_1412] : memref<2x1x4096xf32, #tpu.memory_space<vmem>> -> memref<1x1x4096xf32, #tpu.memory_space<vmem>>
    tpu.enqueue_dma source(%dma_start3A_1413 : memref<1x1x4096xf32, #tpu.memory_space<vmem>>) target(%dma_start3A_1409 : memref<1x1x4096xf32, #tpu.memory_space<hbm>>) target_semaphore(%arg10 : memref<!tpu.dma_semaphore, #tpu.memory_space<semaphore_mem>>)
    %dma_wait3A_1414 = arith.constant 0 : i32
    %dma_wait3A_1415 = arith.constant 0 : i32
    %dma_wait3A_1416 = arith.constant 0 : i32
    %dma_wait3A_1417 = tpu.memref_slice %arg7[%dma_wait3A_1414, %dma_wait3A_1415, %dma_wait3A_1416] : memref<2x1x4096xf32, #tpu.memory_space<vmem>> -> memref<1x1x4096xf32, #tpu.memory_space<vmem>>
    %dma_wait3A_1418 = arith.constant 0 : i32
    %dma_wait3A_1419 = arith.constant 0 : i32
    %dma_wait3A_1420 = arith.constant 0 : i32
    %dma_wait3A_1421 = tpu.memref_slice %arg4[%dma_wait3A_1418, %dma_wait3A_1419, %dma_wait3A_1420] : memref<26x32x4096xf32, #tpu.memory_space<hbm>> -> memref<1x1x4096xf32, #tpu.memory_space<hbm>>
    %dma_wait3A_1422 = arith.constant 0 : i32
    %dma_wait3A_1423 = arith.constant 0 : i32
    %dma_wait3A_1424 = arith.constant 0 : i32
    %dma_wait3A_1425 = tpu.memref_slice %arg4[%dma_wait3A_1422, %dma_wait3A_1423, %dma_wait3A_1424] : memref<26x32x4096xf32, #tpu.memory_space<hbm>> -> memref<1x1x4096xf32, #tpu.memory_space<hbm>>
    %dma_wait3A_1426 = arith.constant 0 : i32
    %dma_wait3A_1427 = arith.constant 0 : i32
    %dma_wait3A_1428 = arith.constant 0 : i32
    %dma_wait3A_1429 = tpu.memref_slice %arg7[%dma_wait3A_1426, %dma_wait3A_1427, %dma_wait3A_1428] : memref<2x1x4096xf32, #tpu.memory_space<vmem>> -> memref<1x1x4096xf32, #tpu.memory_space<vmem>>
    tpu.wait_dma2 semaphore(%arg10 : memref<!tpu.dma_semaphore, #tpu.memory_space<semaphore_mem>>) src(%dma_wait3A_1429 : memref<1x1x4096xf32, #tpu.memory_space<vmem>>) dst(%dma_wait3A_1425 : memref<1x1x4096xf32, #tpu.memory_space<hbm>>)
    %dma_wait3A_1430 = arith.constant 0 : i32
    %dma_wait3A_1431 = arith.constant 0 : i32
    %dma_wait3A_1432 = arith.constant 0 : i32
    %dma_wait3A_1433 = tpu.memref_slice %arg7[%dma_wait3A_1430, %dma_wait3A_1431, %dma_wait3A_1432] : memref<2x1x4096xf32, #tpu.memory_space<vmem>> -> memref<1x1x4096xf32, #tpu.memory_space<vmem>>
    %dma_wait3A_1434 = arith.constant 0 : i32
    %dma_wait3A_1435 = arith.constant 0 : i32
    %dma_wait3A_1436 = arith.constant 0 : i32
    %dma_wait3A_1437 = tpu.memref_slice %arg4[%dma_wait3A_1434, %dma_wait3A_1435, %dma_wait3A_1436] : memref<26x32x4096xf32, #tpu.memory_space<hbm>> -> memref<1x1x4096xf32, #tpu.memory_space<hbm>>
    %dma_wait3A_1438 = arith.constant 0 : i32
    %dma_wait3A_1439 = arith.constant 0 : i32
    %dma_wait3A_1440 = arith.constant 0 : i32
    %dma_wait3A_1441 = tpu.memref_slice %arg4[%dma_wait3A_1438, %dma_wait3A_1439, %dma_wait3A_1440] : memref<26x32x4096xf32, #tpu.memory_space<hbm>> -> memref<1x1x4096xf32, #tpu.memory_space<hbm>>
    %dma_wait3A_1442 = arith.constant 0 : i32
    %dma_wait3A_1443 = arith.constant 0 : i32
    %dma_wait3A_1444 = arith.constant 0 : i32
    %dma_wait3A_1445 = tpu.memref_slice %arg7[%dma_wait3A_1442, %dma_wait3A_1443, %dma_wait3A_1444] : memref<2x1x4096xf32, #tpu.memory_space<vmem>> -> memref<1x1x4096xf32, #tpu.memory_space<vmem>>
    tpu.wait_dma2 semaphore(%arg10 : memref<!tpu.dma_semaphore, #tpu.memory_space<semaphore_mem>>) src(%dma_wait3A_1445 : memref<1x1x4096xf32, #tpu.memory_space<vmem>>) dst(%dma_wait3A_1441 : memref<1x1x4096xf32, #tpu.memory_space<hbm>>)
    return
  }
}

</mosaic_0001>

<sc_bundles>
// kernel: kernel.3.cloned.1.call-start
scs
__scs_entry_jumppad:
0x0: {  	(pc) =	sbr.rel $0x88, $3  }
0x1: {  	(tag) =	ssettag $0x0;
	lr =	simm.s32 $0x1  }
0x2: {  	[smem:$0x3F9F] =	sst lr;
	_ =	strace $0xD0000000  }
0x3: {  	_ = 	snop  }
0x4: {  	_ = 	snop  }
0x5: {  	_ = 	snop  }
0x6: {  	_ = 	snop  }
0x7: {  	_ = 	snop  }
__scs_overlays_trampoline_lowered:
0x8: {  	[smem:$0x3FAE] =	sst s0  }
0x9: {  	[smem:$0x3FAF] =	sst s1  }
0xa: {  	[smem:$0x3FB0] =	sst s2  }
0xb: {  	[smem:$0x3FB1] =	sst s3  }
0xc: {  	[smem:$0x3FB2] =	sst s4  }
0xd: {  	[smem:$0x3FB3] =	sst s5  }
0xe: {  	[smem:$0x3FB4] =	sst s6  }
0xf: {  	[smem:$0x3FB5] =	sst s7  }
0x10: {  	[smem:$0x3FB6] =	sst s8  }
0x11: {  	[smem:$0x3FB7] =	sst s9;
	s0 =	simm.s32 @!p0 $0x0  }
0x12: {  	s1 =	sld [smem:$0x3F9D];
	s0 =	simm.s32 @p0 $0x1  }
0x13: {  	[smem:$0x3FB8] =	sst s0;
	s0 =	simm.s32 @!p1 $0x0  }
0x14: {  	s2 =	sld [smem:$0x3F9C];
	s0 =	simm.s32 @p1 $0x1  }
0x15: {  	[smem:$0x3FB9] =	sst s0;
	s0 =	simm.s32 @!p2 $0x0  }
0x16: {  	s3 =	sld [smem:$0x3FDB];
	s0 =	simm.s32 @p2 $0x1  }
0x17: {  	s4 =	simm.s32 $0x1BF5;
	[smem:$0x3FBB] =	sst s0  }
0x18: {  	s0 =	sld [smem:$0x3F9E];
	_ =	swait.ge [sflag:s4], $0x0  }
0x19: {  	s7 =	sld [smem:$0x3F9F]  }
0x1a: {  	s8 =	sadd.s32 $0xFFFFE003, lr  }
0x1b: {  	s9 =	sadd.s32 $0xFFFFFEF7, lr;
	s5 =	simm.s32 $0xFFFFFFFF;
	p2 =	slt.u32 s8, $0xFFFFF086  }
0x1c: {  	p1 =	slt.u32 s9, $0xF7A;
	s5 =	simm.s32 @!p2 $0x0  }
0x1d: {  	s5 =	simm.s32 @p1 $0x1;
	p0 =	seq.s32 s7, s2  }
0x1e: {  	s7 =	smul.u32 @!p0 $0xF7A, s2;
	p2 =	seq.s32 @!p0 s5, $0x0  }
0x1f: {  	s9 =	smul.u32 $0xF7A, s1;
	s8 =	simm.s32 @!p0 $0x1BF5;
	p2 =	por !p2, p0  }
0x20: {  	[sflag:s8] =	ssyncset.s32 @!p0 $0xFFFFF086;
	s6 =	sadd.s32 @!p0 s3, s7;
	s7 =	simm.s32 @!p0 $0x108  }
0x21: {  	s3 =	sadd.s32 s3, s9;
	s6 =	sadd.s32 @!p0 $0x88, s6;
	s7 =	simm.s32 @p2 $0x1082  }
0x22: {  	[simem:s7], [sflag:s8] =	dma.local @!p0 [hbm:s6], $0xF7A  }
0x23: {  	s9 =	sor.u32 $0xD0000000, s2;
	s6 =	simm.s32 $0x108;
	_ =	swait.ge @!p0 [sflag:s8], $0x0  }
0x24: {  	s3 =	sadd.s32 $0x88, s3;
	s6 =	simm.s32 @!p1 $0x1082;
	[sflag:s4] =	ssyncset.s32 $0xFFFFF086  }
0x25: {  	[simem:s6], [sflag:s4] =	dma.local [hbm:s3], $0xF7A  }
0x26: {  	[smem:$0x3F9F] =	sst s1;
	(tag) =	ssettag s2;
	_ =	strace s9  }
0x27: {  	s1 =	sld [smem:$0x3FAF]  }
0x28: {  	s2 =	sld [smem:$0x3FB0]  }
0x29: {  	s4 =	sld [smem:$0x3FB2]  }
0x2a: {  	p0 =	seq.s32 s5, $0x0;
	s5 =	sld [smem:$0x3FB3]  }
0x2b: {  	s6 =	sld [smem:$0x3FB4]  }
0x2c: {  	s7 =	sld [smem:$0x3FB5]  }
0x2d: {  	s3 =	simm.s32 $0x108;
	s8 =	sld [smem:$0x3FB6]  }
0x2e: {  	s3 =	simm.s32 @!p0 $0x1082;
	s9 =	sld [smem:$0x3FB7]  }
0x2f: {  	lr =	sadd.s32 s0, s3;
	s0 =	sld [smem:$0x3FAE]  }
0x30: {  	s3 =	sld [smem:$0x3FB1]  }
0x31: {  	[smem:$0x3FBA] =	sst s10  }
0x32: {  	s10 =	sld [smem:$0x3FB8];
	_ =	sdelay $0x3  }
0x33: {  	p0 =	seq.s32 s10, $0x1;
	s10 =	sld [smem:$0x3FBA];
	_ =	sdelay $0x3  }
0x34: {  	[smem:$0x3FBA] =	sst s10  }
0x35: {  	s10 =	sld [smem:$0x3FB9];
	_ =	sdelay $0x3  }
0x36: {  	p1 =	seq.s32 s10, $0x1;
	s10 =	sld [smem:$0x3FBA];
	_ =	sdelay $0x3  }
0x37: {  	[smem:$0x3FBA] =	sst s10  }
0x38: {  	s10 =	sld [smem:$0x3FBB]  }
0x39: {  	_ = 	snop;
	(pc) =	sbr.ind lr, $3  }
0x3a: {  	_ = 	snop  }
0x3b: {  	_ = 	snop  }
0x3c: {  	p2 =	seq.s32 s10, $0x1;
	s10 =	sld [smem:$0x3FBA]  }
0x3d: {  	_ =	shalt  }
0x3e: {  	_ =	shalt  }
0x3f: {  	_ =	shalt  }
0x40: {  	_ =	shalt  }
0x41: {  	_ =	shalt  }
0x42: {  	_ =	shalt  }
0x43: {  	_ =	shalt  }
0x44: {  	_ =	shalt  }
0x45: {  	_ =	shalt  }
0x46: {  	_ =	shalt  }
0x47: {  	_ =	shalt  }
0x48: {  	_ =	shalt  }
0x49: {  	_ =	shalt  }
0x4a: {  	_ =	shalt  }
0x4b: {  	_ =	shalt  }
0x4c: {  	_ =	shalt  }
0x4d: {  	_ =	shalt  }
0x4e: {  	_ =	shalt  }
0x4f: {  	_ =	shalt  }
0x50: {  	_ =	shalt  }
0x51: {  	_ =	shalt  }
0x52: {  	_ =	shalt  }
0x53: {  	_ =	shalt  }
0x54: {  	_ =	shalt  }
0x55: {  	_ =	shalt  }
0x56: {  	_ =	shalt  }
0x57: {  	_ =	shalt  }
0x58: {  	_ =	shalt  }
0x59: {  	_ =	shalt  }
0x5a: {  	_ =	shalt  }
0x5b: {  	_ =	shalt  }
0x5c: {  	_ =	shalt  }
0x5d: {  	_ =	shalt  }
0x5e: {  	_ =	shalt  }
0x5f: {  	_ =	shalt  }
0x60: {  	_ =	shalt  }
0x61: {  	_ =	shalt  }
0x62: {  	_ =	shalt  }
0x63: {  	_ =	shalt  }
0x64: {  	_ =	shalt  }
0x65: {  	_ =	shalt  }
0x66: {  	_ =	shalt  }
0x67: {  	_ =	shalt  }
0x68: {  	_ =	shalt  }
0x69: {  	_ =	shalt  }
0x6a: {  	_ =	shalt  }
0x6b: {  	_ =	shalt  }
0x6c: {  	_ =	shalt  }
0x6d: {  	_ =	shalt  }
0x6e: {  	_ =	shalt  }
0x6f: {  	_ =	shalt  }
0x70: {  	_ =	shalt  }
0x71: {  	_ =	shalt  }
0x72: {  	_ =	shalt  }
0x73: {  	_ =	shalt  }
0x74: {  	_ =	shalt  }
0x75: {  	_ =	shalt  }
0x76: {  	_ =	shalt  }
0x77: {  	_ =	shalt  }
0x78: {  	_ =	shalt  }
0x79: {  	_ =	shalt  }
0x7a: {  	_ =	shalt  }
0x7b: {  	_ =	shalt  }
0x7c: {  	_ =	shalt  }
0x7d: {  	_ =	shalt  }
0x7e: {  	_ =	shalt  }
0x7f: {  	_ =	shalt  }
0x80: {  	_ =	shalt  }
0x81: {  	_ =	shalt  }
0x82: {  	_ =	shalt  }
0x83: {  	_ =	shalt  }
0x84: {  	_ =	shalt  }
0x85: {  	_ =	shalt  }
0x86: {  	_ =	shalt  }
0x87: {  	_ =	shalt  }
.Lfunc_end0:
.L_simem_size_0:
called_computation_lowered:
.L_overlay_start_0:
0x88: {  	s2 =	sld [smem:$0x3FD9]  }
0x89: {  	s3 =	sld [smem:$0x3FFE];
	_ =	sdelay $0x1  }
0x8a: {  	s1 =	srdreg.scid  }
0x8b: {  	s0 =	sand.u32 $0x1, s1  }
0x8c: {  	s18 =	sshll.u32 s0, $0xA;
	s2 =	sadd.s32 s3, s2  }
0x8d: {  	s2 =	sadd.s32 s2, s18  }
0x8e: {  	[smem:$0x3FC6] =	sst s2  }
0x8f: {  	_ = 	snop  }
0x90: {  	s2 =	sld [smem:$0x3FC9]  }
0x91: {  	s19 =	sld [smem:$0x3FC8]  }
0x92: {  	s4 =	sld [smem:$0x3FD0];
	(tm) =	ssettm $0x1  }
0x93: {  	s5 =	sld [smem:$0x3FFB];
	_ =	sdelay $0x3  }
0x94: {  	_ =	strace s5  }
0x95: {  	s5 =	sld [smem:$0x3FFC];
	_ =	sdelay $0x3  }
0x96: {  	_ =	strace s5  }
0x97: {  	s5 =	sld [smem:$0x3FFD];
	_ =	sdelay $0x3  }
0x98: {  	_ =	strace s5  }
0x99: {  	_ =	strace $0x8FFFFFFF  }
0x9a: {  	s20 =	sld [smem:$0x3FDB];
	_ =	sdelay $0x1  }
0x9b: {  	s6 =	simm.s32 $_scs_section_size  }
0x9c: {  	s7 =	simm.s32 $_size__tile_overlayer_lowered;
	s8 =	simm.s32 $_tile_overlayer_lowered  }
0x9d: {  	s23 =	simm.s32 $0x1BFF;
	s22 =	sshll.u32 s8, $0x1;
	s5 =	sadd.s32 s6, s20  }
0x9e: {  	s9 =	simm.s32 $0x0;
	s21 =	sshll.u32 s7, $0x1;
	s7 =	sadd.s32 s22, s5  }
0x9f: {  	[timem:s9], [sflag:s23] =	dma.local [hbm:s7], s21  }
0xa0: {  	_ =	swait.ge [sflag:s23], s21  }
0xa1: {  	s6 =	ssub.s32 $0x0, s21;
	[sflag:s23] =	ssyncset.done $0x0  }
0xa2: {  	[sflag:s23] =	ssyncadd.s32 s6;
	_ =	sdelay $0x1  }
0xa3: {  	s24 =	simm.s32 $0x1B8B  }
0xa4: {  	_ =	swait.ge [sflag:s24], $0x1  }
0xa5: {  	[sflag:s24] =	ssyncset.done $0x0  }
0xa6: {  	s25 =	simm.s32 $0x1B8E;
	[sflag:s24] =	ssyncadd.s32 $0xFFFFFFFF  }
0xa7: {  	s26 =	simm.s32 $execute0_lowered;
	[smem:$0x3FD2] =	sst s25  }
0xa8: {  	s6 =	sshll.u32 s26, $0x1;
	_ =	strace $0x80000046;
	[dreg:$0x1] =	wrdreg $0xFFFFFFFF  }
0xa9: {  	s28 =	simm.s32 $_size_execute0_lowered;
	s5 =	sadd.s32 s5, s6;
	[dreg:$0x0] =	wrdreg $0x0  }
0xaa: {  	s6 =	sshll.u32 s28, $0x1;
	[dreg:$0x2] =	wrdreg s5  }
0xab: {  	[dreg:$0x3] =	wrdreg s6  }
0xac: {  	[dreg:$0x4] =	wrdreg $0xC0  }
0xad: {  	_ =	task [dreg:s9], $0x5FFFF  }
0xae: {  	[dreg:$0x1] =	wrdreg $0xFFFFFFFF  }
0xaf: {  	[dreg:$0x0] =	wrdreg $0x60  }
0xb0: {  	[dreg:$0x2] =	wrdreg s2  }
0xb1: {  	[dreg:$0x3] =	wrdreg s19  }
0xb2: {  	[dreg:$0x4] =	wrdreg s4  }
0xb3: {  	[dreg:$0x5] =	wrdreg $0x9  }
0xb4: {  	_ =	task.clear_ibuf [dreg:s9], $0x6FFFF;
	_ =	strace $0x90000046  }
0xb5: {  	s29 =	simm.s32 $0x9;
	_ =	strace $0x80000048  }
0xb6: {  	_ =	swait.ge [sflag:s29], $0x1  }
0xb7: {  	[sflag:s29] =	ssyncadd.s32 $0xFFFFFFFF  }
0xb8: {  	_ =	strace $0x90000048  }
0xb9: {  	_ =	sfence  }
0xba: {  	s30 =	sld [smem:$0x0];
	_ =	sdelay $0x2  }
0xbb: {  	s31 =	sshll.u32 s1, $0xD;
	s1 =	sshrl.u32 s1, $0x2  }
0xbc: {  	s3 =	sand.u32 $0x4000, s31;
	s1 =	sadd.s32 s1, s30  }
0xbd: {  	s0 =	sor.u32 s3, s0;
	s1 =	sshll.u32 s1, $0x11  }
0xbe: {  	s0 =	sor.u32 s1, s0  }
0xbf: {  	s0 =	sadd.s32 $0x8F2B, s0  }
0xc0: {  	[sflag:s0] =	ssyncadd.remote.s32 $0x1  }
0xc1: {  	_ =	sfence.sel $0xFFFF  }
0xc2: {  	[dreg:$0x0] =	wrdreg $0xFFFFFFFF;
	(pc) =	sbr.abs _section_cstart, $3  }
0xc3: {  	[dreg:$0x1] =	wrdreg $0xFFFFFFFF  }
0xc4: {  	_ =	task.clear_ibuf [dreg:s9], $0x2FFFF;
	_ =	strace $0x9FFFFFFF  }
0xc5: {  	(tm) =	ssettm $0x7FFFFFFF  }
tec
execute0_lowered:
.L_overlay_start_1:
0x0: {  	(tag) =	ssettag $0x1  }
0x1: {  	s0 =	srdreg.scid;
	s1 =	stileid.u32  }
0x2: {  	s0 =	sand.u32 $0x1, s0;
	s1 =	sshll.u32 s1, $0x1  }
0x3: {  	s1 =	sor.u32 s0, s1  }
0x4: {  	s0 =	ssub.s32 $0x2, s0;
	s29 =	smul.u32 $0x1A, s1  }
0x5: {  	[smem:$0x7A7] =	sst s1;
	s1 =	smul.u32 $0xD00, s1;
	s3 =	sshrl.u32 s0, $0x1  }
0x6: {  	s2 =	rddreg [dreg:$0x0];
	s0 =	ssub.s32 s0, s3;
	s4 =	sshll.u32 s29, $0x2  }
0x7: {  	s9 =	sshrl.u32 s29, $0x5;
	s1 =	sand.u32 $0x18000, s1;
	[smem:$0x7FC] =	sst s0  }
0x8: {  	s16 =	sshrl.u32 s29, $0x3;
	s21 =	sadd.s32 $0x2, s29;
	s12 =	sadd.s32 $0x3, s29  }
0x9: {  	s4 =	sand.u32 $0x380, s4;
	s15 =	smin.u32 s9, $0x18;
	s3 =	sand.u32 $0x3, s16  }
0xa: {  	s5 =	smul.u32 $0x30E000, s9;
	s22 =	sshll.u32 s9, $0x11;
	s23 =	sshrl.u32 s21, $0x5  }
0xb: {  	s24 =	sshrl.u32 s21, $0x3;
	s13 =	sshrl.u32 s12, $0x5;
	s14 =	sor.u32 s1, s4  }
0xc: {  	s1 =	sadd.s32 $0x1, s15;
	s6 =	smul.u32 $0xC3800, s3;
	s3 =	sshll.u32 s3, $0xF  }
0xd: {  	s25 =	smul.u32 $0x30E000, s23;
	s26 =	ssub.s32 s23, s9;
	s10 =	sshll.u32 s23, $0x11  }
0xe: {  	s16 =	smul.u32 $0x30E000, s13;
	s0 =	sshrl.u32 s14, $0x3;
	s17 =	sshll.u32 s1, $0x4  }
0xf: {  	s1 =	sshll.u32 s1, $0x9;
	s8 =	sshll.u32 s26, $0xC;
	s14 =	sshrl.u32 s12, $0x3  }
0x10: {  	s4 =	sand.u32 $0x70, s17;
	s0 =	sadd.s32 s2, s0;
	s18 =	sand.u32 $0x7000, s1  }
0x11: {  	s20 =	sadd.s32 s5, s6;
	s6 =	sshll.u32 s26, $0x7;
	s28 =	sand.u32 $0xFFFFE000, s8  }
0x12: {  	s1 =	sor.u32 s22, s3;
	s15 =	sand.u32 $0x3, s14;
	[dreg:$0x4] =	wrdreg s0  }
0x13: {  	s17 =	ssub.s32 s13, s9;
	s19 =	sadd.s32 s2, s4;
	[smem:$0x7A8] =	sst s20  }
0x14: {  	s4 =	sand.u32 $0x3, s24;
	s6 =	sand.u32 $0x80, s6;
	[smem:$0x7A9] =	sst s1  }
0x15: {  	s20 =	sshll.u32 s17, $0xC;
	s2 =	sshll.u32 s13, $0x11;
	s0 =	sadd.s32 s18, s19  }
0x16: {  	s7 =	smul.u32 $0xC3800, s4;
	s8 =	sor.u32 s6, s28;
	s11 =	sshll.u32 s4, $0xF  }
0x17: {  	s4 =	sshll.u32 s12, $0x7;
	s18 =	smul.u32 $0xC3800, s15;
	[dreg:$0x5] =	wrdreg s0  }
0x18: {  	s0 =	sshll.u32 s21, $0x7;
	[dreg:$0x6] =	wrdreg s8;
	s1 =	sor.u32 s10, s11  }
0x19: {  	s19 =	sand.u32 $0x380, s4;
	s4 =	sand.u32 $0xFFFFE000, s20;
	s21 =	sadd.s32 $0x4, s29  }
0x1a: {  	s11 =	sadd.s32 $0x5, s29;
	s0 =	sand.u32 $0x300, s0;
	s5 =	sadd.s32 s25, s7  }
0x1b: {  	s22 =	sshrl.u32 s21, $0x5;
	s23 =	sshrl.u32 s21, $0x3;
	s13 =	sshrl.u32 s11, $0x5  }
0x1c: {  	s14 =	sshrl.u32 s11, $0x3;
	s5 =	sor.u32 s0, s5;
	s0 =	sor.u32 s0, s1  }
0x1d: {  	s1 =	sadd.s32 s16, s18;
	s24 =	sand.u32 $0x3, s23;
	s25 =	smul.u32 $0x30E000, s22  }
0x1e: {  	s28 =	ssub.s32 s22, s9;
	s10 =	sshll.u32 s22, $0x11;
	s8 =	sand.u32 $0x3, s14  }
0x1f: {  	s16 =	ssub.s32 s13, s9;
	s20 =	sshll.u32 s13, $0x11;
	[smem:$0x7AF] =	sst s5  }
0x20: {  	[smem:$0x7CD] =	sst s0;
	s5 =	sshll.u32 s17, $0x7;
	s26 =	smul.u32 $0xC3800, s24  }
0x21: {  	s1 =	sor.u32 s19, s1;
	s0 =	sshll.u32 s15, $0xF;
	s15 =	smul.u32 $0x30E000, s13  }
0x22: {  	s3 =	sshll.u32 s28, $0xC;
	s12 =	sshll.u32 s24, $0xF;
	s17 =	smul.u32 $0xC3800, s8  }
0x23: {  	s18 =	sshll.u32 s16, $0xC;
	s22 =	sshll.u32 s8, $0xF;
	s13 =	sadd.s32 $0x7, s29  }
0x24: {  	s5 =	sand.u32 $0x80, s5;
	[smem:$0x7B0] =	sst s1;
	s0 =	sor.u32 s2, s0  }
0x25: {  	s1 =	sshll.u32 s21, $0x7;
	s7 =	sand.u32 $0xFFFFE000, s3;
	s3 =	smov.u32 s9  }
0x26: {  	s21 =	sadd.s32 $0x6, s29;
	s4 =	sor.u32 s5, s4;
	s0 =	sor.u32 s19, s0  }
0x27: {  	s1 =	sand.u32 $0x300, s1;
	s2 =	sadd.s32 s25, s26;
	s19 =	sand.u32 $0xFFFFE000, s18  }
0x28: {  	s23 =	sshrl.u32 s21, $0x5;
	s14 =	sshll.u32 s21, $0x7;
	[smem:$0x7C7] =	sst s3  }
0x29: {  	[smem:$0x7D0] =	sst s0;
	s0 =	sshll.u32 s28, $0x7;
	s2 =	sor.u32 s1, s2  }
0x2a: {  	s25 =	smul.u32 $0x30E000, s23;
	s8 =	sshll.u32 s23, $0x11;
	[smem:$0x7B1] =	sst s2  }
0x2b: {  	s0 =	sand.u32 $0x80, s0;
	s2 =	sshll.u32 s11, $0x7;
	s11 =	ssub.s32 s23, s3  }
0x2c: {  	s5 =	sor.u32 s0, s7;
	s0 =	sor.u32 s10, s12;
	s10 =	sshrl.u32 s21, $0x3  }
0x2d: {  	s2 =	sand.u32 $0x380, s2;
	s26 =	sshll.u32 s11, $0xC;
	s21 =	sshll.u32 s13, $0x7  }
0x2e: {  	s0 =	sor.u32 s1, s0;
	s1 =	sadd.s32 s15, s17;
	s24 =	sand.u32 $0x3, s10  }
0x2f: {  	s10 =	sshll.u32 s11, $0x7;
	s15 =	sshrl.u32 s13, $0x5;
	[smem:$0x7D2] =	sst s0  }
0x30: {  	s0 =	sshll.u32 s16, $0x7;
	s12 =	smul.u32 $0xC3800, s24;
	s1 =	sor.u32 s2, s1  }
0x31: {  	s11 =	sshll.u32 s24, $0xF;
	s16 =	sshrl.u32 s13, $0x3;
	s17 =	smul.u32 $0x30E000, s15  }
0x32: {  	s18 =	ssub.s32 s15, s3;
	s23 =	sshll.u32 s15, $0x11;
	s0 =	sand.u32 $0x80, s0  }
0x33: {  	[smem:$0x7B2] =	sst s1;
	s6 =	sor.u32 s0, s19;
	s0 =	sor.u32 s20, s22  }
0x34: {  	s28 =	sadd.s32 s25, s12;
	s12 =	sor.u32 s8, s11;
	s8 =	sand.u32 $0x300, s14  }
0x35: {  	s20 =	sshll.u32 s18, $0xC;
	s22 =	sadd.s32 $0x8, s29;
	s0 =	sor.u32 s2, s0  }
0x36: {  	s2 =	sand.u32 $0x80, s10;
	s10 =	sand.u32 $0x3, s16;
	s1 =	sor.u32 s8, s28  }
0x37: {  	s24 =	sshrl.u32 s22, $0x5;
	s16 =	sadd.s32 $0x9, s29;
	[smem:$0x7D3] =	sst s0  }
0x38: {  	s0 =	sand.u32 $0xFFFFE000, s26;
	[smem:$0x7B3] =	sst s1;
	s19 =	smul.u32 $0xC3800, s10  }
0x39: {  	s1 =	sshll.u32 s18, $0x7;
	s25 =	sshll.u32 s10, $0xF;
	s26 =	smul.u32 $0x30E000, s24  }
0x3a: {  	s13 =	ssub.s32 s24, s3;
	s18 =	sshrl.u32 s16, $0x3;
	s7 =	sor.u32 s2, s0  }
0x3b: {  	s0 =	sor.u32 s8, s12;
	s1 =	sand.u32 $0x80, s1;
	s2 =	sor.u32 s23, s25  }
0x3c: {  	s15 =	sshll.u32 s13, $0xC;
	[smem:$0x7D6] =	sst s0;
	s11 =	sadd.s32 s17, s19  }
0x3d: {  	s0 =	sand.u32 $0xFFFFE000, s20;
	s17 =	sshrl.u32 s16, $0x5;
	s19 =	sshll.u32 s24, $0x11  }
0x3e: {  	s24 =	sshll.u32 s16, $0x7;
	s8 =	sor.u32 s1, s0;
	s0 =	sand.u32 $0x380, s21  }
0x3f: {  	s1 =	sshrl.u32 s22, $0x3;
	s20 =	smul.u32 $0x30E000, s17;
	s11 =	sor.u32 s0, s11  }
0x40: {  	s1 =	sand.u32 $0x3, s1;
	s0 =	sor.u32 s0, s2;
	[smem:$0x7B4] =	sst s11  }
0x41: {  	s2 =	sand.u32 $0xFFFFE000, s15;
	s28 =	smul.u32 $0xC3800, s1;
	[smem:$0x7D8] =	sst s0  }
0x42: {  	s0 =	sshll.u32 s13, $0x7;
	s1 =	sshll.u32 s1, $0xF;
	s13 =	ssub.s32 s17, s3  }
0x43: {  	s0 =	sand.u32 $0x80, s0;
	s1 =	sor.u32 s19, s1;
	s21 =	sshll.u32 s13, $0xC  }
0x44: {  	s22 =	sshll.u32 s13, $0x7;
	s13 =	sadd.s32 $0xB, s29;
	s14 =	sadd.s32 s26, s28  }
0x45: {  	s9 =	sor.u32 s0, s2;
	s2 =	sand.u32 $0x3, s18;
	[smem:$0x7AB] =	sst s1  }
0x46: {  	s1 =	sand.u32 $0xFFFFE000, s21;
	s10 =	sand.u32 $0x80, s22;
	s0 =	sshll.u32 s17, $0x11  }
0x47: {  	[smem:$0x7AA] =	sst s14;
	s14 =	smul.u32 $0xC3800, s2;
	s10 =	sor.u32 s10, s1  }
0x48: {  	s23 =	sshll.u32 s2, $0xF;
	s2 =	sadd.s32 $0xA, s29;
	s1 =	sand.u32 $0x380, s24  }
0x49: {  	s24 =	sshrl.u32 s13, $0x3;
	s0 =	sor.u32 s0, s23;
	s25 =	sshrl.u32 s2, $0x5  }
0x4a: {  	s26 =	sshrl.u32 s2, $0x3;
	s23 =	sshrl.u32 s13, $0x5;
	s2 =	sshll.u32 s2, $0x7  }
0x4b: {  	s13 =	sshll.u32 s13, $0x7;
	s12 =	sadd.s32 s20, s14;
	s28 =	sand.u32 $0x3, s26  }
0x4c: {  	s18 =	ssub.s32 s25, s3;
	s15 =	smul.u32 $0x30E000, s25;
	s0 =	sor.u32 s1, s0  }
0x4d: {  	s21 =	sshll.u32 s25, $0x11;
	s14 =	sand.u32 $0x3, s24;
	s25 =	smul.u32 $0x30E000, s23  }
0x4e: {  	s2 =	sand.u32 $0x300, s2;
	s26 =	ssub.s32 s23, s3;
	s13 =	sand.u32 $0x380, s13  }
0x4f: {  	s16 =	sshll.u32 s18, $0xC;
	s11 =	sshll.u32 s18, $0x7;
	s17 =	smul.u32 $0xC3800, s28  }
0x50: {  	s12 =	sor.u32 s1, s12;
	[smem:$0x7DC] =	sst s0;
	s22 =	sshll.u32 s28, $0xF  }
0x51: {  	s28 =	smul.u32 $0xC3800, s14;
	s14 =	sshll.u32 s14, $0xF;
	[smem:$0x7B6] =	sst s12  }
0x52: {  	s19 =	sand.u32 $0xFFFFE000, s16;
	s11 =	sand.u32 $0x80, s11;
	s1 =	sor.u32 s21, s22  }
0x53: {  	s22 =	sadd.s32 $0xC, s29;
	s20 =	sadd.s32 s15, s17;
	s11 =	sor.u32 s11, s19  }
0x54: {  	s1 =	sor.u32 s2, s1;
	s18 =	sadd.s32 s25, s28;
	s19 =	sshll.u32 s26, $0x7  }
0x55: {  	s24 =	sshrl.u32 s22, $0x3;
	s0 =	sor.u32 s2, s20;
	[smem:$0x7DE] =	sst s1  }
0x56: {  	s2 =	sshll.u32 s26, $0xC;
	s20 =	sshll.u32 s23, $0x11;
	s23 =	sshrl.u32 s22, $0x5  }
0x57: {  	s15 =	sand.u32 $0x3, s24;
	s1 =	sor.u32 s13, s18;
	[smem:$0x7B7] =	sst s0  }
0x58: {  	s0 =	sand.u32 $0xFFFFE000, s2;
	s2 =	sand.u32 $0x80, s19;
	s21 =	sor.u32 s20, s14  }
0x59: {  	s25 =	smul.u32 $0x30E000, s23;
	[smem:$0x7B8] =	sst s1;
	s26 =	ssub.s32 s23, s3  }
0x5a: {  	s28 =	smul.u32 $0xC3800, s15;
	s19 =	sshll.u32 s23, $0x11;
	s20 =	sshll.u32 s15, $0xF  }
0x5b: {  	s12 =	sor.u32 s2, s0;
	s0 =	sor.u32 s13, s21;
	s18 =	sshll.u32 s26, $0xC  }
0x5c: {  	s1 =	sshll.u32 s26, $0x7;
	s21 =	sshll.u32 s22, $0x7;
	s22 =	sadd.s32 $0xD, s29  }
0x5d: {  	[smem:$0x7DF] =	sst s0;
	s16 =	sadd.s32 s25, s28;
	s0 =	sand.u32 $0xFFFFE000, s18  }
0x5e: {  	s1 =	sand.u32 $0x80, s1;
	s23 =	sshrl.u32 s22, $0x5;
	s24 =	sshrl.u32 s22, $0x3  }
0x5f: {  	s2 =	sshll.u32 s22, $0x7;
	s13 =	sor.u32 s1, s0;
	s0 =	sor.u32 s19, s20  }
0x60: {  	s1 =	sand.u32 $0x300, s21;
	s25 =	sand.u32 $0x3, s24;
	s26 =	ssub.s32 s23, s3  }
0x61: {  	s18 =	smul.u32 $0x30E000, s23;
	s2 =	sand.u32 $0x380, s2;
	s19 =	sshll.u32 s26, $0xC  }
0x62: {  	s14 =	sshll.u32 s26, $0x7;
	s20 =	smul.u32 $0xC3800, s25;
	s16 =	sor.u32 s1, s16  }
0x63: {  	s0 =	sor.u32 s1, s0;
	[smem:$0x7B9] =	sst s16;
	s28 =	sand.u32 $0xFFFFE000, s19  }
0x64: {  	s14 =	sand.u32 $0x80, s14;
	[smem:$0x7E2] =	sst s0;
	s19 =	sshll.u32 s23, $0x11  }
0x65: {  	s16 =	sadd.s32 $0xE, s29;
	s18 =	sadd.s32 s18, s20;
	s14 =	sor.u32 s14, s28  }
0x66: {  	s20 =	sshll.u32 s25, $0xF;
	s15 =	sshrl.u32 s16, $0x5;
	s21 =	sshrl.u32 s16, $0x3  }
0x67: {  	s16 =	sshll.u32 s16, $0x7;
	s1 =	sor.u32 s19, s20;
	s17 =	sand.u32 $0x3, s21  }
0x68: {  	s22 =	smul.u32 $0x30E000, s15;
	s23 =	ssub.s32 s15, s3;
	s0 =	sor.u32 s2, s18  }
0x69: {  	s21 =	sshll.u32 s15, $0x11;
	s16 =	sand.u32 $0x300, s16;
	s24 =	smul.u32 $0xC3800, s17  }
0x6a: {  	[smem:$0x7BA] =	sst s0;
	s25 =	sor.u32 s2, s1;
	s26 =	sshll.u32 s23, $0xC  }
0x6b: {  	s20 =	sshll.u32 s23, $0x7;
	s17 =	sshll.u32 s17, $0xF;
	s23 =	sadd.s32 $0xF, s29  }
0x6c: {  	[smem:$0x7E4] =	sst s25;
	s0 =	sand.u32 $0xFFFFE000, s26;
	s2 =	sand.u32 $0x80, s20  }
0x6d: {  	s28 =	sadd.s32 s22, s24;
	s15 =	sor.u32 s2, s0;
	s24 =	sshrl.u32 s23, $0x3  }
0x6e: {  	s22 =	sor.u32 s21, s17;
	s17 =	sshrl.u32 s23, $0x5;
	s18 =	sand.u32 $0x3, s24  }
0x6f: {  	s25 =	smul.u32 $0x30E000, s17;
	s1 =	sor.u32 s16, s28;
	s26 =	ssub.s32 s17, s3  }
0x70: {  	s0 =	sor.u32 s16, s22;
	s22 =	sshll.u32 s23, $0x7;
	s23 =	sadd.s32 $0x10, s29  }
0x71: {  	s24 =	sshll.u32 s17, $0x11;
	[smem:$0x7BB] =	sst s1;
	s28 =	smul.u32 $0xC3800, s18  }
0x72: {  	[smem:$0x7E5] =	sst s0;
	s21 =	sshll.u32 s26, $0xC;
	s1 =	sshll.u32 s26, $0x7  }
0x73: {  	s20 =	sshrl.u32 s23, $0x5;
	s0 =	sand.u32 $0xFFFFE000, s21;
	s1 =	sand.u32 $0x80, s1  }
0x74: {  	s26 =	smul.u32 $0x30E000, s20;
	s19 =	sadd.s32 s25, s28;
	s16 =	sor.u32 s1, s0  }
0x75: {  	s1 =	sshrl.u32 s23, $0x3;
	s25 =	sshll.u32 s18, $0xF;
	s0 =	sand.u32 $0x380, s22  }
0x76: {  	s23 =	sadd.s32 $0x11, s29;
	s1 =	sand.u32 $0x3, s1;
	s2 =	sor.u32 s24, s25  }
0x77: {  	s19 =	sor.u32 s0, s19;
	s24 =	sshrl.u32 s23, $0x5;
	s25 =	sshrl.u32 s23, $0x3  }
0x78: {  	s23 =	sshll.u32 s23, $0x7;
	s28 =	smul.u32 $0xC3800, s1;
	[smem:$0x7BC] =	sst s19  }
0x79: {  	s0 =	sor.u32 s0, s2;
	s19 =	ssub.s32 s20, s3;
	s1 =	sshll.u32 s1, $0xF  }
0x7a: {  	[smem:$0x7E8] =	sst s0;
	s22 =	sshll.u32 s19, $0xC;
	s0 =	sshll.u32 s19, $0x7  }
0x7b: {  	s21 =	sadd.s32 s26, s28;
	s2 =	sand.u32 $0xFFFFE000, s22;
	s0 =	sand.u32 $0x80, s0  }
0x7c: {  	s26 =	sshll.u32 s20, $0x11;
	s28 =	smul.u32 $0x30E000, s24;
	[smem:$0x7AC] =	sst s21  }
0x7d: {  	s17 =	sor.u32 s0, s2;
	s2 =	sand.u32 $0x3, s25;
	s21 =	ssub.s32 s24, s3  }
0x7e: {  	s1 =	sor.u32 s26, s1;
	s0 =	sshll.u32 s24, $0x11;
	s22 =	smul.u32 $0xC3800, s2  }
0x7f: {  	[smem:$0x7AD] =	sst s1;
	s18 =	sshll.u32 s21, $0xC;
	s21 =	sshll.u32 s21, $0x7  }
0x80: {  	s1 =	sand.u32 $0xFFFFE000, s18;
	s18 =	sand.u32 $0x80, s21;
	s20 =	sadd.s32 s28, s22  }
0x81: {  	s18 =	sor.u32 s18, s1;
	s22 =	sshll.u32 s2, $0xF;
	s2 =	sadd.s32 $0x12, s29  }
0x82: {  	s1 =	sand.u32 $0x380, s23;
	s0 =	sor.u32 s0, s22;
	s21 =	sshrl.u32 s2, $0x5  }
0x83: {  	s24 =	sshrl.u32 s2, $0x3;
	s20 =	sor.u32 s1, s20;
	s2 =	sshll.u32 s2, $0x7  }
0x84: {  	s22 =	sand.u32 $0x3, s24;
	s25 =	ssub.s32 s21, s3;
	s23 =	smul.u32 $0x30E000, s21  }
0x85: {  	[smem:$0x7BE] =	sst s20;
	s0 =	sor.u32 s1, s0;
	s20 =	sshll.u32 s21, $0x11  }
0x86: {  	s21 =	sadd.s32 $0x13, s29;
	s2 =	sand.u32 $0x300, s2;
	s24 =	sshll.u32 s25, $0xC  }
0x87: {  	s19 =	sshll.u32 s25, $0x7;
	s28 =	smul.u32 $0xC3800, s22;
	[smem:$0x7EB] =	sst s0  }
0x88: {  	s26 =	sand.u32 $0xFFFFE000, s24;
	s19 =	sand.u32 $0x80, s19;
	s24 =	sshrl.u32 s21, $0x3  }
0x89: {  	s0 =	sadd.s32 s23, s28;
	s19 =	sor.u32 s19, s26;
	s23 =	sshll.u32 s22, $0xF  }
0x8a: {  	s22 =	sand.u32 $0x3, s24;
	s1 =	sor.u32 s20, s23;
	s20 =	sshrl.u32 s21, $0x5  }
0x8b: {  	s26 =	smul.u32 $0xC3800, s22;
	s0 =	sor.u32 s2, s0;
	s22 =	sshll.u32 s22, $0xF  }
0x8c: {  	s21 =	sshll.u32 s21, $0x7;
	s25 =	smul.u32 $0x30E000, s20;
	s24 =	ssub.s32 s20, s3  }
0x8d: {  	[smem:$0x7BF] =	sst s0;
	s1 =	sor.u32 s2, s1;
	s28 =	sshll.u32 s20, $0x11  }
0x8e: {  	s2 =	sshll.u32 s24, $0xC;
	s25 =	sadd.s32 s25, s26;
	s26 =	sshll.u32 s24, $0x7  }
0x8f: {  	s21 =	sand.u32 $0x380, s21;
	s0 =	sand.u32 $0xFFFFE000, s2;
	s2 =	sand.u32 $0x80, s26  }
0x90: {  	[smem:$0x7EE] =	sst s1;
	s1 =	sor.u32 s21, s25;
	s20 =	sor.u32 s2, s0  }
0x91: {  	s0 =	sor.u32 s28, s22;
	s2 =	sadd.s32 $0x14, s29;
	[smem:$0x7C0] =	sst s1  }
0x92: {  	s22 =	sshrl.u32 s2, $0x5;
	s24 =	sshrl.u32 s2, $0x3;
	s0 =	sor.u32 s21, s0  }
0x93: {  	s23 =	sand.u32 $0x3, s24;
	s24 =	smul.u32 $0x30E000, s22;
	s25 =	ssub.s32 s22, s3  }
0x94: {  	s26 =	smul.u32 $0xC3800, s23;
	s21 =	sshll.u32 s25, $0xC;
	s1 =	sshll.u32 s25, $0x7  }
0x95: {  	[smem:$0x7F0] =	sst s0;
	s0 =	sand.u32 $0xFFFFE000, s21;
	s1 =	sand.u32 $0x80, s1  }
0x96: {  	s22 =	sshll.u32 s22, $0x11;
	s25 =	sadd.s32 s24, s26;
	s21 =	sor.u32 s1, s0  }
0x97: {  	s24 =	sshll.u32 s23, $0xF;
	s26 =	sshll.u32 s2, $0x7;
	s2 =	sadd.s32 $0x15, s29  }
0x98: {  	s24 =	sor.u32 s22, s24;
	s1 =	sand.u32 $0x300, s26;
	s28 =	sshrl.u32 s2, $0x3  }
0x99: {  	s23 =	sshrl.u32 s2, $0x5;
	s2 =	sshll.u32 s2, $0x7;
	s28 =	sand.u32 $0x3, s28  }
0x9a: {  	s0 =	ssub.s32 s23, s3;
	s30 =	smul.u32 $0x30E000, s23;
	s25 =	sor.u32 s1, s25  }
0x9b: {  	s1 =	sor.u32 s1, s24;
	s24 =	sadd.s32 $0x16, s29;
	s2 =	sand.u32 $0x380, s2  }
0x9c: {  	s31 =	sshll.u32 s0, $0xC;
	s22 =	sshll.u32 s0, $0x7;
	[smem:$0x7C1] =	sst s25  }
0x9d: {  	s0 =	smul.u32 $0xC3800, s28;
	[smem:$0x7F1] =	sst s1;
	s25 =	sshll.u32 s23, $0x11  }
0x9e: {  	s23 =	sshrl.u32 s24, $0x5;
	s26 =	sand.u32 $0xFFFFE000, s31;
	s22 =	sand.u32 $0x80, s22  }
0x9f: {  	s0 =	sadd.s32 s30, s0;
	s22 =	sor.u32 s22, s26;
	s26 =	sshll.u32 s28, $0xF  }
0xa0: {  	s28 =	sshrl.u32 s24, $0x3;
	s30 =	ssub.s32 s23, s3;
	s24 =	sshll.u32 s24, $0x7  }
0xa1: {  	s1 =	sor.u32 s25, s26;
	s25 =	sand.u32 $0x3, s28;
	s28 =	smul.u32 $0x30E000, s23  }
0xa2: {  	s0 =	sor.u32 s2, s0;
	s26 =	sshll.u32 s30, $0xC;
	s24 =	sand.u32 $0x300, s24  }
0xa3: {  	s31 =	smul.u32 $0xC3800, s25;
	[smem:$0x7C2] =	sst s0;
	s2 =	sor.u32 s2, s1  }
0xa4: {  	s0 =	sand.u32 $0xFFFFE000, s26;
	s26 =	sshll.u32 s23, $0x11;
	s25 =	sshll.u32 s25, $0xF  }
0xa5: {  	[smem:$0x7F4] =	sst s2;
	s1 =	sadd.s32 s28, s31;
	s28 =	sshll.u32 s30, $0x7  }
0xa6: {  	s26 =	sor.u32 s26, s25;
	s2 =	sand.u32 $0x80, s28;
	s1 =	sor.u32 s24, s1  }
0xa7: {  	s24 =	sor.u32 s24, s26;
	s23 =	sor.u32 s2, s0;
	s2 =	sadd.s32 $0x17, s29  }
0xa8: {  	[smem:$0x7C3] =	sst s1;
	s25 =	sshrl.u32 s2, $0x5;
	s0 =	sshrl.u32 s2, $0x3  }
0xa9: {  	[smem:$0x7F6] =	sst s24;
	s28 =	sand.u32 $0x3, s0;
	s31 =	smul.u32 $0x30E000, s25  }
0xaa: {  	s1 =	ssub.s32 s25, s3;
	s25 =	sshll.u32 s25, $0x11;
	s0 =	smul.u32 $0xC3800, s28  }
0xab: {  	s26 =	sshll.u32 s1, $0xC;
	s1 =	sshll.u32 s1, $0x7;
	s28 =	sshll.u32 s28, $0xF  }
0xac: {  	s24 =	sand.u32 $0xFFFFE000, s26;
	s1 =	sand.u32 $0x80, s1;
	s30 =	sadd.s32 s31, s0  }
0xad: {  	s24 =	sor.u32 s1, s24;
	s1 =	sshll.u32 s2, $0x7;
	s0 =	sadd.s32 $0x18, s29  }
0xae: {  	s25 =	sor.u32 s25, s28;
	s2 =	sshrl.u32 s0, $0x3;
	s1 =	sand.u32 $0x380, s1  }
0xaf: {  	s26 =	sshrl.u32 s0, $0x5;
	s2 =	sand.u32 $0x3, s2;
	s28 =	sor.u32 s1, s30  }
0xb0: {  	s31 =	smul.u32 $0x30E000, s26;
	s1 =	sor.u32 s1, s25;
	[smem:$0x7C4] =	sst s28  }
0xb1: {  	s0 =	smul.u32 $0xC3800, s2;
	[smem:$0x7F7] =	sst s1  }
0xb2: {  	s1 =	ssub.s32 s26, s3;
	s28 =	sld [smem:$0x7A7];
	s26 =	sshll.u32 s26, $0x11  }
0xb3: {  	s3 =	sshll.u32 s1, $0xC;
	s1 =	sshll.u32 s1, $0x7;
	s0 =	sadd.s32 s31, s0  }
0xb4: {  	s2 =	sshll.u32 s2, $0xF;
	s1 =	sand.u32 $0x80, s1;
	[smem:$0x7AE] =	sst s0  }
0xb5: {  	s0 =	sshll.u32 s28, $0x8;
	s28 =	sand.u32 $0xFFFFE000, s3;
	s3 =	sld [smem:$0x7A8]  }
0xb6: {  	s31 =	sand.u32 $0x300, s0;
	s25 =	sor.u32 s1, s28;
	s28 =	sld [smem:$0x7A9]  }
0xb7: {  	s2 =	sor.u32 s26, s2;
	s0 =	sor.u32 $0x80, s31  }
0xb8: {  	s1 =	sld [smem:$0x7AB];
	s26 =	sor.u32 s31, s3;
	s30 =	sor.u32 s0, s3  }
0xb9: {  	s0 =	sor.u32 s0, s28;
	s3 =	sor.u32 s31, s28;
	s28 =	sld [smem:$0x7AA]  }
0xba: {  	[smem:$0x7CA] =	sst s3  }
0xbb: {  	s3 =	sld [smem:$0x7AC]  }
0xbc: {  	[smem:$0x7CC] =	sst s0;
	s0 =	sor.u32 s31, s28  }
0xbd: {  	[smem:$0x7B5] =	sst s0;
	s0 =	sor.u32 s31, s1  }
0xbe: {  	s28 =	sadd.s32 $0x19, s29;
	s1 =	sor.u32 s31, s3;
	[smem:$0x7D9] =	sst s0  }
0xbf: {  	s0 =	sshrl.u32 s28, $0x3;
	[smem:$0x7BD] =	sst s1  }
0xc0: {  	s1 =	sand.u32 $0x3, s0;
	s0 =	sld [smem:$0x7AD];
	_ =	sdelay $0x2  }
0xc1: {  	s0 =	sor.u32 s31, s0  }
0xc2: {  	[smem:$0x7EA] =	sst s0  }
0xc3: {  	s0 =	sld [smem:$0x7AE];
	_ =	sdelay $0x2  }
0xc4: {  	[smem:$0x7C9] =	sst s1;
	s0 =	sor.u32 s31, s0  }
0xc5: {  	s29 =	sshrl.u32 s28, $0x5;
	[smem:$0x7C5] =	sst s0  }
0xc6: {  	s0 =	smul.u32 $0xC3800, s1;
	s1 =	sshrl.u32 s26, $0x3;
	s26 =	rddreg [dreg:$0x1]  }
0xc7: {  	s3 =	smul.u32 $0x30E000, s29;
	s31 =	sor.u32 s31, s2;
	s2 =	sadd.s32 s26, s1  }
0xc8: {  	[dreg:$0x8] =	wrdreg s2  }
0xc9: {  	s0 =	sadd.s32 s3, s0;
	s3 =	sshrl.u32 s30, $0x3;
	s2 =	sld [smem:$0x7AF]  }
0xca: {  	s1 =	sadd.s32 s26, s3;
	s3 =	sld [smem:$0x7B0];
	_ =	sdelay $0x1  }
0xcb: {  	[dreg:$0x9] =	wrdreg s1;
	s1 =	sshrl.u32 s2, $0x3  }
0xcc: {  	s2 =	sshrl.u32 s3, $0x3;
	s1 =	sadd.s32 s26, s1;
	s3 =	sld [smem:$0x7B1]  }
0xcd: {  	[dreg:$0xa] =	wrdreg s1;
	s2 =	sadd.s32 s26, s2  }
0xce: {  	[dreg:$0xb] =	wrdreg s2  }
0xcf: {  	s2 =	sld [smem:$0x7B2]  }
0xd0: {  	s1 =	sshrl.u32 s3, $0x3;
	s3 =	sld [smem:$0x7B3]  }
0xd1: {  	s1 =	sadd.s32 s26, s1  }
0xd2: {  	[dreg:$0xc] =	wrdreg s1;
	s1 =	sshrl.u32 s2, $0x3  }
0xd3: {  	s2 =	sshrl.u32 s3, $0x3;
	s1 =	sadd.s32 s26, s1;
	s3 =	sld [smem:$0x7B4]  }
0xd4: {  	[dreg:$0xd] =	wrdreg s1;
	s2 =	sadd.s32 s26, s2  }
0xd5: {  	[dreg:$0xe] =	wrdreg s2  }
0xd6: {  	s2 =	sld [smem:$0x7B5]  }
0xd7: {  	s1 =	sshrl.u32 s3, $0x3;
	s3 =	sld [smem:$0x7B6]  }
0xd8: {  	s1 =	sadd.s32 s26, s1  }
0xd9: {  	[dreg:$0xf] =	wrdreg s1;
	s1 =	sshrl.u32 s2, $0x3  }
0xda: {  	s2 =	sshrl.u32 s3, $0x3;
	s1 =	sadd.s32 s26, s1;
	s3 =	sld [smem:$0x7B7]  }
0xdb: {  	[dreg:$0x10] =	wrdreg s1;
	s2 =	sadd.s32 s26, s2  }
0xdc: {  	[dreg:$0x11] =	wrdreg s2  }
0xdd: {  	s2 =	sld [smem:$0x7B8]  }
0xde: {  	s1 =	sshrl.u32 s3, $0x3;
	s3 =	sld [smem:$0x7B9]  }
0xdf: {  	s1 =	sadd.s32 s26, s1  }
0xe0: {  	[dreg:$0x12] =	wrdreg s1;
	s1 =	sshrl.u32 s2, $0x3  }
0xe1: {  	s2 =	sshrl.u32 s3, $0x3;
	s1 =	sadd.s32 s26, s1;
	s3 =	sld [smem:$0x7BA]  }
0xe2: {  	[dreg:$0x13] =	wrdreg s1;
	s2 =	sadd.s32 s26, s2  }
0xe3: {  	[dreg:$0x14] =	wrdreg s2  }
0xe4: {  	s2 =	sld [smem:$0x7BB]  }
0xe5: {  	s1 =	sshrl.u32 s3, $0x3;
	s3 =	sld [smem:$0x7BC]  }
0xe6: {  	s1 =	sadd.s32 s26, s1  }
0xe7: {  	[dreg:$0x15] =	wrdreg s1;
	s1 =	sshrl.u32 s2, $0x3  }
0xe8: {  	s2 =	sshrl.u32 s3, $0x3;
	s1 =	sadd.s32 s26, s1;
	s3 =	sld [smem:$0x7BD]  }
0xe9: {  	[dreg:$0x16] =	wrdreg s1;
	s2 =	sadd.s32 s26, s2  }
0xea: {  	[dreg:$0x17] =	wrdreg s2  }
0xeb: {  	s2 =	sld [smem:$0x7BE]  }
0xec: {  	s1 =	sshrl.u32 s3, $0x3;
	s3 =	sld [smem:$0x7BF]  }
0xed: {  	s1 =	sadd.s32 s26, s1  }
0xee: {  	[dreg:$0x18] =	wrdreg s1;
	s1 =	sshrl.u32 s2, $0x3  }
0xef: {  	s2 =	sshrl.u32 s3, $0x3;
	s1 =	sadd.s32 s26, s1;
	s3 =	sld [smem:$0x7C0]  }
0xf0: {  	[dreg:$0x19] =	wrdreg s1;
	s2 =	sadd.s32 s26, s2  }
0xf1: {  	[dreg:$0x1a] =	wrdreg s2  }
0xf2: {  	s2 =	sld [smem:$0x7C1]  }
0xf3: {  	s1 =	sshrl.u32 s3, $0x3;
	s3 =	sld [smem:$0x7C2];
	_ =	sdelay $0x1  }
0xf4: {  	s1 =	sadd.s32 s26, s1  }
0xf5: {  	[dreg:$0x1b] =	wrdreg s1;
	s1 =	sshrl.u32 s2, $0x3;
	s2 =	sshrl.u32 s3, $0x3  }
0xf6: {  	s1 =	sadd.s32 s26, s1;
	s3 =	sadd.s32 s26, s2;
	s2 =	sld [smem:$0x7C3]  }
0xf7: {  	[dreg:$0x1c] =	wrdreg s1  }
0xf8: {  	[dreg:$0x1d] =	wrdreg s3  }
0xf9: {  	s3 =	sld [smem:$0x7C4];
	s1 =	sshrl.u32 s2, $0x3  }
0xfa: {  	s1 =	sadd.s32 s26, s1  }
0xfb: {  	[dreg:$0x1e] =	wrdreg s1  }
0xfc: {  	s1 =	sshrl.u32 s3, $0x3;
	s3 =	sld [smem:$0x7C5]  }
0xfd: {  	s28 =	sshll.u32 s28, $0x7  }
0xfe: {  	s2 =	sand.u32 $0x380, s28;
	s28 =	sld [smem:$0x7C7];
	s1 =	sadd.s32 s26, s1  }
0xff: {  	[dreg:$0x1f] =	wrdreg s1;
	s1 =	sshrl.u32 s3, $0x3  }
0x100: {  	s0 =	sor.u32 s2, s0;
	s1 =	sadd.s32 s26, s1  }
0x101: {  	s0 =	sshrl.u32 s0, $0x3;
	[smem:$0x7C6] =	sst s1  }
0x102: {  	s0 =	sadd.s32 s26, s0;
	s1 =	ssub.s32 s29, s28;
	s28 =	sld [smem:$0x7C9]  }
0x103: {  	[smem:$0x7C8] =	sst s0;
	s3 =	sshll.u32 s1, $0xC  }
0x104: {  	s26 =	sshll.u32 s29, $0x11;
	s1 =	sshll.u32 s1, $0x7;
	s0 =	sand.u32 $0xFFFFE000, s3  }
0x105: {  	s1 =	sand.u32 $0x80, s1;
	s3 =	sshll.u32 s28, $0xF;
	s28 =	sld [smem:$0x7CD]  }
0x106: {  	s30 =	sor.u32 s1, s0;
	s1 =	sor.u32 s26, s3;
	s3 =	sld [smem:$0x7CA]  }
0x107: {  	_ = 	snop  }
0x108: {  	s26 =	sld [smem:$0x7CC];
	s0 =	sor.u32 s2, s1  }
0x109: {  	s2 =	rddreg [dreg:$0x2];
	s1 =	sshrl.u32 s3, $0x3;
	s3 =	sshrl.u32 s28, $0x3  }
0x10a: {  	s1 =	sadd.s32 s2, s1;
	s28 =	sadd.s32 s2, s3;
	s3 =	sld [smem:$0x7D0]  }
0x10b: {  	[smem:$0x7CB] =	sst s1  }
0x10c: {  	s1 =	sshrl.u32 s26, $0x3;
	[smem:$0x7CF] =	sst s28  }
0x10d: {  	s28 =	sld [smem:$0x7D3];
	s1 =	sadd.s32 s2, s1  }
0x10e: {  	[smem:$0x7CE] =	sst s1;
	s1 =	sshrl.u32 s3, $0x3  }
0x10f: {  	s26 =	sld [smem:$0x7D2];
	s1 =	sadd.s32 s2, s1  }
0x110: {  	s3 =	sshrl.u32 s28, $0x3;
	[smem:$0x7D1] =	sst s1  }
0x111: {  	s28 =	sadd.s32 s2, s3;
	s3 =	sld [smem:$0x7D6]  }
0x112: {  	s1 =	sshrl.u32 s26, $0x3;
	[smem:$0x7D5] =	sst s28  }
0x113: {  	s1 =	sadd.s32 s2, s1;
	s28 =	sld [smem:$0x7D9]  }
0x114: {  	[smem:$0x7D4] =	sst s1;
	s1 =	sshrl.u32 s3, $0x3  }
0x115: {  	s26 =	sld [smem:$0x7D8];
	s1 =	sadd.s32 s2, s1  }
0x116: {  	s3 =	sshrl.u32 s28, $0x3;
	[smem:$0x7D7] =	sst s1  }
0x117: {  	s28 =	sadd.s32 s2, s3;
	s3 =	sld [smem:$0x7DC]  }
0x118: {  	s1 =	sshrl.u32 s26, $0x3;
	[smem:$0x7DB] =	sst s28  }
0x119: {  	s1 =	sadd.s32 s2, s1;
	s28 =	sld [smem:$0x7DF]  }
0x11a: {  	[smem:$0x7DA] =	sst s1;
	s1 =	sshrl.u32 s3, $0x3  }
0x11b: {  	s26 =	sld [smem:$0x7DE];
	s1 =	sadd.s32 s2, s1  }
0x11c: {  	s3 =	sshrl.u32 s28, $0x3;
	[smem:$0x7DD] =	sst s1  }
0x11d: {  	s28 =	sadd.s32 s2, s3;
	s3 =	sld [smem:$0x7E2]  }
0x11e: {  	s1 =	sshrl.u32 s26, $0x3;
	[smem:$0x7E1] =	sst s28  }
0x11f: {  	s1 =	sadd.s32 s2, s1;
	s28 =	sld [smem:$0x7E5]  }
0x120: {  	[smem:$0x7E0] =	sst s1;
	s1 =	sshrl.u32 s3, $0x3  }
0x121: {  	s26 =	sld [smem:$0x7E4];
	s1 =	sadd.s32 s2, s1  }
0x122: {  	s3 =	sshrl.u32 s28, $0x3;
	[smem:$0x7E3] =	sst s1  }
0x123: {  	s28 =	sadd.s32 s2, s3;
	s3 =	sld [smem:$0x7E8]  }
0x124: {  	s1 =	sshrl.u32 s26, $0x3;
	[smem:$0x7E7] =	sst s28  }
0x125: {  	s1 =	sadd.s32 s2, s1;
	s28 =	sld [smem:$0x7EB]  }
0x126: {  	[smem:$0x7E6] =	sst s1;
	s1 =	sshrl.u32 s3, $0x3  }
0x127: {  	s26 =	sld [smem:$0x7EA];
	s1 =	sadd.s32 s2, s1  }
0x128: {  	s3 =	sshrl.u32 s28, $0x3;
	[smem:$0x7E9] =	sst s1  }
0x129: {  	s28 =	sadd.s32 s2, s3;
	s3 =	sld [smem:$0x7EE]  }
0x12a: {  	[smem:$0x7ED] =	sst s28  }
0x12b: {  	s1 =	sshrl.u32 s26, $0x3;
	s28 =	sld [smem:$0x7F1]  }
0x12c: {  	s26 =	sld [smem:$0x7F0];
	s1 =	sadd.s32 s2, s1  }
0x12d: {  	[smem:$0x7EC] =	sst s1;
	s1 =	sshrl.u32 s3, $0x3  }
0x12e: {  	s1 =	sadd.s32 s2, s1;
	s3 =	sshrl.u32 s28, $0x3;
	s28 =	sld [smem:$0x7F4]  }
0x12f: {  	[smem:$0x7EF] =	sst s1  }
0x130: {  	s1 =	sshrl.u32 s26, $0x3;
	s26 =	sadd.s32 s2, s3;
	s3 =	sld [smem:$0x7F6]  }
0x131: {  	[smem:$0x7F3] =	sst s26  }
0x132: {  	s1 =	sadd.s32 s2, s1;
	s26 =	sld [smem:$0x7F7]  }
0x133: {  	s29 =	simm.s32 $0x0;
	[smem:$0x7F2] =	sst s1;
	s1 =	sshrl.u32 s28, $0x3  }
0x134: {  	[smem:$0x7FF] =	sst s29;
	s0 =	sshrl.u32 s0, $0x3;
	s1 =	sadd.s32 s2, s1  }
0x135: {  	s0 =	sadd.s32 s2, s0;
	[smem:$0x7F5] =	sst s1;
	s1 =	sshrl.u32 s3, $0x3  }
0x136: {  	[smem:$0x7FB] =	sst s0;
	s28 =	sshrl.u32 s26, $0x3;
	s1 =	sadd.s32 s2, s1  }
0x137: {  	s26 =	sshrl.u32 s31, $0x3;
	s3 =	sadd.s32 s2, s28;
	[smem:$0x7F8] =	sst s1  }
0x138: {  	[smem:$0x7F9] =	sst s3;
	s1 =	sadd.s32 s2, s26  }
0x139: {  	[smem:$0x7FA] =	sst s1  }
0x13a: {  	_ =	strace $0x80000047  }
0x13b: {  	s28 =	sld [smem:$0x7FC];
	_ =	sdelay $0x2  }
0x13c: {  	s31 =	simm.s32 $0x1;
	[dreg:$0x7] =	wrdreg s4;
	s0 =	smax.u32 s28, $0x1  }
0x13d: {  	s26 =	simm.s32 $0x2000;
	s2 =	simm.s32 $0x0;
	[smem:$0x7FD] =	sst s0  }
.LBB2_1:
0x13e: {  	[smem:$0x7A6] =	sst s2  }
0x13f: {  	s0 =	simm.s32 $0x80;
	s3 =	rddreg [dreg:$0x4]  }
0x140: {  	s1 =	simm.s32 $0x100;
	s28 =	simm.s32 $0x0;
	s2 =	sadd.s32 $0x0, s3  }
.LBB2_2:
0x141: {  	[tilespmem:s28], [sflag:$0x1] =	stream.linear.gather [hbm4b:s2+s29], $0x80, $0x38;
	[tilespmem:$0x1C700] =	vst v63  }
0x142: {  	s2 =	smov.u32 s0;
	s28 =	smov.u32 s1;
	p0 =	sne.s32 s0, $0xF80  }
.Ltmp0:
0x143: {  	s0 =	sadd.s32 $0x80, s0;
	(pc) =	sbr.rel @p0 .LBB2_2-.Ltmp0, $2  }
0x144: {  	_ =	sdelay $0x2  }
0x145: {  	s1 =	sadd.s32 $0x100, s1;
	s2 =	sadd.s32 s2, s3  }
0x146: {  	[tilespmem:s28], [sflag:$0x1] =	stream.linear.gather [hbm4b:s2+s29], $0x80, $0x38;
	[tilespmem:$0x1C700] =	vst v63  }
0x147: {  	s0 =	simm.s32 $0x80;
	_ =	swait.ge [sflag:s31], $0x1000  }
0x148: {  	s1 =	simm.s32 $0x80;
	[sflag:s31] =	ssyncset.done $0x0;
	s3 =	rddreg [dreg:$0x5]  }
0x149: {  	s28 =	simm.s32 $0x180;
	[sflag:s31] =	ssyncadd.s32 $0xFFFFF000;
	s2 =	sadd.s32 $0x0, s3  }
.LBB2_4:
0x14a: {  	[tilespmem:s0], [sflag:$0x1] =	stream.linear.gather [hbm4b:s2+s29], $0x80, $0x38;
	[tilespmem:$0x1C700] =	vst v63  }
0x14b: {  	s2 =	smov.u32 s1;
	s0 =	smov.u32 s28;
	p0 =	sne.s32 s1, $0xF80  }
.Ltmp1:
0x14c: {  	s1 =	sadd.s32 $0x80, s1;
	(pc) =	sbr.rel @p0 .LBB2_4-.Ltmp1, $2  }
0x14d: {  	_ =	sdelay $0x2  }
0x14e: {  	s28 =	sadd.s32 $0x100, s28;
	s2 =	sadd.s32 s2, s3  }
0x14f: {  	[tilespmem:s0], [sflag:$0x1] =	stream.linear.gather [hbm4b:s2+s29], $0x80, $0x38;
	[tilespmem:$0x1C700] =	vst v63  }
0x150: {  	_ =	swait.ge [sflag:s31], $0x1000  }
0x151: {  	s1 =	simm.s32 $0x80;
	[sflag:s31] =	ssyncset.done $0x0  }
0x152: {  	s4 =	simm.s32 $0x400;
	s3 =	rddreg [dreg:$0x8];
	[sflag:s31] =	ssyncadd.s32 $0xFFFFF000  }
0x153: {  	[tilespmem:s26], [sflag:$0x2] =	stream.strided.gather [hbm4b:s3+s1], $0x18700, s4, s1, $0x38;
	[tilespmem:$0x1C700] =	vst v63  }
0x154: {  	s2 =	simm.s32 $0x0;
	s3 =	simm.s32 $0x2  }
0x155: {  	s4 =	sand.u32 $0x7C00, s2;
	_ =	swait.ge [sflag:s3], $0x18700  }
0x156: {  	s0 =	sand.u32 $0x70, s2;
	s1 =	sshrl.u32 s4, $0x2;
	[sflag:s3] =	ssyncset.done $0x0  }
0x157: {  	s0 =	sor.u32 s0, s1;
	[sflag:s3] =	ssyncadd.s32 $0xFFFE7900  }
0x158: {  	v0 =	vld [tilespmem:s0+$0x0];
	_ =	sdelay $0x7  }
0x159: {  	v0 =	vld.idx.msk [tilespmem:v0+s26+$0x0], $0xffff;
	_ =	sdelay $0x1  }
0x15a: {  	s28 =	simm.s32 $0x80;
	s31 =	simm.s32 $0x10  }
0x15b: {  	s2 =	sand.u32 $0x7C00, s28;
	s1 =	simm.s32 $0x20;
	s0 =	simm.s32 $0x1A700  }
.LBB2_6:
0x15c: {  	p0 =	sne.s32 s1, $0xFF0;
	s31 =	sand.u32 $0x70, s31;
	s2 =	sshrl.u32 s2, $0x2  }
0x15d: {  	s2 =	sor.u32 s31, s2;
	[tilespmem:s0+$0x0] =	vst v0;
	s31 =	smov.u32 s1  }
0x15e: {  	v0 =	vld [tilespmem:s2+$0x0];
	_ =	sdelay $0x7  }
.Ltmp2:
0x15f: {  	v0 =	vld.idx.msk [tilespmem:v0+s26+$0x0], $0xffff;
	(pc) =	sbr.rel @p0 .LBB2_6-.Ltmp2, $3  }
0x160: {  	_ =	sdelay $0x1  }
0x161: {  	s28 =	sadd.s32 $0x80, s28  }
0x162: {  	s1 =	sadd.s32 $0x10, s1;
	s0 =	sadd.s32 $0x10, s0;
	s2 =	sand.u32 $0x7C00, s28  }
0x163: {  	s1 =	sand.u32 $0x70, s31;
	s2 =	sshrl.u32 s2, $0x2  }
0x164: {  	[tilespmem:s0+$0x0] =	vst v0;
	s1 =	sor.u32 s1, s2  }
0x165: {  	v0 =	vld [tilespmem:s1+$0x0];
	_ =	sdelay $0x7  }
0x166: {  	v0 =	vld.idx.msk [tilespmem:v0+s26+$0x0], $0xffff;
	_ =	sdelay $0x2  }
0x167: {  	s4 =	sld [smem:$0x7CB]  }
0x168: {  	s3 =	sadd.s32 $0x10, s0  }
0x169: {  	s2 =	simm.s32 $0x400;
	s1 =	simm.s32 $0x80;
	[tilespmem:s3+$0x0] =	vst v0;
	s3 =	simm.s32 $0x1A700  }
0x16a: {  	[hbm4b:s4+s1] =	stream.strided.scatter [tilespmem:s3], [sflag:$0x3], $0x1000, s2, s1, $0x38;
	[tilespmem:$0x1C700] =	vst v63  }
0x16b: {  	s4 =	rddreg [dreg:$0x9]  }
0x16c: {  	[tilespmem:s26], [sflag:$0x2] =	stream.strided.gather [hbm4b:s4+s1], $0x18700, s2, s1, $0x38;
	[tilespmem:$0x1C700] =	vst v63  }
0x16d: {  	s3 =	simm.s32 $0x2;
	s1 =	simm.s32 $0x0  }
0x16e: {  	_ =	swait.ge [sflag:s3], $0x18700;
	s2 =	sand.u32 $0x7C00, s1  }
0x16f: {  	s4 =	sand.u32 $0x70, s1;
	[sflag:s3] =	ssyncset.done $0x0;
	s0 =	sshrl.u32 s2, $0x2  }
0x170: {  	[sflag:s3] =	ssyncadd.s32 $0xFFFE7900;
	s0 =	sor.u32 s4, s0  }
0x171: {  	v0 =	vld [tilespmem:s0+$0x0];
	_ =	sdelay $0x7  }
0x172: {  	v0 =	vld.idx.msk [tilespmem:v0+s26+$0x0], $0xffff;
	_ =	sdelay $0x1  }
0x173: {  	s28 =	simm.s32 $0x80;
	s31 =	simm.s32 $0x20  }
0x174: {  	s1 =	sand.u32 $0xFF0, s1;
	s2 =	sand.u32 $0x7C00, s28;
	s0 =	simm.s32 $0x10  }
.LBB2_8:
0x175: {  	p0 =	sne.s32 s31, $0xFF0;
	s3 =	sand.u32 $0x70, s0;
	s2 =	sshrl.u32 s2, $0x2  }
0x176: {  	s2 =	sor.u32 s3, s2;
	[tilespmem:s1+$0x1B700] =	vst v0;
	s1 =	smov.u32 s0;
	s0 =	smov.u32 s31  }
0x177: {  	v0 =	vld [tilespmem:s2+$0x0];
	_ =	sdelay $0x7  }
.Ltmp3:
0x178: {  	v0 =	vld.idx.msk [tilespmem:v0+s26+$0x0], $0xffff;
	(pc) =	sbr.rel @p0 .LBB2_8-.Ltmp3, $3  }
0x179: {  	_ =	sdelay $0x1  }
0x17a: {  	s28 =	sadd.s32 $0x80, s28  }
0x17b: {  	s31 =	sadd.s32 $0x10, s31;
	s2 =	sand.u32 $0x7C00, s28;
	s1 =	sand.u32 $0xFF0, s1  }
0x17c: {  	s3 =	sand.u32 $0x70, s0;
	s2 =	sshrl.u32 s2, $0x2  }
0x17d: {  	[tilespmem:s1+$0x1B700] =	vst v0;
	s2 =	sor.u32 s3, s2  }
0x17e: {  	v0 =	vld [tilespmem:s2+$0x0];
	_ =	sdelay $0x7  }
0x17f: {  	v0 =	vld.idx.msk [tilespmem:v0+s26+$0x0], $0xffff;
	_ =	sdelay $0x2  }
0x180: {  	s3 =	sld [smem:$0x7CE]  }
0x181: {  	s2 =	sand.u32 $0xFF0, s0  }
0x182: {  	s1 =	simm.s32 $0x80;
	s4 =	simm.s32 $0x1B700;
	[tilespmem:s2+$0x1B700] =	vst v0;
	s2 =	simm.s32 $0x400  }
0x183: {  	[hbm4b:s3+s1] =	stream.strided.scatter [tilespmem:s4], [sflag:$0x3], $0x1000, s2, s1, $0x38;
	[tilespmem:$0x1C700] =	vst v63  }
0x184: {  	s4 =	rddreg [dreg:$0xa];
	s3 =	simm.s32 $0x2  }
0x185: {  	[tilespmem:s26], [sflag:$0x2] =	stream.strided.gather [hbm4b:s4+s1], $0x18700, s2, s1, $0x38;
	[tilespmem:$0x1C700] =	vst v63  }
0x186: {  	_ =	swait.ge [sflag:s3], $0x18700  }
0x187: {  	[sflag:s3] =	ssyncset.done $0x0  }
0x188: {  	s4 =	simm.s32 $0x0;
	[sflag:s3] =	ssyncadd.s32 $0xFFFE7900;
	s3 =	simm.s32 $0x3  }
0x189: {  	s2 =	sand.u32 $0x7C00, s4;
	_ =	swait.ge [sflag:s3], $0x1000  }
0x18a: {  	s0 =	sand.u32 $0x70, s4;
	s1 =	sshrl.u32 s2, $0x2;
	s4 =	rddreg [dreg:$0x6]  }
0x18b: {  	[sflag:s3] =	ssyncset.done $0x0;
	s1 =	sadd.s32 s1, s4  }
0x18c: {  	[sflag:s3] =	ssyncadd.s32 $0xFFFFF000;
	s0 =	sadd.s32 s0, s1  }
0x18d: {  	v0 =	vld [tilespmem:s0+$0x0];
	_ =	sdelay $0x7  }
0x18e: {  	v0 =	vld.idx.msk [tilespmem:v0+s26+$0x0], $0xffff  }
0x18f: {  	s1 =	simm.s32 $0x80  }
0x190: {  	s0 =	sand.u32 $0x7C00, s1  }
0x191: {  	s2 =	simm.s32 $0x10;
	s3 =	sshrl.u32 s0, $0x2  }
0x192: {  	s1 =	sand.u32 $0x70, s2;
	s0 =	simm.s32 $0x1A700;
	s2 =	sadd.s32 s3, s4  }
0x193: {  	s1 =	sadd.s32 s1, s2;
	[tilespmem:s0+$0x0] =	vst v0  }
0x194: {  	v0 =	vld [tilespmem:s1+$0x0];
	_ =	sdelay $0x7  }
0x195: {  	v0 =	vld.idx.msk [tilespmem:v0+s26+$0x0], $0xffff  }
0x196: {  	s28 =	simm.s32 $0x100  }
0x197: {  	s31 =	simm.s32 $0x20;
	s2 =	sand.u32 $0x7C00, s28;
	s1 =	simm.s32 $0x30  }
.LBB2_10:
0x198: {  	p0 =	sne.s32 s1, $0xFF0;
	s2 =	sshrl.u32 s2, $0x2  }
0x199: {  	s3 =	sand.u32 $0x70, s31;
	s0 =	sadd.s32 $0x10, s0;
	s2 =	sadd.s32 s2, s4  }
0x19a: {  	s31 =	smov.u32 s1;
	s2 =	sadd.s32 s3, s2;
	[tilespmem:s0+$0x0] =	vst v0  }
0x19b: {  	v0 =	vld [tilespmem:s2+$0x0];
	_ =	sdelay $0x6  }
.Ltmp4:
0x19c: {  	(pc) =	sbr.rel @p0 .LBB2_10-.Ltmp4, $3  }
0x19d: {  	v0 =	vld.idx.msk [tilespmem:v0+s26+$0x0], $0xffff;
	_ =	sdelay $0x1  }
0x19e: {  	s28 =	sadd.s32 $0x80, s28  }
0x19f: {  	s1 =	sadd.s32 $0x10, s1;
	s2 =	sand.u32 $0x7C00, s28  }
0x1a0: {  	s1 =	sshrl.u32 s2, $0x2  }
0x1a1: {  	s3 =	sand.u32 $0x70, s31;
	s0 =	sadd.s32 $0x10, s0;
	s1 =	sadd.s32 s1, s4  }
0x1a2: {  	[tilespmem:s0+$0x0] =	vst v0;
	s1 =	sadd.s32 s3, s1  }
0x1a3: {  	v0 =	vld [tilespmem:s1+$0x0];
	_ =	sdelay $0x7  }
0x1a4: {  	v0 =	vld.idx.msk [tilespmem:v0+s26+$0x0], $0xffff;
	_ =	sdelay $0x2  }
0x1a5: {  	s4 =	sld [smem:$0x7CF]  }
0x1a6: {  	s0 =	sadd.s32 $0x10, s0  }
0x1a7: {  	s2 =	simm.s32 $0x400;
	s3 =	simm.s32 $0x1A700;
	s1 =	simm.s32 $0x80;
	[tilespmem:s0+$0x0] =	vst v0  }
0x1a8: {  	[hbm4b:s4+s1] =	stream.strided.scatter [tilespmem:s3], [sflag:$0x3], $0x1000, s2, s1, $0x38;
	[tilespmem:$0x1C700] =	vst v63  }
0x1a9: {  	s4 =	rddreg [dreg:$0xb];
	s3 =	simm.s32 $0x2  }
0x1aa: {  	[tilespmem:s26], [sflag:$0x2] =	stream.strided.gather [hbm4b:s4+s1], $0x18700, s2, s1, $0x38;
	[tilespmem:$0x1C700] =	vst v63  }
0x1ab: {  	_ =	swait.ge [sflag:s3], $0x18700  }
0x1ac: {  	[sflag:s3] =	ssyncset.done $0x0  }
0x1ad: {  	s0 =	simm.s32 $0x0;
	[sflag:s3] =	ssyncadd.s32 $0xFFFE7900;
	s3 =	simm.s32 $0x3  }
0x1ae: {  	s4 =	sand.u32 $0x7C00, s0;
	_ =	swait.ge [sflag:s3], $0x1000  }
0x1af: {  	s1 =	sshrl.u32 s4, $0x2;
	s4 =	rddreg [dreg:$0x7]  }
0x1b0: {  	s2 =	sand.u32 $0x70, s0;
	[sflag:s3] =	ssyncset.done $0x0;
	s1 =	sadd.s32 s1, s4  }
0x1b1: {  	[sflag:s3] =	ssyncadd.s32 $0xFFFFF000;
	s1 =	sadd.s32 s2, s1  }
0x1b2: {  	v0 =	vld [tilespmem:s1+$0x0];
	_ =	sdelay $0x7  }
0x1b3: {  	v0 =	vld.idx.msk [tilespmem:v0+s26+$0x0], $0xffff  }
0x1b4: {  	s31 =	simm.s32 $0x80  }
0x1b5: {  	s28 =	simm.s32 $0x10;
	s2 =	sand.u32 $0x7C00, s31;
	s1 =	simm.s32 $0x20  }
.LBB2_12:
0x1b6: {  	p0 =	sne.s32 s1, $0xFF0;
	s2 =	sshrl.u32 s2, $0x2  }
0x1b7: {  	s3 =	sand.u32 $0x70, s28;
	s0 =	sand.u32 $0xFF0, s0;
	s2 =	sadd.s32 s2, s4  }
0x1b8: {  	s2 =	sadd.s32 s3, s2;
	[tilespmem:s0+$0x1B700] =	vst v0;
	s0 =	smov.u32 s28;
	s28 =	smov.u32 s1  }
0x1b9: {  	v0 =	vld [tilespmem:s2+$0x0];
	_ =	sdelay $0x6  }
.Ltmp5:
0x1ba: {  	(pc) =	sbr.rel @p0 .LBB2_12-.Ltmp5, $3  }
0x1bb: {  	v0 =	vld.idx.msk [tilespmem:v0+s26+$0x0], $0xffff;
	_ =	sdelay $0x1  }
0x1bc: {  	s31 =	sadd.s32 $0x80, s31  }
0x1bd: {  	s1 =	sadd.s32 $0x10, s1;
	s2 =	sand.u32 $0x7C00, s31  }
0x1be: {  	s1 =	sshrl.u32 s2, $0x2  }
0x1bf: {  	s3 =	sand.u32 $0x70, s28;
	s0 =	sand.u32 $0xFF0, s0;
	s1 =	sadd.s32 s1, s4  }
0x1c0: {  	[tilespmem:s0+$0x1B700] =	vst v0;
	s1 =	sadd.s32 s3, s1  }
0x1c1: {  	v0 =	vld [tilespmem:s1+$0x0];
	_ =	sdelay $0x7  }
0x1c2: {  	v0 =	vld.idx.msk [tilespmem:v0+s26+$0x0], $0xffff;
	_ =	sdelay $0x2  }
0x1c3: {  	s4 =	sld [smem:$0x7D1]  }
0x1c4: {  	s3 =	sand.u32 $0xFF0, s28  }
0x1c5: {  	s2 =	simm.s32 $0x400;
	s1 =	simm.s32 $0x80;
	[tilespmem:s3+$0x1B700] =	vst v0;
	s3 =	simm.s32 $0x1B700  }
0x1c6: {  	[hbm4b:s4+s1] =	stream.strided.scatter [tilespmem:s3], [sflag:$0x3], $0x1000, s2, s1, $0x38;
	[tilespmem:$0x1C700] =	vst v63  }
0x1c7: {  	s0 =	simm.s32 $0x2;
	s4 =	rddreg [dreg:$0xc]  }
0x1c8: {  	[tilespmem:s26], [sflag:$0x2] =	stream.strided.gather [hbm4b:s4+s1], $0x18700, s2, s1, $0x38;
	[tilespmem:$0x1C700] =	vst v63  }
0x1c9: {  	_ =	swait.ge [sflag:s0], $0x18700  }
0x1ca: {  	s2 =	simm.s32 $0x0;
	[sflag:s0] =	ssyncset.done $0x0  }
0x1cb: {  	s4 =	simm.s32 $0x3;
	s3 =	sand.u32 $0x7C00, s2;
	[sflag:s0] =	ssyncadd.s32 $0xFFFE7900  }
0x1cc: {  	s1 =	sshrl.u32 s3, $0x2;
	_ =	swait.ge [sflag:s4], $0x1000  }
0x1cd: {  	s0 =	sand.u32 $0x70, s2;
	s1 =	sadd.s32 s1, s5;
	[sflag:s4] =	ssyncset.done $0x0  }
0x1ce: {  	s0 =	sadd.s32 s0, s1;
	[sflag:s4] =	ssyncadd.s32 $0xFFFFF000  }
0x1cf: {  	v0 =	vld [tilespmem:s0+$0x0];
	_ =	sdelay $0x7  }
0x1d0: {  	v0 =	vld.idx.msk [tilespmem:v0+s26+$0x0], $0xffff  }
0x1d1: {  	s2 =	simm.s32 $0x80  }
0x1d2: {  	s0 =	sand.u32 $0x7C00, s2  }
0x1d3: {  	s3 =	simm.s32 $0x10;
	s4 =	sshrl.u32 s0, $0x2  }
0x1d4: {  	s1 =	sand.u32 $0x70, s3;
	s0 =	simm.s32 $0x1A700;
	s2 =	sadd.s32 s4, s5  }
0x1d5: {  	s1 =	sadd.s32 s1, s2;
	[tilespmem:s0+$0x0] =	vst v0  }
0x1d6: {  	v0 =	vld [tilespmem:s1+$0x0];
	_ =	sdelay $0x7  }
0x1d7: {  	v0 =	vld.idx.msk [tilespmem:v0+s26+$0x0], $0xffff  }
0x1d8: {  	s28 =	simm.s32 $0x100  }
0x1d9: {  	s31 =	simm.s32 $0x20;
	s2 =	sand.u32 $0x7C00, s28;
	s1 =	simm.s32 $0x30  }
.LBB2_14:
0x1da: {  	p0 =	sne.s32 s1, $0xFF0;
	s2 =	sshrl.u32 s2, $0x2  }
0x1db: {  	s3 =	sand.u32 $0x70, s31;
	s0 =	sadd.s32 $0x10, s0;
	s2 =	sadd.s32 s2, s5  }
0x1dc: {  	s31 =	smov.u32 s1;
	s2 =	sadd.s32 s3, s2;
	[tilespmem:s0+$0x0] =	vst v0  }
0x1dd: {  	v0 =	vld [tilespmem:s2+$0x0];
	_ =	sdelay $0x6  }
.Ltmp6:
0x1de: {  	(pc) =	sbr.rel @p0 .LBB2_14-.Ltmp6, $3  }
0x1df: {  	v0 =	vld.idx.msk [tilespmem:v0+s26+$0x0], $0xffff;
	_ =	sdelay $0x1  }
0x1e0: {  	s28 =	sadd.s32 $0x80, s28  }
0x1e1: {  	s1 =	sadd.s32 $0x10, s1;
	s2 =	sand.u32 $0x7C00, s28  }
0x1e2: {  	s1 =	sshrl.u32 s2, $0x2  }
0x1e3: {  	s3 =	sand.u32 $0x70, s31;
	s0 =	sadd.s32 $0x10, s0;
	s1 =	sadd.s32 s1, s5  }
0x1e4: {  	[tilespmem:s0+$0x0] =	vst v0;
	s1 =	sadd.s32 s3, s1  }
0x1e5: {  	v0 =	vld [tilespmem:s1+$0x0];
	_ =	sdelay $0x7  }
0x1e6: {  	v0 =	vld.idx.msk [tilespmem:v0+s26+$0x0], $0xffff;
	_ =	sdelay $0x2  }
0x1e7: {  	s4 =	sld [smem:$0x7D4]  }
0x1e8: {  	s0 =	sadd.s32 $0x10, s0  }
0x1e9: {  	s2 =	simm.s32 $0x400;
	s3 =	simm.s32 $0x1A700;
	s1 =	simm.s32 $0x80;
	[tilespmem:s0+$0x0] =	vst v0  }
0x1ea: {  	[hbm4b:s4+s1] =	stream.strided.scatter [tilespmem:s3], [sflag:$0x3], $0x1000, s2, s1, $0x38;
	[tilespmem:$0x1C700] =	vst v63  }
0x1eb: {  	s4 =	rddreg [dreg:$0xd];
	s3 =	simm.s32 $0x2  }
0x1ec: {  	[tilespmem:s26], [sflag:$0x2] =	stream.strided.gather [hbm4b:s4+s1], $0x18700, s2, s1, $0x38;
	[tilespmem:$0x1C700] =	vst v63  }
0x1ed: {  	_ =	swait.ge [sflag:s3], $0x18700  }
0x1ee: {  	s0 =	simm.s32 $0x0;
	[sflag:s3] =	ssyncset.done $0x0  }
0x1ef: {  	s4 =	sand.u32 $0x7C00, s0;
	s2 =	simm.s32 $0x3;
	[sflag:s3] =	ssyncadd.s32 $0xFFFE7900  }
0x1f0: {  	s1 =	sshrl.u32 s4, $0x2;
	_ =	swait.ge [sflag:s2], $0x1000  }
0x1f1: {  	s4 =	sand.u32 $0x70, s0;
	s1 =	sadd.s32 s1, s6;
	[sflag:s2] =	ssyncset.done $0x0  }
0x1f2: {  	s1 =	sadd.s32 s4, s1;
	[sflag:s2] =	ssyncadd.s32 $0xFFFFF000  }
0x1f3: {  	v0 =	vld [tilespmem:s1+$0x0];
	_ =	sdelay $0x7  }
0x1f4: {  	v0 =	vld.idx.msk [tilespmem:v0+s26+$0x0], $0xffff  }
0x1f5: {  	s31 =	simm.s32 $0x80  }
0x1f6: {  	s28 =	simm.s32 $0x10;
	s2 =	sand.u32 $0x7C00, s31;
	s1 =	simm.s32 $0x20  }
.LBB2_16:
0x1f7: {  	p0 =	sne.s32 s1, $0xFF0;
	s2 =	sshrl.u32 s2, $0x2  }
0x1f8: {  	s3 =	sand.u32 $0x70, s28;
	s0 =	sand.u32 $0xFF0, s0;
	s2 =	sadd.s32 s2, s6  }
0x1f9: {  	s2 =	sadd.s32 s3, s2;
	[tilespmem:s0+$0x1B700] =	vst v0;
	s0 =	smov.u32 s28;
	s28 =	smov.u32 s1  }
0x1fa: {  	v0 =	vld [tilespmem:s2+$0x0];
	_ =	sdelay $0x6  }
.Ltmp7:
0x1fb: {  	(pc) =	sbr.rel @p0 .LBB2_16-.Ltmp7, $3  }
0x1fc: {  	v0 =	vld.idx.msk [tilespmem:v0+s26+$0x0], $0xffff;
	_ =	sdelay $0x1  }
0x1fd: {  	s31 =	sadd.s32 $0x80, s31  }
0x1fe: {  	s1 =	sadd.s32 $0x10, s1;
	s2 =	sand.u32 $0x7C00, s31  }
0x1ff: {  	s1 =	sshrl.u32 s2, $0x2  }
0x200: {  	s4 =	sand.u32 $0x70, s28;
	s0 =	sand.u32 $0xFF0, s0;
	s1 =	sadd.s32 s1, s6  }
0x201: {  	[tilespmem:s0+$0x1B700] =	vst v0;
	s1 =	sadd.s32 s4, s1  }
0x202: {  	v0 =	vld [tilespmem:s1+$0x0];
	_ =	sdelay $0x7  }
0x203: {  	v0 =	vld.idx.msk [tilespmem:v0+s26+$0x0], $0xffff;
	_ =	sdelay $0x2  }
0x204: {  	s4 =	sld [smem:$0x7D5]  }
0x205: {  	s3 =	sand.u32 $0xFF0, s28  }
0x206: {  	s2 =	simm.s32 $0x400;
	s1 =	simm.s32 $0x80;
	[tilespmem:s3+$0x1B700] =	vst v0;
	s3 =	simm.s32 $0x1B700  }
0x207: {  	[hbm4b:s4+s1] =	stream.strided.scatter [tilespmem:s3], [sflag:$0x3], $0x1000, s2, s1, $0x38;
	[tilespmem:$0x1C700] =	vst v63  }
0x208: {  	s0 =	simm.s32 $0x2;
	s4 =	rddreg [dreg:$0xe]  }
0x209: {  	[tilespmem:s26], [sflag:$0x2] =	stream.strided.gather [hbm4b:s4+s1], $0x18700, s2, s1, $0x38;
	[tilespmem:$0x1C700] =	vst v63  }
0x20a: {  	_ =	swait.ge [sflag:s0], $0x18700  }
0x20b: {  	s2 =	simm.s32 $0x0;
	[sflag:s0] =	ssyncset.done $0x0  }
0x20c: {  	s4 =	simm.s32 $0x3;
	s3 =	sand.u32 $0x7C00, s2;
	[sflag:s0] =	ssyncadd.s32 $0xFFFE7900  }
0x20d: {  	s1 =	sshrl.u32 s3, $0x2;
	_ =	swait.ge [sflag:s4], $0x1000  }
0x20e: {  	s0 =	sand.u32 $0x70, s2;
	s1 =	sadd.s32 s1, s7;
	[sflag:s4] =	ssyncset.done $0x0  }
0x20f: {  	s0 =	sadd.s32 s0, s1;
	[sflag:s4] =	ssyncadd.s32 $0xFFFFF000  }
0x210: {  	v0 =	vld [tilespmem:s0+$0x0];
	_ =	sdelay $0x7  }
0x211: {  	v0 =	vld.idx.msk [tilespmem:v0+s26+$0x0], $0xffff  }
0x212: {  	s2 =	simm.s32 $0x80  }
0x213: {  	s0 =	sand.u32 $0x7C00, s2  }
0x214: {  	s3 =	simm.s32 $0x10;
	s4 =	sshrl.u32 s0, $0x2  }
0x215: {  	s1 =	sand.u32 $0x70, s3;
	s0 =	simm.s32 $0x1A700;
	s2 =	sadd.s32 s4, s7  }
0x216: {  	s1 =	sadd.s32 s1, s2;
	[tilespmem:s0+$0x0] =	vst v0  }
0x217: {  	v0 =	vld [tilespmem:s1+$0x0];
	_ =	sdelay $0x7  }
0x218: {  	v0 =	vld.idx.msk [tilespmem:v0+s26+$0x0], $0xffff  }
0x219: {  	s28 =	simm.s32 $0x100  }
0x21a: {  	s31 =	simm.s32 $0x20;
	s2 =	sand.u32 $0x7C00, s28;
	s1 =	simm.s32 $0x30  }
.LBB2_18:
0x21b: {  	p0 =	sne.s32 s1, $0xFF0;
	s2 =	sshrl.u32 s2, $0x2  }
0x21c: {  	s3 =	sand.u32 $0x70, s31;
	s0 =	sadd.s32 $0x10, s0;
	s2 =	sadd.s32 s2, s7  }
0x21d: {  	s31 =	smov.u32 s1;
	s2 =	sadd.s32 s3, s2;
	[tilespmem:s0+$0x0] =	vst v0  }
0x21e: {  	v0 =	vld [tilespmem:s2+$0x0];
	_ =	sdelay $0x6  }
.Ltmp8:
0x21f: {  	(pc) =	sbr.rel @p0 .LBB2_18-.Ltmp8, $3  }
0x220: {  	v0 =	vld.idx.msk [tilespmem:v0+s26+$0x0], $0xffff;
	_ =	sdelay $0x1  }
0x221: {  	s28 =	sadd.s32 $0x80, s28  }
0x222: {  	s1 =	sadd.s32 $0x10, s1;
	s2 =	sand.u32 $0x7C00, s28  }
0x223: {  	s1 =	sshrl.u32 s2, $0x2  }
0x224: {  	s3 =	sand.u32 $0x70, s31;
	s0 =	sadd.s32 $0x10, s0;
	s1 =	sadd.s32 s1, s7  }
0x225: {  	[tilespmem:s0+$0x0] =	vst v0;
	s1 =	sadd.s32 s3, s1  }
0x226: {  	v0 =	vld [tilespmem:s1+$0x0];
	_ =	sdelay $0x7  }
0x227: {  	v0 =	vld.idx.msk [tilespmem:v0+s26+$0x0], $0xffff;
	_ =	sdelay $0x2  }
0x228: {  	s4 =	sld [smem:$0x7D7]  }
0x229: {  	s0 =	sadd.s32 $0x10, s0  }
0x22a: {  	s2 =	simm.s32 $0x400;
	s3 =	simm.s32 $0x1A700;
	s1 =	simm.s32 $0x80;
	[tilespmem:s0+$0x0] =	vst v0  }
0x22b: {  	[hbm4b:s4+s1] =	stream.strided.scatter [tilespmem:s3], [sflag:$0x3], $0x1000, s2, s1, $0x38;
	[tilespmem:$0x1C700] =	vst v63  }
0x22c: {  	s4 =	rddreg [dreg:$0xf];
	s3 =	simm.s32 $0x2  }
0x22d: {  	[tilespmem:s26], [sflag:$0x2] =	stream.strided.gather [hbm4b:s4+s1], $0x18700, s2, s1, $0x38;
	[tilespmem:$0x1C700] =	vst v63  }
0x22e: {  	_ =	swait.ge [sflag:s3], $0x18700  }
0x22f: {  	s0 =	simm.s32 $0x0;
	[sflag:s3] =	ssyncset.done $0x0  }
0x230: {  	s4 =	sand.u32 $0x7C00, s0;
	s2 =	simm.s32 $0x3;
	[sflag:s3] =	ssyncadd.s32 $0xFFFE7900  }
0x231: {  	s1 =	sshrl.u32 s4, $0x2;
	_ =	swait.ge [sflag:s2], $0x1000  }
0x232: {  	s4 =	sand.u32 $0x70, s0;
	s1 =	sadd.s32 s1, s8;
	[sflag:s2] =	ssyncset.done $0x0  }
0x233: {  	s1 =	sadd.s32 s4, s1;
	[sflag:s2] =	ssyncadd.s32 $0xFFFFF000  }
0x234: {  	v0 =	vld [tilespmem:s1+$0x0];
	_ =	sdelay $0x7  }
0x235: {  	v0 =	vld.idx.msk [tilespmem:v0+s26+$0x0], $0xffff  }
0x236: {  	s31 =	simm.s32 $0x80  }
0x237: {  	s28 =	simm.s32 $0x10;
	s2 =	sand.u32 $0x7C00, s31;
	s1 =	simm.s32 $0x20  }
.LBB2_20:
0x238: {  	p0 =	sne.s32 s1, $0xFF0;
	s2 =	sshrl.u32 s2, $0x2  }
0x239: {  	s3 =	sand.u32 $0x70, s28;
	s0 =	sand.u32 $0xFF0, s0;
	s2 =	sadd.s32 s2, s8  }
0x23a: {  	s2 =	sadd.s32 s3, s2;
	[tilespmem:s0+$0x1B700] =	vst v0;
	s0 =	smov.u32 s28;
	s28 =	smov.u32 s1  }
0x23b: {  	v0 =	vld [tilespmem:s2+$0x0];
	_ =	sdelay $0x6  }
.Ltmp9:
0x23c: {  	(pc) =	sbr.rel @p0 .LBB2_20-.Ltmp9, $3  }
0x23d: {  	v0 =	vld.idx.msk [tilespmem:v0+s26+$0x0], $0xffff;
	_ =	sdelay $0x1  }
0x23e: {  	s31 =	sadd.s32 $0x80, s31  }
0x23f: {  	s1 =	sadd.s32 $0x10, s1;
	s2 =	sand.u32 $0x7C00, s31  }
0x240: {  	s1 =	sshrl.u32 s2, $0x2  }
0x241: {  	s4 =	sand.u32 $0x70, s28;
	s0 =	sand.u32 $0xFF0, s0;
	s1 =	sadd.s32 s1, s8  }
0x242: {  	[tilespmem:s0+$0x1B700] =	vst v0;
	s1 =	sadd.s32 s4, s1  }
0x243: {  	v0 =	vld [tilespmem:s1+$0x0];
	_ =	sdelay $0x7  }
0x244: {  	v0 =	vld.idx.msk [tilespmem:v0+s26+$0x0], $0xffff;
	_ =	sdelay $0x2  }
0x245: {  	s4 =	sld [smem:$0x7DA]  }
0x246: {  	s3 =	sand.u32 $0xFF0, s28  }
0x247: {  	s2 =	simm.s32 $0x400;
	s1 =	simm.s32 $0x80;
	[tilespmem:s3+$0x1B700] =	vst v0;
	s3 =	simm.s32 $0x1B700  }
0x248: {  	[hbm4b:s4+s1] =	stream.strided.scatter [tilespmem:s3], [sflag:$0x3], $0x1000, s2, s1, $0x38;
	[tilespmem:$0x1C700] =	vst v63  }
0x249: {  	s0 =	simm.s32 $0x2;
	s4 =	rddreg [dreg:$0x10]  }
0x24a: {  	[tilespmem:s26], [sflag:$0x2] =	stream.strided.gather [hbm4b:s4+s1], $0x18700, s2, s1, $0x38;
	[tilespmem:$0x1C700] =	vst v63  }
0x24b: {  	_ =	swait.ge [sflag:s0], $0x18700  }
0x24c: {  	s2 =	simm.s32 $0x0;
	[sflag:s0] =	ssyncset.done $0x0  }
0x24d: {  	s4 =	simm.s32 $0x3;
	s3 =	sand.u32 $0x7C00, s2;
	[sflag:s0] =	ssyncadd.s32 $0xFFFE7900  }
0x24e: {  	s1 =	sshrl.u32 s3, $0x2;
	_ =	swait.ge [sflag:s4], $0x1000  }
0x24f: {  	s0 =	sand.u32 $0x70, s2;
	s1 =	sadd.s32 s1, s9;
	[sflag:s4] =	ssyncset.done $0x0  }
0x250: {  	s0 =	sadd.s32 s0, s1;
	[sflag:s4] =	ssyncadd.s32 $0xFFFFF000  }
0x251: {  	v0 =	vld [tilespmem:s0+$0x0];
	_ =	sdelay $0x7  }
0x252: {  	v0 =	vld.idx.msk [tilespmem:v0+s26+$0x0], $0xffff  }
0x253: {  	s2 =	simm.s32 $0x80  }
0x254: {  	s0 =	sand.u32 $0x7C00, s2  }
0x255: {  	s3 =	simm.s32 $0x10;
	s4 =	sshrl.u32 s0, $0x2  }
0x256: {  	s1 =	sand.u32 $0x70, s3;
	s0 =	simm.s32 $0x1A700;
	s2 =	sadd.s32 s4, s9  }
0x257: {  	s1 =	sadd.s32 s1, s2;
	[tilespmem:s0+$0x0] =	vst v0  }
0x258: {  	v0 =	vld [tilespmem:s1+$0x0];
	_ =	sdelay $0x7  }
0x259: {  	v0 =	vld.idx.msk [tilespmem:v0+s26+$0x0], $0xffff  }
0x25a: {  	s28 =	simm.s32 $0x100  }
0x25b: {  	s31 =	simm.s32 $0x20;
	s2 =	sand.u32 $0x7C00, s28;
	s1 =	simm.s32 $0x30  }
.LBB2_22:
0x25c: {  	p0 =	sne.s32 s1, $0xFF0;
	s2 =	sshrl.u32 s2, $0x2  }
0x25d: {  	s3 =	sand.u32 $0x70, s31;
	s0 =	sadd.s32 $0x10, s0;
	s2 =	sadd.s32 s2, s9  }
0x25e: {  	s31 =	smov.u32 s1;
	s2 =	sadd.s32 s3, s2;
	[tilespmem:s0+$0x0] =	vst v0  }
0x25f: {  	v0 =	vld [tilespmem:s2+$0x0];
	_ =	sdelay $0x6  }
.Ltmp10:
0x260: {  	(pc) =	sbr.rel @p0 .LBB2_22-.Ltmp10, $3  }
0x261: {  	v0 =	vld.idx.msk [tilespmem:v0+s26+$0x0], $0xffff;
	_ =	sdelay $0x1  }
0x262: {  	s28 =	sadd.s32 $0x80, s28  }
0x263: {  	s1 =	sadd.s32 $0x10, s1;
	s2 =	sand.u32 $0x7C00, s28  }
0x264: {  	s1 =	sshrl.u32 s2, $0x2  }
0x265: {  	s3 =	sand.u32 $0x70, s31;
	s0 =	sadd.s32 $0x10, s0;
	s1 =	sadd.s32 s1, s9  }
0x266: {  	[tilespmem:s0+$0x0] =	vst v0;
	s1 =	sadd.s32 s3, s1  }
0x267: {  	v0 =	vld [tilespmem:s1+$0x0];
	_ =	sdelay $0x7  }
0x268: {  	v0 =	vld.idx.msk [tilespmem:v0+s26+$0x0], $0xffff;
	_ =	sdelay $0x2  }
0x269: {  	s4 =	sld [smem:$0x7DB]  }
0x26a: {  	s0 =	sadd.s32 $0x10, s0  }
0x26b: {  	s2 =	simm.s32 $0x400;
	s3 =	simm.s32 $0x1A700;
	s1 =	simm.s32 $0x80;
	[tilespmem:s0+$0x0] =	vst v0  }
0x26c: {  	[hbm4b:s4+s1] =	stream.strided.scatter [tilespmem:s3], [sflag:$0x3], $0x1000, s2, s1, $0x38;
	[tilespmem:$0x1C700] =	vst v63  }
0x26d: {  	s4 =	rddreg [dreg:$0x11];
	s3 =	simm.s32 $0x2  }
0x26e: {  	[tilespmem:s26], [sflag:$0x2] =	stream.strided.gather [hbm4b:s4+s1], $0x18700, s2, s1, $0x38;
	[tilespmem:$0x1C700] =	vst v63  }
0x26f: {  	_ =	swait.ge [sflag:s3], $0x18700  }
0x270: {  	s0 =	simm.s32 $0x0;
	[sflag:s3] =	ssyncset.done $0x0  }
0x271: {  	s4 =	sand.u32 $0x7C00, s0;
	s2 =	simm.s32 $0x3;
	[sflag:s3] =	ssyncadd.s32 $0xFFFE7900  }
0x272: {  	s1 =	sshrl.u32 s4, $0x2;
	_ =	swait.ge [sflag:s2], $0x1000  }
0x273: {  	s4 =	sand.u32 $0x70, s0;
	s1 =	sadd.s32 s1, s10;
	[sflag:s2] =	ssyncset.done $0x0  }
0x274: {  	s1 =	sadd.s32 s4, s1;
	[sflag:s2] =	ssyncadd.s32 $0xFFFFF000  }
0x275: {  	v0 =	vld [tilespmem:s1+$0x0];
	_ =	sdelay $0x7  }
0x276: {  	v0 =	vld.idx.msk [tilespmem:v0+s26+$0x0], $0xffff  }
0x277: {  	s31 =	simm.s32 $0x80  }
0x278: {  	s28 =	simm.s32 $0x10;
	s2 =	sand.u32 $0x7C00, s31;
	s1 =	simm.s32 $0x20  }
.LBB2_24:
0x279: {  	p0 =	sne.s32 s1, $0xFF0;
	s2 =	sshrl.u32 s2, $0x2  }
0x27a: {  	s3 =	sand.u32 $0x70, s28;
	s0 =	sand.u32 $0xFF0, s0;
	s2 =	sadd.s32 s2, s10  }
0x27b: {  	s2 =	sadd.s32 s3, s2;
	[tilespmem:s0+$0x1B700] =	vst v0;
	s0 =	smov.u32 s28;
	s28 =	smov.u32 s1  }
0x27c: {  	v0 =	vld [tilespmem:s2+$0x0];
	_ =	sdelay $0x6  }
.Ltmp11:
0x27d: {  	(pc) =	sbr.rel @p0 .LBB2_24-.Ltmp11, $3  }
0x27e: {  	v0 =	vld.idx.msk [tilespmem:v0+s26+$0x0], $0xffff;
	_ =	sdelay $0x1  }
0x27f: {  	s31 =	sadd.s32 $0x80, s31  }
0x280: {  	s1 =	sadd.s32 $0x10, s1;
	s2 =	sand.u32 $0x7C00, s31  }
0x281: {  	s1 =	sshrl.u32 s2, $0x2  }
0x282: {  	s4 =	sand.u32 $0x70, s28;
	s0 =	sand.u32 $0xFF0, s0;
	s1 =	sadd.s32 s1, s10  }
0x283: {  	[tilespmem:s0+$0x1B700] =	vst v0;
	s1 =	sadd.s32 s4, s1  }
0x284: {  	v0 =	vld [tilespmem:s1+$0x0];
	_ =	sdelay $0x7  }
0x285: {  	v0 =	vld.idx.msk [tilespmem:v0+s26+$0x0], $0xffff;
	_ =	sdelay $0x2  }
0x286: {  	s4 =	sld [smem:$0x7DD]  }
0x287: {  	s3 =	sand.u32 $0xFF0, s28  }
0x288: {  	s2 =	simm.s32 $0x400;
	s1 =	simm.s32 $0x80;
	[tilespmem:s3+$0x1B700] =	vst v0;
	s3 =	simm.s32 $0x1B700  }
0x289: {  	[hbm4b:s4+s1] =	stream.strided.scatter [tilespmem:s3], [sflag:$0x3], $0x1000, s2, s1, $0x38;
	[tilespmem:$0x1C700] =	vst v63  }
0x28a: {  	s0 =	simm.s32 $0x2;
	s4 =	rddreg [dreg:$0x12]  }
0x28b: {  	[tilespmem:s26], [sflag:$0x2] =	stream.strided.gather [hbm4b:s4+s1], $0x18700, s2, s1, $0x38;
	[tilespmem:$0x1C700] =	vst v63  }
0x28c: {  	_ =	swait.ge [sflag:s0], $0x18700  }
0x28d: {  	s2 =	simm.s32 $0x0;
	[sflag:s0] =	ssyncset.done $0x0  }
0x28e: {  	s4 =	simm.s32 $0x3;
	s3 =	sand.u32 $0x7C00, s2;
	[sflag:s0] =	ssyncadd.s32 $0xFFFE7900  }
0x28f: {  	s1 =	sshrl.u32 s3, $0x2;
	_ =	swait.ge [sflag:s4], $0x1000  }
0x290: {  	s0 =	sand.u32 $0x70, s2;
	s1 =	sadd.s32 s1, s11;
	[sflag:s4] =	ssyncset.done $0x0  }
0x291: {  	s0 =	sadd.s32 s0, s1;
	[sflag:s4] =	ssyncadd.s32 $0xFFFFF000  }
0x292: {  	v0 =	vld [tilespmem:s0+$0x0];
	_ =	sdelay $0x7  }
0x293: {  	v0 =	vld.idx.msk [tilespmem:v0+s26+$0x0], $0xffff  }
0x294: {  	s2 =	simm.s32 $0x80  }
0x295: {  	s0 =	sand.u32 $0x7C00, s2  }
0x296: {  	s3 =	simm.s32 $0x10;
	s4 =	sshrl.u32 s0, $0x2  }
0x297: {  	s1 =	sand.u32 $0x70, s3;
	s0 =	simm.s32 $0x1A700;
	s2 =	sadd.s32 s4, s11  }
0x298: {  	s1 =	sadd.s32 s1, s2;
	[tilespmem:s0+$0x0] =	vst v0  }
0x299: {  	v0 =	vld [tilespmem:s1+$0x0];
	_ =	sdelay $0x7  }
0x29a: {  	v0 =	vld.idx.msk [tilespmem:v0+s26+$0x0], $0xffff  }
0x29b: {  	s28 =	simm.s32 $0x100  }
0x29c: {  	s31 =	simm.s32 $0x20;
	s2 =	sand.u32 $0x7C00, s28;
	s1 =	simm.s32 $0x30  }
.LBB2_26:
0x29d: {  	p0 =	sne.s32 s1, $0xFF0;
	s2 =	sshrl.u32 s2, $0x2  }
0x29e: {  	s3 =	sand.u32 $0x70, s31;
	s0 =	sadd.s32 $0x10, s0;
	s2 =	sadd.s32 s2, s11  }
0x29f: {  	s31 =	smov.u32 s1;
	s2 =	sadd.s32 s3, s2;
	[tilespmem:s0+$0x0] =	vst v0  }
0x2a0: {  	v0 =	vld [tilespmem:s2+$0x0];
	_ =	sdelay $0x6  }
.Ltmp12:
0x2a1: {  	(pc) =	sbr.rel @p0 .LBB2_26-.Ltmp12, $3  }
0x2a2: {  	v0 =	vld.idx.msk [tilespmem:v0+s26+$0x0], $0xffff;
	_ =	sdelay $0x1  }
0x2a3: {  	s28 =	sadd.s32 $0x80, s28  }
0x2a4: {  	s1 =	sadd.s32 $0x10, s1;
	s2 =	sand.u32 $0x7C00, s28  }
0x2a5: {  	s1 =	sshrl.u32 s2, $0x2  }
0x2a6: {  	s3 =	sand.u32 $0x70, s31;
	s0 =	sadd.s32 $0x10, s0;
	s1 =	sadd.s32 s1, s11  }
0x2a7: {  	[tilespmem:s0+$0x0] =	vst v0;
	s1 =	sadd.s32 s3, s1  }
0x2a8: {  	v0 =	vld [tilespmem:s1+$0x0];
	_ =	sdelay $0x7  }
0x2a9: {  	v0 =	vld.idx.msk [tilespmem:v0+s26+$0x0], $0xffff;
	_ =	sdelay $0x2  }
0x2aa: {  	s4 =	sld [smem:$0x7E0]  }
0x2ab: {  	s0 =	sadd.s32 $0x10, s0  }
0x2ac: {  	s2 =	simm.s32 $0x400;
	s3 =	simm.s32 $0x1A700;
	s1 =	simm.s32 $0x80;
	[tilespmem:s0+$0x0] =	vst v0  }
0x2ad: {  	[hbm4b:s4+s1] =	stream.strided.scatter [tilespmem:s3], [sflag:$0x3], $0x1000, s2, s1, $0x38;
	[tilespmem:$0x1C700] =	vst v63  }
0x2ae: {  	s4 =	rddreg [dreg:$0x13];
	s3 =	simm.s32 $0x2  }
0x2af: {  	[tilespmem:s26], [sflag:$0x2] =	stream.strided.gather [hbm4b:s4+s1], $0x18700, s2, s1, $0x38;
	[tilespmem:$0x1C700] =	vst v63  }
0x2b0: {  	_ =	swait.ge [sflag:s3], $0x18700  }
0x2b1: {  	s0 =	simm.s32 $0x0;
	[sflag:s3] =	ssyncset.done $0x0  }
0x2b2: {  	s4 =	sand.u32 $0x7C00, s0;
	s2 =	simm.s32 $0x3;
	[sflag:s3] =	ssyncadd.s32 $0xFFFE7900  }
0x2b3: {  	s1 =	sshrl.u32 s4, $0x2;
	_ =	swait.ge [sflag:s2], $0x1000  }
0x2b4: {  	s4 =	sand.u32 $0x70, s0;
	s1 =	sadd.s32 s1, s12;
	[sflag:s2] =	ssyncset.done $0x0  }
0x2b5: {  	s1 =	sadd.s32 s4, s1;
	[sflag:s2] =	ssyncadd.s32 $0xFFFFF000  }
0x2b6: {  	v0 =	vld [tilespmem:s1+$0x0];
	_ =	sdelay $0x7  }
0x2b7: {  	v0 =	vld.idx.msk [tilespmem:v0+s26+$0x0], $0xffff  }
0x2b8: {  	s31 =	simm.s32 $0x80  }
0x2b9: {  	s28 =	simm.s32 $0x10;
	s2 =	sand.u32 $0x7C00, s31;
	s1 =	simm.s32 $0x20  }
.LBB2_28:
0x2ba: {  	p0 =	sne.s32 s1, $0xFF0;
	s2 =	sshrl.u32 s2, $0x2  }
0x2bb: {  	s3 =	sand.u32 $0x70, s28;
	s0 =	sand.u32 $0xFF0, s0;
	s2 =	sadd.s32 s2, s12  }
0x2bc: {  	s2 =	sadd.s32 s3, s2;
	[tilespmem:s0+$0x1B700] =	vst v0;
	s0 =	smov.u32 s28;
	s28 =	smov.u32 s1  }
0x2bd: {  	v0 =	vld [tilespmem:s2+$0x0];
	_ =	sdelay $0x6  }
.Ltmp13:
0x2be: {  	(pc) =	sbr.rel @p0 .LBB2_28-.Ltmp13, $3  }
0x2bf: {  	v0 =	vld.idx.msk [tilespmem:v0+s26+$0x0], $0xffff;
	_ =	sdelay $0x1  }
0x2c0: {  	s31 =	sadd.s32 $0x80, s31  }
0x2c1: {  	s1 =	sadd.s32 $0x10, s1;
	s2 =	sand.u32 $0x7C00, s31  }
0x2c2: {  	s1 =	sshrl.u32 s2, $0x2  }
0x2c3: {  	s4 =	sand.u32 $0x70, s28;
	s0 =	sand.u32 $0xFF0, s0;
	s1 =	sadd.s32 s1, s12  }
0x2c4: {  	[tilespmem:s0+$0x1B700] =	vst v0;
	s1 =	sadd.s32 s4, s1  }
0x2c5: {  	v0 =	vld [tilespmem:s1+$0x0];
	_ =	sdelay $0x7  }
0x2c6: {  	v0 =	vld.idx.msk [tilespmem:v0+s26+$0x0], $0xffff;
	_ =	sdelay $0x2  }
0x2c7: {  	s4 =	sld [smem:$0x7E1]  }
0x2c8: {  	s3 =	sand.u32 $0xFF0, s28  }
0x2c9: {  	s2 =	simm.s32 $0x400;
	s1 =	simm.s32 $0x80;
	[tilespmem:s3+$0x1B700] =	vst v0;
	s3 =	simm.s32 $0x1B700  }
0x2ca: {  	[hbm4b:s4+s1] =	stream.strided.scatter [tilespmem:s3], [sflag:$0x3], $0x1000, s2, s1, $0x38;
	[tilespmem:$0x1C700] =	vst v63  }
0x2cb: {  	s0 =	simm.s32 $0x2;
	s4 =	rddreg [dreg:$0x14]  }
0x2cc: {  	[tilespmem:s26], [sflag:$0x2] =	stream.strided.gather [hbm4b:s4+s1], $0x18700, s2, s1, $0x38;
	[tilespmem:$0x1C700] =	vst v63  }
0x2cd: {  	_ =	swait.ge [sflag:s0], $0x18700  }
0x2ce: {  	s2 =	simm.s32 $0x0;
	[sflag:s0] =	ssyncset.done $0x0  }
0x2cf: {  	s4 =	simm.s32 $0x3;
	s3 =	sand.u32 $0x7C00, s2;
	[sflag:s0] =	ssyncadd.s32 $0xFFFE7900  }
0x2d0: {  	s1 =	sshrl.u32 s3, $0x2;
	_ =	swait.ge [sflag:s4], $0x1000  }
0x2d1: {  	s0 =	sand.u32 $0x70, s2;
	s1 =	sadd.s32 s1, s13;
	[sflag:s4] =	ssyncset.done $0x0  }
0x2d2: {  	s0 =	sadd.s32 s0, s1;
	[sflag:s4] =	ssyncadd.s32 $0xFFFFF000  }
0x2d3: {  	v0 =	vld [tilespmem:s0+$0x0];
	_ =	sdelay $0x7  }
0x2d4: {  	v0 =	vld.idx.msk [tilespmem:v0+s26+$0x0], $0xffff  }
0x2d5: {  	s2 =	simm.s32 $0x80  }
0x2d6: {  	s0 =	sand.u32 $0x7C00, s2  }
0x2d7: {  	s3 =	simm.s32 $0x10;
	s4 =	sshrl.u32 s0, $0x2  }
0x2d8: {  	s1 =	sand.u32 $0x70, s3;
	s0 =	simm.s32 $0x1A700;
	s2 =	sadd.s32 s4, s13  }
0x2d9: {  	s1 =	sadd.s32 s1, s2;
	[tilespmem:s0+$0x0] =	vst v0  }
0x2da: {  	v0 =	vld [tilespmem:s1+$0x0];
	_ =	sdelay $0x7  }
0x2db: {  	v0 =	vld.idx.msk [tilespmem:v0+s26+$0x0], $0xffff  }
0x2dc: {  	s28 =	simm.s32 $0x100  }
0x2dd: {  	s31 =	simm.s32 $0x20;
	s2 =	sand.u32 $0x7C00, s28;
	s1 =	simm.s32 $0x30  }
.LBB2_30:
0x2de: {  	p0 =	sne.s32 s1, $0xFF0;
	s2 =	sshrl.u32 s2, $0x2  }
0x2df: {  	s3 =	sand.u32 $0x70, s31;
	s0 =	sadd.s32 $0x10, s0;
	s2 =	sadd.s32 s2, s13  }
0x2e0: {  	s31 =	smov.u32 s1;
	s2 =	sadd.s32 s3, s2;
	[tilespmem:s0+$0x0] =	vst v0  }
0x2e1: {  	v0 =	vld [tilespmem:s2+$0x0];
	_ =	sdelay $0x6  }
.Ltmp14:
0x2e2: {  	(pc) =	sbr.rel @p0 .LBB2_30-.Ltmp14, $3  }
0x2e3: {  	v0 =	vld.idx.msk [tilespmem:v0+s26+$0x0], $0xffff;
	_ =	sdelay $0x1  }
0x2e4: {  	s28 =	sadd.s32 $0x80, s28  }
0x2e5: {  	s1 =	sadd.s32 $0x10, s1;
	s2 =	sand.u32 $0x7C00, s28  }
0x2e6: {  	s1 =	sshrl.u32 s2, $0x2  }
0x2e7: {  	s3 =	sand.u32 $0x70, s31;
	s0 =	sadd.s32 $0x10, s0;
	s1 =	sadd.s32 s1, s13  }
0x2e8: {  	[tilespmem:s0+$0x0] =	vst v0;
	s1 =	sadd.s32 s3, s1  }
0x2e9: {  	v0 =	vld [tilespmem:s1+$0x0];
	_ =	sdelay $0x7  }
0x2ea: {  	v0 =	vld.idx.msk [tilespmem:v0+s26+$0x0], $0xffff;
	_ =	sdelay $0x2  }
0x2eb: {  	s4 =	sld [smem:$0x7E3]  }
0x2ec: {  	s0 =	sadd.s32 $0x10, s0  }
0x2ed: {  	s2 =	simm.s32 $0x400;
	s3 =	simm.s32 $0x1A700;
	s1 =	simm.s32 $0x80;
	[tilespmem:s0+$0x0] =	vst v0  }
0x2ee: {  	[hbm4b:s4+s1] =	stream.strided.scatter [tilespmem:s3], [sflag:$0x3], $0x1000, s2, s1, $0x38;
	[tilespmem:$0x1C700] =	vst v63  }
0x2ef: {  	s4 =	rddreg [dreg:$0x15];
	s3 =	simm.s32 $0x2  }
0x2f0: {  	[tilespmem:s26], [sflag:$0x2] =	stream.strided.gather [hbm4b:s4+s1], $0x18700, s2, s1, $0x38;
	[tilespmem:$0x1C700] =	vst v63  }
0x2f1: {  	_ =	swait.ge [sflag:s3], $0x18700  }
0x2f2: {  	s0 =	simm.s32 $0x0;
	[sflag:s3] =	ssyncset.done $0x0  }
0x2f3: {  	s4 =	sand.u32 $0x7C00, s0;
	s2 =	simm.s32 $0x3;
	[sflag:s3] =	ssyncadd.s32 $0xFFFE7900  }
0x2f4: {  	s1 =	sshrl.u32 s4, $0x2;
	_ =	swait.ge [sflag:s2], $0x1000  }
0x2f5: {  	s4 =	sand.u32 $0x70, s0;
	s1 =	sadd.s32 s1, s14;
	[sflag:s2] =	ssyncset.done $0x0  }
0x2f6: {  	s1 =	sadd.s32 s4, s1;
	[sflag:s2] =	ssyncadd.s32 $0xFFFFF000  }
0x2f7: {  	v0 =	vld [tilespmem:s1+$0x0];
	_ =	sdelay $0x7  }
0x2f8: {  	v0 =	vld.idx.msk [tilespmem:v0+s26+$0x0], $0xffff  }
0x2f9: {  	s31 =	simm.s32 $0x80  }
0x2fa: {  	s28 =	simm.s32 $0x10;
	s2 =	sand.u32 $0x7C00, s31;
	s1 =	simm.s32 $0x20  }
.LBB2_32:
0x2fb: {  	p0 =	sne.s32 s1, $0xFF0;
	s2 =	sshrl.u32 s2, $0x2  }
0x2fc: {  	s3 =	sand.u32 $0x70, s28;
	s0 =	sand.u32 $0xFF0, s0;
	s2 =	sadd.s32 s2, s14  }
0x2fd: {  	s2 =	sadd.s32 s3, s2;
	[tilespmem:s0+$0x1B700] =	vst v0;
	s0 =	smov.u32 s28;
	s28 =	smov.u32 s1  }
0x2fe: {  	v0 =	vld [tilespmem:s2+$0x0];
	_ =	sdelay $0x6  }
.Ltmp15:
0x2ff: {  	(pc) =	sbr.rel @p0 .LBB2_32-.Ltmp15, $3  }
0x300: {  	v0 =	vld.idx.msk [tilespmem:v0+s26+$0x0], $0xffff;
	_ =	sdelay $0x1  }
0x301: {  	s31 =	sadd.s32 $0x80, s31  }
0x302: {  	s1 =	sadd.s32 $0x10, s1;
	s2 =	sand.u32 $0x7C00, s31  }
0x303: {  	s1 =	sshrl.u32 s2, $0x2  }
0x304: {  	s4 =	sand.u32 $0x70, s28;
	s0 =	sand.u32 $0xFF0, s0;
	s1 =	sadd.s32 s1, s14  }
0x305: {  	[tilespmem:s0+$0x1B700] =	vst v0;
	s1 =	sadd.s32 s4, s1  }
0x306: {  	v0 =	vld [tilespmem:s1+$0x0];
	_ =	sdelay $0x7  }
0x307: {  	v0 =	vld.idx.msk [tilespmem:v0+s26+$0x0], $0xffff;
	_ =	sdelay $0x2  }
0x308: {  	s4 =	sld [smem:$0x7E6]  }
0x309: {  	s3 =	sand.u32 $0xFF0, s28  }
0x30a: {  	s2 =	simm.s32 $0x400;
	s1 =	simm.s32 $0x80;
	[tilespmem:s3+$0x1B700] =	vst v0;
	s3 =	simm.s32 $0x1B700  }
0x30b: {  	[hbm4b:s4+s1] =	stream.strided.scatter [tilespmem:s3], [sflag:$0x3], $0x1000, s2, s1, $0x38;
	[tilespmem:$0x1C700] =	vst v63  }
0x30c: {  	s0 =	simm.s32 $0x2;
	s4 =	rddreg [dreg:$0x16]  }
0x30d: {  	[tilespmem:s26], [sflag:$0x2] =	stream.strided.gather [hbm4b:s4+s1], $0x18700, s2, s1, $0x38;
	[tilespmem:$0x1C700] =	vst v63  }
0x30e: {  	_ =	swait.ge [sflag:s0], $0x18700  }
0x30f: {  	s2 =	simm.s32 $0x0;
	[sflag:s0] =	ssyncset.done $0x0  }
0x310: {  	s4 =	simm.s32 $0x3;
	s3 =	sand.u32 $0x7C00, s2;
	[sflag:s0] =	ssyncadd.s32 $0xFFFE7900  }
0x311: {  	s1 =	sshrl.u32 s3, $0x2;
	_ =	swait.ge [sflag:s4], $0x1000  }
0x312: {  	s0 =	sand.u32 $0x70, s2;
	s1 =	sadd.s32 s1, s15;
	[sflag:s4] =	ssyncset.done $0x0  }
0x313: {  	s0 =	sadd.s32 s0, s1;
	[sflag:s4] =	ssyncadd.s32 $0xFFFFF000  }
0x314: {  	v0 =	vld [tilespmem:s0+$0x0];
	_ =	sdelay $0x7  }
0x315: {  	v0 =	vld.idx.msk [tilespmem:v0+s26+$0x0], $0xffff  }
0x316: {  	s2 =	simm.s32 $0x80  }
0x317: {  	s0 =	sand.u32 $0x7C00, s2  }
0x318: {  	s3 =	simm.s32 $0x10;
	s4 =	sshrl.u32 s0, $0x2  }
0x319: {  	s1 =	sand.u32 $0x70, s3;
	s0 =	simm.s32 $0x1A700;
	s2 =	sadd.s32 s4, s15  }
0x31a: {  	s1 =	sadd.s32 s1, s2;
	[tilespmem:s0+$0x0] =	vst v0  }
0x31b: {  	v0 =	vld [tilespmem:s1+$0x0];
	_ =	sdelay $0x7  }
0x31c: {  	v0 =	vld.idx.msk [tilespmem:v0+s26+$0x0], $0xffff  }
0x31d: {  	s28 =	simm.s32 $0x100  }
0x31e: {  	s31 =	simm.s32 $0x20;
	s2 =	sand.u32 $0x7C00, s28;
	s1 =	simm.s32 $0x30  }
.LBB2_34:
0x31f: {  	p0 =	sne.s32 s1, $0xFF0;
	s2 =	sshrl.u32 s2, $0x2  }
0x320: {  	s3 =	sand.u32 $0x70, s31;
	s0 =	sadd.s32 $0x10, s0;
	s2 =	sadd.s32 s2, s15  }
0x321: {  	s31 =	smov.u32 s1;
	s2 =	sadd.s32 s3, s2;
	[tilespmem:s0+$0x0] =	vst v0  }
0x322: {  	v0 =	vld [tilespmem:s2+$0x0];
	_ =	sdelay $0x6  }
.Ltmp16:
0x323: {  	(pc) =	sbr.rel @p0 .LBB2_34-.Ltmp16, $3  }
0x324: {  	v0 =	vld.idx.msk [tilespmem:v0+s26+$0x0], $0xffff;
	_ =	sdelay $0x1  }
0x325: {  	s28 =	sadd.s32 $0x80, s28  }
0x326: {  	s1 =	sadd.s32 $0x10, s1;
	s2 =	sand.u32 $0x7C00, s28  }
0x327: {  	s1 =	sshrl.u32 s2, $0x2  }
0x328: {  	s3 =	sand.u32 $0x70, s31;
	s0 =	sadd.s32 $0x10, s0;
	s1 =	sadd.s32 s1, s15  }
0x329: {  	[tilespmem:s0+$0x0] =	vst v0;
	s1 =	sadd.s32 s3, s1  }
0x32a: {  	v0 =	vld [tilespmem:s1+$0x0];
	_ =	sdelay $0x7  }
0x32b: {  	v0 =	vld.idx.msk [tilespmem:v0+s26+$0x0], $0xffff;
	_ =	sdelay $0x2  }
0x32c: {  	s4 =	sld [smem:$0x7E7]  }
0x32d: {  	s0 =	sadd.s32 $0x10, s0  }
0x32e: {  	s2 =	simm.s32 $0x400;
	s3 =	simm.s32 $0x1A700;
	s1 =	simm.s32 $0x80;
	[tilespmem:s0+$0x0] =	vst v0  }
0x32f: {  	[hbm4b:s4+s1] =	stream.strided.scatter [tilespmem:s3], [sflag:$0x3], $0x1000, s2, s1, $0x38;
	[tilespmem:$0x1C700] =	vst v63  }
0x330: {  	s4 =	rddreg [dreg:$0x17];
	s3 =	simm.s32 $0x2  }
0x331: {  	[tilespmem:s26], [sflag:$0x2] =	stream.strided.gather [hbm4b:s4+s1], $0x18700, s2, s1, $0x38;
	[tilespmem:$0x1C700] =	vst v63  }
0x332: {  	_ =	swait.ge [sflag:s3], $0x18700  }
0x333: {  	s0 =	simm.s32 $0x0;
	[sflag:s3] =	ssyncset.done $0x0  }
0x334: {  	s4 =	sand.u32 $0x7C00, s0;
	s2 =	simm.s32 $0x3;
	[sflag:s3] =	ssyncadd.s32 $0xFFFE7900  }
0x335: {  	s1 =	sshrl.u32 s4, $0x2;
	_ =	swait.ge [sflag:s2], $0x1000  }
0x336: {  	s4 =	sand.u32 $0x70, s0;
	s1 =	sadd.s32 s1, s16;
	[sflag:s2] =	ssyncset.done $0x0  }
0x337: {  	s1 =	sadd.s32 s4, s1;
	[sflag:s2] =	ssyncadd.s32 $0xFFFFF000  }
0x338: {  	v0 =	vld [tilespmem:s1+$0x0];
	_ =	sdelay $0x7  }
0x339: {  	v0 =	vld.idx.msk [tilespmem:v0+s26+$0x0], $0xffff  }
0x33a: {  	s31 =	simm.s32 $0x80  }
0x33b: {  	s28 =	simm.s32 $0x10;
	s2 =	sand.u32 $0x7C00, s31;
	s1 =	simm.s32 $0x20  }
.LBB2_36:
0x33c: {  	p0 =	sne.s32 s1, $0xFF0;
	s2 =	sshrl.u32 s2, $0x2  }
0x33d: {  	s3 =	sand.u32 $0x70, s28;
	s0 =	sand.u32 $0xFF0, s0;
	s2 =	sadd.s32 s2, s16  }
0x33e: {  	s2 =	sadd.s32 s3, s2;
	[tilespmem:s0+$0x1B700] =	vst v0;
	s0 =	smov.u32 s28;
	s28 =	smov.u32 s1  }
0x33f: {  	v0 =	vld [tilespmem:s2+$0x0];
	_ =	sdelay $0x6  }
.Ltmp17:
0x340: {  	(pc) =	sbr.rel @p0 .LBB2_36-.Ltmp17, $3  }
0x341: {  	v0 =	vld.idx.msk [tilespmem:v0+s26+$0x0], $0xffff;
	_ =	sdelay $0x1  }
0x342: {  	s31 =	sadd.s32 $0x80, s31  }
0x343: {  	s1 =	sadd.s32 $0x10, s1;
	s2 =	sand.u32 $0x7C00, s31  }
0x344: {  	s1 =	sshrl.u32 s2, $0x2  }
0x345: {  	s4 =	sand.u32 $0x70, s28;
	s0 =	sand.u32 $0xFF0, s0;
	s1 =	sadd.s32 s1, s16  }
0x346: {  	[tilespmem:s0+$0x1B700] =	vst v0;
	s1 =	sadd.s32 s4, s1  }
0x347: {  	v0 =	vld [tilespmem:s1+$0x0];
	_ =	sdelay $0x7  }
0x348: {  	v0 =	vld.idx.msk [tilespmem:v0+s26+$0x0], $0xffff;
	_ =	sdelay $0x2  }
0x349: {  	s4 =	sld [smem:$0x7E9]  }
0x34a: {  	s3 =	sand.u32 $0xFF0, s28  }
0x34b: {  	s2 =	simm.s32 $0x400;
	s1 =	simm.s32 $0x80;
	[tilespmem:s3+$0x1B700] =	vst v0;
	s3 =	simm.s32 $0x1B700  }
0x34c: {  	[hbm4b:s4+s1] =	stream.strided.scatter [tilespmem:s3], [sflag:$0x3], $0x1000, s2, s1, $0x38;
	[tilespmem:$0x1C700] =	vst v63  }
0x34d: {  	s0 =	simm.s32 $0x2;
	s4 =	rddreg [dreg:$0x18]  }
0x34e: {  	[tilespmem:s26], [sflag:$0x2] =	stream.strided.gather [hbm4b:s4+s1], $0x18700, s2, s1, $0x38;
	[tilespmem:$0x1C700] =	vst v63  }
0x34f: {  	_ =	swait.ge [sflag:s0], $0x18700  }
0x350: {  	s2 =	simm.s32 $0x0;
	[sflag:s0] =	ssyncset.done $0x0  }
0x351: {  	s4 =	simm.s32 $0x3;
	s3 =	sand.u32 $0x7C00, s2;
	[sflag:s0] =	ssyncadd.s32 $0xFFFE7900  }
0x352: {  	s1 =	sshrl.u32 s3, $0x2;
	_ =	swait.ge [sflag:s4], $0x1000  }
0x353: {  	s0 =	sand.u32 $0x70, s2;
	s1 =	sadd.s32 s1, s17;
	[sflag:s4] =	ssyncset.done $0x0  }
0x354: {  	s0 =	sadd.s32 s0, s1;
	[sflag:s4] =	ssyncadd.s32 $0xFFFFF000  }
0x355: {  	v0 =	vld [tilespmem:s0+$0x0];
	_ =	sdelay $0x7  }
0x356: {  	v0 =	vld.idx.msk [tilespmem:v0+s26+$0x0], $0xffff  }
0x357: {  	s2 =	simm.s32 $0x80  }
0x358: {  	s0 =	sand.u32 $0x7C00, s2  }
0x359: {  	s3 =	simm.s32 $0x10;
	s4 =	sshrl.u32 s0, $0x2  }
0x35a: {  	s1 =	sand.u32 $0x70, s3;
	s0 =	simm.s32 $0x1A700;
	s2 =	sadd.s32 s4, s17  }
0x35b: {  	s1 =	sadd.s32 s1, s2;
	[tilespmem:s0+$0x0] =	vst v0  }
0x35c: {  	v0 =	vld [tilespmem:s1+$0x0];
	_ =	sdelay $0x7  }
0x35d: {  	v0 =	vld.idx.msk [tilespmem:v0+s26+$0x0], $0xffff  }
0x35e: {  	s28 =	simm.s32 $0x100  }
0x35f: {  	s31 =	simm.s32 $0x20;
	s2 =	sand.u32 $0x7C00, s28;
	s1 =	simm.s32 $0x30  }
.LBB2_38:
0x360: {  	p0 =	sne.s32 s1, $0xFF0;
	s2 =	sshrl.u32 s2, $0x2  }
0x361: {  	s3 =	sand.u32 $0x70, s31;
	s0 =	sadd.s32 $0x10, s0;
	s2 =	sadd.s32 s2, s17  }
0x362: {  	s31 =	smov.u32 s1;
	s2 =	sadd.s32 s3, s2;
	[tilespmem:s0+$0x0] =	vst v0  }
0x363: {  	v0 =	vld [tilespmem:s2+$0x0];
	_ =	sdelay $0x6  }
.Ltmp18:
0x364: {  	(pc) =	sbr.rel @p0 .LBB2_38-.Ltmp18, $3  }
0x365: {  	v0 =	vld.idx.msk [tilespmem:v0+s26+$0x0], $0xffff;
	_ =	sdelay $0x1  }
0x366: {  	s28 =	sadd.s32 $0x80, s28  }
0x367: {  	s1 =	sadd.s32 $0x10, s1;
	s2 =	sand.u32 $0x7C00, s28  }
0x368: {  	s1 =	sshrl.u32 s2, $0x2  }
0x369: {  	s3 =	sand.u32 $0x70, s31;
	s0 =	sadd.s32 $0x10, s0;
	s1 =	sadd.s32 s1, s17  }
0x36a: {  	[tilespmem:s0+$0x0] =	vst v0;
	s1 =	sadd.s32 s3, s1  }
0x36b: {  	v0 =	vld [tilespmem:s1+$0x0];
	_ =	sdelay $0x7  }
0x36c: {  	v0 =	vld.idx.msk [tilespmem:v0+s26+$0x0], $0xffff;
	_ =	sdelay $0x2  }
0x36d: {  	s4 =	sld [smem:$0x7EC]  }
0x36e: {  	s0 =	sadd.s32 $0x10, s0  }
0x36f: {  	s2 =	simm.s32 $0x400;
	s3 =	simm.s32 $0x1A700;
	s1 =	simm.s32 $0x80;
	[tilespmem:s0+$0x0] =	vst v0  }
0x370: {  	[hbm4b:s4+s1] =	stream.strided.scatter [tilespmem:s3], [sflag:$0x3], $0x1000, s2, s1, $0x38;
	[tilespmem:$0x1C700] =	vst v63  }
0x371: {  	s4 =	rddreg [dreg:$0x19];
	s3 =	simm.s32 $0x2  }
0x372: {  	[tilespmem:s26], [sflag:$0x2] =	stream.strided.gather [hbm4b:s4+s1], $0x18700, s2, s1, $0x38;
	[tilespmem:$0x1C700] =	vst v63  }
0x373: {  	_ =	swait.ge [sflag:s3], $0x18700  }
0x374: {  	s0 =	simm.s32 $0x0;
	[sflag:s3] =	ssyncset.done $0x0  }
0x375: {  	s4 =	sand.u32 $0x7C00, s0;
	s2 =	simm.s32 $0x3;
	[sflag:s3] =	ssyncadd.s32 $0xFFFE7900  }
0x376: {  	s1 =	sshrl.u32 s4, $0x2;
	_ =	swait.ge [sflag:s2], $0x1000  }
0x377: {  	s4 =	sand.u32 $0x70, s0;
	s1 =	sadd.s32 s1, s18;
	[sflag:s2] =	ssyncset.done $0x0  }
0x378: {  	s1 =	sadd.s32 s4, s1;
	[sflag:s2] =	ssyncadd.s32 $0xFFFFF000  }
0x379: {  	v0 =	vld [tilespmem:s1+$0x0];
	_ =	sdelay $0x7  }
0x37a: {  	v0 =	vld.idx.msk [tilespmem:v0+s26+$0x0], $0xffff  }
0x37b: {  	s31 =	simm.s32 $0x80  }
0x37c: {  	s28 =	simm.s32 $0x10;
	s2 =	sand.u32 $0x7C00, s31;
	s1 =	simm.s32 $0x20  }
.LBB2_40:
0x37d: {  	p0 =	sne.s32 s1, $0xFF0;
	s2 =	sshrl.u32 s2, $0x2  }
0x37e: {  	s3 =	sand.u32 $0x70, s28;
	s0 =	sand.u32 $0xFF0, s0;
	s2 =	sadd.s32 s2, s18  }
0x37f: {  	s2 =	sadd.s32 s3, s2;
	[tilespmem:s0+$0x1B700] =	vst v0;
	s0 =	smov.u32 s28;
	s28 =	smov.u32 s1  }
0x380: {  	v0 =	vld [tilespmem:s2+$0x0];
	_ =	sdelay $0x6  }
.Ltmp19:
0x381: {  	(pc) =	sbr.rel @p0 .LBB2_40-.Ltmp19, $3  }
0x382: {  	v0 =	vld.idx.msk [tilespmem:v0+s26+$0x0], $0xffff;
	_ =	sdelay $0x1  }
0x383: {  	s31 =	sadd.s32 $0x80, s31  }
0x384: {  	s1 =	sadd.s32 $0x10, s1;
	s2 =	sand.u32 $0x7C00, s31  }
0x385: {  	s1 =	sshrl.u32 s2, $0x2  }
0x386: {  	s4 =	sand.u32 $0x70, s28;
	s0 =	sand.u32 $0xFF0, s0;
	s1 =	sadd.s32 s1, s18  }
0x387: {  	[tilespmem:s0+$0x1B700] =	vst v0;
	s1 =	sadd.s32 s4, s1  }
0x388: {  	v0 =	vld [tilespmem:s1+$0x0];
	_ =	sdelay $0x7  }
0x389: {  	v0 =	vld.idx.msk [tilespmem:v0+s26+$0x0], $0xffff;
	_ =	sdelay $0x2  }
0x38a: {  	s4 =	sld [smem:$0x7ED]  }
0x38b: {  	s3 =	sand.u32 $0xFF0, s28  }
0x38c: {  	s2 =	simm.s32 $0x400;
	s1 =	simm.s32 $0x80;
	[tilespmem:s3+$0x1B700] =	vst v0;
	s3 =	simm.s32 $0x1B700  }
0x38d: {  	[hbm4b:s4+s1] =	stream.strided.scatter [tilespmem:s3], [sflag:$0x3], $0x1000, s2, s1, $0x38;
	[tilespmem:$0x1C700] =	vst v63  }
0x38e: {  	s0 =	simm.s32 $0x2;
	s4 =	rddreg [dreg:$0x1a]  }
0x38f: {  	[tilespmem:s26], [sflag:$0x2] =	stream.strided.gather [hbm4b:s4+s1], $0x18700, s2, s1, $0x38;
	[tilespmem:$0x1C700] =	vst v63  }
0x390: {  	_ =	swait.ge [sflag:s0], $0x18700  }
0x391: {  	s2 =	simm.s32 $0x0;
	[sflag:s0] =	ssyncset.done $0x0  }
0x392: {  	s4 =	simm.s32 $0x3;
	s3 =	sand.u32 $0x7C00, s2;
	[sflag:s0] =	ssyncadd.s32 $0xFFFE7900  }
0x393: {  	s1 =	sshrl.u32 s3, $0x2;
	_ =	swait.ge [sflag:s4], $0x1000  }
0x394: {  	s0 =	sand.u32 $0x70, s2;
	s1 =	sadd.s32 s1, s19;
	[sflag:s4] =	ssyncset.done $0x0  }
0x395: {  	s0 =	sadd.s32 s0, s1;
	[sflag:s4] =	ssyncadd.s32 $0xFFFFF000  }
0x396: {  	v0 =	vld [tilespmem:s0+$0x0];
	_ =	sdelay $0x7  }
0x397: {  	v0 =	vld.idx.msk [tilespmem:v0+s26+$0x0], $0xffff  }
0x398: {  	s2 =	simm.s32 $0x80  }
0x399: {  	s0 =	sand.u32 $0x7C00, s2  }
0x39a: {  	s3 =	simm.s32 $0x10;
	s4 =	sshrl.u32 s0, $0x2  }
0x39b: {  	s1 =	sand.u32 $0x70, s3;
	s0 =	simm.s32 $0x1A700;
	s2 =	sadd.s32 s4, s19  }
0x39c: {  	s1 =	sadd.s32 s1, s2;
	[tilespmem:s0+$0x0] =	vst v0  }
0x39d: {  	v0 =	vld [tilespmem:s1+$0x0];
	_ =	sdelay $0x7  }
0x39e: {  	v0 =	vld.idx.msk [tilespmem:v0+s26+$0x0], $0xffff  }
0x39f: {  	s28 =	simm.s32 $0x100  }
0x3a0: {  	s31 =	simm.s32 $0x20;
	s2 =	sand.u32 $0x7C00, s28;
	s1 =	simm.s32 $0x30  }
.LBB2_42:
0x3a1: {  	p0 =	sne.s32 s1, $0xFF0;
	s2 =	sshrl.u32 s2, $0x2  }
0x3a2: {  	s3 =	sand.u32 $0x70, s31;
	s0 =	sadd.s32 $0x10, s0;
	s2 =	sadd.s32 s2, s19  }
0x3a3: {  	s31 =	smov.u32 s1;
	s2 =	sadd.s32 s3, s2;
	[tilespmem:s0+$0x0] =	vst v0  }
0x3a4: {  	v0 =	vld [tilespmem:s2+$0x0];
	_ =	sdelay $0x6  }
.Ltmp20:
0x3a5: {  	(pc) =	sbr.rel @p0 .LBB2_42-.Ltmp20, $3  }
0x3a6: {  	v0 =	vld.idx.msk [tilespmem:v0+s26+$0x0], $0xffff;
	_ =	sdelay $0x1  }
0x3a7: {  	s28 =	sadd.s32 $0x80, s28  }
0x3a8: {  	s1 =	sadd.s32 $0x10, s1;
	s2 =	sand.u32 $0x7C00, s28  }
0x3a9: {  	s1 =	sshrl.u32 s2, $0x2  }
0x3aa: {  	s3 =	sand.u32 $0x70, s31;
	s0 =	sadd.s32 $0x10, s0;
	s1 =	sadd.s32 s1, s19  }
0x3ab: {  	[tilespmem:s0+$0x0] =	vst v0;
	s1 =	sadd.s32 s3, s1  }
0x3ac: {  	v0 =	vld [tilespmem:s1+$0x0];
	_ =	sdelay $0x7  }
0x3ad: {  	v0 =	vld.idx.msk [tilespmem:v0+s26+$0x0], $0xffff;
	_ =	sdelay $0x2  }
0x3ae: {  	s4 =	sld [smem:$0x7EF]  }
0x3af: {  	s0 =	sadd.s32 $0x10, s0  }
0x3b0: {  	s2 =	simm.s32 $0x400;
	s3 =	simm.s32 $0x1A700;
	s1 =	simm.s32 $0x80;
	[tilespmem:s0+$0x0] =	vst v0  }
0x3b1: {  	[hbm4b:s4+s1] =	stream.strided.scatter [tilespmem:s3], [sflag:$0x3], $0x1000, s2, s1, $0x38;
	[tilespmem:$0x1C700] =	vst v63  }
0x3b2: {  	s4 =	rddreg [dreg:$0x1b];
	s3 =	simm.s32 $0x2  }
0x3b3: {  	[tilespmem:s26], [sflag:$0x2] =	stream.strided.gather [hbm4b:s4+s1], $0x18700, s2, s1, $0x38;
	[tilespmem:$0x1C700] =	vst v63  }
0x3b4: {  	_ =	swait.ge [sflag:s3], $0x18700  }
0x3b5: {  	s0 =	simm.s32 $0x0;
	[sflag:s3] =	ssyncset.done $0x0  }
0x3b6: {  	s4 =	sand.u32 $0x7C00, s0;
	s2 =	simm.s32 $0x3;
	[sflag:s3] =	ssyncadd.s32 $0xFFFE7900  }
0x3b7: {  	s1 =	sshrl.u32 s4, $0x2;
	_ =	swait.ge [sflag:s2], $0x1000  }
0x3b8: {  	s4 =	sand.u32 $0x70, s0;
	s1 =	sadd.s32 s1, s20;
	[sflag:s2] =	ssyncset.done $0x0  }
0x3b9: {  	s1 =	sadd.s32 s4, s1;
	[sflag:s2] =	ssyncadd.s32 $0xFFFFF000  }
0x3ba: {  	v0 =	vld [tilespmem:s1+$0x0];
	_ =	sdelay $0x7  }
0x3bb: {  	v0 =	vld.idx.msk [tilespmem:v0+s26+$0x0], $0xffff  }
0x3bc: {  	s31 =	simm.s32 $0x80  }
0x3bd: {  	s28 =	simm.s32 $0x10;
	s2 =	sand.u32 $0x7C00, s31;
	s1 =	simm.s32 $0x20  }
.LBB2_44:
0x3be: {  	p0 =	sne.s32 s1, $0xFF0;
	s2 =	sshrl.u32 s2, $0x2  }
0x3bf: {  	s3 =	sand.u32 $0x70, s28;
	s0 =	sand.u32 $0xFF0, s0;
	s2 =	sadd.s32 s2, s20  }
0x3c0: {  	s2 =	sadd.s32 s3, s2;
	[tilespmem:s0+$0x1B700] =	vst v0;
	s0 =	smov.u32 s28;
	s28 =	smov.u32 s1  }
0x3c1: {  	v0 =	vld [tilespmem:s2+$0x0];
	_ =	sdelay $0x6  }
.Ltmp21:
0x3c2: {  	(pc) =	sbr.rel @p0 .LBB2_44-.Ltmp21, $3  }
0x3c3: {  	v0 =	vld.idx.msk [tilespmem:v0+s26+$0x0], $0xffff;
	_ =	sdelay $0x1  }
0x3c4: {  	s31 =	sadd.s32 $0x80, s31  }
0x3c5: {  	s1 =	sadd.s32 $0x10, s1;
	s2 =	sand.u32 $0x7C00, s31  }
0x3c6: {  	s1 =	sshrl.u32 s2, $0x2  }
0x3c7: {  	s4 =	sand.u32 $0x70, s28;
	s0 =	sand.u32 $0xFF0, s0;
	s1 =	sadd.s32 s1, s20  }
0x3c8: {  	[tilespmem:s0+$0x1B700] =	vst v0;
	s1 =	sadd.s32 s4, s1  }
0x3c9: {  	v0 =	vld [tilespmem:s1+$0x0];
	_ =	sdelay $0x7  }
0x3ca: {  	v0 =	vld.idx.msk [tilespmem:v0+s26+$0x0], $0xffff;
	_ =	sdelay $0x2  }
0x3cb: {  	s4 =	sld [smem:$0x7F2]  }
0x3cc: {  	s3 =	sand.u32 $0xFF0, s28  }
0x3cd: {  	s2 =	simm.s32 $0x400;
	s1 =	simm.s32 $0x80;
	[tilespmem:s3+$0x1B700] =	vst v0;
	s3 =	simm.s32 $0x1B700  }
0x3ce: {  	[hbm4b:s4+s1] =	stream.strided.scatter [tilespmem:s3], [sflag:$0x3], $0x1000, s2, s1, $0x38;
	[tilespmem:$0x1C700] =	vst v63  }
0x3cf: {  	s0 =	simm.s32 $0x2;
	s4 =	rddreg [dreg:$0x1c]  }
0x3d0: {  	[tilespmem:s26], [sflag:$0x2] =	stream.strided.gather [hbm4b:s4+s1], $0x18700, s2, s1, $0x38;
	[tilespmem:$0x1C700] =	vst v63  }
0x3d1: {  	_ =	swait.ge [sflag:s0], $0x18700  }
0x3d2: {  	s2 =	simm.s32 $0x0;
	[sflag:s0] =	ssyncset.done $0x0  }
0x3d3: {  	s4 =	simm.s32 $0x3;
	s3 =	sand.u32 $0x7C00, s2;
	[sflag:s0] =	ssyncadd.s32 $0xFFFE7900  }
0x3d4: {  	s1 =	sshrl.u32 s3, $0x2;
	_ =	swait.ge [sflag:s4], $0x1000  }
0x3d5: {  	s0 =	sand.u32 $0x70, s2;
	s1 =	sadd.s32 s1, s21;
	[sflag:s4] =	ssyncset.done $0x0  }
0x3d6: {  	s0 =	sadd.s32 s0, s1;
	[sflag:s4] =	ssyncadd.s32 $0xFFFFF000  }
0x3d7: {  	v0 =	vld [tilespmem:s0+$0x0];
	_ =	sdelay $0x7  }
0x3d8: {  	v0 =	vld.idx.msk [tilespmem:v0+s26+$0x0], $0xffff  }
0x3d9: {  	s2 =	simm.s32 $0x80  }
0x3da: {  	s0 =	sand.u32 $0x7C00, s2  }
0x3db: {  	s3 =	simm.s32 $0x10;
	s4 =	sshrl.u32 s0, $0x2  }
0x3dc: {  	s1 =	sand.u32 $0x70, s3;
	s0 =	simm.s32 $0x1A700;
	s2 =	sadd.s32 s4, s21  }
0x3dd: {  	s1 =	sadd.s32 s1, s2;
	[tilespmem:s0+$0x0] =	vst v0  }
0x3de: {  	v0 =	vld [tilespmem:s1+$0x0];
	_ =	sdelay $0x7  }
0x3df: {  	v0 =	vld.idx.msk [tilespmem:v0+s26+$0x0], $0xffff  }
0x3e0: {  	s28 =	simm.s32 $0x100  }
0x3e1: {  	s31 =	simm.s32 $0x20;
	s2 =	sand.u32 $0x7C00, s28;
	s1 =	simm.s32 $0x30  }
.LBB2_46:
0x3e2: {  	p0 =	sne.s32 s1, $0xFF0;
	s2 =	sshrl.u32 s2, $0x2  }
0x3e3: {  	s3 =	sand.u32 $0x70, s31;
	s0 =	sadd.s32 $0x10, s0;
	s2 =	sadd.s32 s2, s21  }
0x3e4: {  	s31 =	smov.u32 s1;
	s2 =	sadd.s32 s3, s2;
	[tilespmem:s0+$0x0] =	vst v0  }
0x3e5: {  	v0 =	vld [tilespmem:s2+$0x0];
	_ =	sdelay $0x6  }
.Ltmp22:
0x3e6: {  	(pc) =	sbr.rel @p0 .LBB2_46-.Ltmp22, $3  }
0x3e7: {  	v0 =	vld.idx.msk [tilespmem:v0+s26+$0x0], $0xffff;
	_ =	sdelay $0x1  }
0x3e8: {  	s28 =	sadd.s32 $0x80, s28  }
0x3e9: {  	s1 =	sadd.s32 $0x10, s1;
	s2 =	sand.u32 $0x7C00, s28  }
0x3ea: {  	s1 =	sshrl.u32 s2, $0x2  }
0x3eb: {  	s3 =	sand.u32 $0x70, s31;
	s0 =	sadd.s32 $0x10, s0;
	s1 =	sadd.s32 s1, s21  }
0x3ec: {  	[tilespmem:s0+$0x0] =	vst v0;
	s1 =	sadd.s32 s3, s1  }
0x3ed: {  	v0 =	vld [tilespmem:s1+$0x0];
	_ =	sdelay $0x7  }
0x3ee: {  	v0 =	vld.idx.msk [tilespmem:v0+s26+$0x0], $0xffff;
	_ =	sdelay $0x2  }
0x3ef: {  	s4 =	sld [smem:$0x7F3]  }
0x3f0: {  	s0 =	sadd.s32 $0x10, s0  }
0x3f1: {  	s2 =	simm.s32 $0x400;
	s3 =	simm.s32 $0x1A700;
	s1 =	simm.s32 $0x80;
	[tilespmem:s0+$0x0] =	vst v0  }
0x3f2: {  	[hbm4b:s4+s1] =	stream.strided.scatter [tilespmem:s3], [sflag:$0x3], $0x1000, s2, s1, $0x38;
	[tilespmem:$0x1C700] =	vst v63  }
0x3f3: {  	s4 =	rddreg [dreg:$0x1d];
	s3 =	simm.s32 $0x2  }
0x3f4: {  	[tilespmem:s26], [sflag:$0x2] =	stream.strided.gather [hbm4b:s4+s1], $0x18700, s2, s1, $0x38;
	[tilespmem:$0x1C700] =	vst v63  }
0x3f5: {  	_ =	swait.ge [sflag:s3], $0x18700  }
0x3f6: {  	s0 =	simm.s32 $0x0;
	[sflag:s3] =	ssyncset.done $0x0  }
0x3f7: {  	s4 =	sand.u32 $0x7C00, s0;
	s2 =	simm.s32 $0x3;
	[sflag:s3] =	ssyncadd.s32 $0xFFFE7900  }
0x3f8: {  	s1 =	sshrl.u32 s4, $0x2;
	_ =	swait.ge [sflag:s2], $0x1000  }
0x3f9: {  	s4 =	sand.u32 $0x70, s0;
	s1 =	sadd.s32 s1, s22;
	[sflag:s2] =	ssyncset.done $0x0  }
0x3fa: {  	s1 =	sadd.s32 s4, s1;
	[sflag:s2] =	ssyncadd.s32 $0xFFFFF000  }
0x3fb: {  	v0 =	vld [tilespmem:s1+$0x0];
	_ =	sdelay $0x7  }
0x3fc: {  	v0 =	vld.idx.msk [tilespmem:v0+s26+$0x0], $0xffff  }
0x3fd: {  	s31 =	simm.s32 $0x80  }
0x3fe: {  	s28 =	simm.s32 $0x10;
	s2 =	sand.u32 $0x7C00, s31;
	s1 =	simm.s32 $0x20  }
.LBB2_48:
0x3ff: {  	p0 =	sne.s32 s1, $0xFF0;
	s2 =	sshrl.u32 s2, $0x2  }
0x400: {  	s3 =	sand.u32 $0x70, s28;
	s0 =	sand.u32 $0xFF0, s0;
	s2 =	sadd.s32 s2, s22  }
0x401: {  	s2 =	sadd.s32 s3, s2;
	[tilespmem:s0+$0x1B700] =	vst v0;
	s0 =	smov.u32 s28;
	s28 =	smov.u32 s1  }
0x402: {  	v0 =	vld [tilespmem:s2+$0x0];
	_ =	sdelay $0x6  }
.Ltmp23:
0x403: {  	(pc) =	sbr.rel @p0 .LBB2_48-.Ltmp23, $3  }
0x404: {  	v0 =	vld.idx.msk [tilespmem:v0+s26+$0x0], $0xffff;
	_ =	sdelay $0x1  }
0x405: {  	s31 =	sadd.s32 $0x80, s31  }
0x406: {  	s1 =	sadd.s32 $0x10, s1;
	s2 =	sand.u32 $0x7C00, s31  }
0x407: {  	s1 =	sshrl.u32 s2, $0x2  }
0x408: {  	s4 =	sand.u32 $0x70, s28;
	s0 =	sand.u32 $0xFF0, s0;
	s1 =	sadd.s32 s1, s22  }
0x409: {  	[tilespmem:s0+$0x1B700] =	vst v0;
	s1 =	sadd.s32 s4, s1  }
0x40a: {  	v0 =	vld [tilespmem:s1+$0x0];
	_ =	sdelay $0x7  }
0x40b: {  	v0 =	vld.idx.msk [tilespmem:v0+s26+$0x0], $0xffff;
	_ =	sdelay $0x2  }
0x40c: {  	s4 =	sld [smem:$0x7F5]  }
0x40d: {  	s3 =	sand.u32 $0xFF0, s28  }
0x40e: {  	s2 =	simm.s32 $0x400;
	s1 =	simm.s32 $0x80;
	[tilespmem:s3+$0x1B700] =	vst v0;
	s3 =	simm.s32 $0x1B700  }
0x40f: {  	[hbm4b:s4+s1] =	stream.strided.scatter [tilespmem:s3], [sflag:$0x3], $0x1000, s2, s1, $0x38;
	[tilespmem:$0x1C700] =	vst v63  }
0x410: {  	s0 =	simm.s32 $0x2;
	s4 =	rddreg [dreg:$0x1e]  }
0x411: {  	[tilespmem:s26], [sflag:$0x2] =	stream.strided.gather [hbm4b:s4+s1], $0x18700, s2, s1, $0x38;
	[tilespmem:$0x1C700] =	vst v63  }
0x412: {  	_ =	swait.ge [sflag:s0], $0x18700  }
0x413: {  	s2 =	simm.s32 $0x0;
	[sflag:s0] =	ssyncset.done $0x0  }
0x414: {  	s4 =	simm.s32 $0x3;
	s3 =	sand.u32 $0x7C00, s2;
	[sflag:s0] =	ssyncadd.s32 $0xFFFE7900  }
0x415: {  	s1 =	sshrl.u32 s3, $0x2;
	_ =	swait.ge [sflag:s4], $0x1000  }
0x416: {  	s0 =	sand.u32 $0x70, s2;
	s1 =	sadd.s32 s1, s23;
	[sflag:s4] =	ssyncset.done $0x0  }
0x417: {  	s0 =	sadd.s32 s0, s1;
	[sflag:s4] =	ssyncadd.s32 $0xFFFFF000  }
0x418: {  	v0 =	vld [tilespmem:s0+$0x0];
	_ =	sdelay $0x7  }
0x419: {  	v0 =	vld.idx.msk [tilespmem:v0+s26+$0x0], $0xffff  }
0x41a: {  	s2 =	simm.s32 $0x80  }
0x41b: {  	s0 =	sand.u32 $0x7C00, s2  }
0x41c: {  	s3 =	simm.s32 $0x10;
	s4 =	sshrl.u32 s0, $0x2  }
0x41d: {  	s1 =	sand.u32 $0x70, s3;
	s0 =	simm.s32 $0x1A700;
	s2 =	sadd.s32 s4, s23  }
0x41e: {  	s1 =	sadd.s32 s1, s2;
	[tilespmem:s0+$0x0] =	vst v0  }
0x41f: {  	v0 =	vld [tilespmem:s1+$0x0];
	_ =	sdelay $0x7  }
0x420: {  	v0 =	vld.idx.msk [tilespmem:v0+s26+$0x0], $0xffff  }
0x421: {  	s28 =	simm.s32 $0x100  }
0x422: {  	s31 =	simm.s32 $0x20;
	s2 =	sand.u32 $0x7C00, s28;
	s1 =	simm.s32 $0x30  }
.LBB2_50:
0x423: {  	p0 =	sne.s32 s1, $0xFF0;
	s2 =	sshrl.u32 s2, $0x2  }
0x424: {  	s3 =	sand.u32 $0x70, s31;
	s0 =	sadd.s32 $0x10, s0;
	s2 =	sadd.s32 s2, s23  }
0x425: {  	s31 =	smov.u32 s1;
	s2 =	sadd.s32 s3, s2;
	[tilespmem:s0+$0x0] =	vst v0  }
0x426: {  	v0 =	vld [tilespmem:s2+$0x0];
	_ =	sdelay $0x6  }
.Ltmp24:
0x427: {  	(pc) =	sbr.rel @p0 .LBB2_50-.Ltmp24, $3  }
0x428: {  	v0 =	vld.idx.msk [tilespmem:v0+s26+$0x0], $0xffff;
	_ =	sdelay $0x1  }
0x429: {  	s28 =	sadd.s32 $0x80, s28  }
0x42a: {  	s1 =	sadd.s32 $0x10, s1;
	s2 =	sand.u32 $0x7C00, s28  }
0x42b: {  	s1 =	sshrl.u32 s2, $0x2  }
0x42c: {  	s3 =	sand.u32 $0x70, s31;
	s0 =	sadd.s32 $0x10, s0;
	s1 =	sadd.s32 s1, s23  }
0x42d: {  	[tilespmem:s0+$0x0] =	vst v0;
	s1 =	sadd.s32 s3, s1  }
0x42e: {  	v0 =	vld [tilespmem:s1+$0x0];
	_ =	sdelay $0x7  }
0x42f: {  	v0 =	vld.idx.msk [tilespmem:v0+s26+$0x0], $0xffff;
	_ =	sdelay $0x2  }
0x430: {  	s4 =	sld [smem:$0x7F8]  }
0x431: {  	s0 =	sadd.s32 $0x10, s0  }
0x432: {  	s2 =	simm.s32 $0x400;
	s3 =	simm.s32 $0x1A700;
	s1 =	simm.s32 $0x80;
	[tilespmem:s0+$0x0] =	vst v0  }
0x433: {  	[hbm4b:s4+s1] =	stream.strided.scatter [tilespmem:s3], [sflag:$0x3], $0x1000, s2, s1, $0x38;
	[tilespmem:$0x1C700] =	vst v63  }
0x434: {  	s4 =	rddreg [dreg:$0x1f];
	s3 =	simm.s32 $0x2  }
0x435: {  	[tilespmem:s26], [sflag:$0x2] =	stream.strided.gather [hbm4b:s4+s1], $0x18700, s2, s1, $0x38;
	[tilespmem:$0x1C700] =	vst v63  }
0x436: {  	_ =	swait.ge [sflag:s3], $0x18700  }
0x437: {  	s0 =	simm.s32 $0x0;
	[sflag:s3] =	ssyncset.done $0x0  }
0x438: {  	s4 =	sand.u32 $0x7C00, s0;
	s2 =	simm.s32 $0x3;
	[sflag:s3] =	ssyncadd.s32 $0xFFFE7900  }
0x439: {  	s1 =	sshrl.u32 s4, $0x2;
	_ =	swait.ge [sflag:s2], $0x1000  }
0x43a: {  	s4 =	sand.u32 $0x70, s0;
	s1 =	sadd.s32 s1, s24;
	[sflag:s2] =	ssyncset.done $0x0  }
0x43b: {  	s1 =	sadd.s32 s4, s1;
	[sflag:s2] =	ssyncadd.s32 $0xFFFFF000  }
0x43c: {  	v0 =	vld [tilespmem:s1+$0x0];
	_ =	sdelay $0x7  }
0x43d: {  	v0 =	vld.idx.msk [tilespmem:v0+s26+$0x0], $0xffff  }
0x43e: {  	s31 =	simm.s32 $0x80  }
0x43f: {  	s28 =	simm.s32 $0x10;
	s2 =	sand.u32 $0x7C00, s31;
	s1 =	simm.s32 $0x20  }
.LBB2_52:
0x440: {  	p0 =	sne.s32 s1, $0xFF0;
	s2 =	sshrl.u32 s2, $0x2  }
0x441: {  	s3 =	sand.u32 $0x70, s28;
	s0 =	sand.u32 $0xFF0, s0;
	s2 =	sadd.s32 s2, s24  }
0x442: {  	s2 =	sadd.s32 s3, s2;
	[tilespmem:s0+$0x1B700] =	vst v0;
	s0 =	smov.u32 s28;
	s28 =	smov.u32 s1  }
0x443: {  	v0 =	vld [tilespmem:s2+$0x0];
	_ =	sdelay $0x6  }
.Ltmp25:
0x444: {  	(pc) =	sbr.rel @p0 .LBB2_52-.Ltmp25, $3  }
0x445: {  	v0 =	vld.idx.msk [tilespmem:v0+s26+$0x0], $0xffff;
	_ =	sdelay $0x1  }
0x446: {  	s31 =	sadd.s32 $0x80, s31  }
0x447: {  	s1 =	sadd.s32 $0x10, s1;
	s2 =	sand.u32 $0x7C00, s31  }
0x448: {  	s1 =	sshrl.u32 s2, $0x2  }
0x449: {  	s4 =	sand.u32 $0x70, s28;
	s0 =	sand.u32 $0xFF0, s0;
	s1 =	sadd.s32 s1, s24  }
0x44a: {  	[tilespmem:s0+$0x1B700] =	vst v0;
	s1 =	sadd.s32 s4, s1  }
0x44b: {  	v0 =	vld [tilespmem:s1+$0x0];
	_ =	sdelay $0x7  }
0x44c: {  	v0 =	vld.idx.msk [tilespmem:v0+s26+$0x0], $0xffff;
	_ =	sdelay $0x2  }
0x44d: {  	s4 =	sld [smem:$0x7F9]  }
0x44e: {  	s3 =	sand.u32 $0xFF0, s28  }
0x44f: {  	s2 =	simm.s32 $0x400;
	s1 =	simm.s32 $0x80;
	[tilespmem:s3+$0x1B700] =	vst v0;
	s3 =	simm.s32 $0x1B700  }
0x450: {  	[hbm4b:s4+s1] =	stream.strided.scatter [tilespmem:s3], [sflag:$0x3], $0x1000, s2, s1, $0x38;
	[tilespmem:$0x1C700] =	vst v63  }
0x451: {  	s4 =	sld [smem:$0x7C6];
	_ =	sdelay $0x1  }
0x452: {  	s0 =	simm.s32 $0x2  }
0x453: {  	[tilespmem:s26], [sflag:$0x2] =	stream.strided.gather [hbm4b:s4+s1], $0x18700, s2, s1, $0x38;
	[tilespmem:$0x1C700] =	vst v63  }
0x454: {  	_ =	swait.ge [sflag:s0], $0x18700  }
0x455: {  	s2 =	simm.s32 $0x0;
	[sflag:s0] =	ssyncset.done $0x0  }
0x456: {  	s4 =	simm.s32 $0x3;
	s3 =	sand.u32 $0x7C00, s2;
	[sflag:s0] =	ssyncadd.s32 $0xFFFE7900  }
0x457: {  	s1 =	sshrl.u32 s3, $0x2;
	_ =	swait.ge [sflag:s4], $0x1000  }
0x458: {  	s0 =	sand.u32 $0x70, s2;
	s1 =	sadd.s32 s1, s25;
	[sflag:s4] =	ssyncset.done $0x0  }
0x459: {  	s0 =	sadd.s32 s0, s1;
	[sflag:s4] =	ssyncadd.s32 $0xFFFFF000  }
0x45a: {  	v0 =	vld [tilespmem:s0+$0x0];
	_ =	sdelay $0x7  }
0x45b: {  	v0 =	vld.idx.msk [tilespmem:v0+s26+$0x0], $0xffff  }
0x45c: {  	s2 =	simm.s32 $0x80  }
0x45d: {  	s0 =	sand.u32 $0x7C00, s2  }
0x45e: {  	s3 =	simm.s32 $0x10;
	s4 =	sshrl.u32 s0, $0x2  }
0x45f: {  	s1 =	sand.u32 $0x70, s3;
	s0 =	simm.s32 $0x1A700;
	s2 =	sadd.s32 s4, s25  }
0x460: {  	s1 =	sadd.s32 s1, s2;
	[tilespmem:s0+$0x0] =	vst v0  }
0x461: {  	v0 =	vld [tilespmem:s1+$0x0];
	_ =	sdelay $0x7  }
0x462: {  	v0 =	vld.idx.msk [tilespmem:v0+s26+$0x0], $0xffff  }
0x463: {  	s28 =	simm.s32 $0x100  }
0x464: {  	s31 =	simm.s32 $0x20;
	s2 =	sand.u32 $0x7C00, s28;
	s1 =	simm.s32 $0x30  }
.LBB2_54:
0x465: {  	p0 =	sne.s32 s1, $0xFF0;
	s2 =	sshrl.u32 s2, $0x2  }
0x466: {  	s3 =	sand.u32 $0x70, s31;
	s0 =	sadd.s32 $0x10, s0;
	s2 =	sadd.s32 s2, s25  }
0x467: {  	s31 =	smov.u32 s1;
	s2 =	sadd.s32 s3, s2;
	[tilespmem:s0+$0x0] =	vst v0  }
0x468: {  	v0 =	vld [tilespmem:s2+$0x0];
	_ =	sdelay $0x6  }
.Ltmp26:
0x469: {  	(pc) =	sbr.rel @p0 .LBB2_54-.Ltmp26, $3  }
0x46a: {  	v0 =	vld.idx.msk [tilespmem:v0+s26+$0x0], $0xffff;
	_ =	sdelay $0x1  }
0x46b: {  	s28 =	sadd.s32 $0x80, s28  }
0x46c: {  	s1 =	sadd.s32 $0x10, s1;
	s2 =	sand.u32 $0x7C00, s28  }
0x46d: {  	s1 =	sshrl.u32 s2, $0x2  }
0x46e: {  	s3 =	sand.u32 $0x70, s31;
	s0 =	sadd.s32 $0x10, s0;
	s1 =	sadd.s32 s1, s25  }
0x46f: {  	[tilespmem:s0+$0x0] =	vst v0;
	s1 =	sadd.s32 s3, s1  }
0x470: {  	v0 =	vld [tilespmem:s1+$0x0];
	_ =	sdelay $0x7  }
0x471: {  	v0 =	vld.idx.msk [tilespmem:v0+s26+$0x0], $0xffff;
	_ =	sdelay $0x2  }
0x472: {  	s4 =	sld [smem:$0x7FA]  }
0x473: {  	s0 =	sadd.s32 $0x10, s0  }
0x474: {  	s2 =	simm.s32 $0x400;
	s3 =	simm.s32 $0x1A700;
	s1 =	simm.s32 $0x80;
	[tilespmem:s0+$0x0] =	vst v0  }
0x475: {  	[hbm4b:s4+s1] =	stream.strided.scatter [tilespmem:s3], [sflag:$0x3], $0x1000, s2, s1, $0x38;
	[tilespmem:$0x1C700] =	vst v63  }
0x476: {  	s4 =	sld [smem:$0x7C8];
	_ =	sdelay $0x1  }
0x477: {  	s3 =	simm.s32 $0x2  }
0x478: {  	[tilespmem:s26], [sflag:$0x2] =	stream.strided.gather [hbm4b:s4+s1], $0x18700, s2, s1, $0x38;
	[tilespmem:$0x1C700] =	vst v63  }
0x479: {  	_ =	swait.ge [sflag:s3], $0x18700  }
0x47a: {  	s0 =	simm.s32 $0x0;
	[sflag:s3] =	ssyncset.done $0x0  }
0x47b: {  	s4 =	sand.u32 $0x7C00, s0;
	s2 =	simm.s32 $0x3;
	[sflag:s3] =	ssyncadd.s32 $0xFFFE7900  }
0x47c: {  	s1 =	sshrl.u32 s4, $0x2;
	_ =	swait.ge [sflag:s2], $0x1000  }
0x47d: {  	s4 =	sand.u32 $0x70, s0;
	s1 =	sadd.s32 s1, s30;
	[sflag:s2] =	ssyncset.done $0x0  }
0x47e: {  	s1 =	sadd.s32 s4, s1;
	[sflag:s2] =	ssyncadd.s32 $0xFFFFF000  }
0x47f: {  	v0 =	vld [tilespmem:s1+$0x0];
	_ =	sdelay $0x7  }
0x480: {  	v0 =	vld.idx.msk [tilespmem:v0+s26+$0x0], $0xffff  }
0x481: {  	s31 =	simm.s32 $0x80  }
0x482: {  	s28 =	simm.s32 $0x10;
	s2 =	sand.u32 $0x7C00, s31;
	s1 =	simm.s32 $0x20  }
.LBB2_56:
0x483: {  	p0 =	sne.s32 s1, $0xFF0;
	s2 =	sshrl.u32 s2, $0x2  }
0x484: {  	s3 =	sand.u32 $0x70, s28;
	s0 =	sand.u32 $0xFF0, s0;
	s2 =	sadd.s32 s2, s30  }
0x485: {  	s2 =	sadd.s32 s3, s2;
	[tilespmem:s0+$0x1B700] =	vst v0;
	s0 =	smov.u32 s28;
	s28 =	smov.u32 s1  }
0x486: {  	v0 =	vld [tilespmem:s2+$0x0];
	_ =	sdelay $0x6  }
.Ltmp27:
0x487: {  	(pc) =	sbr.rel @p0 .LBB2_56-.Ltmp27, $3  }
0x488: {  	v0 =	vld.idx.msk [tilespmem:v0+s26+$0x0], $0xffff;
	_ =	sdelay $0x1  }
0x489: {  	s31 =	sadd.s32 $0x80, s31  }
0x48a: {  	s1 =	sadd.s32 $0x10, s1;
	s2 =	sand.u32 $0x7C00, s31  }
0x48b: {  	s1 =	sshrl.u32 s2, $0x2  }
0x48c: {  	s4 =	sand.u32 $0x70, s28;
	s0 =	sand.u32 $0xFF0, s0;
	s1 =	sadd.s32 s1, s30  }
0x48d: {  	[tilespmem:s0+$0x1B700] =	vst v0;
	s1 =	sadd.s32 s4, s1  }
0x48e: {  	v0 =	vld [tilespmem:s1+$0x0];
	_ =	sdelay $0x7  }
0x48f: {  	v0 =	vld.idx.msk [tilespmem:v0+s26+$0x0], $0xffff;
	_ =	sdelay $0x2  }
0x490: {  	s2 =	sld [smem:$0x7FB]  }
0x491: {  	s1 =	sand.u32 $0xFF0, s28  }
0x492: {  	s3 =	simm.s32 $0x1B700;
	s4 =	simm.s32 $0x80;
	s28 =	simm.s32 $0x400;
	[tilespmem:s1+$0x1B700] =	vst v0  }
0x493: {  	[hbm4b:s2+s4] =	stream.strided.scatter [tilespmem:s3], [sflag:$0x3], $0x1000, s28, s4, $0x38;
	[tilespmem:$0x1C700] =	vst v63  }
0x494: {  	s3 =	simm.s32 $0x3  }
0x495: {  	_ =	swait.ge [sflag:s3], $0x1000  }
0x496: {  	[sflag:s3] =	ssyncset.done $0x0  }
0x497: {  	[sflag:s3] =	ssyncadd.s32 $0xFFFFF000  }
0x498: {  	_ =	swait.ge [sflag:s3], $0x1000  }
0x499: {  	s4 =	sld [smem:$0x7A6]  }
0x49a: {  	s28 =	sld [smem:$0x7FD];
	_ =	sdelay $0x1  }
0x49b: {  	s2 =	sadd.s32 $0x1, s4  }
0x49c: {  	p0 =	sne.s32 s2, s28  }
.Ltmp28:
0x49d: {  	_ = 	snop;
	(pc) =	sbr.rel @p0 .LBB2_1-.Ltmp28, $3  }
0x49e: {  	_ =	sdelay $0x1  }
0x49f: {  	[sflag:s3] =	ssyncset.done $0x0  }
0x4a0: {  	s31 =	simm.s32 $0x1;
	[sflag:s3] =	ssyncadd.s32 $0xFFFFF000  }
0x4a1: {  	_ =	sfence.sel $0x180000  }
0x4a2: {  	[bflag:$0x0] =	sbarrier.arrive $0xFFFF  }
0x4a3: {  	_ =	strace $0x90000047  }
0x4a4: {  	s0 =	stileid.u32;
	[bflag:$0x2] =	sbarrier.arrive $0xFFFF  }
0x4a5: {  	p0 =	sne.s32 s0, $0x0;
	s0 =	rddreg [dreg:$0x3]  }
0x4a6: {  	s0 =	sadd.s32 @!p0 $0x100000, s0  }
0x4a7: {  	[sflag:s0] =	ssyncadd.tile.s32 @!p0 $0x1;
	_ =	shalt  }
.Lfunc_end2:
_tile_overlayer_lowered:
.L_overlay_start_2:
0x4a8: {  	(tag) =	ssettag $0x2  }
0x4a9: {  	s0 =	rddreg [dreg:$0x0];
	s2 =	stileid.u32  }
0x4aa: {  	s1 =	rddreg [dreg:$0x1];
	p0 =	sne.s32 s2, $0x0  }
0x4ab: {  	s3 =	rddreg [dreg:$0x2];
	[bflag:$0x3] =	sbarrier.arrive $0xFFFF;
	s2 =	simm.s32 @!p0 $0x1C04  }
0x4ac: {  	[timem:s3], [sflag:s2] =	dma.local @!p0 [hbm:s0], s1  }
0x4ad: {  	s0 =	simm.s32 @!p0 $0x4  }
0x4ae: {  	_ =	swait.ge @!p0 [sflag:s0], s1  }
0x4af: {  	s1 =	ssub.s32 @!p0 $0x0, s1;
	[sflag:s0] =	ssyncset.done @!p0 $0x0  }
0x4b0: {  	[sflag:s0] =	ssyncadd.s32 @!p0 s1  }
0x4b1: {  	[bflag:$0x3] =	sbarrier.arrive $0xFFFF  }
0x4b2: {  	_ =	shalt  }

</sc_bundles>
